<compile_context>
chip_gen: v7x
topology: tpu7x:2x2x1
jax: 0.10.2.dev20260603
libtpu: 0.0.44.dev20260713+nightly
codegen_flags: <defaults>
</compile_context>

<pallas_src>
import functools

import jax
import jax.numpy as jnp
from jax import lax
from jax.experimental import pallas as pl
from jax.experimental.pallas import tpu as pltpu
from jax.experimental.pallas import tpu_sc as plsc

_B, _R, _N, _CF, _CS = 2, 320000, 10000, 128, 128
_H = _CS // 2
_NC, _NS = 2, 16

_BLK = 16000
_CH = 80
_LD = 160
_RPT = _R // _NS
_NLD = _RPT // _LD
_SPL = _LD // _CH
_NCHUNK = _RPT // _CH
_SEG_PT = _N // _NS
_FIN = 125


def _mm_body(e_ref, wt_ref, o_ref):
    y = jnp.dot(e_ref[0], wt_ref[...], preferred_element_type=jnp.float32)
    o_ref[0] = jnp.maximum(y, 0.0)


def _matmul(e3, wt):
    return pl.pallas_call(
        _mm_body,
        grid=(_B, _R // _BLK),
        in_specs=[
            pl.BlockSpec((1, _BLK, _CF), lambda b, i: (b, i, 0)),
            pl.BlockSpec((_CF, _CS), lambda b, i: (0, 0)),
        ],
        out_specs=pl.BlockSpec((1, _BLK, _CS), lambda b, i: (b, i, 0)),
        out_shape=jax.ShapeDtypeStruct((_B, _R, _CS), jnp.float32),
    )(e3, wt)


def _sc_body(upd_hbm, idx_hbm, ne_hbm, z64_hbm, z16_hbm, out_hbm,
             idx_v, buf_a, buf_b, src_c, fin_d, fin_m, ne_v, sem_a, sem_b,
             acc_d, acc_m):
    c = lax.axis_index("c")
    s = lax.axis_index("s")

    pltpu.sync_copy(idx_hbm.at[c, pl.ds(s * _NCHUNK, _NCHUNK), :], idx_v)
    seg0 = s * _SEG_PT

    one0 = jnp.where(lax.iota(jnp.int32, 16) == 0, 1.0, 0.0)

    def fill(i, carry):
        src_c[i, :] = one0
        return carry

    lax.fori_loop(0, _CH, fill, 0)

    for h in range(2):
        pltpu.sync_copy(z64_hbm.at[pl.ds(seg0, _SEG_PT), :],
                        acc_d.at[pl.ds(seg0, _SEG_PT), :])
        if h == 0:
            pltpu.sync_copy(z16_hbm.at[pl.ds(seg0, _SEG_PT), :],
                            acc_m.at[pl.ds(seg0, _SEG_PT), :])
        plsc.subcore_barrier()

        bufs, sems = (buf_a, buf_b), (sem_a, sem_b)

        def src_slice(g):
            row0 = s * _RPT + g * _LD
            return upd_hbm.at[c, pl.ds(row0, _LD), pl.ds(h * _H, _H)]

        pltpu.async_copy(src_slice(0), buf_a, sem_a)
        pltpu.async_copy(src_slice(1), buf_b, sem_b)

        def consume(g, b, refill):
            pltpu.make_async_copy(src_slice(g), bufs[b], sems[b]).wait()
            for t in range(_SPL):
                pltpu.sync_copy(bufs[b].at[pl.ds(t * _CH, _CH), :],
                                acc_d.at[idx_v.at[g * _SPL + t]], add=True)
                if h == 0:
                    pltpu.sync_copy(src_c,
                                    acc_m.at[idx_v.at[g * _SPL + t]],
                                    add=True)
            if refill:
                pltpu.async_copy(src_slice(g + 2), bufs[b], sems[b])

        def load(k2, carry):
            for b in range(2):
                consume(k2 * 2 + b, b, True)
            return carry

        if _NLD % 2 == 0:
            lax.fori_loop(0, _NLD // 2 - 1, load, 0)
            consume(_NLD - 2, 0, False)
            consume(_NLD - 1, 1, False)
        else:
            lax.fori_loop(0, _NLD // 2 - 1, load, 0)
            consume(_NLD - 3, 0, True)
            consume(_NLD - 2, 1, False)
            consume(_NLD - 1, 0, False)
        plsc.subcore_barrier()

        for kb in range(_SEG_PT // _FIN):
            r0 = seg0 + kb * _FIN
            pltpu.sync_copy(acc_d.at[pl.ds(r0, _FIN), :], fin_d)
            pltpu.sync_copy(acc_m.at[pl.ds(r0, _FIN), :], fin_m)
            pltpu.sync_copy(ne_hbm.at[c, pl.ds(r0, _FIN), pl.ds(h * _H, _H)],
                            ne_v)

            def row(i, carry):
                meta = fin_m[i, :]
                idx0 = jnp.zeros((16,), jnp.int32)
                cnt = meta.at[idx0].get(mode="promise_in_bounds")
                scale = 1.0 / ((1.0 + cnt) * cnt)
                for v in range(_H // 16):
                    sl = pl.ds(v * 16, 16)
                    ne_v[i, sl] = fin_d[i, sl] * scale + ne_v[i, sl]
                return carry

            lax.fori_loop(0, _FIN, row, 0)
            pltpu.sync_copy(ne_v,
                            out_hbm.at[c, pl.ds(r0, _FIN), pl.ds(h * _H, _H)])
        plsc.subcore_barrier()


def _sc_scatter(upd, idx3, node_embed, z64, z16):
    mesh = plsc.VectorSubcoreMesh(core_axis_name="c", subcore_axis_name="s")
    f = pl.kernel(
        _sc_body,
        out_type=jax.ShapeDtypeStruct((_B, _N, _CS), jnp.float32),
        mesh=mesh,
        scratch_types=[
            pltpu.VMEM((_NCHUNK, _CH), jnp.int32),
            pltpu.VMEM((_LD, _H), jnp.float32),
            pltpu.VMEM((_LD, _H), jnp.float32),
            pltpu.VMEM((_CH, 16), jnp.float32),
            pltpu.VMEM((_FIN, _H), jnp.float32),
            pltpu.VMEM((_FIN, 16), jnp.float32),
            pltpu.VMEM((_FIN, _H), jnp.float32),
            pltpu.SemaphoreType.DMA,
            pltpu.SemaphoreType.DMA,
            pltpu.VMEM_SHARED((_N, _H), jnp.float32),
            pltpu.VMEM_SHARED((_N, 16), jnp.float32),
        ],
        compiler_params=pltpu.CompilerParams(use_tc_tiling_on_sc=False),
    )
    return f(upd, idx3, node_embed, z64, z16)


def kernel(rigids_embed, node_embed, rigids_to_res_idx, rigids_mask, W):
    wt = W.T
    upd = _matmul(rigids_embed, wt)
    idx3 = rigids_to_res_idx.reshape(_B, _R // _CH, _CH)
    z64 = jnp.zeros((_N, _H), jnp.float32)
    z16 = jnp.zeros((_N, 16), jnp.float32)
    return _sc_scatter(upd, idx3, node_embed, z64, z16)

# --- scband reference (transcript-rebuilt; emitter-appended) ---
"""Pipeline reference for scband-scatter-update-59115929862882 (READ-ONLY COPY).

The authoritative reference and input builder live on the scoring server;
editing this copy changes nothing except your own understanding.
"""

import jax, jax.numpy as jnp
import numpy as np

B, R, N, CF, CS = 2, 320000, 10000, 128, 128

def setup_inputs(seed: int = 0) -> dict:
    key = jax.random.key(seed)
    k1, k2, k3, k4 = jax.random.split(key, 4)
    rigids_embed = jax.random.normal(k1, (B, R, CF), dtype=jnp.float32)
    node_embed = jax.random.normal(k2, (B, N, CS), dtype=jnp.float32)
    rigids_to_res_idx = jax.random.randint(k3, (B, R), 0, N, dtype=jnp.int32)
    rigids_mask = jnp.ones((B, R), dtype=jnp.float32)
    W = jax.random.normal(k4, (CS, CF), dtype=jnp.float32) / np.sqrt(CF)
    return {"rigids_embed": rigids_embed, "node_embed": node_embed, "rigids_to_res_idx": rigids_to_res_idx, "rigids_mask": rigids_mask, "W": W}

def reference(rigids_embed, node_embed, rigids_to_res_idx, rigids_mask, W):
    n_res = node_embed.shape[-2]
    # Linear (no bias) + ReLU + mask
    rigids_update = jax.nn.relu(jnp.einsum('brf,sf->brs', rigids_embed, W)) * rigids_mask[..., None]

    def per_batch(upd, idx, mask, ne):
        # torch scatter_reduce_(reduce='mean', include_self=True) on a zeros tensor:
        # out[j] = (0 + sum_{r: idx[r]==j} upd[r]) / (1 + count[j]); stays 0 if count==0
        s = jax.ops.segment_sum(upd, idx, num_segments=n_res)
        cnt = jax.ops.segment_sum(jnp.ones((idx.shape[0],), dtype=upd.dtype), idx, num_segments=n_res)
        mean = s / (1.0 + cnt)[:, None]
        # out_denom = scatter_add of mask
        denom = jax.ops.segment_sum(mask, idx, num_segments=n_res)
        out = mean / denom[:, None]
        return out + ne

    return jax.vmap(per_batch)(rigids_update, rigids_to_res_idx, rigids_mask, node_embed)

if __name__ == "__main__":
    import jax
    _d = setup_inputs()
    print(jax.jit(kernel)(*tuple(_d.values())))

</pallas_src>

<mosaic_0001>
#map = affine_map<(d0, d1) -> (0, 0, 0)>
#map1 = affine_map<(d0, d1) -> (0, 0)>
module attributes {stable_mosaic.version = 14 : i64} {
  func.func @_sc_body(%arg0: i32, %arg1: i32, %arg2: memref<2x320000x128xf32, #tpu.memory_space<hbm>>, %arg3: memref<2x4000x80xi32, #tpu.memory_space<hbm>>, %arg4: memref<2x10000x128xf32, #tpu.memory_space<hbm>>, %arg5: memref<10000x64xf32, #tpu.memory_space<hbm>>, %arg6: memref<10000x16xf32, #tpu.memory_space<hbm>>, %arg7: memref<2x10000x128xf32, #tpu.memory_space<hbm>>, %arg8: memref<250x80xi32, #tpu.memory_space<vmem>>, %arg9: memref<160x64xf32, #tpu.memory_space<vmem>>, %arg10: memref<160x64xf32, #tpu.memory_space<vmem>>, %arg11: memref<80x16xf32, #tpu.memory_space<vmem>>, %arg12: memref<125x64xf32, #tpu.memory_space<vmem>>, %arg13: memref<125x16xf32, #tpu.memory_space<vmem>>, %arg14: memref<125x64xf32, #tpu.memory_space<vmem>>, %arg15: memref<!tpu.dma_semaphore, #tpu.memory_space<semaphore_mem>>, %arg16: memref<!tpu.dma_semaphore, #tpu.memory_space<semaphore_mem>>, %arg17: memref<10000x64xf32, #tpu.memory_space<vmem_shared>>, %arg18: memref<10000x16xf32, #tpu.memory_space<vmem_shared>>) attributes {dimension_semantics = [#tpu.dimension_semantics<core_parallel>, #tpu.dimension_semantics<subcore_parallel>], iteration_bounds = array<i64: 2, 16>, scalar_prefetch = 0 : i64, scratch_operands = 11 : i64, tpu.core_type = #tpu.core_type<sc_vector_subcore>, window_params = [{transform_indices = #map}, {transform_indices = #map}, {transform_indices = #map}, {transform_indices = #map1}, {transform_indices = #map1}, {transform_indices = #map}]} {
    %mul3A = arith.constant 250 : i32
    %mul3A_0 = arith.muli %arg1, %mul3A : i32
    "tpu.region"() ({
      %run_scoped3A_243 = tpu.sem_alloc : memref<!tpu.dma_semaphore, #tpu.memory_space<semaphore_mem>>
      %dma_start3A_244 = arith.constant 0 : i32
      %dma_start3A_245 = tpu.memref_slice %arg3[%arg0, %mul3A_0, %dma_start3A_244] : memref<2x4000x80xi32, #tpu.memory_space<hbm>> -> memref<1x250x80xi32, #tpu.memory_space<hbm>>
      %dma_start3A_246 = tpu.memref_squeeze %dma_start3A_245 : memref<1x250x80xi32, #tpu.memory_space<hbm>> -> memref<250x80xi32, #tpu.memory_space<hbm>>
      %dma_start3A_247 = arith.constant 0 : i32
      %dma_start3A_248 = tpu.memref_slice %arg3[%arg0, %mul3A_0, %dma_start3A_247] : memref<2x4000x80xi32, #tpu.memory_space<hbm>> -> memref<1x250x80xi32, #tpu.memory_space<hbm>>
      %dma_start3A_249 = tpu.memref_squeeze %dma_start3A_248 : memref<1x250x80xi32, #tpu.memory_space<hbm>> -> memref<250x80xi32, #tpu.memory_space<hbm>>
      tpu.enqueue_dma source(%dma_start3A_249 : memref<250x80xi32, #tpu.memory_space<hbm>>) target(%arg8 : memref<250x80xi32, #tpu.memory_space<vmem>>) target_semaphore(%run_scoped3A_243 : memref<!tpu.dma_semaphore, #tpu.memory_space<semaphore_mem>>)
      %dma_wait3A_250 = arith.constant 0 : i32
      %dma_wait3A_251 = tpu.memref_slice %arg3[%arg0, %mul3A_0, %dma_wait3A_250] : memref<2x4000x80xi32, #tpu.memory_space<hbm>> -> memref<1x250x80xi32, #tpu.memory_space<hbm>>
      %dma_wait3A_252 = tpu.memref_squeeze %dma_wait3A_251 : memref<1x250x80xi32, #tpu.memory_space<hbm>> -> memref<250x80xi32, #tpu.memory_space<hbm>>
      %dma_wait3A_253 = arith.constant 0 : i32
      %dma_wait3A_254 = tpu.memref_slice %arg3[%arg0, %mul3A_0, %dma_wait3A_253] : memref<2x4000x80xi32, #tpu.memory_space<hbm>> -> memref<1x250x80xi32, #tpu.memory_space<hbm>>
      %dma_wait3A_255 = tpu.memref_squeeze %dma_wait3A_254 : memref<1x250x80xi32, #tpu.memory_space<hbm>> -> memref<250x80xi32, #tpu.memory_space<hbm>>
      tpu.wait_dma2 semaphore(%run_scoped3A_243 : memref<!tpu.dma_semaphore, #tpu.memory_space<semaphore_mem>>) src(%dma_wait3A_255 : memref<250x80xi32, #tpu.memory_space<hbm>>) dst(%arg8 : memref<250x80xi32, #tpu.memory_space<vmem>>)
      tpu.yield
    }) : () -> ()
    %mul3A_1 = arith.constant 625 : i32
    %mul3A_2 = arith.muli %arg1, %mul3A_1 : i32
    %iota3A = tpu.iota {dimensions = array<i32: 0>} : vector<16xi32>
    %eq3A = arith.constant 0 : i32
    %eq3A_3 = vector.broadcast %eq3A : i32 to vector<16xi32>
    %eq3A_4 = arith.cmpi eq, %iota3A, %eq3A_3 : vector<16xi32>
    %jit3A = arith.constant 1.000000e+00 : f32
    %jit3A_5 = arith.constant 0.000000e+00 : f32
    %broadcast_in_dim3A = vector.broadcast %jit3A : f32 to vector<16xf32>
    %broadcast_in_dim3A_6 = vector.broadcast %jit3A_5 : f32 to vector<16xf32>
    %select_n3A = arith.select %eq3A_4, %broadcast_in_dim3A, %broadcast_in_dim3A_6 : vector<16xi1>, vector<16xf32>
    %scan3A = arith.constant 0 : i32
    %scan3A_7 = arith.constant 0 : i32
    %scan3A_8 = arith.constant 80 : i32
    %scan3A_9 = arith.addi %scan3A_7, %scan3A_8 : i32
    %scan3A_10 = arith.constant 1 : i32
    scf.for %scan3A_243 = %scan3A_7 to %scan3A_9 step %scan3A_10  : i32 {
      %swap3A = arith.index_cast %scan3A_243 : i32 to index
      %swap3A_244 = arith.constant 0 : index
      %swap3A_245 = tpu.vector_load %arg11[%swap3A, %swap3A_244] {strides = array<i32>} : memref<80x16xf32, #tpu.memory_space<vmem>>, vector<1x16xf32>,
      %swap3A_246 = vector.shape_cast %swap3A_245 : vector<1x16xf32> to vector<16xf32>
      %swap3A_247 = vector.shape_cast %select_n3A : vector<16xf32> to vector<1x16xf32>
      tpu.vector_store %arg11[%swap3A, %swap3A_244], %swap3A_247 {strides = array<i32>} : memref<80x16xf32, #tpu.memory_space<vmem>>, vector<1x16xf32>,
    }
    %scan3A_11 = arith.constant 80 : i32
    "tpu.region"() ({
      %run_scoped3A_243 = tpu.sem_alloc : memref<!tpu.dma_semaphore, #tpu.memory_space<semaphore_mem>>
      %dma_start3A_244 = arith.constant 0 : i32
      %dma_start3A_245 = tpu.memref_slice %arg17[%mul3A_2, %dma_start3A_244] : memref<10000x64xf32, #tpu.memory_space<vmem_shared>> -> memref<625x64xf32, #tpu.memory_space<vmem_shared>>
      %dma_start3A_246 = arith.constant 0 : i32
      %dma_start3A_247 = tpu.memref_slice %arg5[%mul3A_2, %dma_start3A_246] : memref<10000x64xf32, #tpu.memory_space<hbm>> -> memref<625x64xf32, #tpu.memory_space<hbm>>
      tpu.enqueue_dma source(%dma_start3A_247 : memref<625x64xf32, #tpu.memory_space<hbm>>) target(%dma_start3A_245 : memref<625x64xf32, #tpu.memory_space<vmem_shared>>) target_semaphore(%run_scoped3A_243 : memref<!tpu.dma_semaphore, #tpu.memory_space<semaphore_mem>>)
      %dma_wait3A_248 = arith.constant 0 : i32
      %dma_wait3A_249 = tpu.memref_slice %arg17[%mul3A_2, %dma_wait3A_248] : memref<10000x64xf32, #tpu.memory_space<vmem_shared>> -> memref<625x64xf32, #tpu.memory_space<vmem_shared>>
      %dma_wait3A_250 = arith.constant 0 : i32
      %dma_wait3A_251 = tpu.memref_slice %arg5[%mul3A_2, %dma_wait3A_250] : memref<10000x64xf32, #tpu.memory_space<hbm>> -> memref<625x64xf32, #tpu.memory_space<hbm>>
      tpu.wait_dma2 semaphore(%run_scoped3A_243 : memref<!tpu.dma_semaphore, #tpu.memory_space<semaphore_mem>>) src(%dma_wait3A_251 : memref<625x64xf32, #tpu.memory_space<hbm>>) dst(%dma_wait3A_249 : memref<625x64xf32, #tpu.memory_space<vmem_shared>>)
      tpu.yield
    }) : () -> ()
    "tpu.region"() ({
      %run_scoped3A_243 = tpu.sem_alloc : memref<!tpu.dma_semaphore, #tpu.memory_space<semaphore_mem>>
      %dma_start3A_244 = arith.constant 0 : i32
      %dma_start3A_245 = tpu.memref_slice %arg18[%mul3A_2, %dma_start3A_244] : memref<10000x16xf32, #tpu.memory_space<vmem_shared>> -> memref<625x16xf32, #tpu.memory_space<vmem_shared>>
      %dma_start3A_246 = arith.constant 0 : i32
      %dma_start3A_247 = tpu.memref_slice %arg6[%mul3A_2, %dma_start3A_246] : memref<10000x16xf32, #tpu.memory_space<hbm>> -> memref<625x16xf32, #tpu.memory_space<hbm>>
      tpu.enqueue_dma source(%dma_start3A_247 : memref<625x16xf32, #tpu.memory_space<hbm>>) target(%dma_start3A_245 : memref<625x16xf32, #tpu.memory_space<vmem_shared>>) target_semaphore(%run_scoped3A_243 : memref<!tpu.dma_semaphore, #tpu.memory_space<semaphore_mem>>)
      %dma_wait3A_248 = arith.constant 0 : i32
      %dma_wait3A_249 = tpu.memref_slice %arg18[%mul3A_2, %dma_wait3A_248] : memref<10000x16xf32, #tpu.memory_space<vmem_shared>> -> memref<625x16xf32, #tpu.memory_space<vmem_shared>>
      %dma_wait3A_250 = arith.constant 0 : i32
      %dma_wait3A_251 = tpu.memref_slice %arg6[%mul3A_2, %dma_wait3A_250] : memref<10000x16xf32, #tpu.memory_space<hbm>> -> memref<625x16xf32, #tpu.memory_space<hbm>>
      tpu.wait_dma2 semaphore(%run_scoped3A_243 : memref<!tpu.dma_semaphore, #tpu.memory_space<semaphore_mem>>) src(%dma_wait3A_251 : memref<625x16xf32, #tpu.memory_space<hbm>>) dst(%dma_wait3A_249 : memref<625x16xf32, #tpu.memory_space<vmem_shared>>)
      tpu.yield
    }) : () -> ()
    %barrier3A = arith.constant 0 : index
    tpu.barrier barrier_id(%barrier3A)
    %mul3A_12 = arith.constant 20000 : i32
    %mul3A_13 = arith.muli %arg1, %mul3A_12 : i32
    %add3A = arith.constant 0 : i32
    %add3A_14 = arith.addi %mul3A_13, %add3A : i32
    %dma_start3A = arith.constant 0 : i32
    %dma_start3A_15 = tpu.memref_slice %arg2[%arg0, %add3A_14, %dma_start3A] : memref<2x320000x128xf32, #tpu.memory_space<hbm>> -> memref<1x160x64xf32, #tpu.memory_space<hbm>>
    %dma_start3A_16 = tpu.memref_squeeze %dma_start3A_15 : memref<1x160x64xf32, #tpu.memory_space<hbm>> -> memref<160x64xf32, #tpu.memory_space<hbm>>
    %dma_start3A_17 = arith.constant 0 : i32
    %dma_start3A_18 = tpu.memref_slice %arg2[%arg0, %add3A_14, %dma_start3A_17] : memref<2x320000x128xf32, #tpu.memory_space<hbm>> -> memref<1x160x64xf32, #tpu.memory_space<hbm>>
    %dma_start3A_19 = tpu.memref_squeeze %dma_start3A_18 : memref<1x160x64xf32, #tpu.memory_space<hbm>> -> memref<160x64xf32, #tpu.memory_space<hbm>>
    tpu.enqueue_dma source(%dma_start3A_19 : memref<160x64xf32, #tpu.memory_space<hbm>>) target(%arg9 : memref<160x64xf32, #tpu.memory_space<vmem>>) target_semaphore(%arg15 : memref<!tpu.dma_semaphore, #tpu.memory_space<semaphore_mem>>)
    %mul3A_20 = arith.constant 20000 : i32
    %mul3A_21 = arith.muli %arg1, %mul3A_20 : i32
    %add3A_22 = arith.constant 160 : i32
    %add3A_23 = arith.addi %mul3A_21, %add3A_22 : i32
    %dma_start3A_24 = arith.constant 0 : i32
    %dma_start3A_25 = tpu.memref_slice %arg2[%arg0, %add3A_23, %dma_start3A_24] : memref<2x320000x128xf32, #tpu.memory_space<hbm>> -> memref<1x160x64xf32, #tpu.memory_space<hbm>>
    %dma_start3A_26 = tpu.memref_squeeze %dma_start3A_25 : memref<1x160x64xf32, #tpu.memory_space<hbm>> -> memref<160x64xf32, #tpu.memory_space<hbm>>
    %dma_start3A_27 = arith.constant 0 : i32
    %dma_start3A_28 = tpu.memref_slice %arg2[%arg0, %add3A_23, %dma_start3A_27] : memref<2x320000x128xf32, #tpu.memory_space<hbm>> -> memref<1x160x64xf32, #tpu.memory_space<hbm>>
    %dma_start3A_29 = tpu.memref_squeeze %dma_start3A_28 : memref<1x160x64xf32, #tpu.memory_space<hbm>> -> memref<160x64xf32, #tpu.memory_space<hbm>>
    tpu.enqueue_dma source(%dma_start3A_29 : memref<160x64xf32, #tpu.memory_space<hbm>>) target(%arg10 : memref<160x64xf32, #tpu.memory_space<vmem>>) target_semaphore(%arg16 : memref<!tpu.dma_semaphore, #tpu.memory_space<semaphore_mem>>)
    %scan3A_30 = arith.constant 0 : i32
    %scan3A_31 = arith.constant 0 : i32
    %scan3A_32 = arith.constant 61 : i32
    %scan3A_33 = arith.addi %scan3A_31, %scan3A_32 : i32
    %scan3A_34 = arith.constant 1 : i32
    scf.for %scan3A_243 = %scan3A_31 to %scan3A_33 step %scan3A_34  : i32 {
      %mul3A_244 = arith.constant 2 : i32
      %mul3A_245 = arith.muli %scan3A_243, %mul3A_244 : i32
      %add3A_246 = arith.constant 0 : i32
      %add3A_247 = arith.addi %mul3A_245, %add3A_246 : i32
      %mul3A_248 = arith.constant 20000 : i32
      %mul3A_249 = arith.muli %arg1, %mul3A_248 : i32
      %mul3A_250 = arith.constant 160 : i32
      %mul3A_251 = arith.muli %add3A_247, %mul3A_250 : i32
      %add3A_252 = arith.addi %mul3A_249, %mul3A_251 : i32
      %dma_wait3A_253 = arith.constant 0 : i32
      %dma_wait3A_254 = tpu.memref_slice %arg2[%arg0, %add3A_252, %dma_wait3A_253] : memref<2x320000x128xf32, #tpu.memory_space<hbm>> -> memref<1x160x64xf32, #tpu.memory_space<hbm>>
      %dma_wait3A_255 = tpu.memref_squeeze %dma_wait3A_254 : memref<1x160x64xf32, #tpu.memory_space<hbm>> -> memref<160x64xf32, #tpu.memory_space<hbm>>
      %dma_wait3A_256 = arith.constant 0 : i32
      %dma_wait3A_257 = tpu.memref_slice %arg2[%arg0, %add3A_252, %dma_wait3A_256] : memref<2x320000x128xf32, #tpu.memory_space<hbm>> -> memref<1x160x64xf32, #tpu.memory_space<hbm>>
      %dma_wait3A_258 = tpu.memref_squeeze %dma_wait3A_257 : memref<1x160x64xf32, #tpu.memory_space<hbm>> -> memref<160x64xf32, #tpu.memory_space<hbm>>
      tpu.wait_dma2 semaphore(%arg15 : memref<!tpu.dma_semaphore, #tpu.memory_space<semaphore_mem>>) src(%dma_wait3A_258 : memref<160x64xf32, #tpu.memory_space<hbm>>) dst(%arg9 : memref<160x64xf32, #tpu.memory_space<vmem>>)
      %mul3A_259 = arith.constant 2 : i32
      %mul3A_260 = arith.muli %add3A_247, %mul3A_259 : i32
      %add3A_261 = arith.constant 0 : i32
      %add3A_262 = arith.addi %mul3A_260, %add3A_261 : i32
      "tpu.region"() ({
        %run_scoped3A_332 = tpu.sem_alloc : memref<!tpu.dma_semaphore, #tpu.memory_space<semaphore_mem>>
        %dma_start3A_333 = arith.constant 0 : i32
        %dma_start3A_334 = arith.constant 0 : i32
        %dma_start3A_335 = tpu.memref_slice %arg9[%dma_start3A_333, %dma_start3A_334] : memref<160x64xf32, #tpu.memory_space<vmem>> -> memref<80x64xf32, #tpu.memory_space<vmem>>
        %dma_start3A_336 = arith.constant 0 : i32
        %dma_start3A_337 = tpu.memref_slice %arg8[%add3A_262, %dma_start3A_336] : memref<250x80xi32, #tpu.memory_space<vmem>> -> memref<1x80xi32, #tpu.memory_space<vmem>>
        %dma_start3A_338 = tpu.memref_squeeze %dma_start3A_337 : memref<1x80xi32, #tpu.memory_space<vmem>> -> memref<80xi32, #tpu.memory_space<vmem>>
        %dma_start3A_339 = arith.constant 0 : i32
        %dma_start3A_340 = arith.constant 0 : i32
        %dma_start3A_341 = tpu.memref_slice %arg17[%dma_start3A_339, %dma_start3A_340] : memref<10000x64xf32, #tpu.memory_space<vmem_shared>> -> memref<10000x64xf32, #tpu.memory_space<vmem_shared>>
        tpu.enqueue_indirect_dma source(%dma_start3A_335 : memref<80x64xf32, #tpu.memory_space<vmem>>) target(%dma_start3A_341 : memref<10000x64xf32, #tpu.memory_space<vmem_shared>>) offsets(%dma_start3A_338 : memref<80xi32, #tpu.memory_space<vmem>>) semaphore(%run_scoped3A_332 : memref<!tpu.dma_semaphore, #tpu.memory_space<semaphore_mem>>) {add = true}
        %dma_wait3A_342 = arith.constant 0 : i32
        %dma_wait3A_343 = arith.constant 0 : i32
        %dma_wait3A_344 = tpu.memref_slice %arg9[%dma_wait3A_342, %dma_wait3A_343] : memref<160x64xf32, #tpu.memory_space<vmem>> -> memref<80x64xf32, #tpu.memory_space<vmem>>
        %dma_wait3A_345 = arith.constant 0 : i32
        %dma_wait3A_346 = tpu.memref_slice %arg8[%add3A_262, %dma_wait3A_345] : memref<250x80xi32, #tpu.memory_space<vmem>> -> memref<1x80xi32, #tpu.memory_space<vmem>>
        %dma_wait3A_347 = tpu.memref_squeeze %dma_wait3A_346 : memref<1x80xi32, #tpu.memory_space<vmem>> -> memref<80xi32, #tpu.memory_space<vmem>>
        %dma_wait3A_348 = arith.constant 0 : i32
        %dma_wait3A_349 = arith.constant 0 : i32
        %dma_wait3A_350 = tpu.memref_slice %arg17[%dma_wait3A_348, %dma_wait3A_349] : memref<10000x64xf32, #tpu.memory_space<vmem_shared>> -> memref<10000x64xf32, #tpu.memory_space<vmem_shared>>
        tpu.wait_indirect_dma semaphore(%run_scoped3A_332 : memref<!tpu.dma_semaphore, #tpu.memory_space<semaphore_mem>>) src(%dma_wait3A_344 : memref<80x64xf32, #tpu.memory_space<vmem>>) dst(%dma_wait3A_350 : memref<10000x64xf32, #tpu.memory_space<vmem_shared>>)
        tpu.yield
      }) : () -> ()
      %mul3A_263 = arith.constant 2 : i32
      %mul3A_264 = arith.muli %add3A_247, %mul3A_263 : i32
      %add3A_265 = arith.constant 0 : i32
      %add3A_266 = arith.addi %mul3A_264, %add3A_265 : i32
      "tpu.region"() ({
        %run_scoped3A_332 = tpu.sem_alloc : memref<!tpu.dma_semaphore, #tpu.memory_space<semaphore_mem>>
        %dma_start3A_333 = arith.constant 0 : i32
        %dma_start3A_334 = tpu.memref_slice %arg8[%add3A_266, %dma_start3A_333] : memref<250x80xi32, #tpu.memory_space<vmem>> -> memref<1x80xi32, #tpu.memory_space<vmem>>
        %dma_start3A_335 = tpu.memref_squeeze %dma_start3A_334 : memref<1x80xi32, #tpu.memory_space<vmem>> -> memref<80xi32, #tpu.memory_space<vmem>>
        %dma_start3A_336 = arith.constant 0 : i32
        %dma_start3A_337 = arith.constant 0 : i32
        %dma_start3A_338 = tpu.memref_slice %arg18[%dma_start3A_336, %dma_start3A_337] : memref<10000x16xf32, #tpu.memory_space<vmem_shared>> -> memref<10000x16xf32, #tpu.memory_space<vmem_shared>>
        tpu.enqueue_indirect_dma source(%arg11 : memref<80x16xf32, #tpu.memory_space<vmem>>) target(%dma_start3A_338 : memref<10000x16xf32, #tpu.memory_space<vmem_shared>>) offsets(%dma_start3A_335 : memref<80xi32, #tpu.memory_space<vmem>>) semaphore(%run_scoped3A_332 : memref<!tpu.dma_semaphore, #tpu.memory_space<semaphore_mem>>) {add = true}
        %dma_wait3A_339 = arith.constant 0 : i32
        %dma_wait3A_340 = tpu.memref_slice %arg8[%add3A_266, %dma_wait3A_339] : memref<250x80xi32, #tpu.memory_space<vmem>> -> memref<1x80xi32, #tpu.memory_space<vmem>>
        %dma_wait3A_341 = tpu.memref_squeeze %dma_wait3A_340 : memref<1x80xi32, #tpu.memory_space<vmem>> -> memref<80xi32, #tpu.memory_space<vmem>>
        %dma_wait3A_342 = arith.constant 0 : i32
        %dma_wait3A_343 = arith.constant 0 : i32
        %dma_wait3A_344 = tpu.memref_slice %arg18[%dma_wait3A_342, %dma_wait3A_343] : memref<10000x16xf32, #tpu.memory_space<vmem_shared>> -> memref<10000x16xf32, #tpu.memory_space<vmem_shared>>
        tpu.wait_indirect_dma semaphore(%run_scoped3A_332 : memref<!tpu.dma_semaphore, #tpu.memory_space<semaphore_mem>>) src(%arg11 : memref<80x16xf32, #tpu.memory_space<vmem>>) dst(%dma_wait3A_344 : memref<10000x16xf32, #tpu.memory_space<vmem_shared>>)
        tpu.yield
      }) : () -> ()
      %mul3A_267 = arith.constant 2 : i32
      %mul3A_268 = arith.muli %add3A_247, %mul3A_267 : i32
      %add3A_269 = arith.constant 1 : i32
      %add3A_270 = arith.addi %mul3A_268, %add3A_269 : i32
      "tpu.region"() ({
        %run_scoped3A_332 = tpu.sem_alloc : memref<!tpu.dma_semaphore, #tpu.memory_space<semaphore_mem>>
        %dma_start3A_333 = arith.constant 80 : i32
        %dma_start3A_334 = arith.constant 0 : i32
        %dma_start3A_335 = tpu.memref_slice %arg9[%dma_start3A_333, %dma_start3A_334] : memref<160x64xf32, #tpu.memory_space<vmem>> -> memref<80x64xf32, #tpu.memory_space<vmem>>
        %dma_start3A_336 = arith.constant 0 : i32
        %dma_start3A_337 = tpu.memref_slice %arg8[%add3A_270, %dma_start3A_336] : memref<250x80xi32, #tpu.memory_space<vmem>> -> memref<1x80xi32, #tpu.memory_space<vmem>>
        %dma_start3A_338 = tpu.memref_squeeze %dma_start3A_337 : memref<1x80xi32, #tpu.memory_space<vmem>> -> memref<80xi32, #tpu.memory_space<vmem>>
        %dma_start3A_339 = arith.constant 0 : i32
        %dma_start3A_340 = arith.constant 0 : i32
        %dma_start3A_341 = tpu.memref_slice %arg17[%dma_start3A_339, %dma_start3A_340] : memref<10000x64xf32, #tpu.memory_space<vmem_shared>> -> memref<10000x64xf32, #tpu.memory_space<vmem_shared>>
        tpu.enqueue_indirect_dma source(%dma_start3A_335 : memref<80x64xf32, #tpu.memory_space<vmem>>) target(%dma_start3A_341 : memref<10000x64xf32, #tpu.memory_space<vmem_shared>>) offsets(%dma_start3A_338 : memref<80xi32, #tpu.memory_space<vmem>>) semaphore(%run_scoped3A_332 : memref<!tpu.dma_semaphore, #tpu.memory_space<semaphore_mem>>) {add = true}
        %dma_wait3A_342 = arith.constant 80 : i32
        %dma_wait3A_343 = arith.constant 0 : i32
        %dma_wait3A_344 = tpu.memref_slice %arg9[%dma_wait3A_342, %dma_wait3A_343] : memref<160x64xf32, #tpu.memory_space<vmem>> -> memref<80x64xf32, #tpu.memory_space<vmem>>
        %dma_wait3A_345 = arith.constant 0 : i32
        %dma_wait3A_346 = tpu.memref_slice %arg8[%add3A_270, %dma_wait3A_345] : memref<250x80xi32, #tpu.memory_space<vmem>> -> memref<1x80xi32, #tpu.memory_space<vmem>>
        %dma_wait3A_347 = tpu.memref_squeeze %dma_wait3A_346 : memref<1x80xi32, #tpu.memory_space<vmem>> -> memref<80xi32, #tpu.memory_space<vmem>>
        %dma_wait3A_348 = arith.constant 0 : i32
        %dma_wait3A_349 = arith.constant 0 : i32
        %dma_wait3A_350 = tpu.memref_slice %arg17[%dma_wait3A_348, %dma_wait3A_349] : memref<10000x64xf32, #tpu.memory_space<vmem_shared>> -> memref<10000x64xf32, #tpu.memory_space<vmem_shared>>
        tpu.wait_indirect_dma semaphore(%run_scoped3A_332 : memref<!tpu.dma_semaphore, #tpu.memory_space<semaphore_mem>>) src(%dma_wait3A_344 : memref<80x64xf32, #tpu.memory_space<vmem>>) dst(%dma_wait3A_350 : memref<10000x64xf32, #tpu.memory_space<vmem_shared>>)
        tpu.yield
      }) : () -> ()
      %mul3A_271 = arith.constant 2 : i32
      %mul3A_272 = arith.muli %add3A_247, %mul3A_271 : i32
      %add3A_273 = arith.constant 1 : i32
      %add3A_274 = arith.addi %mul3A_272, %add3A_273 : i32
      "tpu.region"() ({
        %run_scoped3A_332 = tpu.sem_alloc : memref<!tpu.dma_semaphore, #tpu.memory_space<semaphore_mem>>
        %dma_start3A_333 = arith.constant 0 : i32
        %dma_start3A_334 = tpu.memref_slice %arg8[%add3A_274, %dma_start3A_333] : memref<250x80xi32, #tpu.memory_space<vmem>> -> memref<1x80xi32, #tpu.memory_space<vmem>>
        %dma_start3A_335 = tpu.memref_squeeze %dma_start3A_334 : memref<1x80xi32, #tpu.memory_space<vmem>> -> memref<80xi32, #tpu.memory_space<vmem>>
        %dma_start3A_336 = arith.constant 0 : i32
        %dma_start3A_337 = arith.constant 0 : i32
        %dma_start3A_338 = tpu.memref_slice %arg18[%dma_start3A_336, %dma_start3A_337] : memref<10000x16xf32, #tpu.memory_space<vmem_shared>> -> memref<10000x16xf32, #tpu.memory_space<vmem_shared>>
        tpu.enqueue_indirect_dma source(%arg11 : memref<80x16xf32, #tpu.memory_space<vmem>>) target(%dma_start3A_338 : memref<10000x16xf32, #tpu.memory_space<vmem_shared>>) offsets(%dma_start3A_335 : memref<80xi32, #tpu.memory_space<vmem>>) semaphore(%run_scoped3A_332 : memref<!tpu.dma_semaphore, #tpu.memory_space<semaphore_mem>>) {add = true}
        %dma_wait3A_339 = arith.constant 0 : i32
        %dma_wait3A_340 = tpu.memref_slice %arg8[%add3A_274, %dma_wait3A_339] : memref<250x80xi32, #tpu.memory_space<vmem>> -> memref<1x80xi32, #tpu.memory_space<vmem>>
        %dma_wait3A_341 = tpu.memref_squeeze %dma_wait3A_340 : memref<1x80xi32, #tpu.memory_space<vmem>> -> memref<80xi32, #tpu.memory_space<vmem>>
        %dma_wait3A_342 = arith.constant 0 : i32
        %dma_wait3A_343 = arith.constant 0 : i32
        %dma_wait3A_344 = tpu.memref_slice %arg18[%dma_wait3A_342, %dma_wait3A_343] : memref<10000x16xf32, #tpu.memory_space<vmem_shared>> -> memref<10000x16xf32, #tpu.memory_space<vmem_shared>>
        tpu.wait_indirect_dma semaphore(%run_scoped3A_332 : memref<!tpu.dma_semaphore, #tpu.memory_space<semaphore_mem>>) src(%arg11 : memref<80x16xf32, #tpu.memory_space<vmem>>) dst(%dma_wait3A_344 : memref<10000x16xf32, #tpu.memory_space<vmem_shared>>)
        tpu.yield
      }) : () -> ()
      %add3A_275 = arith.constant 2 : i32
      %add3A_276 = arith.addi %add3A_247, %add3A_275 : i32
      %mul3A_277 = arith.constant 20000 : i32
      %mul3A_278 = arith.muli %arg1, %mul3A_277 : i32
      %mul3A_279 = arith.constant 160 : i32
      %mul3A_280 = arith.muli %add3A_276, %mul3A_279 : i32
      %add3A_281 = arith.addi %mul3A_278, %mul3A_280 : i32
      %dma_start3A_282 = arith.constant 0 : i32
      %dma_start3A_283 = tpu.memref_slice %arg2[%arg0, %add3A_281, %dma_start3A_282] : memref<2x320000x128xf32, #tpu.memory_space<hbm>> -> memref<1x160x64xf32, #tpu.memory_space<hbm>>
      %dma_start3A_284 = tpu.memref_squeeze %dma_start3A_283 : memref<1x160x64xf32, #tpu.memory_space<hbm>> -> memref<160x64xf32, #tpu.memory_space<hbm>>
      %dma_start3A_285 = arith.constant 0 : i32
      %dma_start3A_286 = tpu.memref_slice %arg2[%arg0, %add3A_281, %dma_start3A_285] : memref<2x320000x128xf32, #tpu.memory_space<hbm>> -> memref<1x160x64xf32, #tpu.memory_space<hbm>>
      %dma_start3A_287 = tpu.memref_squeeze %dma_start3A_286 : memref<1x160x64xf32, #tpu.memory_space<hbm>> -> memref<160x64xf32, #tpu.memory_space<hbm>>
      tpu.enqueue_dma source(%dma_start3A_287 : memref<160x64xf32, #tpu.memory_space<hbm>>) target(%arg9 : memref<160x64xf32, #tpu.memory_space<vmem>>) target_semaphore(%arg15 : memref<!tpu.dma_semaphore, #tpu.memory_space<semaphore_mem>>)
      %mul3A_288 = arith.constant 2 : i32
      %mul3A_289 = arith.muli %scan3A_243, %mul3A_288 : i32
      %add3A_290 = arith.constant 1 : i32
      %add3A_291 = arith.addi %mul3A_289, %add3A_290 : i32
      %mul3A_292 = arith.constant 20000 : i32
      %mul3A_293 = arith.muli %arg1, %mul3A_292 : i32
      %mul3A_294 = arith.constant 160 : i32
      %mul3A_295 = arith.muli %add3A_291, %mul3A_294 : i32
      %add3A_296 = arith.addi %mul3A_293, %mul3A_295 : i32
      %dma_wait3A_297 = arith.constant 0 : i32
      %dma_wait3A_298 = tpu.memref_slice %arg2[%arg0, %add3A_296, %dma_wait3A_297] : memref<2x320000x128xf32, #tpu.memory_space<hbm>> -> memref<1x160x64xf32, #tpu.memory_space<hbm>>
      %dma_wait3A_299 = tpu.memref_squeeze %dma_wait3A_298 : memref<1x160x64xf32, #tpu.memory_space<hbm>> -> memref<160x64xf32, #tpu.memory_space<hbm>>
      %dma_wait3A_300 = arith.constant 0 : i32
      %dma_wait3A_301 = tpu.memref_slice %arg2[%arg0, %add3A_296, %dma_wait3A_300] : memref<2x320000x128xf32, #tpu.memory_space<hbm>> -> memref<1x160x64xf32, #tpu.memory_space<hbm>>
      %dma_wait3A_302 = tpu.memref_squeeze %dma_wait3A_301 : memref<1x160x64xf32, #tpu.memory_space<hbm>> -> memref<160x64xf32, #tpu.memory_space<hbm>>
      tpu.wait_dma2 semaphore(%arg16 : memref<!tpu.dma_semaphore, #tpu.memory_space<semaphore_mem>>) src(%dma_wait3A_302 : memref<160x64xf32, #tpu.memory_space<hbm>>) dst(%arg10 : memref<160x64xf32, #tpu.memory_space<vmem>>)
      %mul3A_303 = arith.constant 2 : i32
      %mul3A_304 = arith.muli %add3A_291, %mul3A_303 : i32
      %add3A_305 = arith.constant 0 : i32
      %add3A_306 = arith.addi %mul3A_304, %add3A_305 : i32
      "tpu.region"() ({
        %run_scoped3A_332 = tpu.sem_alloc : memref<!tpu.dma_semaphore, #tpu.memory_space<semaphore_mem>>
        %dma_start3A_333 = arith.constant 0 : i32
        %dma_start3A_334 = arith.constant 0 : i32
        %dma_start3A_335 = tpu.memref_slice %arg10[%dma_start3A_333, %dma_start3A_334] : memref<160x64xf32, #tpu.memory_space<vmem>> -> memref<80x64xf32, #tpu.memory_space<vmem>>
        %dma_start3A_336 = arith.constant 0 : i32
        %dma_start3A_337 = tpu.memref_slice %arg8[%add3A_306, %dma_start3A_336] : memref<250x80xi32, #tpu.memory_space<vmem>> -> memref<1x80xi32, #tpu.memory_space<vmem>>
        %dma_start3A_338 = tpu.memref_squeeze %dma_start3A_337 : memref<1x80xi32, #tpu.memory_space<vmem>> -> memref<80xi32, #tpu.memory_space<vmem>>
        %dma_start3A_339 = arith.constant 0 : i32
        %dma_start3A_340 = arith.constant 0 : i32
        %dma_start3A_341 = tpu.memref_slice %arg17[%dma_start3A_339, %dma_start3A_340] : memref<10000x64xf32, #tpu.memory_space<vmem_shared>> -> memref<10000x64xf32, #tpu.memory_space<vmem_shared>>
        tpu.enqueue_indirect_dma source(%dma_start3A_335 : memref<80x64xf32, #tpu.memory_space<vmem>>) target(%dma_start3A_341 : memref<10000x64xf32, #tpu.memory_space<vmem_shared>>) offsets(%dma_start3A_338 : memref<80xi32, #tpu.memory_space<vmem>>) semaphore(%run_scoped3A_332 : memref<!tpu.dma_semaphore, #tpu.memory_space<semaphore_mem>>) {add = true}
        %dma_wait3A_342 = arith.constant 0 : i32
        %dma_wait3A_343 = arith.constant 0 : i32
        %dma_wait3A_344 = tpu.memref_slice %arg10[%dma_wait3A_342, %dma_wait3A_343] : memref<160x64xf32, #tpu.memory_space<vmem>> -> memref<80x64xf32, #tpu.memory_space<vmem>>
        %dma_wait3A_345 = arith.constant 0 : i32
        %dma_wait3A_346 = tpu.memref_slice %arg8[%add3A_306, %dma_wait3A_345] : memref<250x80xi32, #tpu.memory_space<vmem>> -> memref<1x80xi32, #tpu.memory_space<vmem>>
        %dma_wait3A_347 = tpu.memref_squeeze %dma_wait3A_346 : memref<1x80xi32, #tpu.memory_space<vmem>> -> memref<80xi32, #tpu.memory_space<vmem>>
        %dma_wait3A_348 = arith.constant 0 : i32
        %dma_wait3A_349 = arith.constant 0 : i32
        %dma_wait3A_350 = tpu.memref_slice %arg17[%dma_wait3A_348, %dma_wait3A_349] : memref<10000x64xf32, #tpu.memory_space<vmem_shared>> -> memref<10000x64xf32, #tpu.memory_space<vmem_shared>>
        tpu.wait_indirect_dma semaphore(%run_scoped3A_332 : memref<!tpu.dma_semaphore, #tpu.memory_space<semaphore_mem>>) src(%dma_wait3A_344 : memref<80x64xf32, #tpu.memory_space<vmem>>) dst(%dma_wait3A_350 : memref<10000x64xf32, #tpu.memory_space<vmem_shared>>)
        tpu.yield
      }) : () -> ()
      %mul3A_307 = arith.constant 2 : i32
      %mul3A_308 = arith.muli %add3A_291, %mul3A_307 : i32
      %add3A_309 = arith.constant 0 : i32
      %add3A_310 = arith.addi %mul3A_308, %add3A_309 : i32
      "tpu.region"() ({
        %run_scoped3A_332 = tpu.sem_alloc : memref<!tpu.dma_semaphore, #tpu.memory_space<semaphore_mem>>
        %dma_start3A_333 = arith.constant 0 : i32
        %dma_start3A_334 = tpu.memref_slice %arg8[%add3A_310, %dma_start3A_333] : memref<250x80xi32, #tpu.memory_space<vmem>> -> memref<1x80xi32, #tpu.memory_space<vmem>>
        %dma_start3A_335 = tpu.memref_squeeze %dma_start3A_334 : memref<1x80xi32, #tpu.memory_space<vmem>> -> memref<80xi32, #tpu.memory_space<vmem>>
        %dma_start3A_336 = arith.constant 0 : i32
        %dma_start3A_337 = arith.constant 0 : i32
        %dma_start3A_338 = tpu.memref_slice %arg18[%dma_start3A_336, %dma_start3A_337] : memref<10000x16xf32, #tpu.memory_space<vmem_shared>> -> memref<10000x16xf32, #tpu.memory_space<vmem_shared>>
        tpu.enqueue_indirect_dma source(%arg11 : memref<80x16xf32, #tpu.memory_space<vmem>>) target(%dma_start3A_338 : memref<10000x16xf32, #tpu.memory_space<vmem_shared>>) offsets(%dma_start3A_335 : memref<80xi32, #tpu.memory_space<vmem>>) semaphore(%run_scoped3A_332 : memref<!tpu.dma_semaphore, #tpu.memory_space<semaphore_mem>>) {add = true}
        %dma_wait3A_339 = arith.constant 0 : i32
        %dma_wait3A_340 = tpu.memref_slice %arg8[%add3A_310, %dma_wait3A_339] : memref<250x80xi32, #tpu.memory_space<vmem>> -> memref<1x80xi32, #tpu.memory_space<vmem>>
        %dma_wait3A_341 = tpu.memref_squeeze %dma_wait3A_340 : memref<1x80xi32, #tpu.memory_space<vmem>> -> memref<80xi32, #tpu.memory_space<vmem>>
        %dma_wait3A_342 = arith.constant 0 : i32
        %dma_wait3A_343 = arith.constant 0 : i32
        %dma_wait3A_344 = tpu.memref_slice %arg18[%dma_wait3A_342, %dma_wait3A_343] : memref<10000x16xf32, #tpu.memory_space<vmem_shared>> -> memref<10000x16xf32, #tpu.memory_space<vmem_shared>>
        tpu.wait_indirect_dma semaphore(%run_scoped3A_332 : memref<!tpu.dma_semaphore, #tpu.memory_space<semaphore_mem>>) src(%arg11 : memref<80x16xf32, #tpu.memory_space<vmem>>) dst(%dma_wait3A_344 : memref<10000x16xf32, #tpu.memory_space<vmem_shared>>)
        tpu.yield
      }) : () -> ()
      %mul3A_311 = arith.constant 2 : i32
      %mul3A_312 = arith.muli %add3A_291, %mul3A_311 : i32
      %add3A_313 = arith.constant 1 : i32
      %add3A_314 = arith.addi %mul3A_312, %add3A_313 : i32
      "tpu.region"() ({
        %run_scoped3A_332 = tpu.sem_alloc : memref<!tpu.dma_semaphore, #tpu.memory_space<semaphore_mem>>
        %dma_start3A_333 = arith.constant 80 : i32
        %dma_start3A_334 = arith.constant 0 : i32
        %dma_start3A_335 = tpu.memref_slice %arg10[%dma_start3A_333, %dma_start3A_334] : memref<160x64xf32, #tpu.memory_space<vmem>> -> memref<80x64xf32, #tpu.memory_space<vmem>>
        %dma_start3A_336 = arith.constant 0 : i32
        %dma_start3A_337 = tpu.memref_slice %arg8[%add3A_314, %dma_start3A_336] : memref<250x80xi32, #tpu.memory_space<vmem>> -> memref<1x80xi32, #tpu.memory_space<vmem>>
        %dma_start3A_338 = tpu.memref_squeeze %dma_start3A_337 : memref<1x80xi32, #tpu.memory_space<vmem>> -> memref<80xi32, #tpu.memory_space<vmem>>
        %dma_start3A_339 = arith.constant 0 : i32
        %dma_start3A_340 = arith.constant 0 : i32
        %dma_start3A_341 = tpu.memref_slice %arg17[%dma_start3A_339, %dma_start3A_340] : memref<10000x64xf32, #tpu.memory_space<vmem_shared>> -> memref<10000x64xf32, #tpu.memory_space<vmem_shared>>
        tpu.enqueue_indirect_dma source(%dma_start3A_335 : memref<80x64xf32, #tpu.memory_space<vmem>>) target(%dma_start3A_341 : memref<10000x64xf32, #tpu.memory_space<vmem_shared>>) offsets(%dma_start3A_338 : memref<80xi32, #tpu.memory_space<vmem>>) semaphore(%run_scoped3A_332 : memref<!tpu.dma_semaphore, #tpu.memory_space<semaphore_mem>>) {add = true}
        %dma_wait3A_342 = arith.constant 80 : i32
        %dma_wait3A_343 = arith.constant 0 : i32
        %dma_wait3A_344 = tpu.memref_slice %arg10[%dma_wait3A_342, %dma_wait3A_343] : memref<160x64xf32, #tpu.memory_space<vmem>> -> memref<80x64xf32, #tpu.memory_space<vmem>>
        %dma_wait3A_345 = arith.constant 0 : i32
        %dma_wait3A_346 = tpu.memref_slice %arg8[%add3A_314, %dma_wait3A_345] : memref<250x80xi32, #tpu.memory_space<vmem>> -> memref<1x80xi32, #tpu.memory_space<vmem>>
        %dma_wait3A_347 = tpu.memref_squeeze %dma_wait3A_346 : memref<1x80xi32, #tpu.memory_space<vmem>> -> memref<80xi32, #tpu.memory_space<vmem>>
        %dma_wait3A_348 = arith.constant 0 : i32
        %dma_wait3A_349 = arith.constant 0 : i32
        %dma_wait3A_350 = tpu.memref_slice %arg17[%dma_wait3A_348, %dma_wait3A_349] : memref<10000x64xf32, #tpu.memory_space<vmem_shared>> -> memref<10000x64xf32, #tpu.memory_space<vmem_shared>>
        tpu.wait_indirect_dma semaphore(%run_scoped3A_332 : memref<!tpu.dma_semaphore, #tpu.memory_space<semaphore_mem>>) src(%dma_wait3A_344 : memref<80x64xf32, #tpu.memory_space<vmem>>) dst(%dma_wait3A_350 : memref<10000x64xf32, #tpu.memory_space<vmem_shared>>)
        tpu.yield
      }) : () -> ()
      %mul3A_315 = arith.constant 2 : i32
      %mul3A_316 = arith.muli %add3A_291, %mul3A_315 : i32
      %add3A_317 = arith.constant 1 : i32
      %add3A_318 = arith.addi %mul3A_316, %add3A_317 : i32
      "tpu.region"() ({
        %run_scoped3A_332 = tpu.sem_alloc : memref<!tpu.dma_semaphore, #tpu.memory_space<semaphore_mem>>
        %dma_start3A_333 = arith.constant 0 : i32
        %dma_start3A_334 = tpu.memref_slice %arg8[%add3A_318, %dma_start3A_333] : memref<250x80xi32, #tpu.memory_space<vmem>> -> memref<1x80xi32, #tpu.memory_space<vmem>>
        %dma_start3A_335 = tpu.memref_squeeze %dma_start3A_334 : memref<1x80xi32, #tpu.memory_space<vmem>> -> memref<80xi32, #tpu.memory_space<vmem>>
        %dma_start3A_336 = arith.constant 0 : i32
        %dma_start3A_337 = arith.constant 0 : i32
        %dma_start3A_338 = tpu.memref_slice %arg18[%dma_start3A_336, %dma_start3A_337] : memref<10000x16xf32, #tpu.memory_space<vmem_shared>> -> memref<10000x16xf32, #tpu.memory_space<vmem_shared>>
        tpu.enqueue_indirect_dma source(%arg11 : memref<80x16xf32, #tpu.memory_space<vmem>>) target(%dma_start3A_338 : memref<10000x16xf32, #tpu.memory_space<vmem_shared>>) offsets(%dma_start3A_335 : memref<80xi32, #tpu.memory_space<vmem>>) semaphore(%run_scoped3A_332 : memref<!tpu.dma_semaphore, #tpu.memory_space<semaphore_mem>>) {add = true}
        %dma_wait3A_339 = arith.constant 0 : i32
        %dma_wait3A_340 = tpu.memref_slice %arg8[%add3A_318, %dma_wait3A_339] : memref<250x80xi32, #tpu.memory_space<vmem>> -> memref<1x80xi32, #tpu.memory_space<vmem>>
        %dma_wait3A_341 = tpu.memref_squeeze %dma_wait3A_340 : memref<1x80xi32, #tpu.memory_space<vmem>> -> memref<80xi32, #tpu.memory_space<vmem>>
        %dma_wait3A_342 = arith.constant 0 : i32
        %dma_wait3A_343 = arith.constant 0 : i32
        %dma_wait3A_344 = tpu.memref_slice %arg18[%dma_wait3A_342, %dma_wait3A_343] : memref<10000x16xf32, #tpu.memory_space<vmem_shared>> -> memref<10000x16xf32, #tpu.memory_space<vmem_shared>>
        tpu.wait_indirect_dma semaphore(%run_scoped3A_332 : memref<!tpu.dma_semaphore, #tpu.memory_space<semaphore_mem>>) src(%arg11 : memref<80x16xf32, #tpu.memory_space<vmem>>) dst(%dma_wait3A_344 : memref<10000x16xf32, #tpu.memory_space<vmem_shared>>)
        tpu.yield
      }) : () -> ()
      %add3A_319 = arith.constant 2 : i32
      %add3A_320 = arith.addi %add3A_291, %add3A_319 : i32
      %mul3A_321 = arith.constant 20000 : i32
      %mul3A_322 = arith.muli %arg1, %mul3A_321 : i32
      %mul3A_323 = arith.constant 160 : i32
      %mul3A_324 = arith.muli %add3A_320, %mul3A_323 : i32
      %add3A_325 = arith.addi %mul3A_322, %mul3A_324 : i32
      %dma_start3A_326 = arith.constant 0 : i32
      %dma_start3A_327 = tpu.memref_slice %arg2[%arg0, %add3A_325, %dma_start3A_326] : memref<2x320000x128xf32, #tpu.memory_space<hbm>> -> memref<1x160x64xf32, #tpu.memory_space<hbm>>
      %dma_start3A_328 = tpu.memref_squeeze %dma_start3A_327 : memref<1x160x64xf32, #tpu.memory_space<hbm>> -> memref<160x64xf32, #tpu.memory_space<hbm>>
      %dma_start3A_329 = arith.constant 0 : i32
      %dma_start3A_330 = tpu.memref_slice %arg2[%arg0, %add3A_325, %dma_start3A_329] : memref<2x320000x128xf32, #tpu.memory_space<hbm>> -> memref<1x160x64xf32, #tpu.memory_space<hbm>>
      %dma_start3A_331 = tpu.memref_squeeze %dma_start3A_330 : memref<1x160x64xf32, #tpu.memory_space<hbm>> -> memref<160x64xf32, #tpu.memory_space<hbm>>
      tpu.enqueue_dma source(%dma_start3A_331 : memref<160x64xf32, #tpu.memory_space<hbm>>) target(%arg10 : memref<160x64xf32, #tpu.memory_space<vmem>>) target_semaphore(%arg16 : memref<!tpu.dma_semaphore, #tpu.memory_space<semaphore_mem>>)
    }
    %scan3A_35 = arith.constant 61 : i32
    %mul3A_36 = arith.constant 20000 : i32
    %mul3A_37 = arith.muli %arg1, %mul3A_36 : i32
    %add3A_38 = arith.constant 19520 : i32
    %add3A_39 = arith.addi %mul3A_37, %add3A_38 : i32
    %dma_wait3A = arith.constant 0 : i32
    %dma_wait3A_40 = tpu.memref_slice %arg2[%arg0, %add3A_39, %dma_wait3A] : memref<2x320000x128xf32, #tpu.memory_space<hbm>> -> memref<1x160x64xf32, #tpu.memory_space<hbm>>
    %dma_wait3A_41 = tpu.memref_squeeze %dma_wait3A_40 : memref<1x160x64xf32, #tpu.memory_space<hbm>> -> memref<160x64xf32, #tpu.memory_space<hbm>>
    %dma_wait3A_42 = arith.constant 0 : i32
    %dma_wait3A_43 = tpu.memref_slice %arg2[%arg0, %add3A_39, %dma_wait3A_42] : memref<2x320000x128xf32, #tpu.memory_space<hbm>> -> memref<1x160x64xf32, #tpu.memory_space<hbm>>
    %dma_wait3A_44 = tpu.memref_squeeze %dma_wait3A_43 : memref<1x160x64xf32, #tpu.memory_space<hbm>> -> memref<160x64xf32, #tpu.memory_space<hbm>>
    tpu.wait_dma2 semaphore(%arg15 : memref<!tpu.dma_semaphore, #tpu.memory_space<semaphore_mem>>) src(%dma_wait3A_44 : memref<160x64xf32, #tpu.memory_space<hbm>>) dst(%arg9 : memref<160x64xf32, #tpu.memory_space<vmem>>)
    %run_scoped3A = arith.constant 244 : i32
    "tpu.region"() ({
      %run_scoped3A_243 = tpu.sem_alloc : memref<!tpu.dma_semaphore, #tpu.memory_space<semaphore_mem>>
      %dma_start3A_244 = arith.constant 0 : i32
      %dma_start3A_245 = arith.constant 0 : i32
      %dma_start3A_246 = tpu.memref_slice %arg9[%dma_start3A_244, %dma_start3A_245] : memref<160x64xf32, #tpu.memory_space<vmem>> -> memref<80x64xf32, #tpu.memory_space<vmem>>
      %dma_start3A_247 = arith.constant 0 : i32
      %dma_start3A_248 = tpu.memref_slice %arg8[%run_scoped3A, %dma_start3A_247] : memref<250x80xi32, #tpu.memory_space<vmem>> -> memref<1x80xi32, #tpu.memory_space<vmem>>
      %dma_start3A_249 = tpu.memref_squeeze %dma_start3A_248 : memref<1x80xi32, #tpu.memory_space<vmem>> -> memref<80xi32, #tpu.memory_space<vmem>>
      %dma_start3A_250 = arith.constant 0 : i32
      %dma_start3A_251 = arith.constant 0 : i32
      %dma_start3A_252 = tpu.memref_slice %arg17[%dma_start3A_250, %dma_start3A_251] : memref<10000x64xf32, #tpu.memory_space<vmem_shared>> -> memref<10000x64xf32, #tpu.memory_space<vmem_shared>>
      tpu.enqueue_indirect_dma source(%dma_start3A_246 : memref<80x64xf32, #tpu.memory_space<vmem>>) target(%dma_start3A_252 : memref<10000x64xf32, #tpu.memory_space<vmem_shared>>) offsets(%dma_start3A_249 : memref<80xi32, #tpu.memory_space<vmem>>) semaphore(%run_scoped3A_243 : memref<!tpu.dma_semaphore, #tpu.memory_space<semaphore_mem>>) {add = true}
      %dma_wait3A_253 = arith.constant 0 : i32
      %dma_wait3A_254 = arith.constant 0 : i32
      %dma_wait3A_255 = tpu.memref_slice %arg9[%dma_wait3A_253, %dma_wait3A_254] : memref<160x64xf32, #tpu.memory_space<vmem>> -> memref<80x64xf32, #tpu.memory_space<vmem>>
      %dma_wait3A_256 = arith.constant 0 : i32
      %dma_wait3A_257 = tpu.memref_slice %arg8[%run_scoped3A, %dma_wait3A_256] : memref<250x80xi32, #tpu.memory_space<vmem>> -> memref<1x80xi32, #tpu.memory_space<vmem>>
      %dma_wait3A_258 = tpu.memref_squeeze %dma_wait3A_257 : memref<1x80xi32, #tpu.memory_space<vmem>> -> memref<80xi32, #tpu.memory_space<vmem>>
      %dma_wait3A_259 = arith.constant 0 : i32
      %dma_wait3A_260 = arith.constant 0 : i32
      %dma_wait3A_261 = tpu.memref_slice %arg17[%dma_wait3A_259, %dma_wait3A_260] : memref<10000x64xf32, #tpu.memory_space<vmem_shared>> -> memref<10000x64xf32, #tpu.memory_space<vmem_shared>>
      tpu.wait_indirect_dma semaphore(%run_scoped3A_243 : memref<!tpu.dma_semaphore, #tpu.memory_space<semaphore_mem>>) src(%dma_wait3A_255 : memref<80x64xf32, #tpu.memory_space<vmem>>) dst(%dma_wait3A_261 : memref<10000x64xf32, #tpu.memory_space<vmem_shared>>)
      tpu.yield
    }) : () -> ()
    %run_scoped3A_45 = arith.constant 244 : i32
    "tpu.region"() ({
      %run_scoped3A_243 = tpu.sem_alloc : memref<!tpu.dma_semaphore, #tpu.memory_space<semaphore_mem>>
      %dma_start3A_244 = arith.constant 0 : i32
      %dma_start3A_245 = tpu.memref_slice %arg8[%run_scoped3A_45, %dma_start3A_244] : memref<250x80xi32, #tpu.memory_space<vmem>> -> memref<1x80xi32, #tpu.memory_space<vmem>>
      %dma_start3A_246 = tpu.memref_squeeze %dma_start3A_245 : memref<1x80xi32, #tpu.memory_space<vmem>> -> memref<80xi32, #tpu.memory_space<vmem>>
      %dma_start3A_247 = arith.constant 0 : i32
      %dma_start3A_248 = arith.constant 0 : i32
      %dma_start3A_249 = tpu.memref_slice %arg18[%dma_start3A_247, %dma_start3A_248] : memref<10000x16xf32, #tpu.memory_space<vmem_shared>> -> memref<10000x16xf32, #tpu.memory_space<vmem_shared>>
      tpu.enqueue_indirect_dma source(%arg11 : memref<80x16xf32, #tpu.memory_space<vmem>>) target(%dma_start3A_249 : memref<10000x16xf32, #tpu.memory_space<vmem_shared>>) offsets(%dma_start3A_246 : memref<80xi32, #tpu.memory_space<vmem>>) semaphore(%run_scoped3A_243 : memref<!tpu.dma_semaphore, #tpu.memory_space<semaphore_mem>>) {add = true}
      %dma_wait3A_250 = arith.constant 0 : i32
      %dma_wait3A_251 = tpu.memref_slice %arg8[%run_scoped3A_45, %dma_wait3A_250] : memref<250x80xi32, #tpu.memory_space<vmem>> -> memref<1x80xi32, #tpu.memory_space<vmem>>
      %dma_wait3A_252 = tpu.memref_squeeze %dma_wait3A_251 : memref<1x80xi32, #tpu.memory_space<vmem>> -> memref<80xi32, #tpu.memory_space<vmem>>
      %dma_wait3A_253 = arith.constant 0 : i32
      %dma_wait3A_254 = arith.constant 0 : i32
      %dma_wait3A_255 = tpu.memref_slice %arg18[%dma_wait3A_253, %dma_wait3A_254] : memref<10000x16xf32, #tpu.memory_space<vmem_shared>> -> memref<10000x16xf32, #tpu.memory_space<vmem_shared>>
      tpu.wait_indirect_dma semaphore(%run_scoped3A_243 : memref<!tpu.dma_semaphore, #tpu.memory_space<semaphore_mem>>) src(%arg11 : memref<80x16xf32, #tpu.memory_space<vmem>>) dst(%dma_wait3A_255 : memref<10000x16xf32, #tpu.memory_space<vmem_shared>>)
      tpu.yield
    }) : () -> ()
    %run_scoped3A_46 = arith.constant 245 : i32
    "tpu.region"() ({
      %run_scoped3A_243 = tpu.sem_alloc : memref<!tpu.dma_semaphore, #tpu.memory_space<semaphore_mem>>
      %dma_start3A_244 = arith.constant 80 : i32
      %dma_start3A_245 = arith.constant 0 : i32
      %dma_start3A_246 = tpu.memref_slice %arg9[%dma_start3A_244, %dma_start3A_245] : memref<160x64xf32, #tpu.memory_space<vmem>> -> memref<80x64xf32, #tpu.memory_space<vmem>>
      %dma_start3A_247 = arith.constant 0 : i32
      %dma_start3A_248 = tpu.memref_slice %arg8[%run_scoped3A_46, %dma_start3A_247] : memref<250x80xi32, #tpu.memory_space<vmem>> -> memref<1x80xi32, #tpu.memory_space<vmem>>
      %dma_start3A_249 = tpu.memref_squeeze %dma_start3A_248 : memref<1x80xi32, #tpu.memory_space<vmem>> -> memref<80xi32, #tpu.memory_space<vmem>>
      %dma_start3A_250 = arith.constant 0 : i32
      %dma_start3A_251 = arith.constant 0 : i32
      %dma_start3A_252 = tpu.memref_slice %arg17[%dma_start3A_250, %dma_start3A_251] : memref<10000x64xf32, #tpu.memory_space<vmem_shared>> -> memref<10000x64xf32, #tpu.memory_space<vmem_shared>>
      tpu.enqueue_indirect_dma source(%dma_start3A_246 : memref<80x64xf32, #tpu.memory_space<vmem>>) target(%dma_start3A_252 : memref<10000x64xf32, #tpu.memory_space<vmem_shared>>) offsets(%dma_start3A_249 : memref<80xi32, #tpu.memory_space<vmem>>) semaphore(%run_scoped3A_243 : memref<!tpu.dma_semaphore, #tpu.memory_space<semaphore_mem>>) {add = true}
      %dma_wait3A_253 = arith.constant 80 : i32
      %dma_wait3A_254 = arith.constant 0 : i32
      %dma_wait3A_255 = tpu.memref_slice %arg9[%dma_wait3A_253, %dma_wait3A_254] : memref<160x64xf32, #tpu.memory_space<vmem>> -> memref<80x64xf32, #tpu.memory_space<vmem>>
      %dma_wait3A_256 = arith.constant 0 : i32
      %dma_wait3A_257 = tpu.memref_slice %arg8[%run_scoped3A_46, %dma_wait3A_256] : memref<250x80xi32, #tpu.memory_space<vmem>> -> memref<1x80xi32, #tpu.memory_space<vmem>>
      %dma_wait3A_258 = tpu.memref_squeeze %dma_wait3A_257 : memref<1x80xi32, #tpu.memory_space<vmem>> -> memref<80xi32, #tpu.memory_space<vmem>>
      %dma_wait3A_259 = arith.constant 0 : i32
      %dma_wait3A_260 = arith.constant 0 : i32
      %dma_wait3A_261 = tpu.memref_slice %arg17[%dma_wait3A_259, %dma_wait3A_260] : memref<10000x64xf32, #tpu.memory_space<vmem_shared>> -> memref<10000x64xf32, #tpu.memory_space<vmem_shared>>
      tpu.wait_indirect_dma semaphore(%run_scoped3A_243 : memref<!tpu.dma_semaphore, #tpu.memory_space<semaphore_mem>>) src(%dma_wait3A_255 : memref<80x64xf32, #tpu.memory_space<vmem>>) dst(%dma_wait3A_261 : memref<10000x64xf32, #tpu.memory_space<vmem_shared>>)
      tpu.yield
    }) : () -> ()
    %run_scoped3A_47 = arith.constant 245 : i32
    "tpu.region"() ({
      %run_scoped3A_243 = tpu.sem_alloc : memref<!tpu.dma_semaphore, #tpu.memory_space<semaphore_mem>>
      %dma_start3A_244 = arith.constant 0 : i32
      %dma_start3A_245 = tpu.memref_slice %arg8[%run_scoped3A_47, %dma_start3A_244] : memref<250x80xi32, #tpu.memory_space<vmem>> -> memref<1x80xi32, #tpu.memory_space<vmem>>
      %dma_start3A_246 = tpu.memref_squeeze %dma_start3A_245 : memref<1x80xi32, #tpu.memory_space<vmem>> -> memref<80xi32, #tpu.memory_space<vmem>>
      %dma_start3A_247 = arith.constant 0 : i32
      %dma_start3A_248 = arith.constant 0 : i32
      %dma_start3A_249 = tpu.memref_slice %arg18[%dma_start3A_247, %dma_start3A_248] : memref<10000x16xf32, #tpu.memory_space<vmem_shared>> -> memref<10000x16xf32, #tpu.memory_space<vmem_shared>>
      tpu.enqueue_indirect_dma source(%arg11 : memref<80x16xf32, #tpu.memory_space<vmem>>) target(%dma_start3A_249 : memref<10000x16xf32, #tpu.memory_space<vmem_shared>>) offsets(%dma_start3A_246 : memref<80xi32, #tpu.memory_space<vmem>>) semaphore(%run_scoped3A_243 : memref<!tpu.dma_semaphore, #tpu.memory_space<semaphore_mem>>) {add = true}
      %dma_wait3A_250 = arith.constant 0 : i32
      %dma_wait3A_251 = tpu.memref_slice %arg8[%run_scoped3A_47, %dma_wait3A_250] : memref<250x80xi32, #tpu.memory_space<vmem>> -> memref<1x80xi32, #tpu.memory_space<vmem>>
      %dma_wait3A_252 = tpu.memref_squeeze %dma_wait3A_251 : memref<1x80xi32, #tpu.memory_space<vmem>> -> memref<80xi32, #tpu.memory_space<vmem>>
      %dma_wait3A_253 = arith.constant 0 : i32
      %dma_wait3A_254 = arith.constant 0 : i32
      %dma_wait3A_255 = tpu.memref_slice %arg18[%dma_wait3A_253, %dma_wait3A_254] : memref<10000x16xf32, #tpu.memory_space<vmem_shared>> -> memref<10000x16xf32, #tpu.memory_space<vmem_shared>>
      tpu.wait_indirect_dma semaphore(%run_scoped3A_243 : memref<!tpu.dma_semaphore, #tpu.memory_space<semaphore_mem>>) src(%arg11 : memref<80x16xf32, #tpu.memory_space<vmem>>) dst(%dma_wait3A_255 : memref<10000x16xf32, #tpu.memory_space<vmem_shared>>)
      tpu.yield
    }) : () -> ()
    %mul3A_48 = arith.constant 20000 : i32
    %mul3A_49 = arith.muli %arg1, %mul3A_48 : i32
    %add3A_50 = arith.constant 19840 : i32
    %add3A_51 = arith.addi %mul3A_49, %add3A_50 : i32
    %dma_start3A_52 = arith.constant 0 : i32
    %dma_start3A_53 = tpu.memref_slice %arg2[%arg0, %add3A_51, %dma_start3A_52] : memref<2x320000x128xf32, #tpu.memory_space<hbm>> -> memref<1x160x64xf32, #tpu.memory_space<hbm>>
    %dma_start3A_54 = tpu.memref_squeeze %dma_start3A_53 : memref<1x160x64xf32, #tpu.memory_space<hbm>> -> memref<160x64xf32, #tpu.memory_space<hbm>>
    %dma_start3A_55 = arith.constant 0 : i32
    %dma_start3A_56 = tpu.memref_slice %arg2[%arg0, %add3A_51, %dma_start3A_55] : memref<2x320000x128xf32, #tpu.memory_space<hbm>> -> memref<1x160x64xf32, #tpu.memory_space<hbm>>
    %dma_start3A_57 = tpu.memref_squeeze %dma_start3A_56 : memref<1x160x64xf32, #tpu.memory_space<hbm>> -> memref<160x64xf32, #tpu.memory_space<hbm>>
    tpu.enqueue_dma source(%dma_start3A_57 : memref<160x64xf32, #tpu.memory_space<hbm>>) target(%arg9 : memref<160x64xf32, #tpu.memory_space<vmem>>) target_semaphore(%arg15 : memref<!tpu.dma_semaphore, #tpu.memory_space<semaphore_mem>>)
    %mul3A_58 = arith.constant 20000 : i32
    %mul3A_59 = arith.muli %arg1, %mul3A_58 : i32
    %add3A_60 = arith.constant 19680 : i32
    %add3A_61 = arith.addi %mul3A_59, %add3A_60 : i32
    %dma_wait3A_62 = arith.constant 0 : i32
    %dma_wait3A_63 = tpu.memref_slice %arg2[%arg0, %add3A_61, %dma_wait3A_62] : memref<2x320000x128xf32, #tpu.memory_space<hbm>> -> memref<1x160x64xf32, #tpu.memory_space<hbm>>
    %dma_wait3A_64 = tpu.memref_squeeze %dma_wait3A_63 : memref<1x160x64xf32, #tpu.memory_space<hbm>> -> memref<160x64xf32, #tpu.memory_space<hbm>>
    %dma_wait3A_65 = arith.constant 0 : i32
    %dma_wait3A_66 = tpu.memref_slice %arg2[%arg0, %add3A_61, %dma_wait3A_65] : memref<2x320000x128xf32, #tpu.memory_space<hbm>> -> memref<1x160x64xf32, #tpu.memory_space<hbm>>
    %dma_wait3A_67 = tpu.memref_squeeze %dma_wait3A_66 : memref<1x160x64xf32, #tpu.memory_space<hbm>> -> memref<160x64xf32, #tpu.memory_space<hbm>>
    tpu.wait_dma2 semaphore(%arg16 : memref<!tpu.dma_semaphore, #tpu.memory_space<semaphore_mem>>) src(%dma_wait3A_67 : memref<160x64xf32, #tpu.memory_space<hbm>>) dst(%arg10 : memref<160x64xf32, #tpu.memory_space<vmem>>)
    %run_scoped3A_68 = arith.constant 246 : i32
    "tpu.region"() ({
      %run_scoped3A_243 = tpu.sem_alloc : memref<!tpu.dma_semaphore, #tpu.memory_space<semaphore_mem>>
      %dma_start3A_244 = arith.constant 0 : i32
      %dma_start3A_245 = arith.constant 0 : i32
      %dma_start3A_246 = tpu.memref_slice %arg10[%dma_start3A_244, %dma_start3A_245] : memref<160x64xf32, #tpu.memory_space<vmem>> -> memref<80x64xf32, #tpu.memory_space<vmem>>
      %dma_start3A_247 = arith.constant 0 : i32
      %dma_start3A_248 = tpu.memref_slice %arg8[%run_scoped3A_68, %dma_start3A_247] : memref<250x80xi32, #tpu.memory_space<vmem>> -> memref<1x80xi32, #tpu.memory_space<vmem>>
      %dma_start3A_249 = tpu.memref_squeeze %dma_start3A_248 : memref<1x80xi32, #tpu.memory_space<vmem>> -> memref<80xi32, #tpu.memory_space<vmem>>
      %dma_start3A_250 = arith.constant 0 : i32
      %dma_start3A_251 = arith.constant 0 : i32
      %dma_start3A_252 = tpu.memref_slice %arg17[%dma_start3A_250, %dma_start3A_251] : memref<10000x64xf32, #tpu.memory_space<vmem_shared>> -> memref<10000x64xf32, #tpu.memory_space<vmem_shared>>
      tpu.enqueue_indirect_dma source(%dma_start3A_246 : memref<80x64xf32, #tpu.memory_space<vmem>>) target(%dma_start3A_252 : memref<10000x64xf32, #tpu.memory_space<vmem_shared>>) offsets(%dma_start3A_249 : memref<80xi32, #tpu.memory_space<vmem>>) semaphore(%run_scoped3A_243 : memref<!tpu.dma_semaphore, #tpu.memory_space<semaphore_mem>>) {add = true}
      %dma_wait3A_253 = arith.constant 0 : i32
      %dma_wait3A_254 = arith.constant 0 : i32
      %dma_wait3A_255 = tpu.memref_slice %arg10[%dma_wait3A_253, %dma_wait3A_254] : memref<160x64xf32, #tpu.memory_space<vmem>> -> memref<80x64xf32, #tpu.memory_space<vmem>>
      %dma_wait3A_256 = arith.constant 0 : i32
      %dma_wait3A_257 = tpu.memref_slice %arg8[%run_scoped3A_68, %dma_wait3A_256] : memref<250x80xi32, #tpu.memory_space<vmem>> -> memref<1x80xi32, #tpu.memory_space<vmem>>
      %dma_wait3A_258 = tpu.memref_squeeze %dma_wait3A_257 : memref<1x80xi32, #tpu.memory_space<vmem>> -> memref<80xi32, #tpu.memory_space<vmem>>
      %dma_wait3A_259 = arith.constant 0 : i32
      %dma_wait3A_260 = arith.constant 0 : i32
      %dma_wait3A_261 = tpu.memref_slice %arg17[%dma_wait3A_259, %dma_wait3A_260] : memref<10000x64xf32, #tpu.memory_space<vmem_shared>> -> memref<10000x64xf32, #tpu.memory_space<vmem_shared>>
      tpu.wait_indirect_dma semaphore(%run_scoped3A_243 : memref<!tpu.dma_semaphore, #tpu.memory_space<semaphore_mem>>) src(%dma_wait3A_255 : memref<80x64xf32, #tpu.memory_space<vmem>>) dst(%dma_wait3A_261 : memref<10000x64xf32, #tpu.memory_space<vmem_shared>>)
      tpu.yield
    }) : () -> ()
    %run_scoped3A_69 = arith.constant 246 : i32
    "tpu.region"() ({
      %run_scoped3A_243 = tpu.sem_alloc : memref<!tpu.dma_semaphore, #tpu.memory_space<semaphore_mem>>
      %dma_start3A_244 = arith.constant 0 : i32
      %dma_start3A_245 = tpu.memref_slice %arg8[%run_scoped3A_69, %dma_start3A_244] : memref<250x80xi32, #tpu.memory_space<vmem>> -> memref<1x80xi32, #tpu.memory_space<vmem>>
      %dma_start3A_246 = tpu.memref_squeeze %dma_start3A_245 : memref<1x80xi32, #tpu.memory_space<vmem>> -> memref<80xi32, #tpu.memory_space<vmem>>
      %dma_start3A_247 = arith.constant 0 : i32
      %dma_start3A_248 = arith.constant 0 : i32
      %dma_start3A_249 = tpu.memref_slice %arg18[%dma_start3A_247, %dma_start3A_248] : memref<10000x16xf32, #tpu.memory_space<vmem_shared>> -> memref<10000x16xf32, #tpu.memory_space<vmem_shared>>
      tpu.enqueue_indirect_dma source(%arg11 : memref<80x16xf32, #tpu.memory_space<vmem>>) target(%dma_start3A_249 : memref<10000x16xf32, #tpu.memory_space<vmem_shared>>) offsets(%dma_start3A_246 : memref<80xi32, #tpu.memory_space<vmem>>) semaphore(%run_scoped3A_243 : memref<!tpu.dma_semaphore, #tpu.memory_space<semaphore_mem>>) {add = true}
      %dma_wait3A_250 = arith.constant 0 : i32
      %dma_wait3A_251 = tpu.memref_slice %arg8[%run_scoped3A_69, %dma_wait3A_250] : memref<250x80xi32, #tpu.memory_space<vmem>> -> memref<1x80xi32, #tpu.memory_space<vmem>>
      %dma_wait3A_252 = tpu.memref_squeeze %dma_wait3A_251 : memref<1x80xi32, #tpu.memory_space<vmem>> -> memref<80xi32, #tpu.memory_space<vmem>>
      %dma_wait3A_253 = arith.constant 0 : i32
      %dma_wait3A_254 = arith.constant 0 : i32
      %dma_wait3A_255 = tpu.memref_slice %arg18[%dma_wait3A_253, %dma_wait3A_254] : memref<10000x16xf32, #tpu.memory_space<vmem_shared>> -> memref<10000x16xf32, #tpu.memory_space<vmem_shared>>
      tpu.wait_indirect_dma semaphore(%run_scoped3A_243 : memref<!tpu.dma_semaphore, #tpu.memory_space<semaphore_mem>>) src(%arg11 : memref<80x16xf32, #tpu.memory_space<vmem>>) dst(%dma_wait3A_255 : memref<10000x16xf32, #tpu.memory_space<vmem_shared>>)
      tpu.yield
    }) : () -> ()
    %run_scoped3A_70 = arith.constant 247 : i32
    "tpu.region"() ({
      %run_scoped3A_243 = tpu.sem_alloc : memref<!tpu.dma_semaphore, #tpu.memory_space<semaphore_mem>>
      %dma_start3A_244 = arith.constant 80 : i32
      %dma_start3A_245 = arith.constant 0 : i32
      %dma_start3A_246 = tpu.memref_slice %arg10[%dma_start3A_244, %dma_start3A_245] : memref<160x64xf32, #tpu.memory_space<vmem>> -> memref<80x64xf32, #tpu.memory_space<vmem>>
      %dma_start3A_247 = arith.constant 0 : i32
      %dma_start3A_248 = tpu.memref_slice %arg8[%run_scoped3A_70, %dma_start3A_247] : memref<250x80xi32, #tpu.memory_space<vmem>> -> memref<1x80xi32, #tpu.memory_space<vmem>>
      %dma_start3A_249 = tpu.memref_squeeze %dma_start3A_248 : memref<1x80xi32, #tpu.memory_space<vmem>> -> memref<80xi32, #tpu.memory_space<vmem>>
      %dma_start3A_250 = arith.constant 0 : i32
      %dma_start3A_251 = arith.constant 0 : i32
      %dma_start3A_252 = tpu.memref_slice %arg17[%dma_start3A_250, %dma_start3A_251] : memref<10000x64xf32, #tpu.memory_space<vmem_shared>> -> memref<10000x64xf32, #tpu.memory_space<vmem_shared>>
      tpu.enqueue_indirect_dma source(%dma_start3A_246 : memref<80x64xf32, #tpu.memory_space<vmem>>) target(%dma_start3A_252 : memref<10000x64xf32, #tpu.memory_space<vmem_shared>>) offsets(%dma_start3A_249 : memref<80xi32, #tpu.memory_space<vmem>>) semaphore(%run_scoped3A_243 : memref<!tpu.dma_semaphore, #tpu.memory_space<semaphore_mem>>) {add = true}
      %dma_wait3A_253 = arith.constant 80 : i32
      %dma_wait3A_254 = arith.constant 0 : i32
      %dma_wait3A_255 = tpu.memref_slice %arg10[%dma_wait3A_253, %dma_wait3A_254] : memref<160x64xf32, #tpu.memory_space<vmem>> -> memref<80x64xf32, #tpu.memory_space<vmem>>
      %dma_wait3A_256 = arith.constant 0 : i32
      %dma_wait3A_257 = tpu.memref_slice %arg8[%run_scoped3A_70, %dma_wait3A_256] : memref<250x80xi32, #tpu.memory_space<vmem>> -> memref<1x80xi32, #tpu.memory_space<vmem>>
      %dma_wait3A_258 = tpu.memref_squeeze %dma_wait3A_257 : memref<1x80xi32, #tpu.memory_space<vmem>> -> memref<80xi32, #tpu.memory_space<vmem>>
      %dma_wait3A_259 = arith.constant 0 : i32
      %dma_wait3A_260 = arith.constant 0 : i32
      %dma_wait3A_261 = tpu.memref_slice %arg17[%dma_wait3A_259, %dma_wait3A_260] : memref<10000x64xf32, #tpu.memory_space<vmem_shared>> -> memref<10000x64xf32, #tpu.memory_space<vmem_shared>>
      tpu.wait_indirect_dma semaphore(%run_scoped3A_243 : memref<!tpu.dma_semaphore, #tpu.memory_space<semaphore_mem>>) src(%dma_wait3A_255 : memref<80x64xf32, #tpu.memory_space<vmem>>) dst(%dma_wait3A_261 : memref<10000x64xf32, #tpu.memory_space<vmem_shared>>)
      tpu.yield
    }) : () -> ()
    %run_scoped3A_71 = arith.constant 247 : i32
    "tpu.region"() ({
      %run_scoped3A_243 = tpu.sem_alloc : memref<!tpu.dma_semaphore, #tpu.memory_space<semaphore_mem>>
      %dma_start3A_244 = arith.constant 0 : i32
      %dma_start3A_245 = tpu.memref_slice %arg8[%run_scoped3A_71, %dma_start3A_244] : memref<250x80xi32, #tpu.memory_space<vmem>> -> memref<1x80xi32, #tpu.memory_space<vmem>>
      %dma_start3A_246 = tpu.memref_squeeze %dma_start3A_245 : memref<1x80xi32, #tpu.memory_space<vmem>> -> memref<80xi32, #tpu.memory_space<vmem>>
      %dma_start3A_247 = arith.constant 0 : i32
      %dma_start3A_248 = arith.constant 0 : i32
      %dma_start3A_249 = tpu.memref_slice %arg18[%dma_start3A_247, %dma_start3A_248] : memref<10000x16xf32, #tpu.memory_space<vmem_shared>> -> memref<10000x16xf32, #tpu.memory_space<vmem_shared>>
      tpu.enqueue_indirect_dma source(%arg11 : memref<80x16xf32, #tpu.memory_space<vmem>>) target(%dma_start3A_249 : memref<10000x16xf32, #tpu.memory_space<vmem_shared>>) offsets(%dma_start3A_246 : memref<80xi32, #tpu.memory_space<vmem>>) semaphore(%run_scoped3A_243 : memref<!tpu.dma_semaphore, #tpu.memory_space<semaphore_mem>>) {add = true}
      %dma_wait3A_250 = arith.constant 0 : i32
      %dma_wait3A_251 = tpu.memref_slice %arg8[%run_scoped3A_71, %dma_wait3A_250] : memref<250x80xi32, #tpu.memory_space<vmem>> -> memref<1x80xi32, #tpu.memory_space<vmem>>
      %dma_wait3A_252 = tpu.memref_squeeze %dma_wait3A_251 : memref<1x80xi32, #tpu.memory_space<vmem>> -> memref<80xi32, #tpu.memory_space<vmem>>
      %dma_wait3A_253 = arith.constant 0 : i32
      %dma_wait3A_254 = arith.constant 0 : i32
      %dma_wait3A_255 = tpu.memref_slice %arg18[%dma_wait3A_253, %dma_wait3A_254] : memref<10000x16xf32, #tpu.memory_space<vmem_shared>> -> memref<10000x16xf32, #tpu.memory_space<vmem_shared>>
      tpu.wait_indirect_dma semaphore(%run_scoped3A_243 : memref<!tpu.dma_semaphore, #tpu.memory_space<semaphore_mem>>) src(%arg11 : memref<80x16xf32, #tpu.memory_space<vmem>>) dst(%dma_wait3A_255 : memref<10000x16xf32, #tpu.memory_space<vmem_shared>>)
      tpu.yield
    }) : () -> ()
    %mul3A_72 = arith.constant 20000 : i32
    %mul3A_73 = arith.muli %arg1, %mul3A_72 : i32
    %add3A_74 = arith.constant 19840 : i32
    %add3A_75 = arith.addi %mul3A_73, %add3A_74 : i32
    %dma_wait3A_76 = arith.constant 0 : i32
    %dma_wait3A_77 = tpu.memref_slice %arg2[%arg0, %add3A_75, %dma_wait3A_76] : memref<2x320000x128xf32, #tpu.memory_space<hbm>> -> memref<1x160x64xf32, #tpu.memory_space<hbm>>
    %dma_wait3A_78 = tpu.memref_squeeze %dma_wait3A_77 : memref<1x160x64xf32, #tpu.memory_space<hbm>> -> memref<160x64xf32, #tpu.memory_space<hbm>>
    %dma_wait3A_79 = arith.constant 0 : i32
    %dma_wait3A_80 = tpu.memref_slice %arg2[%arg0, %add3A_75, %dma_wait3A_79] : memref<2x320000x128xf32, #tpu.memory_space<hbm>> -> memref<1x160x64xf32, #tpu.memory_space<hbm>>
    %dma_wait3A_81 = tpu.memref_squeeze %dma_wait3A_80 : memref<1x160x64xf32, #tpu.memory_space<hbm>> -> memref<160x64xf32, #tpu.memory_space<hbm>>
    tpu.wait_dma2 semaphore(%arg15 : memref<!tpu.dma_semaphore, #tpu.memory_space<semaphore_mem>>) src(%dma_wait3A_81 : memref<160x64xf32, #tpu.memory_space<hbm>>) dst(%arg9 : memref<160x64xf32, #tpu.memory_space<vmem>>)
    %run_scoped3A_82 = arith.constant 248 : i32
    "tpu.region"() ({
      %run_scoped3A_243 = tpu.sem_alloc : memref<!tpu.dma_semaphore, #tpu.memory_space<semaphore_mem>>
      %dma_start3A_244 = arith.constant 0 : i32
      %dma_start3A_245 = arith.constant 0 : i32
      %dma_start3A_246 = tpu.memref_slice %arg9[%dma_start3A_244, %dma_start3A_245] : memref<160x64xf32, #tpu.memory_space<vmem>> -> memref<80x64xf32, #tpu.memory_space<vmem>>
      %dma_start3A_247 = arith.constant 0 : i32
      %dma_start3A_248 = tpu.memref_slice %arg8[%run_scoped3A_82, %dma_start3A_247] : memref<250x80xi32, #tpu.memory_space<vmem>> -> memref<1x80xi32, #tpu.memory_space<vmem>>
      %dma_start3A_249 = tpu.memref_squeeze %dma_start3A_248 : memref<1x80xi32, #tpu.memory_space<vmem>> -> memref<80xi32, #tpu.memory_space<vmem>>
      %dma_start3A_250 = arith.constant 0 : i32
      %dma_start3A_251 = arith.constant 0 : i32
      %dma_start3A_252 = tpu.memref_slice %arg17[%dma_start3A_250, %dma_start3A_251] : memref<10000x64xf32, #tpu.memory_space<vmem_shared>> -> memref<10000x64xf32, #tpu.memory_space<vmem_shared>>
      tpu.enqueue_indirect_dma source(%dma_start3A_246 : memref<80x64xf32, #tpu.memory_space<vmem>>) target(%dma_start3A_252 : memref<10000x64xf32, #tpu.memory_space<vmem_shared>>) offsets(%dma_start3A_249 : memref<80xi32, #tpu.memory_space<vmem>>) semaphore(%run_scoped3A_243 : memref<!tpu.dma_semaphore, #tpu.memory_space<semaphore_mem>>) {add = true}
      %dma_wait3A_253 = arith.constant 0 : i32
      %dma_wait3A_254 = arith.constant 0 : i32
      %dma_wait3A_255 = tpu.memref_slice %arg9[%dma_wait3A_253, %dma_wait3A_254] : memref<160x64xf32, #tpu.memory_space<vmem>> -> memref<80x64xf32, #tpu.memory_space<vmem>>
      %dma_wait3A_256 = arith.constant 0 : i32
      %dma_wait3A_257 = tpu.memref_slice %arg8[%run_scoped3A_82, %dma_wait3A_256] : memref<250x80xi32, #tpu.memory_space<vmem>> -> memref<1x80xi32, #tpu.memory_space<vmem>>
      %dma_wait3A_258 = tpu.memref_squeeze %dma_wait3A_257 : memref<1x80xi32, #tpu.memory_space<vmem>> -> memref<80xi32, #tpu.memory_space<vmem>>
      %dma_wait3A_259 = arith.constant 0 : i32
      %dma_wait3A_260 = arith.constant 0 : i32
      %dma_wait3A_261 = tpu.memref_slice %arg17[%dma_wait3A_259, %dma_wait3A_260] : memref<10000x64xf32, #tpu.memory_space<vmem_shared>> -> memref<10000x64xf32, #tpu.memory_space<vmem_shared>>
      tpu.wait_indirect_dma semaphore(%run_scoped3A_243 : memref<!tpu.dma_semaphore, #tpu.memory_space<semaphore_mem>>) src(%dma_wait3A_255 : memref<80x64xf32, #tpu.memory_space<vmem>>) dst(%dma_wait3A_261 : memref<10000x64xf32, #tpu.memory_space<vmem_shared>>)
      tpu.yield
    }) : () -> ()
    %run_scoped3A_83 = arith.constant 248 : i32
    "tpu.region"() ({
      %run_scoped3A_243 = tpu.sem_alloc : memref<!tpu.dma_semaphore, #tpu.memory_space<semaphore_mem>>
      %dma_start3A_244 = arith.constant 0 : i32
      %dma_start3A_245 = tpu.memref_slice %arg8[%run_scoped3A_83, %dma_start3A_244] : memref<250x80xi32, #tpu.memory_space<vmem>> -> memref<1x80xi32, #tpu.memory_space<vmem>>
      %dma_start3A_246 = tpu.memref_squeeze %dma_start3A_245 : memref<1x80xi32, #tpu.memory_space<vmem>> -> memref<80xi32, #tpu.memory_space<vmem>>
      %dma_start3A_247 = arith.constant 0 : i32
      %dma_start3A_248 = arith.constant 0 : i32
      %dma_start3A_249 = tpu.memref_slice %arg18[%dma_start3A_247, %dma_start3A_248] : memref<10000x16xf32, #tpu.memory_space<vmem_shared>> -> memref<10000x16xf32, #tpu.memory_space<vmem_shared>>
      tpu.enqueue_indirect_dma source(%arg11 : memref<80x16xf32, #tpu.memory_space<vmem>>) target(%dma_start3A_249 : memref<10000x16xf32, #tpu.memory_space<vmem_shared>>) offsets(%dma_start3A_246 : memref<80xi32, #tpu.memory_space<vmem>>) semaphore(%run_scoped3A_243 : memref<!tpu.dma_semaphore, #tpu.memory_space<semaphore_mem>>) {add = true}
      %dma_wait3A_250 = arith.constant 0 : i32
      %dma_wait3A_251 = tpu.memref_slice %arg8[%run_scoped3A_83, %dma_wait3A_250] : memref<250x80xi32, #tpu.memory_space<vmem>> -> memref<1x80xi32, #tpu.memory_space<vmem>>
      %dma_wait3A_252 = tpu.memref_squeeze %dma_wait3A_251 : memref<1x80xi32, #tpu.memory_space<vmem>> -> memref<80xi32, #tpu.memory_space<vmem>>
      %dma_wait3A_253 = arith.constant 0 : i32
      %dma_wait3A_254 = arith.constant 0 : i32
      %dma_wait3A_255 = tpu.memref_slice %arg18[%dma_wait3A_253, %dma_wait3A_254] : memref<10000x16xf32, #tpu.memory_space<vmem_shared>> -> memref<10000x16xf32, #tpu.memory_space<vmem_shared>>
      tpu.wait_indirect_dma semaphore(%run_scoped3A_243 : memref<!tpu.dma_semaphore, #tpu.memory_space<semaphore_mem>>) src(%arg11 : memref<80x16xf32, #tpu.memory_space<vmem>>) dst(%dma_wait3A_255 : memref<10000x16xf32, #tpu.memory_space<vmem_shared>>)
      tpu.yield
    }) : () -> ()
    %run_scoped3A_84 = arith.constant 249 : i32
    "tpu.region"() ({
      %run_scoped3A_243 = tpu.sem_alloc : memref<!tpu.dma_semaphore, #tpu.memory_space<semaphore_mem>>
      %dma_start3A_244 = arith.constant 80 : i32
      %dma_start3A_245 = arith.constant 0 : i32
      %dma_start3A_246 = tpu.memref_slice %arg9[%dma_start3A_244, %dma_start3A_245] : memref<160x64xf32, #tpu.memory_space<vmem>> -> memref<80x64xf32, #tpu.memory_space<vmem>>
      %dma_start3A_247 = arith.constant 0 : i32
      %dma_start3A_248 = tpu.memref_slice %arg8[%run_scoped3A_84, %dma_start3A_247] : memref<250x80xi32, #tpu.memory_space<vmem>> -> memref<1x80xi32, #tpu.memory_space<vmem>>
      %dma_start3A_249 = tpu.memref_squeeze %dma_start3A_248 : memref<1x80xi32, #tpu.memory_space<vmem>> -> memref<80xi32, #tpu.memory_space<vmem>>
      %dma_start3A_250 = arith.constant 0 : i32
      %dma_start3A_251 = arith.constant 0 : i32
      %dma_start3A_252 = tpu.memref_slice %arg17[%dma_start3A_250, %dma_start3A_251] : memref<10000x64xf32, #tpu.memory_space<vmem_shared>> -> memref<10000x64xf32, #tpu.memory_space<vmem_shared>>
      tpu.enqueue_indirect_dma source(%dma_start3A_246 : memref<80x64xf32, #tpu.memory_space<vmem>>) target(%dma_start3A_252 : memref<10000x64xf32, #tpu.memory_space<vmem_shared>>) offsets(%dma_start3A_249 : memref<80xi32, #tpu.memory_space<vmem>>) semaphore(%run_scoped3A_243 : memref<!tpu.dma_semaphore, #tpu.memory_space<semaphore_mem>>) {add = true}
      %dma_wait3A_253 = arith.constant 80 : i32
      %dma_wait3A_254 = arith.constant 0 : i32
      %dma_wait3A_255 = tpu.memref_slice %arg9[%dma_wait3A_253, %dma_wait3A_254] : memref<160x64xf32, #tpu.memory_space<vmem>> -> memref<80x64xf32, #tpu.memory_space<vmem>>
      %dma_wait3A_256 = arith.constant 0 : i32
      %dma_wait3A_257 = tpu.memref_slice %arg8[%run_scoped3A_84, %dma_wait3A_256] : memref<250x80xi32, #tpu.memory_space<vmem>> -> memref<1x80xi32, #tpu.memory_space<vmem>>
      %dma_wait3A_258 = tpu.memref_squeeze %dma_wait3A_257 : memref<1x80xi32, #tpu.memory_space<vmem>> -> memref<80xi32, #tpu.memory_space<vmem>>
      %dma_wait3A_259 = arith.constant 0 : i32
      %dma_wait3A_260 = arith.constant 0 : i32
      %dma_wait3A_261 = tpu.memref_slice %arg17[%dma_wait3A_259, %dma_wait3A_260] : memref<10000x64xf32, #tpu.memory_space<vmem_shared>> -> memref<10000x64xf32, #tpu.memory_space<vmem_shared>>
      tpu.wait_indirect_dma semaphore(%run_scoped3A_243 : memref<!tpu.dma_semaphore, #tpu.memory_space<semaphore_mem>>) src(%dma_wait3A_255 : memref<80x64xf32, #tpu.memory_space<vmem>>) dst(%dma_wait3A_261 : memref<10000x64xf32, #tpu.memory_space<vmem_shared>>)
      tpu.yield
    }) : () -> ()
    %run_scoped3A_85 = arith.constant 249 : i32
    "tpu.region"() ({
      %run_scoped3A_243 = tpu.sem_alloc : memref<!tpu.dma_semaphore, #tpu.memory_space<semaphore_mem>>
      %dma_start3A_244 = arith.constant 0 : i32
      %dma_start3A_245 = tpu.memref_slice %arg8[%run_scoped3A_85, %dma_start3A_244] : memref<250x80xi32, #tpu.memory_space<vmem>> -> memref<1x80xi32, #tpu.memory_space<vmem>>
      %dma_start3A_246 = tpu.memref_squeeze %dma_start3A_245 : memref<1x80xi32, #tpu.memory_space<vmem>> -> memref<80xi32, #tpu.memory_space<vmem>>
      %dma_start3A_247 = arith.constant 0 : i32
      %dma_start3A_248 = arith.constant 0 : i32
      %dma_start3A_249 = tpu.memref_slice %arg18[%dma_start3A_247, %dma_start3A_248] : memref<10000x16xf32, #tpu.memory_space<vmem_shared>> -> memref<10000x16xf32, #tpu.memory_space<vmem_shared>>
      tpu.enqueue_indirect_dma source(%arg11 : memref<80x16xf32, #tpu.memory_space<vmem>>) target(%dma_start3A_249 : memref<10000x16xf32, #tpu.memory_space<vmem_shared>>) offsets(%dma_start3A_246 : memref<80xi32, #tpu.memory_space<vmem>>) semaphore(%run_scoped3A_243 : memref<!tpu.dma_semaphore, #tpu.memory_space<semaphore_mem>>) {add = true}
      %dma_wait3A_250 = arith.constant 0 : i32
      %dma_wait3A_251 = tpu.memref_slice %arg8[%run_scoped3A_85, %dma_wait3A_250] : memref<250x80xi32, #tpu.memory_space<vmem>> -> memref<1x80xi32, #tpu.memory_space<vmem>>
      %dma_wait3A_252 = tpu.memref_squeeze %dma_wait3A_251 : memref<1x80xi32, #tpu.memory_space<vmem>> -> memref<80xi32, #tpu.memory_space<vmem>>
      %dma_wait3A_253 = arith.constant 0 : i32
      %dma_wait3A_254 = arith.constant 0 : i32
      %dma_wait3A_255 = tpu.memref_slice %arg18[%dma_wait3A_253, %dma_wait3A_254] : memref<10000x16xf32, #tpu.memory_space<vmem_shared>> -> memref<10000x16xf32, #tpu.memory_space<vmem_shared>>
      tpu.wait_indirect_dma semaphore(%run_scoped3A_243 : memref<!tpu.dma_semaphore, #tpu.memory_space<semaphore_mem>>) src(%arg11 : memref<80x16xf32, #tpu.memory_space<vmem>>) dst(%dma_wait3A_255 : memref<10000x16xf32, #tpu.memory_space<vmem_shared>>)
      tpu.yield
    }) : () -> ()
    %barrier3A_86 = arith.constant 0 : index
    tpu.barrier barrier_id(%barrier3A_86)
    %add3A_87 = arith.constant 0 : i32
    %add3A_88 = arith.addi %mul3A_2, %add3A_87 : i32
    "tpu.region"() ({
      %run_scoped3A_243 = tpu.sem_alloc : memref<!tpu.dma_semaphore, #tpu.memory_space<semaphore_mem>>
      %dma_start3A_244 = arith.constant 0 : i32
      %dma_start3A_245 = tpu.memref_slice %arg17[%add3A_88, %dma_start3A_244] : memref<10000x64xf32, #tpu.memory_space<vmem_shared>> -> memref<125x64xf32, #tpu.memory_space<vmem_shared>>
      %dma_start3A_246 = arith.constant 0 : i32
      %dma_start3A_247 = tpu.memref_slice %arg17[%add3A_88, %dma_start3A_246] : memref<10000x64xf32, #tpu.memory_space<vmem_shared>> -> memref<125x64xf32, #tpu.memory_space<vmem_shared>>
      tpu.enqueue_dma source(%dma_start3A_247 : memref<125x64xf32, #tpu.memory_space<vmem_shared>>) target(%arg12 : memref<125x64xf32, #tpu.memory_space<vmem>>) target_semaphore(%run_scoped3A_243 : memref<!tpu.dma_semaphore, #tpu.memory_space<semaphore_mem>>)
      %dma_wait3A_248 = arith.constant 0 : i32
      %dma_wait3A_249 = tpu.memref_slice %arg17[%add3A_88, %dma_wait3A_248] : memref<10000x64xf32, #tpu.memory_space<vmem_shared>> -> memref<125x64xf32, #tpu.memory_space<vmem_shared>>
      %dma_wait3A_250 = arith.constant 0 : i32
      %dma_wait3A_251 = tpu.memref_slice %arg17[%add3A_88, %dma_wait3A_250] : memref<10000x64xf32, #tpu.memory_space<vmem_shared>> -> memref<125x64xf32, #tpu.memory_space<vmem_shared>>
      tpu.wait_dma2 semaphore(%run_scoped3A_243 : memref<!tpu.dma_semaphore, #tpu.memory_space<semaphore_mem>>) src(%dma_wait3A_251 : memref<125x64xf32, #tpu.memory_space<vmem_shared>>) dst(%arg12 : memref<125x64xf32, #tpu.memory_space<vmem>>)
      tpu.yield
    }) : () -> ()
    "tpu.region"() ({
      %run_scoped3A_243 = tpu.sem_alloc : memref<!tpu.dma_semaphore, #tpu.memory_space<semaphore_mem>>
      %dma_start3A_244 = arith.constant 0 : i32
      %dma_start3A_245 = tpu.memref_slice %arg18[%add3A_88, %dma_start3A_244] : memref<10000x16xf32, #tpu.memory_space<vmem_shared>> -> memref<125x16xf32, #tpu.memory_space<vmem_shared>>
      %dma_start3A_246 = arith.constant 0 : i32
      %dma_start3A_247 = tpu.memref_slice %arg18[%add3A_88, %dma_start3A_246] : memref<10000x16xf32, #tpu.memory_space<vmem_shared>> -> memref<125x16xf32, #tpu.memory_space<vmem_shared>>
      tpu.enqueue_dma source(%dma_start3A_247 : memref<125x16xf32, #tpu.memory_space<vmem_shared>>) target(%arg13 : memref<125x16xf32, #tpu.memory_space<vmem>>) target_semaphore(%run_scoped3A_243 : memref<!tpu.dma_semaphore, #tpu.memory_space<semaphore_mem>>)
      %dma_wait3A_248 = arith.constant 0 : i32
      %dma_wait3A_249 = tpu.memref_slice %arg18[%add3A_88, %dma_wait3A_248] : memref<10000x16xf32, #tpu.memory_space<vmem_shared>> -> memref<125x16xf32, #tpu.memory_space<vmem_shared>>
      %dma_wait3A_250 = arith.constant 0 : i32
      %dma_wait3A_251 = tpu.memref_slice %arg18[%add3A_88, %dma_wait3A_250] : memref<10000x16xf32, #tpu.memory_space<vmem_shared>> -> memref<125x16xf32, #tpu.memory_space<vmem_shared>>
      tpu.wait_dma2 semaphore(%run_scoped3A_243 : memref<!tpu.dma_semaphore, #tpu.memory_space<semaphore_mem>>) src(%dma_wait3A_251 : memref<125x16xf32, #tpu.memory_space<vmem_shared>>) dst(%arg13 : memref<125x16xf32, #tpu.memory_space<vmem>>)
      tpu.yield
    }) : () -> ()
    "tpu.region"() ({
      %run_scoped3A_243 = tpu.sem_alloc : memref<!tpu.dma_semaphore, #tpu.memory_space<semaphore_mem>>
      %dma_start3A_244 = arith.constant 0 : i32
      %dma_start3A_245 = tpu.memref_slice %arg4[%arg0, %add3A_88, %dma_start3A_244] : memref<2x10000x128xf32, #tpu.memory_space<hbm>> -> memref<1x125x64xf32, #tpu.memory_space<hbm>>
      %dma_start3A_246 = tpu.memref_squeeze %dma_start3A_245 : memref<1x125x64xf32, #tpu.memory_space<hbm>> -> memref<125x64xf32, #tpu.memory_space<hbm>>
      %dma_start3A_247 = arith.constant 0 : i32
      %dma_start3A_248 = tpu.memref_slice %arg4[%arg0, %add3A_88, %dma_start3A_247] : memref<2x10000x128xf32, #tpu.memory_space<hbm>> -> memref<1x125x64xf32, #tpu.memory_space<hbm>>
      %dma_start3A_249 = tpu.memref_squeeze %dma_start3A_248 : memref<1x125x64xf32, #tpu.memory_space<hbm>> -> memref<125x64xf32, #tpu.memory_space<hbm>>
      tpu.enqueue_dma source(%dma_start3A_249 : memref<125x64xf32, #tpu.memory_space<hbm>>) target(%arg14 : memref<125x64xf32, #tpu.memory_space<vmem>>) target_semaphore(%run_scoped3A_243 : memref<!tpu.dma_semaphore, #tpu.memory_space<semaphore_mem>>)
      %dma_wait3A_250 = arith.constant 0 : i32
      %dma_wait3A_251 = tpu.memref_slice %arg4[%arg0, %add3A_88, %dma_wait3A_250] : memref<2x10000x128xf32, #tpu.memory_space<hbm>> -> memref<1x125x64xf32, #tpu.memory_space<hbm>>
      %dma_wait3A_252 = tpu.memref_squeeze %dma_wait3A_251 : memref<1x125x64xf32, #tpu.memory_space<hbm>> -> memref<125x64xf32, #tpu.memory_space<hbm>>
      %dma_wait3A_253 = arith.constant 0 : i32
      %dma_wait3A_254 = tpu.memref_slice %arg4[%arg0, %add3A_88, %dma_wait3A_253] : memref<2x10000x128xf32, #tpu.memory_space<hbm>> -> memref<1x125x64xf32, #tpu.memory_space<hbm>>
      %dma_wait3A_255 = tpu.memref_squeeze %dma_wait3A_254 : memref<1x125x64xf32, #tpu.memory_space<hbm>> -> memref<125x64xf32, #tpu.memory_space<hbm>>
      tpu.wait_dma2 semaphore(%run_scoped3A_243 : memref<!tpu.dma_semaphore, #tpu.memory_space<semaphore_mem>>) src(%dma_wait3A_255 : memref<125x64xf32, #tpu.memory_space<hbm>>) dst(%arg14 : memref<125x64xf32, #tpu.memory_space<vmem>>)
      tpu.yield
    }) : () -> ()
    %scan3A_89 = arith.constant 0 : i32
    %scan3A_90 = arith.constant 0 : i32
    %scan3A_91 = arith.constant 125 : i32
    %scan3A_92 = arith.addi %scan3A_90, %scan3A_91 : i32
    %scan3A_93 = arith.constant 1 : i32
    scf.for %scan3A_243 = %scan3A_90 to %scan3A_92 step %scan3A_93  : i32 {
      %get3A = arith.index_cast %scan3A_243 : i32 to index
      %get3A_244 = arith.constant 0 : index
      %get3A_245 = tpu.vector_load %arg13[%get3A, %get3A_244] {strides = array<i32>} : memref<125x16xf32, #tpu.memory_space<vmem>>, vector<1x16xf32>,
      %get3A_246 = vector.shape_cast %get3A_245 : vector<1x16xf32> to vector<16xf32>
      %broadcast_in_dim3A_247 = arith.constant 0 : i32
      %broadcast_in_dim3A_248 = vector.broadcast %broadcast_in_dim3A_247 : i32 to vector<16xi32>
      %lt3A = arith.constant 0 : i32
      %lt3A_249 = vector.broadcast %lt3A : i32 to vector<16xi32>
      %lt3A_250 = arith.cmpi slt, %broadcast_in_dim3A_248, %lt3A_249 : vector<16xi32>
      %add3A_251 = arith.constant 16 : i32
      %add3A_252 = vector.broadcast %add3A_251 : i32 to vector<16xi32>
      %add3A_253 = arith.addi %broadcast_in_dim3A_248, %add3A_252 : vector<16xi32>
      %select_n3A_254 = arith.select %lt3A_250, %add3A_253, %broadcast_in_dim3A_248 : vector<16xi1>, vector<16xi32>
      %broadcast_in_dim3A_255 = vector.shape_cast %select_n3A_254 : vector<16xi32> to vector<16x1xi32>
      %gather3A = vector.shape_cast %broadcast_in_dim3A_255 : vector<16x1xi32> to vector<16xi32>
      %gather3A_256 = tpu.dynamic_gather %get3A_246[%gather3A] in [0] : vector<16xf32>, vector<16xi32> -> vector<16xf32>
      %add3A_257 = arith.constant 1.000000e+00 : f32
      %add3A_258 = vector.broadcast %add3A_257 : f32 to vector<16xf32>
      %add3A_259 = arith.addf %add3A_258, %gather3A_256 : vector<16xf32>
      %mul3A_260 = arith.mulf %add3A_259, %gather3A_256 : vector<16xf32>
      %div3A = arith.constant 1.000000e+00 : f32
      %div3A_261 = vector.broadcast %div3A : f32 to vector<16xf32>
      %div3A_262 = arith.divf %div3A_261, %mul3A_260 : vector<16xf32>
      %get3A_263 = arith.index_cast %scan3A_243 : i32 to index
      %get3A_264 = arith.constant 0 : index
      %get3A_265 = tpu.vector_load %arg12[%get3A_263, %get3A_264] {strides = array<i32>} : memref<125x64xf32, #tpu.memory_space<vmem>>, vector<1x16xf32>,
      %get3A_266 = vector.shape_cast %get3A_265 : vector<1x16xf32> to vector<16xf32>
      %mul3A_267 = arith.mulf %get3A_266, %div3A_262 : vector<16xf32>
      %get3A_268 = arith.index_cast %scan3A_243 : i32 to index
      %get3A_269 = arith.constant 0 : index
      %get3A_270 = tpu.vector_load %arg14[%get3A_268, %get3A_269] {strides = array<i32>} : memref<125x64xf32, #tpu.memory_space<vmem>>, vector<1x16xf32>,
      %get3A_271 = vector.shape_cast %get3A_270 : vector<1x16xf32> to vector<16xf32>
      %add3A_272 = arith.addf %mul3A_267, %get3A_271 : vector<16xf32>
      %swap3A = arith.index_cast %scan3A_243 : i32 to index
      %swap3A_273 = arith.constant 0 : index
      %swap3A_274 = tpu.vector_load %arg14[%swap3A, %swap3A_273] {strides = array<i32>} : memref<125x64xf32, #tpu.memory_space<vmem>>, vector<1x16xf32>,
      %swap3A_275 = vector.shape_cast %swap3A_274 : vector<1x16xf32> to vector<16xf32>
      %swap3A_276 = vector.shape_cast %add3A_272 : vector<16xf32> to vector<1x16xf32>
      tpu.vector_store %arg14[%swap3A, %swap3A_273], %swap3A_276 {strides = array<i32>} : memref<125x64xf32, #tpu.memory_space<vmem>>, vector<1x16xf32>,
      %get3A_277 = arith.index_cast %scan3A_243 : i32 to index
      %get3A_278 = arith.constant 16 : index
      %get3A_279 = tpu.vector_load %arg12[%get3A_277, %get3A_278] {strides = array<i32>} : memref<125x64xf32, #tpu.memory_space<vmem>>, vector<1x16xf32>,
      %get3A_280 = vector.shape_cast %get3A_279 : vector<1x16xf32> to vector<16xf32>
      %mul3A_281 = arith.mulf %get3A_280, %div3A_262 : vector<16xf32>
      %get3A_282 = arith.index_cast %scan3A_243 : i32 to index
      %get3A_283 = arith.constant 16 : index
      %get3A_284 = tpu.vector_load %arg14[%get3A_282, %get3A_283] {strides = array<i32>} : memref<125x64xf32, #tpu.memory_space<vmem>>, vector<1x16xf32>,
      %get3A_285 = vector.shape_cast %get3A_284 : vector<1x16xf32> to vector<16xf32>
      %add3A_286 = arith.addf %mul3A_281, %get3A_285 : vector<16xf32>
      %swap3A_287 = arith.index_cast %scan3A_243 : i32 to index
      %swap3A_288 = arith.constant 16 : index
      %swap3A_289 = tpu.vector_load %arg14[%swap3A_287, %swap3A_288] {strides = array<i32>} : memref<125x64xf32, #tpu.memory_space<vmem>>, vector<1x16xf32>,
      %swap3A_290 = vector.shape_cast %swap3A_289 : vector<1x16xf32> to vector<16xf32>
      %swap3A_291 = vector.shape_cast %add3A_286 : vector<16xf32> to vector<1x16xf32>
      tpu.vector_store %arg14[%swap3A_287, %swap3A_288], %swap3A_291 {strides = array<i32>} : memref<125x64xf32, #tpu.memory_space<vmem>>, vector<1x16xf32>,
      %get3A_292 = arith.index_cast %scan3A_243 : i32 to index
      %get3A_293 = arith.constant 32 : index
      %get3A_294 = tpu.vector_load %arg12[%get3A_292, %get3A_293] {strides = array<i32>} : memref<125x64xf32, #tpu.memory_space<vmem>>, vector<1x16xf32>,
      %get3A_295 = vector.shape_cast %get3A_294 : vector<1x16xf32> to vector<16xf32>
      %mul3A_296 = arith.mulf %get3A_295, %div3A_262 : vector<16xf32>
      %get3A_297 = arith.index_cast %scan3A_243 : i32 to index
      %get3A_298 = arith.constant 32 : index
      %get3A_299 = tpu.vector_load %arg14[%get3A_297, %get3A_298] {strides = array<i32>} : memref<125x64xf32, #tpu.memory_space<vmem>>, vector<1x16xf32>,
      %get3A_300 = vector.shape_cast %get3A_299 : vector<1x16xf32> to vector<16xf32>
      %add3A_301 = arith.addf %mul3A_296, %get3A_300 : vector<16xf32>
      %swap3A_302 = arith.index_cast %scan3A_243 : i32 to index
      %swap3A_303 = arith.constant 32 : index
      %swap3A_304 = tpu.vector_load %arg14[%swap3A_302, %swap3A_303] {strides = array<i32>} : memref<125x64xf32, #tpu.memory_space<vmem>>, vector<1x16xf32>,
      %swap3A_305 = vector.shape_cast %swap3A_304 : vector<1x16xf32> to vector<16xf32>
      %swap3A_306 = vector.shape_cast %add3A_301 : vector<16xf32> to vector<1x16xf32>
      tpu.vector_store %arg14[%swap3A_302, %swap3A_303], %swap3A_306 {strides = array<i32>} : memref<125x64xf32, #tpu.memory_space<vmem>>, vector<1x16xf32>,
      %get3A_307 = arith.index_cast %scan3A_243 : i32 to index
      %get3A_308 = arith.constant 48 : index
      %get3A_309 = tpu.vector_load %arg12[%get3A_307, %get3A_308] {strides = array<i32>} : memref<125x64xf32, #tpu.memory_space<vmem>>, vector<1x16xf32>,
      %get3A_310 = vector.shape_cast %get3A_309 : vector<1x16xf32> to vector<16xf32>
      %mul3A_311 = arith.mulf %get3A_310, %div3A_262 : vector<16xf32>
      %get3A_312 = arith.index_cast %scan3A_243 : i32 to index
      %get3A_313 = arith.constant 48 : index
      %get3A_314 = tpu.vector_load %arg14[%get3A_312, %get3A_313] {strides = array<i32>} : memref<125x64xf32, #tpu.memory_space<vmem>>, vector<1x16xf32>,
      %get3A_315 = vector.shape_cast %get3A_314 : vector<1x16xf32> to vector<16xf32>
      %add3A_316 = arith.addf %mul3A_311, %get3A_315 : vector<16xf32>
      %swap3A_317 = arith.index_cast %scan3A_243 : i32 to index
      %swap3A_318 = arith.constant 48 : index
      %swap3A_319 = tpu.vector_load %arg14[%swap3A_317, %swap3A_318] {strides = array<i32>} : memref<125x64xf32, #tpu.memory_space<vmem>>, vector<1x16xf32>,
      %swap3A_320 = vector.shape_cast %swap3A_319 : vector<1x16xf32> to vector<16xf32>
      %swap3A_321 = vector.shape_cast %add3A_316 : vector<16xf32> to vector<1x16xf32>
      tpu.vector_store %arg14[%swap3A_317, %swap3A_318], %swap3A_321 {strides = array<i32>} : memref<125x64xf32, #tpu.memory_space<vmem>>, vector<1x16xf32>,
    }
    %scan3A_94 = arith.constant 125 : i32
    "tpu.region"() ({
      %run_scoped3A_243 = tpu.sem_alloc : memref<!tpu.dma_semaphore, #tpu.memory_space<semaphore_mem>>
      %dma_start3A_244 = arith.constant 0 : i32
      %dma_start3A_245 = tpu.memref_slice %arg7[%arg0, %add3A_88, %dma_start3A_244] : memref<2x10000x128xf32, #tpu.memory_space<hbm>> -> memref<1x125x64xf32, #tpu.memory_space<hbm>>
      %dma_start3A_246 = tpu.memref_squeeze %dma_start3A_245 : memref<1x125x64xf32, #tpu.memory_space<hbm>> -> memref<125x64xf32, #tpu.memory_space<hbm>>
      %dma_start3A_247 = arith.constant 0 : i32
      %dma_start3A_248 = tpu.memref_slice %arg7[%arg0, %add3A_88, %dma_start3A_247] : memref<2x10000x128xf32, #tpu.memory_space<hbm>> -> memref<1x125x64xf32, #tpu.memory_space<hbm>>
      %dma_start3A_249 = tpu.memref_squeeze %dma_start3A_248 : memref<1x125x64xf32, #tpu.memory_space<hbm>> -> memref<125x64xf32, #tpu.memory_space<hbm>>
      tpu.enqueue_dma source(%arg14 : memref<125x64xf32, #tpu.memory_space<vmem>>) target(%dma_start3A_249 : memref<125x64xf32, #tpu.memory_space<hbm>>) target_semaphore(%run_scoped3A_243 : memref<!tpu.dma_semaphore, #tpu.memory_space<semaphore_mem>>)
      %dma_wait3A_250 = arith.constant 0 : i32
      %dma_wait3A_251 = tpu.memref_slice %arg7[%arg0, %add3A_88, %dma_wait3A_250] : memref<2x10000x128xf32, #tpu.memory_space<hbm>> -> memref<1x125x64xf32, #tpu.memory_space<hbm>>
      %dma_wait3A_252 = tpu.memref_squeeze %dma_wait3A_251 : memref<1x125x64xf32, #tpu.memory_space<hbm>> -> memref<125x64xf32, #tpu.memory_space<hbm>>
      %dma_wait3A_253 = arith.constant 0 : i32
      %dma_wait3A_254 = tpu.memref_slice %arg7[%arg0, %add3A_88, %dma_wait3A_253] : memref<2x10000x128xf32, #tpu.memory_space<hbm>> -> memref<1x125x64xf32, #tpu.memory_space<hbm>>
      %dma_wait3A_255 = tpu.memref_squeeze %dma_wait3A_254 : memref<1x125x64xf32, #tpu.memory_space<hbm>> -> memref<125x64xf32, #tpu.memory_space<hbm>>
      tpu.wait_dma2 semaphore(%run_scoped3A_243 : memref<!tpu.dma_semaphore, #tpu.memory_space<semaphore_mem>>) src(%arg14 : memref<125x64xf32, #tpu.memory_space<vmem>>) dst(%dma_wait3A_255 : memref<125x64xf32, #tpu.memory_space<hbm>>)
      tpu.yield
    }) : () -> ()
    %add3A_95 = arith.constant 125 : i32
    %add3A_96 = arith.addi %mul3A_2, %add3A_95 : i32
    "tpu.region"() ({
      %run_scoped3A_243 = tpu.sem_alloc : memref<!tpu.dma_semaphore, #tpu.memory_space<semaphore_mem>>
      %dma_start3A_244 = arith.constant 0 : i32
      %dma_start3A_245 = tpu.memref_slice %arg17[%add3A_96, %dma_start3A_244] : memref<10000x64xf32, #tpu.memory_space<vmem_shared>> -> memref<125x64xf32, #tpu.memory_space<vmem_shared>>
      %dma_start3A_246 = arith.constant 0 : i32
      %dma_start3A_247 = tpu.memref_slice %arg17[%add3A_96, %dma_start3A_246] : memref<10000x64xf32, #tpu.memory_space<vmem_shared>> -> memref<125x64xf32, #tpu.memory_space<vmem_shared>>
      tpu.enqueue_dma source(%dma_start3A_247 : memref<125x64xf32, #tpu.memory_space<vmem_shared>>) target(%arg12 : memref<125x64xf32, #tpu.memory_space<vmem>>) target_semaphore(%run_scoped3A_243 : memref<!tpu.dma_semaphore, #tpu.memory_space<semaphore_mem>>)
      %dma_wait3A_248 = arith.constant 0 : i32
      %dma_wait3A_249 = tpu.memref_slice %arg17[%add3A_96, %dma_wait3A_248] : memref<10000x64xf32, #tpu.memory_space<vmem_shared>> -> memref<125x64xf32, #tpu.memory_space<vmem_shared>>
      %dma_wait3A_250 = arith.constant 0 : i32
      %dma_wait3A_251 = tpu.memref_slice %arg17[%add3A_96, %dma_wait3A_250] : memref<10000x64xf32, #tpu.memory_space<vmem_shared>> -> memref<125x64xf32, #tpu.memory_space<vmem_shared>>
      tpu.wait_dma2 semaphore(%run_scoped3A_243 : memref<!tpu.dma_semaphore, #tpu.memory_space<semaphore_mem>>) src(%dma_wait3A_251 : memref<125x64xf32, #tpu.memory_space<vmem_shared>>) dst(%arg12 : memref<125x64xf32, #tpu.memory_space<vmem>>)
      tpu.yield
    }) : () -> ()
    "tpu.region"() ({
      %run_scoped3A_243 = tpu.sem_alloc : memref<!tpu.dma_semaphore, #tpu.memory_space<semaphore_mem>>
      %dma_start3A_244 = arith.constant 0 : i32
      %dma_start3A_245 = tpu.memref_slice %arg18[%add3A_96, %dma_start3A_244] : memref<10000x16xf32, #tpu.memory_space<vmem_shared>> -> memref<125x16xf32, #tpu.memory_space<vmem_shared>>
      %dma_start3A_246 = arith.constant 0 : i32
      %dma_start3A_247 = tpu.memref_slice %arg18[%add3A_96, %dma_start3A_246] : memref<10000x16xf32, #tpu.memory_space<vmem_shared>> -> memref<125x16xf32, #tpu.memory_space<vmem_shared>>
      tpu.enqueue_dma source(%dma_start3A_247 : memref<125x16xf32, #tpu.memory_space<vmem_shared>>) target(%arg13 : memref<125x16xf32, #tpu.memory_space<vmem>>) target_semaphore(%run_scoped3A_243 : memref<!tpu.dma_semaphore, #tpu.memory_space<semaphore_mem>>)
      %dma_wait3A_248 = arith.constant 0 : i32
      %dma_wait3A_249 = tpu.memref_slice %arg18[%add3A_96, %dma_wait3A_248] : memref<10000x16xf32, #tpu.memory_space<vmem_shared>> -> memref<125x16xf32, #tpu.memory_space<vmem_shared>>
      %dma_wait3A_250 = arith.constant 0 : i32
      %dma_wait3A_251 = tpu.memref_slice %arg18[%add3A_96, %dma_wait3A_250] : memref<10000x16xf32, #tpu.memory_space<vmem_shared>> -> memref<125x16xf32, #tpu.memory_space<vmem_shared>>
      tpu.wait_dma2 semaphore(%run_scoped3A_243 : memref<!tpu.dma_semaphore, #tpu.memory_space<semaphore_mem>>) src(%dma_wait3A_251 : memref<125x16xf32, #tpu.memory_space<vmem_shared>>) dst(%arg13 : memref<125x16xf32, #tpu.memory_space<vmem>>)
      tpu.yield
    }) : () -> ()
    "tpu.region"() ({
      %run_scoped3A_243 = tpu.sem_alloc : memref<!tpu.dma_semaphore, #tpu.memory_space<semaphore_mem>>
      %dma_start3A_244 = arith.constant 0 : i32
      %dma_start3A_245 = tpu.memref_slice %arg4[%arg0, %add3A_96, %dma_start3A_244] : memref<2x10000x128xf32, #tpu.memory_space<hbm>> -> memref<1x125x64xf32, #tpu.memory_space<hbm>>
      %dma_start3A_246 = tpu.memref_squeeze %dma_start3A_245 : memref<1x125x64xf32, #tpu.memory_space<hbm>> -> memref<125x64xf32, #tpu.memory_space<hbm>>
      %dma_start3A_247 = arith.constant 0 : i32
      %dma_start3A_248 = tpu.memref_slice %arg4[%arg0, %add3A_96, %dma_start3A_247] : memref<2x10000x128xf32, #tpu.memory_space<hbm>> -> memref<1x125x64xf32, #tpu.memory_space<hbm>>
      %dma_start3A_249 = tpu.memref_squeeze %dma_start3A_248 : memref<1x125x64xf32, #tpu.memory_space<hbm>> -> memref<125x64xf32, #tpu.memory_space<hbm>>
      tpu.enqueue_dma source(%dma_start3A_249 : memref<125x64xf32, #tpu.memory_space<hbm>>) target(%arg14 : memref<125x64xf32, #tpu.memory_space<vmem>>) target_semaphore(%run_scoped3A_243 : memref<!tpu.dma_semaphore, #tpu.memory_space<semaphore_mem>>)
      %dma_wait3A_250 = arith.constant 0 : i32
      %dma_wait3A_251 = tpu.memref_slice %arg4[%arg0, %add3A_96, %dma_wait3A_250] : memref<2x10000x128xf32, #tpu.memory_space<hbm>> -> memref<1x125x64xf32, #tpu.memory_space<hbm>>
      %dma_wait3A_252 = tpu.memref_squeeze %dma_wait3A_251 : memref<1x125x64xf32, #tpu.memory_space<hbm>> -> memref<125x64xf32, #tpu.memory_space<hbm>>
      %dma_wait3A_253 = arith.constant 0 : i32
      %dma_wait3A_254 = tpu.memref_slice %arg4[%arg0, %add3A_96, %dma_wait3A_253] : memref<2x10000x128xf32, #tpu.memory_space<hbm>> -> memref<1x125x64xf32, #tpu.memory_space<hbm>>
      %dma_wait3A_255 = tpu.memref_squeeze %dma_wait3A_254 : memref<1x125x64xf32, #tpu.memory_space<hbm>> -> memref<125x64xf32, #tpu.memory_space<hbm>>
      tpu.wait_dma2 semaphore(%run_scoped3A_243 : memref<!tpu.dma_semaphore, #tpu.memory_space<semaphore_mem>>) src(%dma_wait3A_255 : memref<125x64xf32, #tpu.memory_space<hbm>>) dst(%arg14 : memref<125x64xf32, #tpu.memory_space<vmem>>)
      tpu.yield
    }) : () -> ()
    %scan3A_97 = arith.constant 0 : i32
    %scan3A_98 = arith.constant 0 : i32
    %scan3A_99 = arith.constant 125 : i32
    %scan3A_100 = arith.addi %scan3A_98, %scan3A_99 : i32
    %scan3A_101 = arith.constant 1 : i32
    scf.for %scan3A_243 = %scan3A_98 to %scan3A_100 step %scan3A_101  : i32 {
      %get3A = arith.index_cast %scan3A_243 : i32 to index
      %get3A_244 = arith.constant 0 : index
      %get3A_245 = tpu.vector_load %arg13[%get3A, %get3A_244] {strides = array<i32>} : memref<125x16xf32, #tpu.memory_space<vmem>>, vector<1x16xf32>,
      %get3A_246 = vector.shape_cast %get3A_245 : vector<1x16xf32> to vector<16xf32>
      %broadcast_in_dim3A_247 = arith.constant 0 : i32
      %broadcast_in_dim3A_248 = vector.broadcast %broadcast_in_dim3A_247 : i32 to vector<16xi32>
      %lt3A = arith.constant 0 : i32
      %lt3A_249 = vector.broadcast %lt3A : i32 to vector<16xi32>
      %lt3A_250 = arith.cmpi slt, %broadcast_in_dim3A_248, %lt3A_249 : vector<16xi32>
      %add3A_251 = arith.constant 16 : i32
      %add3A_252 = vector.broadcast %add3A_251 : i32 to vector<16xi32>
      %add3A_253 = arith.addi %broadcast_in_dim3A_248, %add3A_252 : vector<16xi32>
      %select_n3A_254 = arith.select %lt3A_250, %add3A_253, %broadcast_in_dim3A_248 : vector<16xi1>, vector<16xi32>
      %broadcast_in_dim3A_255 = vector.shape_cast %select_n3A_254 : vector<16xi32> to vector<16x1xi32>
      %gather3A = vector.shape_cast %broadcast_in_dim3A_255 : vector<16x1xi32> to vector<16xi32>
      %gather3A_256 = tpu.dynamic_gather %get3A_246[%gather3A] in [0] : vector<16xf32>, vector<16xi32> -> vector<16xf32>
      %add3A_257 = arith.constant 1.000000e+00 : f32
      %add3A_258 = vector.broadcast %add3A_257 : f32 to vector<16xf32>
      %add3A_259 = arith.addf %add3A_258, %gather3A_256 : vector<16xf32>
      %mul3A_260 = arith.mulf %add3A_259, %gather3A_256 : vector<16xf32>
      %div3A = arith.constant 1.000000e+00 : f32
      %div3A_261 = vector.broadcast %div3A : f32 to vector<16xf32>
      %div3A_262 = arith.divf %div3A_261, %mul3A_260 : vector<16xf32>
      %get3A_263 = arith.index_cast %scan3A_243 : i32 to index
      %get3A_264 = arith.constant 0 : index
      %get3A_265 = tpu.vector_load %arg12[%get3A_263, %get3A_264] {strides = array<i32>} : memref<125x64xf32, #tpu.memory_space<vmem>>, vector<1x16xf32>,
      %get3A_266 = vector.shape_cast %get3A_265 : vector<1x16xf32> to vector<16xf32>
      %mul3A_267 = arith.mulf %get3A_266, %div3A_262 : vector<16xf32>
      %get3A_268 = arith.index_cast %scan3A_243 : i32 to index
      %get3A_269 = arith.constant 0 : index
      %get3A_270 = tpu.vector_load %arg14[%get3A_268, %get3A_269] {strides = array<i32>} : memref<125x64xf32, #tpu.memory_space<vmem>>, vector<1x16xf32>,
      %get3A_271 = vector.shape_cast %get3A_270 : vector<1x16xf32> to vector<16xf32>
      %add3A_272 = arith.addf %mul3A_267, %get3A_271 : vector<16xf32>
      %swap3A = arith.index_cast %scan3A_243 : i32 to index
      %swap3A_273 = arith.constant 0 : index
      %swap3A_274 = tpu.vector_load %arg14[%swap3A, %swap3A_273] {strides = array<i32>} : memref<125x64xf32, #tpu.memory_space<vmem>>, vector<1x16xf32>,
      %swap3A_275 = vector.shape_cast %swap3A_274 : vector<1x16xf32> to vector<16xf32>
      %swap3A_276 = vector.shape_cast %add3A_272 : vector<16xf32> to vector<1x16xf32>
      tpu.vector_store %arg14[%swap3A, %swap3A_273], %swap3A_276 {strides = array<i32>} : memref<125x64xf32, #tpu.memory_space<vmem>>, vector<1x16xf32>,
      %get3A_277 = arith.index_cast %scan3A_243 : i32 to index
      %get3A_278 = arith.constant 16 : index
      %get3A_279 = tpu.vector_load %arg12[%get3A_277, %get3A_278] {strides = array<i32>} : memref<125x64xf32, #tpu.memory_space<vmem>>, vector<1x16xf32>,
      %get3A_280 = vector.shape_cast %get3A_279 : vector<1x16xf32> to vector<16xf32>
      %mul3A_281 = arith.mulf %get3A_280, %div3A_262 : vector<16xf32>
      %get3A_282 = arith.index_cast %scan3A_243 : i32 to index
      %get3A_283 = arith.constant 16 : index
      %get3A_284 = tpu.vector_load %arg14[%get3A_282, %get3A_283] {strides = array<i32>} : memref<125x64xf32, #tpu.memory_space<vmem>>, vector<1x16xf32>,
      %get3A_285 = vector.shape_cast %get3A_284 : vector<1x16xf32> to vector<16xf32>
      %add3A_286 = arith.addf %mul3A_281, %get3A_285 : vector<16xf32>
      %swap3A_287 = arith.index_cast %scan3A_243 : i32 to index
      %swap3A_288 = arith.constant 16 : index
      %swap3A_289 = tpu.vector_load %arg14[%swap3A_287, %swap3A_288] {strides = array<i32>} : memref<125x64xf32, #tpu.memory_space<vmem>>, vector<1x16xf32>,
      %swap3A_290 = vector.shape_cast %swap3A_289 : vector<1x16xf32> to vector<16xf32>
      %swap3A_291 = vector.shape_cast %add3A_286 : vector<16xf32> to vector<1x16xf32>
      tpu.vector_store %arg14[%swap3A_287, %swap3A_288], %swap3A_291 {strides = array<i32>} : memref<125x64xf32, #tpu.memory_space<vmem>>, vector<1x16xf32>,
      %get3A_292 = arith.index_cast %scan3A_243 : i32 to index
      %get3A_293 = arith.constant 32 : index
      %get3A_294 = tpu.vector_load %arg12[%get3A_292, %get3A_293] {strides = array<i32>} : memref<125x64xf32, #tpu.memory_space<vmem>>, vector<1x16xf32>,
      %get3A_295 = vector.shape_cast %get3A_294 : vector<1x16xf32> to vector<16xf32>
      %mul3A_296 = arith.mulf %get3A_295, %div3A_262 : vector<16xf32>
      %get3A_297 = arith.index_cast %scan3A_243 : i32 to index
      %get3A_298 = arith.constant 32 : index
      %get3A_299 = tpu.vector_load %arg14[%get3A_297, %get3A_298] {strides = array<i32>} : memref<125x64xf32, #tpu.memory_space<vmem>>, vector<1x16xf32>,
      %get3A_300 = vector.shape_cast %get3A_299 : vector<1x16xf32> to vector<16xf32>
      %add3A_301 = arith.addf %mul3A_296, %get3A_300 : vector<16xf32>
      %swap3A_302 = arith.index_cast %scan3A_243 : i32 to index
      %swap3A_303 = arith.constant 32 : index
      %swap3A_304 = tpu.vector_load %arg14[%swap3A_302, %swap3A_303] {strides = array<i32>} : memref<125x64xf32, #tpu.memory_space<vmem>>, vector<1x16xf32>,
      %swap3A_305 = vector.shape_cast %swap3A_304 : vector<1x16xf32> to vector<16xf32>
      %swap3A_306 = vector.shape_cast %add3A_301 : vector<16xf32> to vector<1x16xf32>
      tpu.vector_store %arg14[%swap3A_302, %swap3A_303], %swap3A_306 {strides = array<i32>} : memref<125x64xf32, #tpu.memory_space<vmem>>, vector<1x16xf32>,
      %get3A_307 = arith.index_cast %scan3A_243 : i32 to index
      %get3A_308 = arith.constant 48 : index
      %get3A_309 = tpu.vector_load %arg12[%get3A_307, %get3A_308] {strides = array<i32>} : memref<125x64xf32, #tpu.memory_space<vmem>>, vector<1x16xf32>,
      %get3A_310 = vector.shape_cast %get3A_309 : vector<1x16xf32> to vector<16xf32>
      %mul3A_311 = arith.mulf %get3A_310, %div3A_262 : vector<16xf32>
      %get3A_312 = arith.index_cast %scan3A_243 : i32 to index
      %get3A_313 = arith.constant 48 : index
      %get3A_314 = tpu.vector_load %arg14[%get3A_312, %get3A_313] {strides = array<i32>} : memref<125x64xf32, #tpu.memory_space<vmem>>, vector<1x16xf32>,
      %get3A_315 = vector.shape_cast %get3A_314 : vector<1x16xf32> to vector<16xf32>
      %add3A_316 = arith.addf %mul3A_311, %get3A_315 : vector<16xf32>
      %swap3A_317 = arith.index_cast %scan3A_243 : i32 to index
      %swap3A_318 = arith.constant 48 : index
      %swap3A_319 = tpu.vector_load %arg14[%swap3A_317, %swap3A_318] {strides = array<i32>} : memref<125x64xf32, #tpu.memory_space<vmem>>, vector<1x16xf32>,
      %swap3A_320 = vector.shape_cast %swap3A_319 : vector<1x16xf32> to vector<16xf32>
      %swap3A_321 = vector.shape_cast %add3A_316 : vector<16xf32> to vector<1x16xf32>
      tpu.vector_store %arg14[%swap3A_317, %swap3A_318], %swap3A_321 {strides = array<i32>} : memref<125x64xf32, #tpu.memory_space<vmem>>, vector<1x16xf32>,
    }
    %scan3A_102 = arith.constant 125 : i32
    "tpu.region"() ({
      %run_scoped3A_243 = tpu.sem_alloc : memref<!tpu.dma_semaphore, #tpu.memory_space<semaphore_mem>>
      %dma_start3A_244 = arith.constant 0 : i32
      %dma_start3A_245 = tpu.memref_slice %arg7[%arg0, %add3A_96, %dma_start3A_244] : memref<2x10000x128xf32, #tpu.memory_space<hbm>> -> memref<1x125x64xf32, #tpu.memory_space<hbm>>
      %dma_start3A_246 = tpu.memref_squeeze %dma_start3A_245 : memref<1x125x64xf32, #tpu.memory_space<hbm>> -> memref<125x64xf32, #tpu.memory_space<hbm>>
      %dma_start3A_247 = arith.constant 0 : i32
      %dma_start3A_248 = tpu.memref_slice %arg7[%arg0, %add3A_96, %dma_start3A_247] : memref<2x10000x128xf32, #tpu.memory_space<hbm>> -> memref<1x125x64xf32, #tpu.memory_space<hbm>>
      %dma_start3A_249 = tpu.memref_squeeze %dma_start3A_248 : memref<1x125x64xf32, #tpu.memory_space<hbm>> -> memref<125x64xf32, #tpu.memory_space<hbm>>
      tpu.enqueue_dma source(%arg14 : memref<125x64xf32, #tpu.memory_space<vmem>>) target(%dma_start3A_249 : memref<125x64xf32, #tpu.memory_space<hbm>>) target_semaphore(%run_scoped3A_243 : memref<!tpu.dma_semaphore, #tpu.memory_space<semaphore_mem>>)
      %dma_wait3A_250 = arith.constant 0 : i32
      %dma_wait3A_251 = tpu.memref_slice %arg7[%arg0, %add3A_96, %dma_wait3A_250] : memref<2x10000x128xf32, #tpu.memory_space<hbm>> -> memref<1x125x64xf32, #tpu.memory_space<hbm>>
      %dma_wait3A_252 = tpu.memref_squeeze %dma_wait3A_251 : memref<1x125x64xf32, #tpu.memory_space<hbm>> -> memref<125x64xf32, #tpu.memory_space<hbm>>
      %dma_wait3A_253 = arith.constant 0 : i32
      %dma_wait3A_254 = tpu.memref_slice %arg7[%arg0, %add3A_96, %dma_wait3A_253] : memref<2x10000x128xf32, #tpu.memory_space<hbm>> -> memref<1x125x64xf32, #tpu.memory_space<hbm>>
      %dma_wait3A_255 = tpu.memref_squeeze %dma_wait3A_254 : memref<1x125x64xf32, #tpu.memory_space<hbm>> -> memref<125x64xf32, #tpu.memory_space<hbm>>
      tpu.wait_dma2 semaphore(%run_scoped3A_243 : memref<!tpu.dma_semaphore, #tpu.memory_space<semaphore_mem>>) src(%arg14 : memref<125x64xf32, #tpu.memory_space<vmem>>) dst(%dma_wait3A_255 : memref<125x64xf32, #tpu.memory_space<hbm>>)
      tpu.yield
    }) : () -> ()
    %add3A_103 = arith.constant 250 : i32
    %add3A_104 = arith.addi %mul3A_2, %add3A_103 : i32
    "tpu.region"() ({
      %run_scoped3A_243 = tpu.sem_alloc : memref<!tpu.dma_semaphore, #tpu.memory_space<semaphore_mem>>
      %dma_start3A_244 = arith.constant 0 : i32
      %dma_start3A_245 = tpu.memref_slice %arg17[%add3A_104, %dma_start3A_244] : memref<10000x64xf32, #tpu.memory_space<vmem_shared>> -> memref<125x64xf32, #tpu.memory_space<vmem_shared>>
      %dma_start3A_246 = arith.constant 0 : i32
      %dma_start3A_247 = tpu.memref_slice %arg17[%add3A_104, %dma_start3A_246] : memref<10000x64xf32, #tpu.memory_space<vmem_shared>> -> memref<125x64xf32, #tpu.memory_space<vmem_shared>>
      tpu.enqueue_dma source(%dma_start3A_247 : memref<125x64xf32, #tpu.memory_space<vmem_shared>>) target(%arg12 : memref<125x64xf32, #tpu.memory_space<vmem>>) target_semaphore(%run_scoped3A_243 : memref<!tpu.dma_semaphore, #tpu.memory_space<semaphore_mem>>)
      %dma_wait3A_248 = arith.constant 0 : i32
      %dma_wait3A_249 = tpu.memref_slice %arg17[%add3A_104, %dma_wait3A_248] : memref<10000x64xf32, #tpu.memory_space<vmem_shared>> -> memref<125x64xf32, #tpu.memory_space<vmem_shared>>
      %dma_wait3A_250 = arith.constant 0 : i32
      %dma_wait3A_251 = tpu.memref_slice %arg17[%add3A_104, %dma_wait3A_250] : memref<10000x64xf32, #tpu.memory_space<vmem_shared>> -> memref<125x64xf32, #tpu.memory_space<vmem_shared>>
      tpu.wait_dma2 semaphore(%run_scoped3A_243 : memref<!tpu.dma_semaphore, #tpu.memory_space<semaphore_mem>>) src(%dma_wait3A_251 : memref<125x64xf32, #tpu.memory_space<vmem_shared>>) dst(%arg12 : memref<125x64xf32, #tpu.memory_space<vmem>>)
      tpu.yield
    }) : () -> ()
    "tpu.region"() ({
      %run_scoped3A_243 = tpu.sem_alloc : memref<!tpu.dma_semaphore, #tpu.memory_space<semaphore_mem>>
      %dma_start3A_244 = arith.constant 0 : i32
      %dma_start3A_245 = tpu.memref_slice %arg18[%add3A_104, %dma_start3A_244] : memref<10000x16xf32, #tpu.memory_space<vmem_shared>> -> memref<125x16xf32, #tpu.memory_space<vmem_shared>>
      %dma_start3A_246 = arith.constant 0 : i32
      %dma_start3A_247 = tpu.memref_slice %arg18[%add3A_104, %dma_start3A_246] : memref<10000x16xf32, #tpu.memory_space<vmem_shared>> -> memref<125x16xf32, #tpu.memory_space<vmem_shared>>
      tpu.enqueue_dma source(%dma_start3A_247 : memref<125x16xf32, #tpu.memory_space<vmem_shared>>) target(%arg13 : memref<125x16xf32, #tpu.memory_space<vmem>>) target_semaphore(%run_scoped3A_243 : memref<!tpu.dma_semaphore, #tpu.memory_space<semaphore_mem>>)
      %dma_wait3A_248 = arith.constant 0 : i32
      %dma_wait3A_249 = tpu.memref_slice %arg18[%add3A_104, %dma_wait3A_248] : memref<10000x16xf32, #tpu.memory_space<vmem_shared>> -> memref<125x16xf32, #tpu.memory_space<vmem_shared>>
      %dma_wait3A_250 = arith.constant 0 : i32
      %dma_wait3A_251 = tpu.memref_slice %arg18[%add3A_104, %dma_wait3A_250] : memref<10000x16xf32, #tpu.memory_space<vmem_shared>> -> memref<125x16xf32, #tpu.memory_space<vmem_shared>>
      tpu.wait_dma2 semaphore(%run_scoped3A_243 : memref<!tpu.dma_semaphore, #tpu.memory_space<semaphore_mem>>) src(%dma_wait3A_251 : memref<125x16xf32, #tpu.memory_space<vmem_shared>>) dst(%arg13 : memref<125x16xf32, #tpu.memory_space<vmem>>)
      tpu.yield
    }) : () -> ()
    "tpu.region"() ({
      %run_scoped3A_243 = tpu.sem_alloc : memref<!tpu.dma_semaphore, #tpu.memory_space<semaphore_mem>>
      %dma_start3A_244 = arith.constant 0 : i32
      %dma_start3A_245 = tpu.memref_slice %arg4[%arg0, %add3A_104, %dma_start3A_244] : memref<2x10000x128xf32, #tpu.memory_space<hbm>> -> memref<1x125x64xf32, #tpu.memory_space<hbm>>
      %dma_start3A_246 = tpu.memref_squeeze %dma_start3A_245 : memref<1x125x64xf32, #tpu.memory_space<hbm>> -> memref<125x64xf32, #tpu.memory_space<hbm>>
      %dma_start3A_247 = arith.constant 0 : i32
      %dma_start3A_248 = tpu.memref_slice %arg4[%arg0, %add3A_104, %dma_start3A_247] : memref<2x10000x128xf32, #tpu.memory_space<hbm>> -> memref<1x125x64xf32, #tpu.memory_space<hbm>>
      %dma_start3A_249 = tpu.memref_squeeze %dma_start3A_248 : memref<1x125x64xf32, #tpu.memory_space<hbm>> -> memref<125x64xf32, #tpu.memory_space<hbm>>
      tpu.enqueue_dma source(%dma_start3A_249 : memref<125x64xf32, #tpu.memory_space<hbm>>) target(%arg14 : memref<125x64xf32, #tpu.memory_space<vmem>>) target_semaphore(%run_scoped3A_243 : memref<!tpu.dma_semaphore, #tpu.memory_space<semaphore_mem>>)
      %dma_wait3A_250 = arith.constant 0 : i32
      %dma_wait3A_251 = tpu.memref_slice %arg4[%arg0, %add3A_104, %dma_wait3A_250] : memref<2x10000x128xf32, #tpu.memory_space<hbm>> -> memref<1x125x64xf32, #tpu.memory_space<hbm>>
      %dma_wait3A_252 = tpu.memref_squeeze %dma_wait3A_251 : memref<1x125x64xf32, #tpu.memory_space<hbm>> -> memref<125x64xf32, #tpu.memory_space<hbm>>
      %dma_wait3A_253 = arith.constant 0 : i32
      %dma_wait3A_254 = tpu.memref_slice %arg4[%arg0, %add3A_104, %dma_wait3A_253] : memref<2x10000x128xf32, #tpu.memory_space<hbm>> -> memref<1x125x64xf32, #tpu.memory_space<hbm>>
      %dma_wait3A_255 = tpu.memref_squeeze %dma_wait3A_254 : memref<1x125x64xf32, #tpu.memory_space<hbm>> -> memref<125x64xf32, #tpu.memory_space<hbm>>
      tpu.wait_dma2 semaphore(%run_scoped3A_243 : memref<!tpu.dma_semaphore, #tpu.memory_space<semaphore_mem>>) src(%dma_wait3A_255 : memref<125x64xf32, #tpu.memory_space<hbm>>) dst(%arg14 : memref<125x64xf32, #tpu.memory_space<vmem>>)
      tpu.yield
    }) : () -> ()
    %scan3A_105 = arith.constant 0 : i32
    %scan3A_106 = arith.constant 0 : i32
    %scan3A_107 = arith.constant 125 : i32
    %scan3A_108 = arith.addi %scan3A_106, %scan3A_107 : i32
    %scan3A_109 = arith.constant 1 : i32
    scf.for %scan3A_243 = %scan3A_106 to %scan3A_108 step %scan3A_109  : i32 {
      %get3A = arith.index_cast %scan3A_243 : i32 to index
      %get3A_244 = arith.constant 0 : index
      %get3A_245 = tpu.vector_load %arg13[%get3A, %get3A_244] {strides = array<i32>} : memref<125x16xf32, #tpu.memory_space<vmem>>, vector<1x16xf32>,
      %get3A_246 = vector.shape_cast %get3A_245 : vector<1x16xf32> to vector<16xf32>
      %broadcast_in_dim3A_247 = arith.constant 0 : i32
      %broadcast_in_dim3A_248 = vector.broadcast %broadcast_in_dim3A_247 : i32 to vector<16xi32>
      %lt3A = arith.constant 0 : i32
      %lt3A_249 = vector.broadcast %lt3A : i32 to vector<16xi32>
      %lt3A_250 = arith.cmpi slt, %broadcast_in_dim3A_248, %lt3A_249 : vector<16xi32>
      %add3A_251 = arith.constant 16 : i32
      %add3A_252 = vector.broadcast %add3A_251 : i32 to vector<16xi32>
      %add3A_253 = arith.addi %broadcast_in_dim3A_248, %add3A_252 : vector<16xi32>
      %select_n3A_254 = arith.select %lt3A_250, %add3A_253, %broadcast_in_dim3A_248 : vector<16xi1>, vector<16xi32>
      %broadcast_in_dim3A_255 = vector.shape_cast %select_n3A_254 : vector<16xi32> to vector<16x1xi32>
      %gather3A = vector.shape_cast %broadcast_in_dim3A_255 : vector<16x1xi32> to vector<16xi32>
      %gather3A_256 = tpu.dynamic_gather %get3A_246[%gather3A] in [0] : vector<16xf32>, vector<16xi32> -> vector<16xf32>
      %add3A_257 = arith.constant 1.000000e+00 : f32
      %add3A_258 = vector.broadcast %add3A_257 : f32 to vector<16xf32>
      %add3A_259 = arith.addf %add3A_258, %gather3A_256 : vector<16xf32>
      %mul3A_260 = arith.mulf %add3A_259, %gather3A_256 : vector<16xf32>
      %div3A = arith.constant 1.000000e+00 : f32
      %div3A_261 = vector.broadcast %div3A : f32 to vector<16xf32>
      %div3A_262 = arith.divf %div3A_261, %mul3A_260 : vector<16xf32>
      %get3A_263 = arith.index_cast %scan3A_243 : i32 to index
      %get3A_264 = arith.constant 0 : index
      %get3A_265 = tpu.vector_load %arg12[%get3A_263, %get3A_264] {strides = array<i32>} : memref<125x64xf32, #tpu.memory_space<vmem>>, vector<1x16xf32>,
      %get3A_266 = vector.shape_cast %get3A_265 : vector<1x16xf32> to vector<16xf32>
      %mul3A_267 = arith.mulf %get3A_266, %div3A_262 : vector<16xf32>
      %get3A_268 = arith.index_cast %scan3A_243 : i32 to index
      %get3A_269 = arith.constant 0 : index
      %get3A_270 = tpu.vector_load %arg14[%get3A_268, %get3A_269] {strides = array<i32>} : memref<125x64xf32, #tpu.memory_space<vmem>>, vector<1x16xf32>,
      %get3A_271 = vector.shape_cast %get3A_270 : vector<1x16xf32> to vector<16xf32>
      %add3A_272 = arith.addf %mul3A_267, %get3A_271 : vector<16xf32>
      %swap3A = arith.index_cast %scan3A_243 : i32 to index
      %swap3A_273 = arith.constant 0 : index
      %swap3A_274 = tpu.vector_load %arg14[%swap3A, %swap3A_273] {strides = array<i32>} : memref<125x64xf32, #tpu.memory_space<vmem>>, vector<1x16xf32>,
      %swap3A_275 = vector.shape_cast %swap3A_274 : vector<1x16xf32> to vector<16xf32>
      %swap3A_276 = vector.shape_cast %add3A_272 : vector<16xf32> to vector<1x16xf32>
      tpu.vector_store %arg14[%swap3A, %swap3A_273], %swap3A_276 {strides = array<i32>} : memref<125x64xf32, #tpu.memory_space<vmem>>, vector<1x16xf32>,
      %get3A_277 = arith.index_cast %scan3A_243 : i32 to index
      %get3A_278 = arith.constant 16 : index
      %get3A_279 = tpu.vector_load %arg12[%get3A_277, %get3A_278] {strides = array<i32>} : memref<125x64xf32, #tpu.memory_space<vmem>>, vector<1x16xf32>,
      %get3A_280 = vector.shape_cast %get3A_279 : vector<1x16xf32> to vector<16xf32>
      %mul3A_281 = arith.mulf %get3A_280, %div3A_262 : vector<16xf32>
      %get3A_282 = arith.index_cast %scan3A_243 : i32 to index
      %get3A_283 = arith.constant 16 : index
      %get3A_284 = tpu.vector_load %arg14[%get3A_282, %get3A_283] {strides = array<i32>} : memref<125x64xf32, #tpu.memory_space<vmem>>, vector<1x16xf32>,
      %get3A_285 = vector.shape_cast %get3A_284 : vector<1x16xf32> to vector<16xf32>
      %add3A_286 = arith.addf %mul3A_281, %get3A_285 : vector<16xf32>
      %swap3A_287 = arith.index_cast %scan3A_243 : i32 to index
      %swap3A_288 = arith.constant 16 : index
      %swap3A_289 = tpu.vector_load %arg14[%swap3A_287, %swap3A_288] {strides = array<i32>} : memref<125x64xf32, #tpu.memory_space<vmem>>, vector<1x16xf32>,
      %swap3A_290 = vector.shape_cast %swap3A_289 : vector<1x16xf32> to vector<16xf32>
      %swap3A_291 = vector.shape_cast %add3A_286 : vector<16xf32> to vector<1x16xf32>
      tpu.vector_store %arg14[%swap3A_287, %swap3A_288], %swap3A_291 {strides = array<i32>} : memref<125x64xf32, #tpu.memory_space<vmem>>, vector<1x16xf32>,
      %get3A_292 = arith.index_cast %scan3A_243 : i32 to index
      %get3A_293 = arith.constant 32 : index
      %get3A_294 = tpu.vector_load %arg12[%get3A_292, %get3A_293] {strides = array<i32>} : memref<125x64xf32, #tpu.memory_space<vmem>>, vector<1x16xf32>,
      %get3A_295 = vector.shape_cast %get3A_294 : vector<1x16xf32> to vector<16xf32>
      %mul3A_296 = arith.mulf %get3A_295, %div3A_262 : vector<16xf32>
      %get3A_297 = arith.index_cast %scan3A_243 : i32 to index
      %get3A_298 = arith.constant 32 : index
      %get3A_299 = tpu.vector_load %arg14[%get3A_297, %get3A_298] {strides = array<i32>} : memref<125x64xf32, #tpu.memory_space<vmem>>, vector<1x16xf32>,
      %get3A_300 = vector.shape_cast %get3A_299 : vector<1x16xf32> to vector<16xf32>
      %add3A_301 = arith.addf %mul3A_296, %get3A_300 : vector<16xf32>
      %swap3A_302 = arith.index_cast %scan3A_243 : i32 to index
      %swap3A_303 = arith.constant 32 : index
      %swap3A_304 = tpu.vector_load %arg14[%swap3A_302, %swap3A_303] {strides = array<i32>} : memref<125x64xf32, #tpu.memory_space<vmem>>, vector<1x16xf32>,
      %swap3A_305 = vector.shape_cast %swap3A_304 : vector<1x16xf32> to vector<16xf32>
      %swap3A_306 = vector.shape_cast %add3A_301 : vector<16xf32> to vector<1x16xf32>
      tpu.vector_store %arg14[%swap3A_302, %swap3A_303], %swap3A_306 {strides = array<i32>} : memref<125x64xf32, #tpu.memory_space<vmem>>, vector<1x16xf32>,
      %get3A_307 = arith.index_cast %scan3A_243 : i32 to index
      %get3A_308 = arith.constant 48 : index
      %get3A_309 = tpu.vector_load %arg12[%get3A_307, %get3A_308] {strides = array<i32>} : memref<125x64xf32, #tpu.memory_space<vmem>>, vector<1x16xf32>,
      %get3A_310 = vector.shape_cast %get3A_309 : vector<1x16xf32> to vector<16xf32>
      %mul3A_311 = arith.mulf %get3A_310, %div3A_262 : vector<16xf32>
      %get3A_312 = arith.index_cast %scan3A_243 : i32 to index
      %get3A_313 = arith.constant 48 : index
      %get3A_314 = tpu.vector_load %arg14[%get3A_312, %get3A_313] {strides = array<i32>} : memref<125x64xf32, #tpu.memory_space<vmem>>, vector<1x16xf32>,
      %get3A_315 = vector.shape_cast %get3A_314 : vector<1x16xf32> to vector<16xf32>
      %add3A_316 = arith.addf %mul3A_311, %get3A_315 : vector<16xf32>
      %swap3A_317 = arith.index_cast %scan3A_243 : i32 to index
      %swap3A_318 = arith.constant 48 : index
      %swap3A_319 = tpu.vector_load %arg14[%swap3A_317, %swap3A_318] {strides = array<i32>} : memref<125x64xf32, #tpu.memory_space<vmem>>, vector<1x16xf32>,
      %swap3A_320 = vector.shape_cast %swap3A_319 : vector<1x16xf32> to vector<16xf32>
      %swap3A_321 = vector.shape_cast %add3A_316 : vector<16xf32> to vector<1x16xf32>
      tpu.vector_store %arg14[%swap3A_317, %swap3A_318], %swap3A_321 {strides = array<i32>} : memref<125x64xf32, #tpu.memory_space<vmem>>, vector<1x16xf32>,
    }
    %scan3A_110 = arith.constant 125 : i32
    "tpu.region"() ({
      %run_scoped3A_243 = tpu.sem_alloc : memref<!tpu.dma_semaphore, #tpu.memory_space<semaphore_mem>>
      %dma_start3A_244 = arith.constant 0 : i32
      %dma_start3A_245 = tpu.memref_slice %arg7[%arg0, %add3A_104, %dma_start3A_244] : memref<2x10000x128xf32, #tpu.memory_space<hbm>> -> memref<1x125x64xf32, #tpu.memory_space<hbm>>
      %dma_start3A_246 = tpu.memref_squeeze %dma_start3A_245 : memref<1x125x64xf32, #tpu.memory_space<hbm>> -> memref<125x64xf32, #tpu.memory_space<hbm>>
      %dma_start3A_247 = arith.constant 0 : i32
      %dma_start3A_248 = tpu.memref_slice %arg7[%arg0, %add3A_104, %dma_start3A_247] : memref<2x10000x128xf32, #tpu.memory_space<hbm>> -> memref<1x125x64xf32, #tpu.memory_space<hbm>>
      %dma_start3A_249 = tpu.memref_squeeze %dma_start3A_248 : memref<1x125x64xf32, #tpu.memory_space<hbm>> -> memref<125x64xf32, #tpu.memory_space<hbm>>
      tpu.enqueue_dma source(%arg14 : memref<125x64xf32, #tpu.memory_space<vmem>>) target(%dma_start3A_249 : memref<125x64xf32, #tpu.memory_space<hbm>>) target_semaphore(%run_scoped3A_243 : memref<!tpu.dma_semaphore, #tpu.memory_space<semaphore_mem>>)
      %dma_wait3A_250 = arith.constant 0 : i32
      %dma_wait3A_251 = tpu.memref_slice %arg7[%arg0, %add3A_104, %dma_wait3A_250] : memref<2x10000x128xf32, #tpu.memory_space<hbm>> -> memref<1x125x64xf32, #tpu.memory_space<hbm>>
      %dma_wait3A_252 = tpu.memref_squeeze %dma_wait3A_251 : memref<1x125x64xf32, #tpu.memory_space<hbm>> -> memref<125x64xf32, #tpu.memory_space<hbm>>
      %dma_wait3A_253 = arith.constant 0 : i32
      %dma_wait3A_254 = tpu.memref_slice %arg7[%arg0, %add3A_104, %dma_wait3A_253] : memref<2x10000x128xf32, #tpu.memory_space<hbm>> -> memref<1x125x64xf32, #tpu.memory_space<hbm>>
      %dma_wait3A_255 = tpu.memref_squeeze %dma_wait3A_254 : memref<1x125x64xf32, #tpu.memory_space<hbm>> -> memref<125x64xf32, #tpu.memory_space<hbm>>
      tpu.wait_dma2 semaphore(%run_scoped3A_243 : memref<!tpu.dma_semaphore, #tpu.memory_space<semaphore_mem>>) src(%arg14 : memref<125x64xf32, #tpu.memory_space<vmem>>) dst(%dma_wait3A_255 : memref<125x64xf32, #tpu.memory_space<hbm>>)
      tpu.yield
    }) : () -> ()
    %add3A_111 = arith.constant 375 : i32
    %add3A_112 = arith.addi %mul3A_2, %add3A_111 : i32
    "tpu.region"() ({
      %run_scoped3A_243 = tpu.sem_alloc : memref<!tpu.dma_semaphore, #tpu.memory_space<semaphore_mem>>
      %dma_start3A_244 = arith.constant 0 : i32
      %dma_start3A_245 = tpu.memref_slice %arg17[%add3A_112, %dma_start3A_244] : memref<10000x64xf32, #tpu.memory_space<vmem_shared>> -> memref<125x64xf32, #tpu.memory_space<vmem_shared>>
      %dma_start3A_246 = arith.constant 0 : i32
      %dma_start3A_247 = tpu.memref_slice %arg17[%add3A_112, %dma_start3A_246] : memref<10000x64xf32, #tpu.memory_space<vmem_shared>> -> memref<125x64xf32, #tpu.memory_space<vmem_shared>>
      tpu.enqueue_dma source(%dma_start3A_247 : memref<125x64xf32, #tpu.memory_space<vmem_shared>>) target(%arg12 : memref<125x64xf32, #tpu.memory_space<vmem>>) target_semaphore(%run_scoped3A_243 : memref<!tpu.dma_semaphore, #tpu.memory_space<semaphore_mem>>)
      %dma_wait3A_248 = arith.constant 0 : i32
      %dma_wait3A_249 = tpu.memref_slice %arg17[%add3A_112, %dma_wait3A_248] : memref<10000x64xf32, #tpu.memory_space<vmem_shared>> -> memref<125x64xf32, #tpu.memory_space<vmem_shared>>
      %dma_wait3A_250 = arith.constant 0 : i32
      %dma_wait3A_251 = tpu.memref_slice %arg17[%add3A_112, %dma_wait3A_250] : memref<10000x64xf32, #tpu.memory_space<vmem_shared>> -> memref<125x64xf32, #tpu.memory_space<vmem_shared>>
      tpu.wait_dma2 semaphore(%run_scoped3A_243 : memref<!tpu.dma_semaphore, #tpu.memory_space<semaphore_mem>>) src(%dma_wait3A_251 : memref<125x64xf32, #tpu.memory_space<vmem_shared>>) dst(%arg12 : memref<125x64xf32, #tpu.memory_space<vmem>>)
      tpu.yield
    }) : () -> ()
    "tpu.region"() ({
      %run_scoped3A_243 = tpu.sem_alloc : memref<!tpu.dma_semaphore, #tpu.memory_space<semaphore_mem>>
      %dma_start3A_244 = arith.constant 0 : i32
      %dma_start3A_245 = tpu.memref_slice %arg18[%add3A_112, %dma_start3A_244] : memref<10000x16xf32, #tpu.memory_space<vmem_shared>> -> memref<125x16xf32, #tpu.memory_space<vmem_shared>>
      %dma_start3A_246 = arith.constant 0 : i32
      %dma_start3A_247 = tpu.memref_slice %arg18[%add3A_112, %dma_start3A_246] : memref<10000x16xf32, #tpu.memory_space<vmem_shared>> -> memref<125x16xf32, #tpu.memory_space<vmem_shared>>
      tpu.enqueue_dma source(%dma_start3A_247 : memref<125x16xf32, #tpu.memory_space<vmem_shared>>) target(%arg13 : memref<125x16xf32, #tpu.memory_space<vmem>>) target_semaphore(%run_scoped3A_243 : memref<!tpu.dma_semaphore, #tpu.memory_space<semaphore_mem>>)
      %dma_wait3A_248 = arith.constant 0 : i32
      %dma_wait3A_249 = tpu.memref_slice %arg18[%add3A_112, %dma_wait3A_248] : memref<10000x16xf32, #tpu.memory_space<vmem_shared>> -> memref<125x16xf32, #tpu.memory_space<vmem_shared>>
      %dma_wait3A_250 = arith.constant 0 : i32
      %dma_wait3A_251 = tpu.memref_slice %arg18[%add3A_112, %dma_wait3A_250] : memref<10000x16xf32, #tpu.memory_space<vmem_shared>> -> memref<125x16xf32, #tpu.memory_space<vmem_shared>>
      tpu.wait_dma2 semaphore(%run_scoped3A_243 : memref<!tpu.dma_semaphore, #tpu.memory_space<semaphore_mem>>) src(%dma_wait3A_251 : memref<125x16xf32, #tpu.memory_space<vmem_shared>>) dst(%arg13 : memref<125x16xf32, #tpu.memory_space<vmem>>)
      tpu.yield
    }) : () -> ()
    "tpu.region"() ({
      %run_scoped3A_243 = tpu.sem_alloc : memref<!tpu.dma_semaphore, #tpu.memory_space<semaphore_mem>>
      %dma_start3A_244 = arith.constant 0 : i32
      %dma_start3A_245 = tpu.memref_slice %arg4[%arg0, %add3A_112, %dma_start3A_244] : memref<2x10000x128xf32, #tpu.memory_space<hbm>> -> memref<1x125x64xf32, #tpu.memory_space<hbm>>
      %dma_start3A_246 = tpu.memref_squeeze %dma_start3A_245 : memref<1x125x64xf32, #tpu.memory_space<hbm>> -> memref<125x64xf32, #tpu.memory_space<hbm>>
      %dma_start3A_247 = arith.constant 0 : i32
      %dma_start3A_248 = tpu.memref_slice %arg4[%arg0, %add3A_112, %dma_start3A_247] : memref<2x10000x128xf32, #tpu.memory_space<hbm>> -> memref<1x125x64xf32, #tpu.memory_space<hbm>>
      %dma_start3A_249 = tpu.memref_squeeze %dma_start3A_248 : memref<1x125x64xf32, #tpu.memory_space<hbm>> -> memref<125x64xf32, #tpu.memory_space<hbm>>
      tpu.enqueue_dma source(%dma_start3A_249 : memref<125x64xf32, #tpu.memory_space<hbm>>) target(%arg14 : memref<125x64xf32, #tpu.memory_space<vmem>>) target_semaphore(%run_scoped3A_243 : memref<!tpu.dma_semaphore, #tpu.memory_space<semaphore_mem>>)
      %dma_wait3A_250 = arith.constant 0 : i32
      %dma_wait3A_251 = tpu.memref_slice %arg4[%arg0, %add3A_112, %dma_wait3A_250] : memref<2x10000x128xf32, #tpu.memory_space<hbm>> -> memref<1x125x64xf32, #tpu.memory_space<hbm>>
      %dma_wait3A_252 = tpu.memref_squeeze %dma_wait3A_251 : memref<1x125x64xf32, #tpu.memory_space<hbm>> -> memref<125x64xf32, #tpu.memory_space<hbm>>
      %dma_wait3A_253 = arith.constant 0 : i32
      %dma_wait3A_254 = tpu.memref_slice %arg4[%arg0, %add3A_112, %dma_wait3A_253] : memref<2x10000x128xf32, #tpu.memory_space<hbm>> -> memref<1x125x64xf32, #tpu.memory_space<hbm>>
      %dma_wait3A_255 = tpu.memref_squeeze %dma_wait3A_254 : memref<1x125x64xf32, #tpu.memory_space<hbm>> -> memref<125x64xf32, #tpu.memory_space<hbm>>
      tpu.wait_dma2 semaphore(%run_scoped3A_243 : memref<!tpu.dma_semaphore, #tpu.memory_space<semaphore_mem>>) src(%dma_wait3A_255 : memref<125x64xf32, #tpu.memory_space<hbm>>) dst(%arg14 : memref<125x64xf32, #tpu.memory_space<vmem>>)
      tpu.yield
    }) : () -> ()
    %scan3A_113 = arith.constant 0 : i32
    %scan3A_114 = arith.constant 0 : i32
    %scan3A_115 = arith.constant 125 : i32
    %scan3A_116 = arith.addi %scan3A_114, %scan3A_115 : i32
    %scan3A_117 = arith.constant 1 : i32
    scf.for %scan3A_243 = %scan3A_114 to %scan3A_116 step %scan3A_117  : i32 {
      %get3A = arith.index_cast %scan3A_243 : i32 to index
      %get3A_244 = arith.constant 0 : index
      %get3A_245 = tpu.vector_load %arg13[%get3A, %get3A_244] {strides = array<i32>} : memref<125x16xf32, #tpu.memory_space<vmem>>, vector<1x16xf32>,
      %get3A_246 = vector.shape_cast %get3A_245 : vector<1x16xf32> to vector<16xf32>
      %broadcast_in_dim3A_247 = arith.constant 0 : i32
      %broadcast_in_dim3A_248 = vector.broadcast %broadcast_in_dim3A_247 : i32 to vector<16xi32>
      %lt3A = arith.constant 0 : i32
      %lt3A_249 = vector.broadcast %lt3A : i32 to vector<16xi32>
      %lt3A_250 = arith.cmpi slt, %broadcast_in_dim3A_248, %lt3A_249 : vector<16xi32>
      %add3A_251 = arith.constant 16 : i32
      %add3A_252 = vector.broadcast %add3A_251 : i32 to vector<16xi32>
      %add3A_253 = arith.addi %broadcast_in_dim3A_248, %add3A_252 : vector<16xi32>
      %select_n3A_254 = arith.select %lt3A_250, %add3A_253, %broadcast_in_dim3A_248 : vector<16xi1>, vector<16xi32>
      %broadcast_in_dim3A_255 = vector.shape_cast %select_n3A_254 : vector<16xi32> to vector<16x1xi32>
      %gather3A = vector.shape_cast %broadcast_in_dim3A_255 : vector<16x1xi32> to vector<16xi32>
      %gather3A_256 = tpu.dynamic_gather %get3A_246[%gather3A] in [0] : vector<16xf32>, vector<16xi32> -> vector<16xf32>
      %add3A_257 = arith.constant 1.000000e+00 : f32
      %add3A_258 = vector.broadcast %add3A_257 : f32 to vector<16xf32>
      %add3A_259 = arith.addf %add3A_258, %gather3A_256 : vector<16xf32>
      %mul3A_260 = arith.mulf %add3A_259, %gather3A_256 : vector<16xf32>
      %div3A = arith.constant 1.000000e+00 : f32
      %div3A_261 = vector.broadcast %div3A : f32 to vector<16xf32>
      %div3A_262 = arith.divf %div3A_261, %mul3A_260 : vector<16xf32>
      %get3A_263 = arith.index_cast %scan3A_243 : i32 to index
      %get3A_264 = arith.constant 0 : index
      %get3A_265 = tpu.vector_load %arg12[%get3A_263, %get3A_264] {strides = array<i32>} : memref<125x64xf32, #tpu.memory_space<vmem>>, vector<1x16xf32>,
      %get3A_266 = vector.shape_cast %get3A_265 : vector<1x16xf32> to vector<16xf32>
      %mul3A_267 = arith.mulf %get3A_266, %div3A_262 : vector<16xf32>
      %get3A_268 = arith.index_cast %scan3A_243 : i32 to index
      %get3A_269 = arith.constant 0 : index
      %get3A_270 = tpu.vector_load %arg14[%get3A_268, %get3A_269] {strides = array<i32>} : memref<125x64xf32, #tpu.memory_space<vmem>>, vector<1x16xf32>,
      %get3A_271 = vector.shape_cast %get3A_270 : vector<1x16xf32> to vector<16xf32>
      %add3A_272 = arith.addf %mul3A_267, %get3A_271 : vector<16xf32>
      %swap3A = arith.index_cast %scan3A_243 : i32 to index
      %swap3A_273 = arith.constant 0 : index
      %swap3A_274 = tpu.vector_load %arg14[%swap3A, %swap3A_273] {strides = array<i32>} : memref<125x64xf32, #tpu.memory_space<vmem>>, vector<1x16xf32>,
      %swap3A_275 = vector.shape_cast %swap3A_274 : vector<1x16xf32> to vector<16xf32>
      %swap3A_276 = vector.shape_cast %add3A_272 : vector<16xf32> to vector<1x16xf32>
      tpu.vector_store %arg14[%swap3A, %swap3A_273], %swap3A_276 {strides = array<i32>} : memref<125x64xf32, #tpu.memory_space<vmem>>, vector<1x16xf32>,
      %get3A_277 = arith.index_cast %scan3A_243 : i32 to index
      %get3A_278 = arith.constant 16 : index
      %get3A_279 = tpu.vector_load %arg12[%get3A_277, %get3A_278] {strides = array<i32>} : memref<125x64xf32, #tpu.memory_space<vmem>>, vector<1x16xf32>,
      %get3A_280 = vector.shape_cast %get3A_279 : vector<1x16xf32> to vector<16xf32>
      %mul3A_281 = arith.mulf %get3A_280, %div3A_262 : vector<16xf32>
      %get3A_282 = arith.index_cast %scan3A_243 : i32 to index
      %get3A_283 = arith.constant 16 : index
      %get3A_284 = tpu.vector_load %arg14[%get3A_282, %get3A_283] {strides = array<i32>} : memref<125x64xf32, #tpu.memory_space<vmem>>, vector<1x16xf32>,
      %get3A_285 = vector.shape_cast %get3A_284 : vector<1x16xf32> to vector<16xf32>
      %add3A_286 = arith.addf %mul3A_281, %get3A_285 : vector<16xf32>
      %swap3A_287 = arith.index_cast %scan3A_243 : i32 to index
      %swap3A_288 = arith.constant 16 : index
      %swap3A_289 = tpu.vector_load %arg14[%swap3A_287, %swap3A_288] {strides = array<i32>} : memref<125x64xf32, #tpu.memory_space<vmem>>, vector<1x16xf32>,
      %swap3A_290 = vector.shape_cast %swap3A_289 : vector<1x16xf32> to vector<16xf32>
      %swap3A_291 = vector.shape_cast %add3A_286 : vector<16xf32> to vector<1x16xf32>
      tpu.vector_store %arg14[%swap3A_287, %swap3A_288], %swap3A_291 {strides = array<i32>} : memref<125x64xf32, #tpu.memory_space<vmem>>, vector<1x16xf32>,
      %get3A_292 = arith.index_cast %scan3A_243 : i32 to index
      %get3A_293 = arith.constant 32 : index
      %get3A_294 = tpu.vector_load %arg12[%get3A_292, %get3A_293] {strides = array<i32>} : memref<125x64xf32, #tpu.memory_space<vmem>>, vector<1x16xf32>,
      %get3A_295 = vector.shape_cast %get3A_294 : vector<1x16xf32> to vector<16xf32>
      %mul3A_296 = arith.mulf %get3A_295, %div3A_262 : vector<16xf32>
      %get3A_297 = arith.index_cast %scan3A_243 : i32 to index
      %get3A_298 = arith.constant 32 : index
      %get3A_299 = tpu.vector_load %arg14[%get3A_297, %get3A_298] {strides = array<i32>} : memref<125x64xf32, #tpu.memory_space<vmem>>, vector<1x16xf32>,
      %get3A_300 = vector.shape_cast %get3A_299 : vector<1x16xf32> to vector<16xf32>
      %add3A_301 = arith.addf %mul3A_296, %get3A_300 : vector<16xf32>
      %swap3A_302 = arith.index_cast %scan3A_243 : i32 to index
      %swap3A_303 = arith.constant 32 : index
      %swap3A_304 = tpu.vector_load %arg14[%swap3A_302, %swap3A_303] {strides = array<i32>} : memref<125x64xf32, #tpu.memory_space<vmem>>, vector<1x16xf32>,
      %swap3A_305 = vector.shape_cast %swap3A_304 : vector<1x16xf32> to vector<16xf32>
      %swap3A_306 = vector.shape_cast %add3A_301 : vector<16xf32> to vector<1x16xf32>
      tpu.vector_store %arg14[%swap3A_302, %swap3A_303], %swap3A_306 {strides = array<i32>} : memref<125x64xf32, #tpu.memory_space<vmem>>, vector<1x16xf32>,
      %get3A_307 = arith.index_cast %scan3A_243 : i32 to index
      %get3A_308 = arith.constant 48 : index
      %get3A_309 = tpu.vector_load %arg12[%get3A_307, %get3A_308] {strides = array<i32>} : memref<125x64xf32, #tpu.memory_space<vmem>>, vector<1x16xf32>,
      %get3A_310 = vector.shape_cast %get3A_309 : vector<1x16xf32> to vector<16xf32>
      %mul3A_311 = arith.mulf %get3A_310, %div3A_262 : vector<16xf32>
      %get3A_312 = arith.index_cast %scan3A_243 : i32 to index
      %get3A_313 = arith.constant 48 : index
      %get3A_314 = tpu.vector_load %arg14[%get3A_312, %get3A_313] {strides = array<i32>} : memref<125x64xf32, #tpu.memory_space<vmem>>, vector<1x16xf32>,
      %get3A_315 = vector.shape_cast %get3A_314 : vector<1x16xf32> to vector<16xf32>
      %add3A_316 = arith.addf %mul3A_311, %get3A_315 : vector<16xf32>
      %swap3A_317 = arith.index_cast %scan3A_243 : i32 to index
      %swap3A_318 = arith.constant 48 : index
      %swap3A_319 = tpu.vector_load %arg14[%swap3A_317, %swap3A_318] {strides = array<i32>} : memref<125x64xf32, #tpu.memory_space<vmem>>, vector<1x16xf32>,
      %swap3A_320 = vector.shape_cast %swap3A_319 : vector<1x16xf32> to vector<16xf32>
      %swap3A_321 = vector.shape_cast %add3A_316 : vector<16xf32> to vector<1x16xf32>
      tpu.vector_store %arg14[%swap3A_317, %swap3A_318], %swap3A_321 {strides = array<i32>} : memref<125x64xf32, #tpu.memory_space<vmem>>, vector<1x16xf32>,
    }
    %scan3A_118 = arith.constant 125 : i32
    "tpu.region"() ({
      %run_scoped3A_243 = tpu.sem_alloc : memref<!tpu.dma_semaphore, #tpu.memory_space<semaphore_mem>>
      %dma_start3A_244 = arith.constant 0 : i32
      %dma_start3A_245 = tpu.memref_slice %arg7[%arg0, %add3A_112, %dma_start3A_244] : memref<2x10000x128xf32, #tpu.memory_space<hbm>> -> memref<1x125x64xf32, #tpu.memory_space<hbm>>
      %dma_start3A_246 = tpu.memref_squeeze %dma_start3A_245 : memref<1x125x64xf32, #tpu.memory_space<hbm>> -> memref<125x64xf32, #tpu.memory_space<hbm>>
      %dma_start3A_247 = arith.constant 0 : i32
      %dma_start3A_248 = tpu.memref_slice %arg7[%arg0, %add3A_112, %dma_start3A_247] : memref<2x10000x128xf32, #tpu.memory_space<hbm>> -> memref<1x125x64xf32, #tpu.memory_space<hbm>>
      %dma_start3A_249 = tpu.memref_squeeze %dma_start3A_248 : memref<1x125x64xf32, #tpu.memory_space<hbm>> -> memref<125x64xf32, #tpu.memory_space<hbm>>
      tpu.enqueue_dma source(%arg14 : memref<125x64xf32, #tpu.memory_space<vmem>>) target(%dma_start3A_249 : memref<125x64xf32, #tpu.memory_space<hbm>>) target_semaphore(%run_scoped3A_243 : memref<!tpu.dma_semaphore, #tpu.memory_space<semaphore_mem>>)
      %dma_wait3A_250 = arith.constant 0 : i32
      %dma_wait3A_251 = tpu.memref_slice %arg7[%arg0, %add3A_112, %dma_wait3A_250] : memref<2x10000x128xf32, #tpu.memory_space<hbm>> -> memref<1x125x64xf32, #tpu.memory_space<hbm>>
      %dma_wait3A_252 = tpu.memref_squeeze %dma_wait3A_251 : memref<1x125x64xf32, #tpu.memory_space<hbm>> -> memref<125x64xf32, #tpu.memory_space<hbm>>
      %dma_wait3A_253 = arith.constant 0 : i32
      %dma_wait3A_254 = tpu.memref_slice %arg7[%arg0, %add3A_112, %dma_wait3A_253] : memref<2x10000x128xf32, #tpu.memory_space<hbm>> -> memref<1x125x64xf32, #tpu.memory_space<hbm>>
      %dma_wait3A_255 = tpu.memref_squeeze %dma_wait3A_254 : memref<1x125x64xf32, #tpu.memory_space<hbm>> -> memref<125x64xf32, #tpu.memory_space<hbm>>
      tpu.wait_dma2 semaphore(%run_scoped3A_243 : memref<!tpu.dma_semaphore, #tpu.memory_space<semaphore_mem>>) src(%arg14 : memref<125x64xf32, #tpu.memory_space<vmem>>) dst(%dma_wait3A_255 : memref<125x64xf32, #tpu.memory_space<hbm>>)
      tpu.yield
    }) : () -> ()
    %add3A_119 = arith.constant 500 : i32
    %add3A_120 = arith.addi %mul3A_2, %add3A_119 : i32
    "tpu.region"() ({
      %run_scoped3A_243 = tpu.sem_alloc : memref<!tpu.dma_semaphore, #tpu.memory_space<semaphore_mem>>
      %dma_start3A_244 = arith.constant 0 : i32
      %dma_start3A_245 = tpu.memref_slice %arg17[%add3A_120, %dma_start3A_244] : memref<10000x64xf32, #tpu.memory_space<vmem_shared>> -> memref<125x64xf32, #tpu.memory_space<vmem_shared>>
      %dma_start3A_246 = arith.constant 0 : i32
      %dma_start3A_247 = tpu.memref_slice %arg17[%add3A_120, %dma_start3A_246] : memref<10000x64xf32, #tpu.memory_space<vmem_shared>> -> memref<125x64xf32, #tpu.memory_space<vmem_shared>>
      tpu.enqueue_dma source(%dma_start3A_247 : memref<125x64xf32, #tpu.memory_space<vmem_shared>>) target(%arg12 : memref<125x64xf32, #tpu.memory_space<vmem>>) target_semaphore(%run_scoped3A_243 : memref<!tpu.dma_semaphore, #tpu.memory_space<semaphore_mem>>)
      %dma_wait3A_248 = arith.constant 0 : i32
      %dma_wait3A_249 = tpu.memref_slice %arg17[%add3A_120, %dma_wait3A_248] : memref<10000x64xf32, #tpu.memory_space<vmem_shared>> -> memref<125x64xf32, #tpu.memory_space<vmem_shared>>
      %dma_wait3A_250 = arith.constant 0 : i32
      %dma_wait3A_251 = tpu.memref_slice %arg17[%add3A_120, %dma_wait3A_250] : memref<10000x64xf32, #tpu.memory_space<vmem_shared>> -> memref<125x64xf32, #tpu.memory_space<vmem_shared>>
      tpu.wait_dma2 semaphore(%run_scoped3A_243 : memref<!tpu.dma_semaphore, #tpu.memory_space<semaphore_mem>>) src(%dma_wait3A_251 : memref<125x64xf32, #tpu.memory_space<vmem_shared>>) dst(%arg12 : memref<125x64xf32, #tpu.memory_space<vmem>>)
      tpu.yield
    }) : () -> ()
    "tpu.region"() ({
      %run_scoped3A_243 = tpu.sem_alloc : memref<!tpu.dma_semaphore, #tpu.memory_space<semaphore_mem>>
      %dma_start3A_244 = arith.constant 0 : i32
      %dma_start3A_245 = tpu.memref_slice %arg18[%add3A_120, %dma_start3A_244] : memref<10000x16xf32, #tpu.memory_space<vmem_shared>> -> memref<125x16xf32, #tpu.memory_space<vmem_shared>>
      %dma_start3A_246 = arith.constant 0 : i32
      %dma_start3A_247 = tpu.memref_slice %arg18[%add3A_120, %dma_start3A_246] : memref<10000x16xf32, #tpu.memory_space<vmem_shared>> -> memref<125x16xf32, #tpu.memory_space<vmem_shared>>
      tpu.enqueue_dma source(%dma_start3A_247 : memref<125x16xf32, #tpu.memory_space<vmem_shared>>) target(%arg13 : memref<125x16xf32, #tpu.memory_space<vmem>>) target_semaphore(%run_scoped3A_243 : memref<!tpu.dma_semaphore, #tpu.memory_space<semaphore_mem>>)
      %dma_wait3A_248 = arith.constant 0 : i32
      %dma_wait3A_249 = tpu.memref_slice %arg18[%add3A_120, %dma_wait3A_248] : memref<10000x16xf32, #tpu.memory_space<vmem_shared>> -> memref<125x16xf32, #tpu.memory_space<vmem_shared>>
      %dma_wait3A_250 = arith.constant 0 : i32
      %dma_wait3A_251 = tpu.memref_slice %arg18[%add3A_120, %dma_wait3A_250] : memref<10000x16xf32, #tpu.memory_space<vmem_shared>> -> memref<125x16xf32, #tpu.memory_space<vmem_shared>>
      tpu.wait_dma2 semaphore(%run_scoped3A_243 : memref<!tpu.dma_semaphore, #tpu.memory_space<semaphore_mem>>) src(%dma_wait3A_251 : memref<125x16xf32, #tpu.memory_space<vmem_shared>>) dst(%arg13 : memref<125x16xf32, #tpu.memory_space<vmem>>)
      tpu.yield
    }) : () -> ()
    "tpu.region"() ({
      %run_scoped3A_243 = tpu.sem_alloc : memref<!tpu.dma_semaphore, #tpu.memory_space<semaphore_mem>>
      %dma_start3A_244 = arith.constant 0 : i32
      %dma_start3A_245 = tpu.memref_slice %arg4[%arg0, %add3A_120, %dma_start3A_244] : memref<2x10000x128xf32, #tpu.memory_space<hbm>> -> memref<1x125x64xf32, #tpu.memory_space<hbm>>
      %dma_start3A_246 = tpu.memref_squeeze %dma_start3A_245 : memref<1x125x64xf32, #tpu.memory_space<hbm>> -> memref<125x64xf32, #tpu.memory_space<hbm>>
      %dma_start3A_247 = arith.constant 0 : i32
      %dma_start3A_248 = tpu.memref_slice %arg4[%arg0, %add3A_120, %dma_start3A_247] : memref<2x10000x128xf32, #tpu.memory_space<hbm>> -> memref<1x125x64xf32, #tpu.memory_space<hbm>>
      %dma_start3A_249 = tpu.memref_squeeze %dma_start3A_248 : memref<1x125x64xf32, #tpu.memory_space<hbm>> -> memref<125x64xf32, #tpu.memory_space<hbm>>
      tpu.enqueue_dma source(%dma_start3A_249 : memref<125x64xf32, #tpu.memory_space<hbm>>) target(%arg14 : memref<125x64xf32, #tpu.memory_space<vmem>>) target_semaphore(%run_scoped3A_243 : memref<!tpu.dma_semaphore, #tpu.memory_space<semaphore_mem>>)
      %dma_wait3A_250 = arith.constant 0 : i32
      %dma_wait3A_251 = tpu.memref_slice %arg4[%arg0, %add3A_120, %dma_wait3A_250] : memref<2x10000x128xf32, #tpu.memory_space<hbm>> -> memref<1x125x64xf32, #tpu.memory_space<hbm>>
      %dma_wait3A_252 = tpu.memref_squeeze %dma_wait3A_251 : memref<1x125x64xf32, #tpu.memory_space<hbm>> -> memref<125x64xf32, #tpu.memory_space<hbm>>
      %dma_wait3A_253 = arith.constant 0 : i32
      %dma_wait3A_254 = tpu.memref_slice %arg4[%arg0, %add3A_120, %dma_wait3A_253] : memref<2x10000x128xf32, #tpu.memory_space<hbm>> -> memref<1x125x64xf32, #tpu.memory_space<hbm>>
      %dma_wait3A_255 = tpu.memref_squeeze %dma_wait3A_254 : memref<1x125x64xf32, #tpu.memory_space<hbm>> -> memref<125x64xf32, #tpu.memory_space<hbm>>
      tpu.wait_dma2 semaphore(%run_scoped3A_243 : memref<!tpu.dma_semaphore, #tpu.memory_space<semaphore_mem>>) src(%dma_wait3A_255 : memref<125x64xf32, #tpu.memory_space<hbm>>) dst(%arg14 : memref<125x64xf32, #tpu.memory_space<vmem>>)
      tpu.yield
    }) : () -> ()
    %scan3A_121 = arith.constant 0 : i32
    %scan3A_122 = arith.constant 0 : i32
    %scan3A_123 = arith.constant 125 : i32
    %scan3A_124 = arith.addi %scan3A_122, %scan3A_123 : i32
    %scan3A_125 = arith.constant 1 : i32
    scf.for %scan3A_243 = %scan3A_122 to %scan3A_124 step %scan3A_125  : i32 {
      %get3A = arith.index_cast %scan3A_243 : i32 to index
      %get3A_244 = arith.constant 0 : index
      %get3A_245 = tpu.vector_load %arg13[%get3A, %get3A_244] {strides = array<i32>} : memref<125x16xf32, #tpu.memory_space<vmem>>, vector<1x16xf32>,
      %get3A_246 = vector.shape_cast %get3A_245 : vector<1x16xf32> to vector<16xf32>
      %broadcast_in_dim3A_247 = arith.constant 0 : i32
      %broadcast_in_dim3A_248 = vector.broadcast %broadcast_in_dim3A_247 : i32 to vector<16xi32>
      %lt3A = arith.constant 0 : i32
      %lt3A_249 = vector.broadcast %lt3A : i32 to vector<16xi32>
      %lt3A_250 = arith.cmpi slt, %broadcast_in_dim3A_248, %lt3A_249 : vector<16xi32>
      %add3A_251 = arith.constant 16 : i32
      %add3A_252 = vector.broadcast %add3A_251 : i32 to vector<16xi32>
      %add3A_253 = arith.addi %broadcast_in_dim3A_248, %add3A_252 : vector<16xi32>
      %select_n3A_254 = arith.select %lt3A_250, %add3A_253, %broadcast_in_dim3A_248 : vector<16xi1>, vector<16xi32>
      %broadcast_in_dim3A_255 = vector.shape_cast %select_n3A_254 : vector<16xi32> to vector<16x1xi32>
      %gather3A = vector.shape_cast %broadcast_in_dim3A_255 : vector<16x1xi32> to vector<16xi32>
      %gather3A_256 = tpu.dynamic_gather %get3A_246[%gather3A] in [0] : vector<16xf32>, vector<16xi32> -> vector<16xf32>
      %add3A_257 = arith.constant 1.000000e+00 : f32
      %add3A_258 = vector.broadcast %add3A_257 : f32 to vector<16xf32>
      %add3A_259 = arith.addf %add3A_258, %gather3A_256 : vector<16xf32>
      %mul3A_260 = arith.mulf %add3A_259, %gather3A_256 : vector<16xf32>
      %div3A = arith.constant 1.000000e+00 : f32
      %div3A_261 = vector.broadcast %div3A : f32 to vector<16xf32>
      %div3A_262 = arith.divf %div3A_261, %mul3A_260 : vector<16xf32>
      %get3A_263 = arith.index_cast %scan3A_243 : i32 to index
      %get3A_264 = arith.constant 0 : index
      %get3A_265 = tpu.vector_load %arg12[%get3A_263, %get3A_264] {strides = array<i32>} : memref<125x64xf32, #tpu.memory_space<vmem>>, vector<1x16xf32>,
      %get3A_266 = vector.shape_cast %get3A_265 : vector<1x16xf32> to vector<16xf32>
      %mul3A_267 = arith.mulf %get3A_266, %div3A_262 : vector<16xf32>
      %get3A_268 = arith.index_cast %scan3A_243 : i32 to index
      %get3A_269 = arith.constant 0 : index
      %get3A_270 = tpu.vector_load %arg14[%get3A_268, %get3A_269] {strides = array<i32>} : memref<125x64xf32, #tpu.memory_space<vmem>>, vector<1x16xf32>,
      %get3A_271 = vector.shape_cast %get3A_270 : vector<1x16xf32> to vector<16xf32>
      %add3A_272 = arith.addf %mul3A_267, %get3A_271 : vector<16xf32>
      %swap3A = arith.index_cast %scan3A_243 : i32 to index
      %swap3A_273 = arith.constant 0 : index
      %swap3A_274 = tpu.vector_load %arg14[%swap3A, %swap3A_273] {strides = array<i32>} : memref<125x64xf32, #tpu.memory_space<vmem>>, vector<1x16xf32>,
      %swap3A_275 = vector.shape_cast %swap3A_274 : vector<1x16xf32> to vector<16xf32>
      %swap3A_276 = vector.shape_cast %add3A_272 : vector<16xf32> to vector<1x16xf32>
      tpu.vector_store %arg14[%swap3A, %swap3A_273], %swap3A_276 {strides = array<i32>} : memref<125x64xf32, #tpu.memory_space<vmem>>, vector<1x16xf32>,
      %get3A_277 = arith.index_cast %scan3A_243 : i32 to index
      %get3A_278 = arith.constant 16 : index
      %get3A_279 = tpu.vector_load %arg12[%get3A_277, %get3A_278] {strides = array<i32>} : memref<125x64xf32, #tpu.memory_space<vmem>>, vector<1x16xf32>,
      %get3A_280 = vector.shape_cast %get3A_279 : vector<1x16xf32> to vector<16xf32>
      %mul3A_281 = arith.mulf %get3A_280, %div3A_262 : vector<16xf32>
      %get3A_282 = arith.index_cast %scan3A_243 : i32 to index
      %get3A_283 = arith.constant 16 : index
      %get3A_284 = tpu.vector_load %arg14[%get3A_282, %get3A_283] {strides = array<i32>} : memref<125x64xf32, #tpu.memory_space<vmem>>, vector<1x16xf32>,
      %get3A_285 = vector.shape_cast %get3A_284 : vector<1x16xf32> to vector<16xf32>
      %add3A_286 = arith.addf %mul3A_281, %get3A_285 : vector<16xf32>
      %swap3A_287 = arith.index_cast %scan3A_243 : i32 to index
      %swap3A_288 = arith.constant 16 : index
      %swap3A_289 = tpu.vector_load %arg14[%swap3A_287, %swap3A_288] {strides = array<i32>} : memref<125x64xf32, #tpu.memory_space<vmem>>, vector<1x16xf32>,
      %swap3A_290 = vector.shape_cast %swap3A_289 : vector<1x16xf32> to vector<16xf32>
      %swap3A_291 = vector.shape_cast %add3A_286 : vector<16xf32> to vector<1x16xf32>
      tpu.vector_store %arg14[%swap3A_287, %swap3A_288], %swap3A_291 {strides = array<i32>} : memref<125x64xf32, #tpu.memory_space<vmem>>, vector<1x16xf32>,
      %get3A_292 = arith.index_cast %scan3A_243 : i32 to index
      %get3A_293 = arith.constant 32 : index
      %get3A_294 = tpu.vector_load %arg12[%get3A_292, %get3A_293] {strides = array<i32>} : memref<125x64xf32, #tpu.memory_space<vmem>>, vector<1x16xf32>,
      %get3A_295 = vector.shape_cast %get3A_294 : vector<1x16xf32> to vector<16xf32>
      %mul3A_296 = arith.mulf %get3A_295, %div3A_262 : vector<16xf32>
      %get3A_297 = arith.index_cast %scan3A_243 : i32 to index
      %get3A_298 = arith.constant 32 : index
      %get3A_299 = tpu.vector_load %arg14[%get3A_297, %get3A_298] {strides = array<i32>} : memref<125x64xf32, #tpu.memory_space<vmem>>, vector<1x16xf32>,
      %get3A_300 = vector.shape_cast %get3A_299 : vector<1x16xf32> to vector<16xf32>
      %add3A_301 = arith.addf %mul3A_296, %get3A_300 : vector<16xf32>
      %swap3A_302 = arith.index_cast %scan3A_243 : i32 to index
      %swap3A_303 = arith.constant 32 : index
      %swap3A_304 = tpu.vector_load %arg14[%swap3A_302, %swap3A_303] {strides = array<i32>} : memref<125x64xf32, #tpu.memory_space<vmem>>, vector<1x16xf32>,
      %swap3A_305 = vector.shape_cast %swap3A_304 : vector<1x16xf32> to vector<16xf32>
      %swap3A_306 = vector.shape_cast %add3A_301 : vector<16xf32> to vector<1x16xf32>
      tpu.vector_store %arg14[%swap3A_302, %swap3A_303], %swap3A_306 {strides = array<i32>} : memref<125x64xf32, #tpu.memory_space<vmem>>, vector<1x16xf32>,
      %get3A_307 = arith.index_cast %scan3A_243 : i32 to index
      %get3A_308 = arith.constant 48 : index
      %get3A_309 = tpu.vector_load %arg12[%get3A_307, %get3A_308] {strides = array<i32>} : memref<125x64xf32, #tpu.memory_space<vmem>>, vector<1x16xf32>,
      %get3A_310 = vector.shape_cast %get3A_309 : vector<1x16xf32> to vector<16xf32>
      %mul3A_311 = arith.mulf %get3A_310, %div3A_262 : vector<16xf32>
      %get3A_312 = arith.index_cast %scan3A_243 : i32 to index
      %get3A_313 = arith.constant 48 : index
      %get3A_314 = tpu.vector_load %arg14[%get3A_312, %get3A_313] {strides = array<i32>} : memref<125x64xf32, #tpu.memory_space<vmem>>, vector<1x16xf32>,
      %get3A_315 = vector.shape_cast %get3A_314 : vector<1x16xf32> to vector<16xf32>
      %add3A_316 = arith.addf %mul3A_311, %get3A_315 : vector<16xf32>
      %swap3A_317 = arith.index_cast %scan3A_243 : i32 to index
      %swap3A_318 = arith.constant 48 : index
      %swap3A_319 = tpu.vector_load %arg14[%swap3A_317, %swap3A_318] {strides = array<i32>} : memref<125x64xf32, #tpu.memory_space<vmem>>, vector<1x16xf32>,
      %swap3A_320 = vector.shape_cast %swap3A_319 : vector<1x16xf32> to vector<16xf32>
      %swap3A_321 = vector.shape_cast %add3A_316 : vector<16xf32> to vector<1x16xf32>
      tpu.vector_store %arg14[%swap3A_317, %swap3A_318], %swap3A_321 {strides = array<i32>} : memref<125x64xf32, #tpu.memory_space<vmem>>, vector<1x16xf32>,
    }
    %scan3A_126 = arith.constant 125 : i32
    "tpu.region"() ({
      %run_scoped3A_243 = tpu.sem_alloc : memref<!tpu.dma_semaphore, #tpu.memory_space<semaphore_mem>>
      %dma_start3A_244 = arith.constant 0 : i32
      %dma_start3A_245 = tpu.memref_slice %arg7[%arg0, %add3A_120, %dma_start3A_244] : memref<2x10000x128xf32, #tpu.memory_space<hbm>> -> memref<1x125x64xf32, #tpu.memory_space<hbm>>
      %dma_start3A_246 = tpu.memref_squeeze %dma_start3A_245 : memref<1x125x64xf32, #tpu.memory_space<hbm>> -> memref<125x64xf32, #tpu.memory_space<hbm>>
      %dma_start3A_247 = arith.constant 0 : i32
      %dma_start3A_248 = tpu.memref_slice %arg7[%arg0, %add3A_120, %dma_start3A_247] : memref<2x10000x128xf32, #tpu.memory_space<hbm>> -> memref<1x125x64xf32, #tpu.memory_space<hbm>>
      %dma_start3A_249 = tpu.memref_squeeze %dma_start3A_248 : memref<1x125x64xf32, #tpu.memory_space<hbm>> -> memref<125x64xf32, #tpu.memory_space<hbm>>
      tpu.enqueue_dma source(%arg14 : memref<125x64xf32, #tpu.memory_space<vmem>>) target(%dma_start3A_249 : memref<125x64xf32, #tpu.memory_space<hbm>>) target_semaphore(%run_scoped3A_243 : memref<!tpu.dma_semaphore, #tpu.memory_space<semaphore_mem>>)
      %dma_wait3A_250 = arith.constant 0 : i32
      %dma_wait3A_251 = tpu.memref_slice %arg7[%arg0, %add3A_120, %dma_wait3A_250] : memref<2x10000x128xf32, #tpu.memory_space<hbm>> -> memref<1x125x64xf32, #tpu.memory_space<hbm>>
      %dma_wait3A_252 = tpu.memref_squeeze %dma_wait3A_251 : memref<1x125x64xf32, #tpu.memory_space<hbm>> -> memref<125x64xf32, #tpu.memory_space<hbm>>
      %dma_wait3A_253 = arith.constant 0 : i32
      %dma_wait3A_254 = tpu.memref_slice %arg7[%arg0, %add3A_120, %dma_wait3A_253] : memref<2x10000x128xf32, #tpu.memory_space<hbm>> -> memref<1x125x64xf32, #tpu.memory_space<hbm>>
      %dma_wait3A_255 = tpu.memref_squeeze %dma_wait3A_254 : memref<1x125x64xf32, #tpu.memory_space<hbm>> -> memref<125x64xf32, #tpu.memory_space<hbm>>
      tpu.wait_dma2 semaphore(%run_scoped3A_243 : memref<!tpu.dma_semaphore, #tpu.memory_space<semaphore_mem>>) src(%arg14 : memref<125x64xf32, #tpu.memory_space<vmem>>) dst(%dma_wait3A_255 : memref<125x64xf32, #tpu.memory_space<hbm>>)
      tpu.yield
    }) : () -> ()
    %barrier3A_127 = arith.constant 0 : index
    tpu.barrier barrier_id(%barrier3A_127)
    "tpu.region"() ({
      %run_scoped3A_243 = tpu.sem_alloc : memref<!tpu.dma_semaphore, #tpu.memory_space<semaphore_mem>>
      %dma_start3A_244 = arith.constant 0 : i32
      %dma_start3A_245 = tpu.memref_slice %arg17[%mul3A_2, %dma_start3A_244] : memref<10000x64xf32, #tpu.memory_space<vmem_shared>> -> memref<625x64xf32, #tpu.memory_space<vmem_shared>>
      %dma_start3A_246 = arith.constant 0 : i32
      %dma_start3A_247 = tpu.memref_slice %arg5[%mul3A_2, %dma_start3A_246] : memref<10000x64xf32, #tpu.memory_space<hbm>> -> memref<625x64xf32, #tpu.memory_space<hbm>>
      tpu.enqueue_dma source(%dma_start3A_247 : memref<625x64xf32, #tpu.memory_space<hbm>>) target(%dma_start3A_245 : memref<625x64xf32, #tpu.memory_space<vmem_shared>>) target_semaphore(%run_scoped3A_243 : memref<!tpu.dma_semaphore, #tpu.memory_space<semaphore_mem>>)
      %dma_wait3A_248 = arith.constant 0 : i32
      %dma_wait3A_249 = tpu.memref_slice %arg17[%mul3A_2, %dma_wait3A_248] : memref<10000x64xf32, #tpu.memory_space<vmem_shared>> -> memref<625x64xf32, #tpu.memory_space<vmem_shared>>
      %dma_wait3A_250 = arith.constant 0 : i32
      %dma_wait3A_251 = tpu.memref_slice %arg5[%mul3A_2, %dma_wait3A_250] : memref<10000x64xf32, #tpu.memory_space<hbm>> -> memref<625x64xf32, #tpu.memory_space<hbm>>
      tpu.wait_dma2 semaphore(%run_scoped3A_243 : memref<!tpu.dma_semaphore, #tpu.memory_space<semaphore_mem>>) src(%dma_wait3A_251 : memref<625x64xf32, #tpu.memory_space<hbm>>) dst(%dma_wait3A_249 : memref<625x64xf32, #tpu.memory_space<vmem_shared>>)
      tpu.yield
    }) : () -> ()
    %barrier3A_128 = arith.constant 0 : index
    tpu.barrier barrier_id(%barrier3A_128)
    %mul3A_129 = arith.constant 20000 : i32
    %mul3A_130 = arith.muli %arg1, %mul3A_129 : i32
    %add3A_131 = arith.constant 0 : i32
    %add3A_132 = arith.addi %mul3A_130, %add3A_131 : i32
    %dma_start3A_133 = arith.constant 64 : i32
    %dma_start3A_134 = tpu.memref_slice %arg2[%arg0, %add3A_132, %dma_start3A_133] : memref<2x320000x128xf32, #tpu.memory_space<hbm>> -> memref<1x160x64xf32, #tpu.memory_space<hbm>>
    %dma_start3A_135 = tpu.memref_squeeze %dma_start3A_134 : memref<1x160x64xf32, #tpu.memory_space<hbm>> -> memref<160x64xf32, #tpu.memory_space<hbm>>
    %dma_start3A_136 = arith.constant 64 : i32
    %dma_start3A_137 = tpu.memref_slice %arg2[%arg0, %add3A_132, %dma_start3A_136] : memref<2x320000x128xf32, #tpu.memory_space<hbm>> -> memref<1x160x64xf32, #tpu.memory_space<hbm>>
    %dma_start3A_138 = tpu.memref_squeeze %dma_start3A_137 : memref<1x160x64xf32, #tpu.memory_space<hbm>> -> memref<160x64xf32, #tpu.memory_space<hbm>>
    tpu.enqueue_dma source(%dma_start3A_138 : memref<160x64xf32, #tpu.memory_space<hbm>>) target(%arg9 : memref<160x64xf32, #tpu.memory_space<vmem>>) target_semaphore(%arg15 : memref<!tpu.dma_semaphore, #tpu.memory_space<semaphore_mem>>)
    %mul3A_139 = arith.constant 20000 : i32
    %mul3A_140 = arith.muli %arg1, %mul3A_139 : i32
    %add3A_141 = arith.constant 160 : i32
    %add3A_142 = arith.addi %mul3A_140, %add3A_141 : i32
    %dma_start3A_143 = arith.constant 64 : i32
    %dma_start3A_144 = tpu.memref_slice %arg2[%arg0, %add3A_142, %dma_start3A_143] : memref<2x320000x128xf32, #tpu.memory_space<hbm>> -> memref<1x160x64xf32, #tpu.memory_space<hbm>>
    %dma_start3A_145 = tpu.memref_squeeze %dma_start3A_144 : memref<1x160x64xf32, #tpu.memory_space<hbm>> -> memref<160x64xf32, #tpu.memory_space<hbm>>
    %dma_start3A_146 = arith.constant 64 : i32
    %dma_start3A_147 = tpu.memref_slice %arg2[%arg0, %add3A_142, %dma_start3A_146] : memref<2x320000x128xf32, #tpu.memory_space<hbm>> -> memref<1x160x64xf32, #tpu.memory_space<hbm>>
    %dma_start3A_148 = tpu.memref_squeeze %dma_start3A_147 : memref<1x160x64xf32, #tpu.memory_space<hbm>> -> memref<160x64xf32, #tpu.memory_space<hbm>>
    tpu.enqueue_dma source(%dma_start3A_148 : memref<160x64xf32, #tpu.memory_space<hbm>>) target(%arg10 : memref<160x64xf32, #tpu.memory_space<vmem>>) target_semaphore(%arg16 : memref<!tpu.dma_semaphore, #tpu.memory_space<semaphore_mem>>)
    %scan3A_149 = arith.constant 0 : i32
    %scan3A_150 = arith.constant 0 : i32
    %scan3A_151 = arith.constant 61 : i32
    %scan3A_152 = arith.addi %scan3A_150, %scan3A_151 : i32
    %scan3A_153 = arith.constant 1 : i32
    scf.for %scan3A_243 = %scan3A_150 to %scan3A_152 step %scan3A_153  : i32 {
      %mul3A_244 = arith.constant 2 : i32
      %mul3A_245 = arith.muli %scan3A_243, %mul3A_244 : i32
      %add3A_246 = arith.constant 0 : i32
      %add3A_247 = arith.addi %mul3A_245, %add3A_246 : i32
      %mul3A_248 = arith.constant 20000 : i32
      %mul3A_249 = arith.muli %arg1, %mul3A_248 : i32
      %mul3A_250 = arith.constant 160 : i32
      %mul3A_251 = arith.muli %add3A_247, %mul3A_250 : i32
      %add3A_252 = arith.addi %mul3A_249, %mul3A_251 : i32
      %dma_wait3A_253 = arith.constant 64 : i32
      %dma_wait3A_254 = tpu.memref_slice %arg2[%arg0, %add3A_252, %dma_wait3A_253] : memref<2x320000x128xf32, #tpu.memory_space<hbm>> -> memref<1x160x64xf32, #tpu.memory_space<hbm>>
      %dma_wait3A_255 = tpu.memref_squeeze %dma_wait3A_254 : memref<1x160x64xf32, #tpu.memory_space<hbm>> -> memref<160x64xf32, #tpu.memory_space<hbm>>
      %dma_wait3A_256 = arith.constant 64 : i32
      %dma_wait3A_257 = tpu.memref_slice %arg2[%arg0, %add3A_252, %dma_wait3A_256] : memref<2x320000x128xf32, #tpu.memory_space<hbm>> -> memref<1x160x64xf32, #tpu.memory_space<hbm>>
      %dma_wait3A_258 = tpu.memref_squeeze %dma_wait3A_257 : memref<1x160x64xf32, #tpu.memory_space<hbm>> -> memref<160x64xf32, #tpu.memory_space<hbm>>
      tpu.wait_dma2 semaphore(%arg15 : memref<!tpu.dma_semaphore, #tpu.memory_space<semaphore_mem>>) src(%dma_wait3A_258 : memref<160x64xf32, #tpu.memory_space<hbm>>) dst(%arg9 : memref<160x64xf32, #tpu.memory_space<vmem>>)
      %mul3A_259 = arith.constant 2 : i32
      %mul3A_260 = arith.muli %add3A_247, %mul3A_259 : i32
      %add3A_261 = arith.constant 0 : i32
      %add3A_262 = arith.addi %mul3A_260, %add3A_261 : i32
      "tpu.region"() ({
        %run_scoped3A_316 = tpu.sem_alloc : memref<!tpu.dma_semaphore, #tpu.memory_space<semaphore_mem>>
        %dma_start3A_317 = arith.constant 0 : i32
        %dma_start3A_318 = arith.constant 0 : i32
        %dma_start3A_319 = tpu.memref_slice %arg9[%dma_start3A_317, %dma_start3A_318] : memref<160x64xf32, #tpu.memory_space<vmem>> -> memref<80x64xf32, #tpu.memory_space<vmem>>
        %dma_start3A_320 = arith.constant 0 : i32
        %dma_start3A_321 = tpu.memref_slice %arg8[%add3A_262, %dma_start3A_320] : memref<250x80xi32, #tpu.memory_space<vmem>> -> memref<1x80xi32, #tpu.memory_space<vmem>>
        %dma_start3A_322 = tpu.memref_squeeze %dma_start3A_321 : memref<1x80xi32, #tpu.memory_space<vmem>> -> memref<80xi32, #tpu.memory_space<vmem>>
        %dma_start3A_323 = arith.constant 0 : i32
        %dma_start3A_324 = arith.constant 0 : i32
        %dma_start3A_325 = tpu.memref_slice %arg17[%dma_start3A_323, %dma_start3A_324] : memref<10000x64xf32, #tpu.memory_space<vmem_shared>> -> memref<10000x64xf32, #tpu.memory_space<vmem_shared>>
        tpu.enqueue_indirect_dma source(%dma_start3A_319 : memref<80x64xf32, #tpu.memory_space<vmem>>) target(%dma_start3A_325 : memref<10000x64xf32, #tpu.memory_space<vmem_shared>>) offsets(%dma_start3A_322 : memref<80xi32, #tpu.memory_space<vmem>>) semaphore(%run_scoped3A_316 : memref<!tpu.dma_semaphore, #tpu.memory_space<semaphore_mem>>) {add = true}
        %dma_wait3A_326 = arith.constant 0 : i32
        %dma_wait3A_327 = arith.constant 0 : i32
        %dma_wait3A_328 = tpu.memref_slice %arg9[%dma_wait3A_326, %dma_wait3A_327] : memref<160x64xf32, #tpu.memory_space<vmem>> -> memref<80x64xf32, #tpu.memory_space<vmem>>
        %dma_wait3A_329 = arith.constant 0 : i32
        %dma_wait3A_330 = tpu.memref_slice %arg8[%add3A_262, %dma_wait3A_329] : memref<250x80xi32, #tpu.memory_space<vmem>> -> memref<1x80xi32, #tpu.memory_space<vmem>>
        %dma_wait3A_331 = tpu.memref_squeeze %dma_wait3A_330 : memref<1x80xi32, #tpu.memory_space<vmem>> -> memref<80xi32, #tpu.memory_space<vmem>>
        %dma_wait3A_332 = arith.constant 0 : i32
        %dma_wait3A_333 = arith.constant 0 : i32
        %dma_wait3A_334 = tpu.memref_slice %arg17[%dma_wait3A_332, %dma_wait3A_333] : memref<10000x64xf32, #tpu.memory_space<vmem_shared>> -> memref<10000x64xf32, #tpu.memory_space<vmem_shared>>
        tpu.wait_indirect_dma semaphore(%run_scoped3A_316 : memref<!tpu.dma_semaphore, #tpu.memory_space<semaphore_mem>>) src(%dma_wait3A_328 : memref<80x64xf32, #tpu.memory_space<vmem>>) dst(%dma_wait3A_334 : memref<10000x64xf32, #tpu.memory_space<vmem_shared>>)
        tpu.yield
      }) : () -> ()
      %mul3A_263 = arith.constant 2 : i32
      %mul3A_264 = arith.muli %add3A_247, %mul3A_263 : i32
      %add3A_265 = arith.constant 1 : i32
      %add3A_266 = arith.addi %mul3A_264, %add3A_265 : i32
      "tpu.region"() ({
        %run_scoped3A_316 = tpu.sem_alloc : memref<!tpu.dma_semaphore, #tpu.memory_space<semaphore_mem>>
        %dma_start3A_317 = arith.constant 80 : i32
        %dma_start3A_318 = arith.constant 0 : i32
        %dma_start3A_319 = tpu.memref_slice %arg9[%dma_start3A_317, %dma_start3A_318] : memref<160x64xf32, #tpu.memory_space<vmem>> -> memref<80x64xf32, #tpu.memory_space<vmem>>
        %dma_start3A_320 = arith.constant 0 : i32
        %dma_start3A_321 = tpu.memref_slice %arg8[%add3A_266, %dma_start3A_320] : memref<250x80xi32, #tpu.memory_space<vmem>> -> memref<1x80xi32, #tpu.memory_space<vmem>>
        %dma_start3A_322 = tpu.memref_squeeze %dma_start3A_321 : memref<1x80xi32, #tpu.memory_space<vmem>> -> memref<80xi32, #tpu.memory_space<vmem>>
        %dma_start3A_323 = arith.constant 0 : i32
        %dma_start3A_324 = arith.constant 0 : i32
        %dma_start3A_325 = tpu.memref_slice %arg17[%dma_start3A_323, %dma_start3A_324] : memref<10000x64xf32, #tpu.memory_space<vmem_shared>> -> memref<10000x64xf32, #tpu.memory_space<vmem_shared>>
        tpu.enqueue_indirect_dma source(%dma_start3A_319 : memref<80x64xf32, #tpu.memory_space<vmem>>) target(%dma_start3A_325 : memref<10000x64xf32, #tpu.memory_space<vmem_shared>>) offsets(%dma_start3A_322 : memref<80xi32, #tpu.memory_space<vmem>>) semaphore(%run_scoped3A_316 : memref<!tpu.dma_semaphore, #tpu.memory_space<semaphore_mem>>) {add = true}
        %dma_wait3A_326 = arith.constant 80 : i32
        %dma_wait3A_327 = arith.constant 0 : i32
        %dma_wait3A_328 = tpu.memref_slice %arg9[%dma_wait3A_326, %dma_wait3A_327] : memref<160x64xf32, #tpu.memory_space<vmem>> -> memref<80x64xf32, #tpu.memory_space<vmem>>
        %dma_wait3A_329 = arith.constant 0 : i32
        %dma_wait3A_330 = tpu.memref_slice %arg8[%add3A_266, %dma_wait3A_329] : memref<250x80xi32, #tpu.memory_space<vmem>> -> memref<1x80xi32, #tpu.memory_space<vmem>>
        %dma_wait3A_331 = tpu.memref_squeeze %dma_wait3A_330 : memref<1x80xi32, #tpu.memory_space<vmem>> -> memref<80xi32, #tpu.memory_space<vmem>>
        %dma_wait3A_332 = arith.constant 0 : i32
        %dma_wait3A_333 = arith.constant 0 : i32
        %dma_wait3A_334 = tpu.memref_slice %arg17[%dma_wait3A_332, %dma_wait3A_333] : memref<10000x64xf32, #tpu.memory_space<vmem_shared>> -> memref<10000x64xf32, #tpu.memory_space<vmem_shared>>
        tpu.wait_indirect_dma semaphore(%run_scoped3A_316 : memref<!tpu.dma_semaphore, #tpu.memory_space<semaphore_mem>>) src(%dma_wait3A_328 : memref<80x64xf32, #tpu.memory_space<vmem>>) dst(%dma_wait3A_334 : memref<10000x64xf32, #tpu.memory_space<vmem_shared>>)
        tpu.yield
      }) : () -> ()
      %add3A_267 = arith.constant 2 : i32
      %add3A_268 = arith.addi %add3A_247, %add3A_267 : i32
      %mul3A_269 = arith.constant 20000 : i32
      %mul3A_270 = arith.muli %arg1, %mul3A_269 : i32
      %mul3A_271 = arith.constant 160 : i32
      %mul3A_272 = arith.muli %add3A_268, %mul3A_271 : i32
      %add3A_273 = arith.addi %mul3A_270, %mul3A_272 : i32
      %dma_start3A_274 = arith.constant 64 : i32
      %dma_start3A_275 = tpu.memref_slice %arg2[%arg0, %add3A_273, %dma_start3A_274] : memref<2x320000x128xf32, #tpu.memory_space<hbm>> -> memref<1x160x64xf32, #tpu.memory_space<hbm>>
      %dma_start3A_276 = tpu.memref_squeeze %dma_start3A_275 : memref<1x160x64xf32, #tpu.memory_space<hbm>> -> memref<160x64xf32, #tpu.memory_space<hbm>>
      %dma_start3A_277 = arith.constant 64 : i32
      %dma_start3A_278 = tpu.memref_slice %arg2[%arg0, %add3A_273, %dma_start3A_277] : memref<2x320000x128xf32, #tpu.memory_space<hbm>> -> memref<1x160x64xf32, #tpu.memory_space<hbm>>
      %dma_start3A_279 = tpu.memref_squeeze %dma_start3A_278 : memref<1x160x64xf32, #tpu.memory_space<hbm>> -> memref<160x64xf32, #tpu.memory_space<hbm>>
      tpu.enqueue_dma source(%dma_start3A_279 : memref<160x64xf32, #tpu.memory_space<hbm>>) target(%arg9 : memref<160x64xf32, #tpu.memory_space<vmem>>) target_semaphore(%arg15 : memref<!tpu.dma_semaphore, #tpu.memory_space<semaphore_mem>>)
      %mul3A_280 = arith.constant 2 : i32
      %mul3A_281 = arith.muli %scan3A_243, %mul3A_280 : i32
      %add3A_282 = arith.constant 1 : i32
      %add3A_283 = arith.addi %mul3A_281, %add3A_282 : i32
      %mul3A_284 = arith.constant 20000 : i32
      %mul3A_285 = arith.muli %arg1, %mul3A_284 : i32
      %mul3A_286 = arith.constant 160 : i32
      %mul3A_287 = arith.muli %add3A_283, %mul3A_286 : i32
      %add3A_288 = arith.addi %mul3A_285, %mul3A_287 : i32
      %dma_wait3A_289 = arith.constant 64 : i32
      %dma_wait3A_290 = tpu.memref_slice %arg2[%arg0, %add3A_288, %dma_wait3A_289] : memref<2x320000x128xf32, #tpu.memory_space<hbm>> -> memref<1x160x64xf32, #tpu.memory_space<hbm>>
      %dma_wait3A_291 = tpu.memref_squeeze %dma_wait3A_290 : memref<1x160x64xf32, #tpu.memory_space<hbm>> -> memref<160x64xf32, #tpu.memory_space<hbm>>
      %dma_wait3A_292 = arith.constant 64 : i32
      %dma_wait3A_293 = tpu.memref_slice %arg2[%arg0, %add3A_288, %dma_wait3A_292] : memref<2x320000x128xf32, #tpu.memory_space<hbm>> -> memref<1x160x64xf32, #tpu.memory_space<hbm>>
      %dma_wait3A_294 = tpu.memref_squeeze %dma_wait3A_293 : memref<1x160x64xf32, #tpu.memory_space<hbm>> -> memref<160x64xf32, #tpu.memory_space<hbm>>
      tpu.wait_dma2 semaphore(%arg16 : memref<!tpu.dma_semaphore, #tpu.memory_space<semaphore_mem>>) src(%dma_wait3A_294 : memref<160x64xf32, #tpu.memory_space<hbm>>) dst(%arg10 : memref<160x64xf32, #tpu.memory_space<vmem>>)
      %mul3A_295 = arith.constant 2 : i32
      %mul3A_296 = arith.muli %add3A_283, %mul3A_295 : i32
      %add3A_297 = arith.constant 0 : i32
      %add3A_298 = arith.addi %mul3A_296, %add3A_297 : i32
      "tpu.region"() ({
        %run_scoped3A_316 = tpu.sem_alloc : memref<!tpu.dma_semaphore, #tpu.memory_space<semaphore_mem>>
        %dma_start3A_317 = arith.constant 0 : i32
        %dma_start3A_318 = arith.constant 0 : i32
        %dma_start3A_319 = tpu.memref_slice %arg10[%dma_start3A_317, %dma_start3A_318] : memref<160x64xf32, #tpu.memory_space<vmem>> -> memref<80x64xf32, #tpu.memory_space<vmem>>
        %dma_start3A_320 = arith.constant 0 : i32
        %dma_start3A_321 = tpu.memref_slice %arg8[%add3A_298, %dma_start3A_320] : memref<250x80xi32, #tpu.memory_space<vmem>> -> memref<1x80xi32, #tpu.memory_space<vmem>>
        %dma_start3A_322 = tpu.memref_squeeze %dma_start3A_321 : memref<1x80xi32, #tpu.memory_space<vmem>> -> memref<80xi32, #tpu.memory_space<vmem>>
        %dma_start3A_323 = arith.constant 0 : i32
        %dma_start3A_324 = arith.constant 0 : i32
        %dma_start3A_325 = tpu.memref_slice %arg17[%dma_start3A_323, %dma_start3A_324] : memref<10000x64xf32, #tpu.memory_space<vmem_shared>> -> memref<10000x64xf32, #tpu.memory_space<vmem_shared>>
        tpu.enqueue_indirect_dma source(%dma_start3A_319 : memref<80x64xf32, #tpu.memory_space<vmem>>) target(%dma_start3A_325 : memref<10000x64xf32, #tpu.memory_space<vmem_shared>>) offsets(%dma_start3A_322 : memref<80xi32, #tpu.memory_space<vmem>>) semaphore(%run_scoped3A_316 : memref<!tpu.dma_semaphore, #tpu.memory_space<semaphore_mem>>) {add = true}
        %dma_wait3A_326 = arith.constant 0 : i32
        %dma_wait3A_327 = arith.constant 0 : i32
        %dma_wait3A_328 = tpu.memref_slice %arg10[%dma_wait3A_326, %dma_wait3A_327] : memref<160x64xf32, #tpu.memory_space<vmem>> -> memref<80x64xf32, #tpu.memory_space<vmem>>
        %dma_wait3A_329 = arith.constant 0 : i32
        %dma_wait3A_330 = tpu.memref_slice %arg8[%add3A_298, %dma_wait3A_329] : memref<250x80xi32, #tpu.memory_space<vmem>> -> memref<1x80xi32, #tpu.memory_space<vmem>>
        %dma_wait3A_331 = tpu.memref_squeeze %dma_wait3A_330 : memref<1x80xi32, #tpu.memory_space<vmem>> -> memref<80xi32, #tpu.memory_space<vmem>>
        %dma_wait3A_332 = arith.constant 0 : i32
        %dma_wait3A_333 = arith.constant 0 : i32
        %dma_wait3A_334 = tpu.memref_slice %arg17[%dma_wait3A_332, %dma_wait3A_333] : memref<10000x64xf32, #tpu.memory_space<vmem_shared>> -> memref<10000x64xf32, #tpu.memory_space<vmem_shared>>
        tpu.wait_indirect_dma semaphore(%run_scoped3A_316 : memref<!tpu.dma_semaphore, #tpu.memory_space<semaphore_mem>>) src(%dma_wait3A_328 : memref<80x64xf32, #tpu.memory_space<vmem>>) dst(%dma_wait3A_334 : memref<10000x64xf32, #tpu.memory_space<vmem_shared>>)
        tpu.yield
      }) : () -> ()
      %mul3A_299 = arith.constant 2 : i32
      %mul3A_300 = arith.muli %add3A_283, %mul3A_299 : i32
      %add3A_301 = arith.constant 1 : i32
      %add3A_302 = arith.addi %mul3A_300, %add3A_301 : i32
      "tpu.region"() ({
        %run_scoped3A_316 = tpu.sem_alloc : memref<!tpu.dma_semaphore, #tpu.memory_space<semaphore_mem>>
        %dma_start3A_317 = arith.constant 80 : i32
        %dma_start3A_318 = arith.constant 0 : i32
        %dma_start3A_319 = tpu.memref_slice %arg10[%dma_start3A_317, %dma_start3A_318] : memref<160x64xf32, #tpu.memory_space<vmem>> -> memref<80x64xf32, #tpu.memory_space<vmem>>
        %dma_start3A_320 = arith.constant 0 : i32
        %dma_start3A_321 = tpu.memref_slice %arg8[%add3A_302, %dma_start3A_320] : memref<250x80xi32, #tpu.memory_space<vmem>> -> memref<1x80xi32, #tpu.memory_space<vmem>>
        %dma_start3A_322 = tpu.memref_squeeze %dma_start3A_321 : memref<1x80xi32, #tpu.memory_space<vmem>> -> memref<80xi32, #tpu.memory_space<vmem>>
        %dma_start3A_323 = arith.constant 0 : i32
        %dma_start3A_324 = arith.constant 0 : i32
        %dma_start3A_325 = tpu.memref_slice %arg17[%dma_start3A_323, %dma_start3A_324] : memref<10000x64xf32, #tpu.memory_space<vmem_shared>> -> memref<10000x64xf32, #tpu.memory_space<vmem_shared>>
        tpu.enqueue_indirect_dma source(%dma_start3A_319 : memref<80x64xf32, #tpu.memory_space<vmem>>) target(%dma_start3A_325 : memref<10000x64xf32, #tpu.memory_space<vmem_shared>>) offsets(%dma_start3A_322 : memref<80xi32, #tpu.memory_space<vmem>>) semaphore(%run_scoped3A_316 : memref<!tpu.dma_semaphore, #tpu.memory_space<semaphore_mem>>) {add = true}
        %dma_wait3A_326 = arith.constant 80 : i32
        %dma_wait3A_327 = arith.constant 0 : i32
        %dma_wait3A_328 = tpu.memref_slice %arg10[%dma_wait3A_326, %dma_wait3A_327] : memref<160x64xf32, #tpu.memory_space<vmem>> -> memref<80x64xf32, #tpu.memory_space<vmem>>
        %dma_wait3A_329 = arith.constant 0 : i32
        %dma_wait3A_330 = tpu.memref_slice %arg8[%add3A_302, %dma_wait3A_329] : memref<250x80xi32, #tpu.memory_space<vmem>> -> memref<1x80xi32, #tpu.memory_space<vmem>>
        %dma_wait3A_331 = tpu.memref_squeeze %dma_wait3A_330 : memref<1x80xi32, #tpu.memory_space<vmem>> -> memref<80xi32, #tpu.memory_space<vmem>>
        %dma_wait3A_332 = arith.constant 0 : i32
        %dma_wait3A_333 = arith.constant 0 : i32
        %dma_wait3A_334 = tpu.memref_slice %arg17[%dma_wait3A_332, %dma_wait3A_333] : memref<10000x64xf32, #tpu.memory_space<vmem_shared>> -> memref<10000x64xf32, #tpu.memory_space<vmem_shared>>
        tpu.wait_indirect_dma semaphore(%run_scoped3A_316 : memref<!tpu.dma_semaphore, #tpu.memory_space<semaphore_mem>>) src(%dma_wait3A_328 : memref<80x64xf32, #tpu.memory_space<vmem>>) dst(%dma_wait3A_334 : memref<10000x64xf32, #tpu.memory_space<vmem_shared>>)
        tpu.yield
      }) : () -> ()
      %add3A_303 = arith.constant 2 : i32
      %add3A_304 = arith.addi %add3A_283, %add3A_303 : i32
      %mul3A_305 = arith.constant 20000 : i32
      %mul3A_306 = arith.muli %arg1, %mul3A_305 : i32
      %mul3A_307 = arith.constant 160 : i32
      %mul3A_308 = arith.muli %add3A_304, %mul3A_307 : i32
      %add3A_309 = arith.addi %mul3A_306, %mul3A_308 : i32
      %dma_start3A_310 = arith.constant 64 : i32
      %dma_start3A_311 = tpu.memref_slice %arg2[%arg0, %add3A_309, %dma_start3A_310] : memref<2x320000x128xf32, #tpu.memory_space<hbm>> -> memref<1x160x64xf32, #tpu.memory_space<hbm>>
      %dma_start3A_312 = tpu.memref_squeeze %dma_start3A_311 : memref<1x160x64xf32, #tpu.memory_space<hbm>> -> memref<160x64xf32, #tpu.memory_space<hbm>>
      %dma_start3A_313 = arith.constant 64 : i32
      %dma_start3A_314 = tpu.memref_slice %arg2[%arg0, %add3A_309, %dma_start3A_313] : memref<2x320000x128xf32, #tpu.memory_space<hbm>> -> memref<1x160x64xf32, #tpu.memory_space<hbm>>
      %dma_start3A_315 = tpu.memref_squeeze %dma_start3A_314 : memref<1x160x64xf32, #tpu.memory_space<hbm>> -> memref<160x64xf32, #tpu.memory_space<hbm>>
      tpu.enqueue_dma source(%dma_start3A_315 : memref<160x64xf32, #tpu.memory_space<hbm>>) target(%arg10 : memref<160x64xf32, #tpu.memory_space<vmem>>) target_semaphore(%arg16 : memref<!tpu.dma_semaphore, #tpu.memory_space<semaphore_mem>>)
    }
    %scan3A_154 = arith.constant 61 : i32
    %mul3A_155 = arith.constant 20000 : i32
    %mul3A_156 = arith.muli %arg1, %mul3A_155 : i32
    %add3A_157 = arith.constant 19520 : i32
    %add3A_158 = arith.addi %mul3A_156, %add3A_157 : i32
    %dma_wait3A_159 = arith.constant 64 : i32
    %dma_wait3A_160 = tpu.memref_slice %arg2[%arg0, %add3A_158, %dma_wait3A_159] : memref<2x320000x128xf32, #tpu.memory_space<hbm>> -> memref<1x160x64xf32, #tpu.memory_space<hbm>>
    %dma_wait3A_161 = tpu.memref_squeeze %dma_wait3A_160 : memref<1x160x64xf32, #tpu.memory_space<hbm>> -> memref<160x64xf32, #tpu.memory_space<hbm>>
    %dma_wait3A_162 = arith.constant 64 : i32
    %dma_wait3A_163 = tpu.memref_slice %arg2[%arg0, %add3A_158, %dma_wait3A_162] : memref<2x320000x128xf32, #tpu.memory_space<hbm>> -> memref<1x160x64xf32, #tpu.memory_space<hbm>>
    %dma_wait3A_164 = tpu.memref_squeeze %dma_wait3A_163 : memref<1x160x64xf32, #tpu.memory_space<hbm>> -> memref<160x64xf32, #tpu.memory_space<hbm>>
    tpu.wait_dma2 semaphore(%arg15 : memref<!tpu.dma_semaphore, #tpu.memory_space<semaphore_mem>>) src(%dma_wait3A_164 : memref<160x64xf32, #tpu.memory_space<hbm>>) dst(%arg9 : memref<160x64xf32, #tpu.memory_space<vmem>>)
    %run_scoped3A_165 = arith.constant 244 : i32
    "tpu.region"() ({
      %run_scoped3A_243 = tpu.sem_alloc : memref<!tpu.dma_semaphore, #tpu.memory_space<semaphore_mem>>
      %dma_start3A_244 = arith.constant 0 : i32
      %dma_start3A_245 = arith.constant 0 : i32
      %dma_start3A_246 = tpu.memref_slice %arg9[%dma_start3A_244, %dma_start3A_245] : memref<160x64xf32, #tpu.memory_space<vmem>> -> memref<80x64xf32, #tpu.memory_space<vmem>>
      %dma_start3A_247 = arith.constant 0 : i32
      %dma_start3A_248 = tpu.memref_slice %arg8[%run_scoped3A_165, %dma_start3A_247] : memref<250x80xi32, #tpu.memory_space<vmem>> -> memref<1x80xi32, #tpu.memory_space<vmem>>
      %dma_start3A_249 = tpu.memref_squeeze %dma_start3A_248 : memref<1x80xi32, #tpu.memory_space<vmem>> -> memref<80xi32, #tpu.memory_space<vmem>>
      %dma_start3A_250 = arith.constant 0 : i32
      %dma_start3A_251 = arith.constant 0 : i32
      %dma_start3A_252 = tpu.memref_slice %arg17[%dma_start3A_250, %dma_start3A_251] : memref<10000x64xf32, #tpu.memory_space<vmem_shared>> -> memref<10000x64xf32, #tpu.memory_space<vmem_shared>>
      tpu.enqueue_indirect_dma source(%dma_start3A_246 : memref<80x64xf32, #tpu.memory_space<vmem>>) target(%dma_start3A_252 : memref<10000x64xf32, #tpu.memory_space<vmem_shared>>) offsets(%dma_start3A_249 : memref<80xi32, #tpu.memory_space<vmem>>) semaphore(%run_scoped3A_243 : memref<!tpu.dma_semaphore, #tpu.memory_space<semaphore_mem>>) {add = true}
      %dma_wait3A_253 = arith.constant 0 : i32
      %dma_wait3A_254 = arith.constant 0 : i32
      %dma_wait3A_255 = tpu.memref_slice %arg9[%dma_wait3A_253, %dma_wait3A_254] : memref<160x64xf32, #tpu.memory_space<vmem>> -> memref<80x64xf32, #tpu.memory_space<vmem>>
      %dma_wait3A_256 = arith.constant 0 : i32
      %dma_wait3A_257 = tpu.memref_slice %arg8[%run_scoped3A_165, %dma_wait3A_256] : memref<250x80xi32, #tpu.memory_space<vmem>> -> memref<1x80xi32, #tpu.memory_space<vmem>>
      %dma_wait3A_258 = tpu.memref_squeeze %dma_wait3A_257 : memref<1x80xi32, #tpu.memory_space<vmem>> -> memref<80xi32, #tpu.memory_space<vmem>>
      %dma_wait3A_259 = arith.constant 0 : i32
      %dma_wait3A_260 = arith.constant 0 : i32
      %dma_wait3A_261 = tpu.memref_slice %arg17[%dma_wait3A_259, %dma_wait3A_260] : memref<10000x64xf32, #tpu.memory_space<vmem_shared>> -> memref<10000x64xf32, #tpu.memory_space<vmem_shared>>
      tpu.wait_indirect_dma semaphore(%run_scoped3A_243 : memref<!tpu.dma_semaphore, #tpu.memory_space<semaphore_mem>>) src(%dma_wait3A_255 : memref<80x64xf32, #tpu.memory_space<vmem>>) dst(%dma_wait3A_261 : memref<10000x64xf32, #tpu.memory_space<vmem_shared>>)
      tpu.yield
    }) : () -> ()
    %run_scoped3A_166 = arith.constant 245 : i32
    "tpu.region"() ({
      %run_scoped3A_243 = tpu.sem_alloc : memref<!tpu.dma_semaphore, #tpu.memory_space<semaphore_mem>>
      %dma_start3A_244 = arith.constant 80 : i32
      %dma_start3A_245 = arith.constant 0 : i32
      %dma_start3A_246 = tpu.memref_slice %arg9[%dma_start3A_244, %dma_start3A_245] : memref<160x64xf32, #tpu.memory_space<vmem>> -> memref<80x64xf32, #tpu.memory_space<vmem>>
      %dma_start3A_247 = arith.constant 0 : i32
      %dma_start3A_248 = tpu.memref_slice %arg8[%run_scoped3A_166, %dma_start3A_247] : memref<250x80xi32, #tpu.memory_space<vmem>> -> memref<1x80xi32, #tpu.memory_space<vmem>>
      %dma_start3A_249 = tpu.memref_squeeze %dma_start3A_248 : memref<1x80xi32, #tpu.memory_space<vmem>> -> memref<80xi32, #tpu.memory_space<vmem>>
      %dma_start3A_250 = arith.constant 0 : i32
      %dma_start3A_251 = arith.constant 0 : i32
      %dma_start3A_252 = tpu.memref_slice %arg17[%dma_start3A_250, %dma_start3A_251] : memref<10000x64xf32, #tpu.memory_space<vmem_shared>> -> memref<10000x64xf32, #tpu.memory_space<vmem_shared>>
      tpu.enqueue_indirect_dma source(%dma_start3A_246 : memref<80x64xf32, #tpu.memory_space<vmem>>) target(%dma_start3A_252 : memref<10000x64xf32, #tpu.memory_space<vmem_shared>>) offsets(%dma_start3A_249 : memref<80xi32, #tpu.memory_space<vmem>>) semaphore(%run_scoped3A_243 : memref<!tpu.dma_semaphore, #tpu.memory_space<semaphore_mem>>) {add = true}
      %dma_wait3A_253 = arith.constant 80 : i32
      %dma_wait3A_254 = arith.constant 0 : i32
      %dma_wait3A_255 = tpu.memref_slice %arg9[%dma_wait3A_253, %dma_wait3A_254] : memref<160x64xf32, #tpu.memory_space<vmem>> -> memref<80x64xf32, #tpu.memory_space<vmem>>
      %dma_wait3A_256 = arith.constant 0 : i32
      %dma_wait3A_257 = tpu.memref_slice %arg8[%run_scoped3A_166, %dma_wait3A_256] : memref<250x80xi32, #tpu.memory_space<vmem>> -> memref<1x80xi32, #tpu.memory_space<vmem>>
      %dma_wait3A_258 = tpu.memref_squeeze %dma_wait3A_257 : memref<1x80xi32, #tpu.memory_space<vmem>> -> memref<80xi32, #tpu.memory_space<vmem>>
      %dma_wait3A_259 = arith.constant 0 : i32
      %dma_wait3A_260 = arith.constant 0 : i32
      %dma_wait3A_261 = tpu.memref_slice %arg17[%dma_wait3A_259, %dma_wait3A_260] : memref<10000x64xf32, #tpu.memory_space<vmem_shared>> -> memref<10000x64xf32, #tpu.memory_space<vmem_shared>>
      tpu.wait_indirect_dma semaphore(%run_scoped3A_243 : memref<!tpu.dma_semaphore, #tpu.memory_space<semaphore_mem>>) src(%dma_wait3A_255 : memref<80x64xf32, #tpu.memory_space<vmem>>) dst(%dma_wait3A_261 : memref<10000x64xf32, #tpu.memory_space<vmem_shared>>)
      tpu.yield
    }) : () -> ()
    %mul3A_167 = arith.constant 20000 : i32
    %mul3A_168 = arith.muli %arg1, %mul3A_167 : i32
    %add3A_169 = arith.constant 19840 : i32
    %add3A_170 = arith.addi %mul3A_168, %add3A_169 : i32
    %dma_start3A_171 = arith.constant 64 : i32
    %dma_start3A_172 = tpu.memref_slice %arg2[%arg0, %add3A_170, %dma_start3A_171] : memref<2x320000x128xf32, #tpu.memory_space<hbm>> -> memref<1x160x64xf32, #tpu.memory_space<hbm>>
    %dma_start3A_173 = tpu.memref_squeeze %dma_start3A_172 : memref<1x160x64xf32, #tpu.memory_space<hbm>> -> memref<160x64xf32, #tpu.memory_space<hbm>>
    %dma_start3A_174 = arith.constant 64 : i32
    %dma_start3A_175 = tpu.memref_slice %arg2[%arg0, %add3A_170, %dma_start3A_174] : memref<2x320000x128xf32, #tpu.memory_space<hbm>> -> memref<1x160x64xf32, #tpu.memory_space<hbm>>
    %dma_start3A_176 = tpu.memref_squeeze %dma_start3A_175 : memref<1x160x64xf32, #tpu.memory_space<hbm>> -> memref<160x64xf32, #tpu.memory_space<hbm>>
    tpu.enqueue_dma source(%dma_start3A_176 : memref<160x64xf32, #tpu.memory_space<hbm>>) target(%arg9 : memref<160x64xf32, #tpu.memory_space<vmem>>) target_semaphore(%arg15 : memref<!tpu.dma_semaphore, #tpu.memory_space<semaphore_mem>>)
    %mul3A_177 = arith.constant 20000 : i32
    %mul3A_178 = arith.muli %arg1, %mul3A_177 : i32
    %add3A_179 = arith.constant 19680 : i32
    %add3A_180 = arith.addi %mul3A_178, %add3A_179 : i32
    %dma_wait3A_181 = arith.constant 64 : i32
    %dma_wait3A_182 = tpu.memref_slice %arg2[%arg0, %add3A_180, %dma_wait3A_181] : memref<2x320000x128xf32, #tpu.memory_space<hbm>> -> memref<1x160x64xf32, #tpu.memory_space<hbm>>
    %dma_wait3A_183 = tpu.memref_squeeze %dma_wait3A_182 : memref<1x160x64xf32, #tpu.memory_space<hbm>> -> memref<160x64xf32, #tpu.memory_space<hbm>>
    %dma_wait3A_184 = arith.constant 64 : i32
    %dma_wait3A_185 = tpu.memref_slice %arg2[%arg0, %add3A_180, %dma_wait3A_184] : memref<2x320000x128xf32, #tpu.memory_space<hbm>> -> memref<1x160x64xf32, #tpu.memory_space<hbm>>
    %dma_wait3A_186 = tpu.memref_squeeze %dma_wait3A_185 : memref<1x160x64xf32, #tpu.memory_space<hbm>> -> memref<160x64xf32, #tpu.memory_space<hbm>>
    tpu.wait_dma2 semaphore(%arg16 : memref<!tpu.dma_semaphore, #tpu.memory_space<semaphore_mem>>) src(%dma_wait3A_186 : memref<160x64xf32, #tpu.memory_space<hbm>>) dst(%arg10 : memref<160x64xf32, #tpu.memory_space<vmem>>)
    %run_scoped3A_187 = arith.constant 246 : i32
    "tpu.region"() ({
      %run_scoped3A_243 = tpu.sem_alloc : memref<!tpu.dma_semaphore, #tpu.memory_space<semaphore_mem>>
      %dma_start3A_244 = arith.constant 0 : i32
      %dma_start3A_245 = arith.constant 0 : i32
      %dma_start3A_246 = tpu.memref_slice %arg10[%dma_start3A_244, %dma_start3A_245] : memref<160x64xf32, #tpu.memory_space<vmem>> -> memref<80x64xf32, #tpu.memory_space<vmem>>
      %dma_start3A_247 = arith.constant 0 : i32
      %dma_start3A_248 = tpu.memref_slice %arg8[%run_scoped3A_187, %dma_start3A_247] : memref<250x80xi32, #tpu.memory_space<vmem>> -> memref<1x80xi32, #tpu.memory_space<vmem>>
      %dma_start3A_249 = tpu.memref_squeeze %dma_start3A_248 : memref<1x80xi32, #tpu.memory_space<vmem>> -> memref<80xi32, #tpu.memory_space<vmem>>
      %dma_start3A_250 = arith.constant 0 : i32
      %dma_start3A_251 = arith.constant 0 : i32
      %dma_start3A_252 = tpu.memref_slice %arg17[%dma_start3A_250, %dma_start3A_251] : memref<10000x64xf32, #tpu.memory_space<vmem_shared>> -> memref<10000x64xf32, #tpu.memory_space<vmem_shared>>
      tpu.enqueue_indirect_dma source(%dma_start3A_246 : memref<80x64xf32, #tpu.memory_space<vmem>>) target(%dma_start3A_252 : memref<10000x64xf32, #tpu.memory_space<vmem_shared>>) offsets(%dma_start3A_249 : memref<80xi32, #tpu.memory_space<vmem>>) semaphore(%run_scoped3A_243 : memref<!tpu.dma_semaphore, #tpu.memory_space<semaphore_mem>>) {add = true}
      %dma_wait3A_253 = arith.constant 0 : i32
      %dma_wait3A_254 = arith.constant 0 : i32
      %dma_wait3A_255 = tpu.memref_slice %arg10[%dma_wait3A_253, %dma_wait3A_254] : memref<160x64xf32, #tpu.memory_space<vmem>> -> memref<80x64xf32, #tpu.memory_space<vmem>>
      %dma_wait3A_256 = arith.constant 0 : i32
      %dma_wait3A_257 = tpu.memref_slice %arg8[%run_scoped3A_187, %dma_wait3A_256] : memref<250x80xi32, #tpu.memory_space<vmem>> -> memref<1x80xi32, #tpu.memory_space<vmem>>
      %dma_wait3A_258 = tpu.memref_squeeze %dma_wait3A_257 : memref<1x80xi32, #tpu.memory_space<vmem>> -> memref<80xi32, #tpu.memory_space<vmem>>
      %dma_wait3A_259 = arith.constant 0 : i32
      %dma_wait3A_260 = arith.constant 0 : i32
      %dma_wait3A_261 = tpu.memref_slice %arg17[%dma_wait3A_259, %dma_wait3A_260] : memref<10000x64xf32, #tpu.memory_space<vmem_shared>> -> memref<10000x64xf32, #tpu.memory_space<vmem_shared>>
      tpu.wait_indirect_dma semaphore(%run_scoped3A_243 : memref<!tpu.dma_semaphore, #tpu.memory_space<semaphore_mem>>) src(%dma_wait3A_255 : memref<80x64xf32, #tpu.memory_space<vmem>>) dst(%dma_wait3A_261 : memref<10000x64xf32, #tpu.memory_space<vmem_shared>>)
      tpu.yield
    }) : () -> ()
    %run_scoped3A_188 = arith.constant 247 : i32
    "tpu.region"() ({
      %run_scoped3A_243 = tpu.sem_alloc : memref<!tpu.dma_semaphore, #tpu.memory_space<semaphore_mem>>
      %dma_start3A_244 = arith.constant 80 : i32
      %dma_start3A_245 = arith.constant 0 : i32
      %dma_start3A_246 = tpu.memref_slice %arg10[%dma_start3A_244, %dma_start3A_245] : memref<160x64xf32, #tpu.memory_space<vmem>> -> memref<80x64xf32, #tpu.memory_space<vmem>>
      %dma_start3A_247 = arith.constant 0 : i32
      %dma_start3A_248 = tpu.memref_slice %arg8[%run_scoped3A_188, %dma_start3A_247] : memref<250x80xi32, #tpu.memory_space<vmem>> -> memref<1x80xi32, #tpu.memory_space<vmem>>
      %dma_start3A_249 = tpu.memref_squeeze %dma_start3A_248 : memref<1x80xi32, #tpu.memory_space<vmem>> -> memref<80xi32, #tpu.memory_space<vmem>>
      %dma_start3A_250 = arith.constant 0 : i32
      %dma_start3A_251 = arith.constant 0 : i32
      %dma_start3A_252 = tpu.memref_slice %arg17[%dma_start3A_250, %dma_start3A_251] : memref<10000x64xf32, #tpu.memory_space<vmem_shared>> -> memref<10000x64xf32, #tpu.memory_space<vmem_shared>>
      tpu.enqueue_indirect_dma source(%dma_start3A_246 : memref<80x64xf32, #tpu.memory_space<vmem>>) target(%dma_start3A_252 : memref<10000x64xf32, #tpu.memory_space<vmem_shared>>) offsets(%dma_start3A_249 : memref<80xi32, #tpu.memory_space<vmem>>) semaphore(%run_scoped3A_243 : memref<!tpu.dma_semaphore, #tpu.memory_space<semaphore_mem>>) {add = true}
      %dma_wait3A_253 = arith.constant 80 : i32
      %dma_wait3A_254 = arith.constant 0 : i32
      %dma_wait3A_255 = tpu.memref_slice %arg10[%dma_wait3A_253, %dma_wait3A_254] : memref<160x64xf32, #tpu.memory_space<vmem>> -> memref<80x64xf32, #tpu.memory_space<vmem>>
      %dma_wait3A_256 = arith.constant 0 : i32
      %dma_wait3A_257 = tpu.memref_slice %arg8[%run_scoped3A_188, %dma_wait3A_256] : memref<250x80xi32, #tpu.memory_space<vmem>> -> memref<1x80xi32, #tpu.memory_space<vmem>>
      %dma_wait3A_258 = tpu.memref_squeeze %dma_wait3A_257 : memref<1x80xi32, #tpu.memory_space<vmem>> -> memref<80xi32, #tpu.memory_space<vmem>>
      %dma_wait3A_259 = arith.constant 0 : i32
      %dma_wait3A_260 = arith.constant 0 : i32
      %dma_wait3A_261 = tpu.memref_slice %arg17[%dma_wait3A_259, %dma_wait3A_260] : memref<10000x64xf32, #tpu.memory_space<vmem_shared>> -> memref<10000x64xf32, #tpu.memory_space<vmem_shared>>
      tpu.wait_indirect_dma semaphore(%run_scoped3A_243 : memref<!tpu.dma_semaphore, #tpu.memory_space<semaphore_mem>>) src(%dma_wait3A_255 : memref<80x64xf32, #tpu.memory_space<vmem>>) dst(%dma_wait3A_261 : memref<10000x64xf32, #tpu.memory_space<vmem_shared>>)
      tpu.yield
    }) : () -> ()
    %mul3A_189 = arith.constant 20000 : i32
    %mul3A_190 = arith.muli %arg1, %mul3A_189 : i32
    %add3A_191 = arith.constant 19840 : i32
    %add3A_192 = arith.addi %mul3A_190, %add3A_191 : i32
    %dma_wait3A_193 = arith.constant 64 : i32
    %dma_wait3A_194 = tpu.memref_slice %arg2[%arg0, %add3A_192, %dma_wait3A_193] : memref<2x320000x128xf32, #tpu.memory_space<hbm>> -> memref<1x160x64xf32, #tpu.memory_space<hbm>>
    %dma_wait3A_195 = tpu.memref_squeeze %dma_wait3A_194 : memref<1x160x64xf32, #tpu.memory_space<hbm>> -> memref<160x64xf32, #tpu.memory_space<hbm>>
    %dma_wait3A_196 = arith.constant 64 : i32
    %dma_wait3A_197 = tpu.memref_slice %arg2[%arg0, %add3A_192, %dma_wait3A_196] : memref<2x320000x128xf32, #tpu.memory_space<hbm>> -> memref<1x160x64xf32, #tpu.memory_space<hbm>>
    %dma_wait3A_198 = tpu.memref_squeeze %dma_wait3A_197 : memref<1x160x64xf32, #tpu.memory_space<hbm>> -> memref<160x64xf32, #tpu.memory_space<hbm>>
    tpu.wait_dma2 semaphore(%arg15 : memref<!tpu.dma_semaphore, #tpu.memory_space<semaphore_mem>>) src(%dma_wait3A_198 : memref<160x64xf32, #tpu.memory_space<hbm>>) dst(%arg9 : memref<160x64xf32, #tpu.memory_space<vmem>>)
    %run_scoped3A_199 = arith.constant 248 : i32
    "tpu.region"() ({
      %run_scoped3A_243 = tpu.sem_alloc : memref<!tpu.dma_semaphore, #tpu.memory_space<semaphore_mem>>
      %dma_start3A_244 = arith.constant 0 : i32
      %dma_start3A_245 = arith.constant 0 : i32
      %dma_start3A_246 = tpu.memref_slice %arg9[%dma_start3A_244, %dma_start3A_245] : memref<160x64xf32, #tpu.memory_space<vmem>> -> memref<80x64xf32, #tpu.memory_space<vmem>>
      %dma_start3A_247 = arith.constant 0 : i32
      %dma_start3A_248 = tpu.memref_slice %arg8[%run_scoped3A_199, %dma_start3A_247] : memref<250x80xi32, #tpu.memory_space<vmem>> -> memref<1x80xi32, #tpu.memory_space<vmem>>
      %dma_start3A_249 = tpu.memref_squeeze %dma_start3A_248 : memref<1x80xi32, #tpu.memory_space<vmem>> -> memref<80xi32, #tpu.memory_space<vmem>>
      %dma_start3A_250 = arith.constant 0 : i32
      %dma_start3A_251 = arith.constant 0 : i32
      %dma_start3A_252 = tpu.memref_slice %arg17[%dma_start3A_250, %dma_start3A_251] : memref<10000x64xf32, #tpu.memory_space<vmem_shared>> -> memref<10000x64xf32, #tpu.memory_space<vmem_shared>>
      tpu.enqueue_indirect_dma source(%dma_start3A_246 : memref<80x64xf32, #tpu.memory_space<vmem>>) target(%dma_start3A_252 : memref<10000x64xf32, #tpu.memory_space<vmem_shared>>) offsets(%dma_start3A_249 : memref<80xi32, #tpu.memory_space<vmem>>) semaphore(%run_scoped3A_243 : memref<!tpu.dma_semaphore, #tpu.memory_space<semaphore_mem>>) {add = true}
      %dma_wait3A_253 = arith.constant 0 : i32
      %dma_wait3A_254 = arith.constant 0 : i32
      %dma_wait3A_255 = tpu.memref_slice %arg9[%dma_wait3A_253, %dma_wait3A_254] : memref<160x64xf32, #tpu.memory_space<vmem>> -> memref<80x64xf32, #tpu.memory_space<vmem>>
      %dma_wait3A_256 = arith.constant 0 : i32
      %dma_wait3A_257 = tpu.memref_slice %arg8[%run_scoped3A_199, %dma_wait3A_256] : memref<250x80xi32, #tpu.memory_space<vmem>> -> memref<1x80xi32, #tpu.memory_space<vmem>>
      %dma_wait3A_258 = tpu.memref_squeeze %dma_wait3A_257 : memref<1x80xi32, #tpu.memory_space<vmem>> -> memref<80xi32, #tpu.memory_space<vmem>>
      %dma_wait3A_259 = arith.constant 0 : i32
      %dma_wait3A_260 = arith.constant 0 : i32
      %dma_wait3A_261 = tpu.memref_slice %arg17[%dma_wait3A_259, %dma_wait3A_260] : memref<10000x64xf32, #tpu.memory_space<vmem_shared>> -> memref<10000x64xf32, #tpu.memory_space<vmem_shared>>
      tpu.wait_indirect_dma semaphore(%run_scoped3A_243 : memref<!tpu.dma_semaphore, #tpu.memory_space<semaphore_mem>>) src(%dma_wait3A_255 : memref<80x64xf32, #tpu.memory_space<vmem>>) dst(%dma_wait3A_261 : memref<10000x64xf32, #tpu.memory_space<vmem_shared>>)
      tpu.yield
    }) : () -> ()
    %run_scoped3A_200 = arith.constant 249 : i32
    "tpu.region"() ({
      %run_scoped3A_243 = tpu.sem_alloc : memref<!tpu.dma_semaphore, #tpu.memory_space<semaphore_mem>>
      %dma_start3A_244 = arith.constant 80 : i32
      %dma_start3A_245 = arith.constant 0 : i32
      %dma_start3A_246 = tpu.memref_slice %arg9[%dma_start3A_244, %dma_start3A_245] : memref<160x64xf32, #tpu.memory_space<vmem>> -> memref<80x64xf32, #tpu.memory_space<vmem>>
      %dma_start3A_247 = arith.constant 0 : i32
      %dma_start3A_248 = tpu.memref_slice %arg8[%run_scoped3A_200, %dma_start3A_247] : memref<250x80xi32, #tpu.memory_space<vmem>> -> memref<1x80xi32, #tpu.memory_space<vmem>>
      %dma_start3A_249 = tpu.memref_squeeze %dma_start3A_248 : memref<1x80xi32, #tpu.memory_space<vmem>> -> memref<80xi32, #tpu.memory_space<vmem>>
      %dma_start3A_250 = arith.constant 0 : i32
      %dma_start3A_251 = arith.constant 0 : i32
      %dma_start3A_252 = tpu.memref_slice %arg17[%dma_start3A_250, %dma_start3A_251] : memref<10000x64xf32, #tpu.memory_space<vmem_shared>> -> memref<10000x64xf32, #tpu.memory_space<vmem_shared>>
      tpu.enqueue_indirect_dma source(%dma_start3A_246 : memref<80x64xf32, #tpu.memory_space<vmem>>) target(%dma_start3A_252 : memref<10000x64xf32, #tpu.memory_space<vmem_shared>>) offsets(%dma_start3A_249 : memref<80xi32, #tpu.memory_space<vmem>>) semaphore(%run_scoped3A_243 : memref<!tpu.dma_semaphore, #tpu.memory_space<semaphore_mem>>) {add = true}
      %dma_wait3A_253 = arith.constant 80 : i32
      %dma_wait3A_254 = arith.constant 0 : i32
      %dma_wait3A_255 = tpu.memref_slice %arg9[%dma_wait3A_253, %dma_wait3A_254] : memref<160x64xf32, #tpu.memory_space<vmem>> -> memref<80x64xf32, #tpu.memory_space<vmem>>
      %dma_wait3A_256 = arith.constant 0 : i32
      %dma_wait3A_257 = tpu.memref_slice %arg8[%run_scoped3A_200, %dma_wait3A_256] : memref<250x80xi32, #tpu.memory_space<vmem>> -> memref<1x80xi32, #tpu.memory_space<vmem>>
      %dma_wait3A_258 = tpu.memref_squeeze %dma_wait3A_257 : memref<1x80xi32, #tpu.memory_space<vmem>> -> memref<80xi32, #tpu.memory_space<vmem>>
      %dma_wait3A_259 = arith.constant 0 : i32
      %dma_wait3A_260 = arith.constant 0 : i32
      %dma_wait3A_261 = tpu.memref_slice %arg17[%dma_wait3A_259, %dma_wait3A_260] : memref<10000x64xf32, #tpu.memory_space<vmem_shared>> -> memref<10000x64xf32, #tpu.memory_space<vmem_shared>>
      tpu.wait_indirect_dma semaphore(%run_scoped3A_243 : memref<!tpu.dma_semaphore, #tpu.memory_space<semaphore_mem>>) src(%dma_wait3A_255 : memref<80x64xf32, #tpu.memory_space<vmem>>) dst(%dma_wait3A_261 : memref<10000x64xf32, #tpu.memory_space<vmem_shared>>)
      tpu.yield
    }) : () -> ()
    %barrier3A_201 = arith.constant 0 : index
    tpu.barrier barrier_id(%barrier3A_201)
    %add3A_202 = arith.constant 0 : i32
    %add3A_203 = arith.addi %mul3A_2, %add3A_202 : i32
    "tpu.region"() ({
      %run_scoped3A_243 = tpu.sem_alloc : memref<!tpu.dma_semaphore, #tpu.memory_space<semaphore_mem>>
      %dma_start3A_244 = arith.constant 0 : i32
      %dma_start3A_245 = tpu.memref_slice %arg17[%add3A_203, %dma_start3A_244] : memref<10000x64xf32, #tpu.memory_space<vmem_shared>> -> memref<125x64xf32, #tpu.memory_space<vmem_shared>>
      %dma_start3A_246 = arith.constant 0 : i32
      %dma_start3A_247 = tpu.memref_slice %arg17[%add3A_203, %dma_start3A_246] : memref<10000x64xf32, #tpu.memory_space<vmem_shared>> -> memref<125x64xf32, #tpu.memory_space<vmem_shared>>
      tpu.enqueue_dma source(%dma_start3A_247 : memref<125x64xf32, #tpu.memory_space<vmem_shared>>) target(%arg12 : memref<125x64xf32, #tpu.memory_space<vmem>>) target_semaphore(%run_scoped3A_243 : memref<!tpu.dma_semaphore, #tpu.memory_space<semaphore_mem>>)
      %dma_wait3A_248 = arith.constant 0 : i32
      %dma_wait3A_249 = tpu.memref_slice %arg17[%add3A_203, %dma_wait3A_248] : memref<10000x64xf32, #tpu.memory_space<vmem_shared>> -> memref<125x64xf32, #tpu.memory_space<vmem_shared>>
      %dma_wait3A_250 = arith.constant 0 : i32
      %dma_wait3A_251 = tpu.memref_slice %arg17[%add3A_203, %dma_wait3A_250] : memref<10000x64xf32, #tpu.memory_space<vmem_shared>> -> memref<125x64xf32, #tpu.memory_space<vmem_shared>>
      tpu.wait_dma2 semaphore(%run_scoped3A_243 : memref<!tpu.dma_semaphore, #tpu.memory_space<semaphore_mem>>) src(%dma_wait3A_251 : memref<125x64xf32, #tpu.memory_space<vmem_shared>>) dst(%arg12 : memref<125x64xf32, #tpu.memory_space<vmem>>)
      tpu.yield
    }) : () -> ()
    "tpu.region"() ({
      %run_scoped3A_243 = tpu.sem_alloc : memref<!tpu.dma_semaphore, #tpu.memory_space<semaphore_mem>>
      %dma_start3A_244 = arith.constant 0 : i32
      %dma_start3A_245 = tpu.memref_slice %arg18[%add3A_203, %dma_start3A_244] : memref<10000x16xf32, #tpu.memory_space<vmem_shared>> -> memref<125x16xf32, #tpu.memory_space<vmem_shared>>
      %dma_start3A_246 = arith.constant 0 : i32
      %dma_start3A_247 = tpu.memref_slice %arg18[%add3A_203, %dma_start3A_246] : memref<10000x16xf32, #tpu.memory_space<vmem_shared>> -> memref<125x16xf32, #tpu.memory_space<vmem_shared>>
      tpu.enqueue_dma source(%dma_start3A_247 : memref<125x16xf32, #tpu.memory_space<vmem_shared>>) target(%arg13 : memref<125x16xf32, #tpu.memory_space<vmem>>) target_semaphore(%run_scoped3A_243 : memref<!tpu.dma_semaphore, #tpu.memory_space<semaphore_mem>>)
      %dma_wait3A_248 = arith.constant 0 : i32
      %dma_wait3A_249 = tpu.memref_slice %arg18[%add3A_203, %dma_wait3A_248] : memref<10000x16xf32, #tpu.memory_space<vmem_shared>> -> memref<125x16xf32, #tpu.memory_space<vmem_shared>>
      %dma_wait3A_250 = arith.constant 0 : i32
      %dma_wait3A_251 = tpu.memref_slice %arg18[%add3A_203, %dma_wait3A_250] : memref<10000x16xf32, #tpu.memory_space<vmem_shared>> -> memref<125x16xf32, #tpu.memory_space<vmem_shared>>
      tpu.wait_dma2 semaphore(%run_scoped3A_243 : memref<!tpu.dma_semaphore, #tpu.memory_space<semaphore_mem>>) src(%dma_wait3A_251 : memref<125x16xf32, #tpu.memory_space<vmem_shared>>) dst(%arg13 : memref<125x16xf32, #tpu.memory_space<vmem>>)
      tpu.yield
    }) : () -> ()
    "tpu.region"() ({
      %run_scoped3A_243 = tpu.sem_alloc : memref<!tpu.dma_semaphore, #tpu.memory_space<semaphore_mem>>
      %dma_start3A_244 = arith.constant 64 : i32
      %dma_start3A_245 = tpu.memref_slice %arg4[%arg0, %add3A_203, %dma_start3A_244] : memref<2x10000x128xf32, #tpu.memory_space<hbm>> -> memref<1x125x64xf32, #tpu.memory_space<hbm>>
      %dma_start3A_246 = tpu.memref_squeeze %dma_start3A_245 : memref<1x125x64xf32, #tpu.memory_space<hbm>> -> memref<125x64xf32, #tpu.memory_space<hbm>>
      %dma_start3A_247 = arith.constant 64 : i32
      %dma_start3A_248 = tpu.memref_slice %arg4[%arg0, %add3A_203, %dma_start3A_247] : memref<2x10000x128xf32, #tpu.memory_space<hbm>> -> memref<1x125x64xf32, #tpu.memory_space<hbm>>
      %dma_start3A_249 = tpu.memref_squeeze %dma_start3A_248 : memref<1x125x64xf32, #tpu.memory_space<hbm>> -> memref<125x64xf32, #tpu.memory_space<hbm>>
      tpu.enqueue_dma source(%dma_start3A_249 : memref<125x64xf32, #tpu.memory_space<hbm>>) target(%arg14 : memref<125x64xf32, #tpu.memory_space<vmem>>) target_semaphore(%run_scoped3A_243 : memref<!tpu.dma_semaphore, #tpu.memory_space<semaphore_mem>>)
      %dma_wait3A_250 = arith.constant 64 : i32
      %dma_wait3A_251 = tpu.memref_slice %arg4[%arg0, %add3A_203, %dma_wait3A_250] : memref<2x10000x128xf32, #tpu.memory_space<hbm>> -> memref<1x125x64xf32, #tpu.memory_space<hbm>>
      %dma_wait3A_252 = tpu.memref_squeeze %dma_wait3A_251 : memref<1x125x64xf32, #tpu.memory_space<hbm>> -> memref<125x64xf32, #tpu.memory_space<hbm>>
      %dma_wait3A_253 = arith.constant 64 : i32
      %dma_wait3A_254 = tpu.memref_slice %arg4[%arg0, %add3A_203, %dma_wait3A_253] : memref<2x10000x128xf32, #tpu.memory_space<hbm>> -> memref<1x125x64xf32, #tpu.memory_space<hbm>>
      %dma_wait3A_255 = tpu.memref_squeeze %dma_wait3A_254 : memref<1x125x64xf32, #tpu.memory_space<hbm>> -> memref<125x64xf32, #tpu.memory_space<hbm>>
      tpu.wait_dma2 semaphore(%run_scoped3A_243 : memref<!tpu.dma_semaphore, #tpu.memory_space<semaphore_mem>>) src(%dma_wait3A_255 : memref<125x64xf32, #tpu.memory_space<hbm>>) dst(%arg14 : memref<125x64xf32, #tpu.memory_space<vmem>>)
      tpu.yield
    }) : () -> ()
    %scan3A_204 = arith.constant 0 : i32
    %scan3A_205 = arith.constant 0 : i32
    %scan3A_206 = arith.constant 125 : i32
    %scan3A_207 = arith.addi %scan3A_205, %scan3A_206 : i32
    %scan3A_208 = arith.constant 1 : i32
    scf.for %scan3A_243 = %scan3A_205 to %scan3A_207 step %scan3A_208  : i32 {
      %get3A = arith.index_cast %scan3A_243 : i32 to index
      %get3A_244 = arith.constant 0 : index
      %get3A_245 = tpu.vector_load %arg13[%get3A, %get3A_244] {strides = array<i32>} : memref<125x16xf32, #tpu.memory_space<vmem>>, vector<1x16xf32>,
      %get3A_246 = vector.shape_cast %get3A_245 : vector<1x16xf32> to vector<16xf32>
      %broadcast_in_dim3A_247 = arith.constant 0 : i32
      %broadcast_in_dim3A_248 = vector.broadcast %broadcast_in_dim3A_247 : i32 to vector<16xi32>
      %lt3A = arith.constant 0 : i32
      %lt3A_249 = vector.broadcast %lt3A : i32 to vector<16xi32>
      %lt3A_250 = arith.cmpi slt, %broadcast_in_dim3A_248, %lt3A_249 : vector<16xi32>
      %add3A_251 = arith.constant 16 : i32
      %add3A_252 = vector.broadcast %add3A_251 : i32 to vector<16xi32>
      %add3A_253 = arith.addi %broadcast_in_dim3A_248, %add3A_252 : vector<16xi32>
      %select_n3A_254 = arith.select %lt3A_250, %add3A_253, %broadcast_in_dim3A_248 : vector<16xi1>, vector<16xi32>
      %broadcast_in_dim3A_255 = vector.shape_cast %select_n3A_254 : vector<16xi32> to vector<16x1xi32>
      %gather3A = vector.shape_cast %broadcast_in_dim3A_255 : vector<16x1xi32> to vector<16xi32>
      %gather3A_256 = tpu.dynamic_gather %get3A_246[%gather3A] in [0] : vector<16xf32>, vector<16xi32> -> vector<16xf32>
      %add3A_257 = arith.constant 1.000000e+00 : f32
      %add3A_258 = vector.broadcast %add3A_257 : f32 to vector<16xf32>
      %add3A_259 = arith.addf %add3A_258, %gather3A_256 : vector<16xf32>
      %mul3A_260 = arith.mulf %add3A_259, %gather3A_256 : vector<16xf32>
      %div3A = arith.constant 1.000000e+00 : f32
      %div3A_261 = vector.broadcast %div3A : f32 to vector<16xf32>
      %div3A_262 = arith.divf %div3A_261, %mul3A_260 : vector<16xf32>
      %get3A_263 = arith.index_cast %scan3A_243 : i32 to index
      %get3A_264 = arith.constant 0 : index
      %get3A_265 = tpu.vector_load %arg12[%get3A_263, %get3A_264] {strides = array<i32>} : memref<125x64xf32, #tpu.memory_space<vmem>>, vector<1x16xf32>,
      %get3A_266 = vector.shape_cast %get3A_265 : vector<1x16xf32> to vector<16xf32>
      %mul3A_267 = arith.mulf %get3A_266, %div3A_262 : vector<16xf32>
      %get3A_268 = arith.index_cast %scan3A_243 : i32 to index
      %get3A_269 = arith.constant 0 : index
      %get3A_270 = tpu.vector_load %arg14[%get3A_268, %get3A_269] {strides = array<i32>} : memref<125x64xf32, #tpu.memory_space<vmem>>, vector<1x16xf32>,
      %get3A_271 = vector.shape_cast %get3A_270 : vector<1x16xf32> to vector<16xf32>
      %add3A_272 = arith.addf %mul3A_267, %get3A_271 : vector<16xf32>
      %swap3A = arith.index_cast %scan3A_243 : i32 to index
      %swap3A_273 = arith.constant 0 : index
      %swap3A_274 = tpu.vector_load %arg14[%swap3A, %swap3A_273] {strides = array<i32>} : memref<125x64xf32, #tpu.memory_space<vmem>>, vector<1x16xf32>,
      %swap3A_275 = vector.shape_cast %swap3A_274 : vector<1x16xf32> to vector<16xf32>
      %swap3A_276 = vector.shape_cast %add3A_272 : vector<16xf32> to vector<1x16xf32>
      tpu.vector_store %arg14[%swap3A, %swap3A_273], %swap3A_276 {strides = array<i32>} : memref<125x64xf32, #tpu.memory_space<vmem>>, vector<1x16xf32>,
      %get3A_277 = arith.index_cast %scan3A_243 : i32 to index
      %get3A_278 = arith.constant 16 : index
      %get3A_279 = tpu.vector_load %arg12[%get3A_277, %get3A_278] {strides = array<i32>} : memref<125x64xf32, #tpu.memory_space<vmem>>, vector<1x16xf32>,
      %get3A_280 = vector.shape_cast %get3A_279 : vector<1x16xf32> to vector<16xf32>
      %mul3A_281 = arith.mulf %get3A_280, %div3A_262 : vector<16xf32>
      %get3A_282 = arith.index_cast %scan3A_243 : i32 to index
      %get3A_283 = arith.constant 16 : index
      %get3A_284 = tpu.vector_load %arg14[%get3A_282, %get3A_283] {strides = array<i32>} : memref<125x64xf32, #tpu.memory_space<vmem>>, vector<1x16xf32>,
      %get3A_285 = vector.shape_cast %get3A_284 : vector<1x16xf32> to vector<16xf32>
      %add3A_286 = arith.addf %mul3A_281, %get3A_285 : vector<16xf32>
      %swap3A_287 = arith.index_cast %scan3A_243 : i32 to index
      %swap3A_288 = arith.constant 16 : index
      %swap3A_289 = tpu.vector_load %arg14[%swap3A_287, %swap3A_288] {strides = array<i32>} : memref<125x64xf32, #tpu.memory_space<vmem>>, vector<1x16xf32>,
      %swap3A_290 = vector.shape_cast %swap3A_289 : vector<1x16xf32> to vector<16xf32>
      %swap3A_291 = vector.shape_cast %add3A_286 : vector<16xf32> to vector<1x16xf32>
      tpu.vector_store %arg14[%swap3A_287, %swap3A_288], %swap3A_291 {strides = array<i32>} : memref<125x64xf32, #tpu.memory_space<vmem>>, vector<1x16xf32>,
      %get3A_292 = arith.index_cast %scan3A_243 : i32 to index
      %get3A_293 = arith.constant 32 : index
      %get3A_294 = tpu.vector_load %arg12[%get3A_292, %get3A_293] {strides = array<i32>} : memref<125x64xf32, #tpu.memory_space<vmem>>, vector<1x16xf32>,
      %get3A_295 = vector.shape_cast %get3A_294 : vector<1x16xf32> to vector<16xf32>
      %mul3A_296 = arith.mulf %get3A_295, %div3A_262 : vector<16xf32>
      %get3A_297 = arith.index_cast %scan3A_243 : i32 to index
      %get3A_298 = arith.constant 32 : index
      %get3A_299 = tpu.vector_load %arg14[%get3A_297, %get3A_298] {strides = array<i32>} : memref<125x64xf32, #tpu.memory_space<vmem>>, vector<1x16xf32>,
      %get3A_300 = vector.shape_cast %get3A_299 : vector<1x16xf32> to vector<16xf32>
      %add3A_301 = arith.addf %mul3A_296, %get3A_300 : vector<16xf32>
      %swap3A_302 = arith.index_cast %scan3A_243 : i32 to index
      %swap3A_303 = arith.constant 32 : index
      %swap3A_304 = tpu.vector_load %arg14[%swap3A_302, %swap3A_303] {strides = array<i32>} : memref<125x64xf32, #tpu.memory_space<vmem>>, vector<1x16xf32>,
      %swap3A_305 = vector.shape_cast %swap3A_304 : vector<1x16xf32> to vector<16xf32>
      %swap3A_306 = vector.shape_cast %add3A_301 : vector<16xf32> to vector<1x16xf32>
      tpu.vector_store %arg14[%swap3A_302, %swap3A_303], %swap3A_306 {strides = array<i32>} : memref<125x64xf32, #tpu.memory_space<vmem>>, vector<1x16xf32>,
      %get3A_307 = arith.index_cast %scan3A_243 : i32 to index
      %get3A_308 = arith.constant 48 : index
      %get3A_309 = tpu.vector_load %arg12[%get3A_307, %get3A_308] {strides = array<i32>} : memref<125x64xf32, #tpu.memory_space<vmem>>, vector<1x16xf32>,
      %get3A_310 = vector.shape_cast %get3A_309 : vector<1x16xf32> to vector<16xf32>
      %mul3A_311 = arith.mulf %get3A_310, %div3A_262 : vector<16xf32>
      %get3A_312 = arith.index_cast %scan3A_243 : i32 to index
      %get3A_313 = arith.constant 48 : index
      %get3A_314 = tpu.vector_load %arg14[%get3A_312, %get3A_313] {strides = array<i32>} : memref<125x64xf32, #tpu.memory_space<vmem>>, vector<1x16xf32>,
      %get3A_315 = vector.shape_cast %get3A_314 : vector<1x16xf32> to vector<16xf32>
      %add3A_316 = arith.addf %mul3A_311, %get3A_315 : vector<16xf32>
      %swap3A_317 = arith.index_cast %scan3A_243 : i32 to index
      %swap3A_318 = arith.constant 48 : index
      %swap3A_319 = tpu.vector_load %arg14[%swap3A_317, %swap3A_318] {strides = array<i32>} : memref<125x64xf32, #tpu.memory_space<vmem>>, vector<1x16xf32>,
      %swap3A_320 = vector.shape_cast %swap3A_319 : vector<1x16xf32> to vector<16xf32>
      %swap3A_321 = vector.shape_cast %add3A_316 : vector<16xf32> to vector<1x16xf32>
      tpu.vector_store %arg14[%swap3A_317, %swap3A_318], %swap3A_321 {strides = array<i32>} : memref<125x64xf32, #tpu.memory_space<vmem>>, vector<1x16xf32>,
    }
    %scan3A_209 = arith.constant 125 : i32
    "tpu.region"() ({
      %run_scoped3A_243 = tpu.sem_alloc : memref<!tpu.dma_semaphore, #tpu.memory_space<semaphore_mem>>
      %dma_start3A_244 = arith.constant 64 : i32
      %dma_start3A_245 = tpu.memref_slice %arg7[%arg0, %add3A_203, %dma_start3A_244] : memref<2x10000x128xf32, #tpu.memory_space<hbm>> -> memref<1x125x64xf32, #tpu.memory_space<hbm>>
      %dma_start3A_246 = tpu.memref_squeeze %dma_start3A_245 : memref<1x125x64xf32, #tpu.memory_space<hbm>> -> memref<125x64xf32, #tpu.memory_space<hbm>>
      %dma_start3A_247 = arith.constant 64 : i32
      %dma_start3A_248 = tpu.memref_slice %arg7[%arg0, %add3A_203, %dma_start3A_247] : memref<2x10000x128xf32, #tpu.memory_space<hbm>> -> memref<1x125x64xf32, #tpu.memory_space<hbm>>
      %dma_start3A_249 = tpu.memref_squeeze %dma_start3A_248 : memref<1x125x64xf32, #tpu.memory_space<hbm>> -> memref<125x64xf32, #tpu.memory_space<hbm>>
      tpu.enqueue_dma source(%arg14 : memref<125x64xf32, #tpu.memory_space<vmem>>) target(%dma_start3A_249 : memref<125x64xf32, #tpu.memory_space<hbm>>) target_semaphore(%run_scoped3A_243 : memref<!tpu.dma_semaphore, #tpu.memory_space<semaphore_mem>>)
      %dma_wait3A_250 = arith.constant 64 : i32
      %dma_wait3A_251 = tpu.memref_slice %arg7[%arg0, %add3A_203, %dma_wait3A_250] : memref<2x10000x128xf32, #tpu.memory_space<hbm>> -> memref<1x125x64xf32, #tpu.memory_space<hbm>>
      %dma_wait3A_252 = tpu.memref_squeeze %dma_wait3A_251 : memref<1x125x64xf32, #tpu.memory_space<hbm>> -> memref<125x64xf32, #tpu.memory_space<hbm>>
      %dma_wait3A_253 = arith.constant 64 : i32
      %dma_wait3A_254 = tpu.memref_slice %arg7[%arg0, %add3A_203, %dma_wait3A_253] : memref<2x10000x128xf32, #tpu.memory_space<hbm>> -> memref<1x125x64xf32, #tpu.memory_space<hbm>>
      %dma_wait3A_255 = tpu.memref_squeeze %dma_wait3A_254 : memref<1x125x64xf32, #tpu.memory_space<hbm>> -> memref<125x64xf32, #tpu.memory_space<hbm>>
      tpu.wait_dma2 semaphore(%run_scoped3A_243 : memref<!tpu.dma_semaphore, #tpu.memory_space<semaphore_mem>>) src(%arg14 : memref<125x64xf32, #tpu.memory_space<vmem>>) dst(%dma_wait3A_255 : memref<125x64xf32, #tpu.memory_space<hbm>>)
      tpu.yield
    }) : () -> ()
    %add3A_210 = arith.constant 125 : i32
    %add3A_211 = arith.addi %mul3A_2, %add3A_210 : i32
    "tpu.region"() ({
      %run_scoped3A_243 = tpu.sem_alloc : memref<!tpu.dma_semaphore, #tpu.memory_space<semaphore_mem>>
      %dma_start3A_244 = arith.constant 0 : i32
      %dma_start3A_245 = tpu.memref_slice %arg17[%add3A_211, %dma_start3A_244] : memref<10000x64xf32, #tpu.memory_space<vmem_shared>> -> memref<125x64xf32, #tpu.memory_space<vmem_shared>>
      %dma_start3A_246 = arith.constant 0 : i32
      %dma_start3A_247 = tpu.memref_slice %arg17[%add3A_211, %dma_start3A_246] : memref<10000x64xf32, #tpu.memory_space<vmem_shared>> -> memref<125x64xf32, #tpu.memory_space<vmem_shared>>
      tpu.enqueue_dma source(%dma_start3A_247 : memref<125x64xf32, #tpu.memory_space<vmem_shared>>) target(%arg12 : memref<125x64xf32, #tpu.memory_space<vmem>>) target_semaphore(%run_scoped3A_243 : memref<!tpu.dma_semaphore, #tpu.memory_space<semaphore_mem>>)
      %dma_wait3A_248 = arith.constant 0 : i32
      %dma_wait3A_249 = tpu.memref_slice %arg17[%add3A_211, %dma_wait3A_248] : memref<10000x64xf32, #tpu.memory_space<vmem_shared>> -> memref<125x64xf32, #tpu.memory_space<vmem_shared>>
      %dma_wait3A_250 = arith.constant 0 : i32
      %dma_wait3A_251 = tpu.memref_slice %arg17[%add3A_211, %dma_wait3A_250] : memref<10000x64xf32, #tpu.memory_space<vmem_shared>> -> memref<125x64xf32, #tpu.memory_space<vmem_shared>>
      tpu.wait_dma2 semaphore(%run_scoped3A_243 : memref<!tpu.dma_semaphore, #tpu.memory_space<semaphore_mem>>) src(%dma_wait3A_251 : memref<125x64xf32, #tpu.memory_space<vmem_shared>>) dst(%arg12 : memref<125x64xf32, #tpu.memory_space<vmem>>)
      tpu.yield
    }) : () -> ()
    "tpu.region"() ({
      %run_scoped3A_243 = tpu.sem_alloc : memref<!tpu.dma_semaphore, #tpu.memory_space<semaphore_mem>>
      %dma_start3A_244 = arith.constant 0 : i32
      %dma_start3A_245 = tpu.memref_slice %arg18[%add3A_211, %dma_start3A_244] : memref<10000x16xf32, #tpu.memory_space<vmem_shared>> -> memref<125x16xf32, #tpu.memory_space<vmem_shared>>
      %dma_start3A_246 = arith.constant 0 : i32
      %dma_start3A_247 = tpu.memref_slice %arg18[%add3A_211, %dma_start3A_246] : memref<10000x16xf32, #tpu.memory_space<vmem_shared>> -> memref<125x16xf32, #tpu.memory_space<vmem_shared>>
      tpu.enqueue_dma source(%dma_start3A_247 : memref<125x16xf32, #tpu.memory_space<vmem_shared>>) target(%arg13 : memref<125x16xf32, #tpu.memory_space<vmem>>) target_semaphore(%run_scoped3A_243 : memref<!tpu.dma_semaphore, #tpu.memory_space<semaphore_mem>>)
      %dma_wait3A_248 = arith.constant 0 : i32
      %dma_wait3A_249 = tpu.memref_slice %arg18[%add3A_211, %dma_wait3A_248] : memref<10000x16xf32, #tpu.memory_space<vmem_shared>> -> memref<125x16xf32, #tpu.memory_space<vmem_shared>>
      %dma_wait3A_250 = arith.constant 0 : i32
      %dma_wait3A_251 = tpu.memref_slice %arg18[%add3A_211, %dma_wait3A_250] : memref<10000x16xf32, #tpu.memory_space<vmem_shared>> -> memref<125x16xf32, #tpu.memory_space<vmem_shared>>
      tpu.wait_dma2 semaphore(%run_scoped3A_243 : memref<!tpu.dma_semaphore, #tpu.memory_space<semaphore_mem>>) src(%dma_wait3A_251 : memref<125x16xf32, #tpu.memory_space<vmem_shared>>) dst(%arg13 : memref<125x16xf32, #tpu.memory_space<vmem>>)
      tpu.yield
    }) : () -> ()
    "tpu.region"() ({
      %run_scoped3A_243 = tpu.sem_alloc : memref<!tpu.dma_semaphore, #tpu.memory_space<semaphore_mem>>
      %dma_start3A_244 = arith.constant 64 : i32
      %dma_start3A_245 = tpu.memref_slice %arg4[%arg0, %add3A_211, %dma_start3A_244] : memref<2x10000x128xf32, #tpu.memory_space<hbm>> -> memref<1x125x64xf32, #tpu.memory_space<hbm>>
      %dma_start3A_246 = tpu.memref_squeeze %dma_start3A_245 : memref<1x125x64xf32, #tpu.memory_space<hbm>> -> memref<125x64xf32, #tpu.memory_space<hbm>>
      %dma_start3A_247 = arith.constant 64 : i32
      %dma_start3A_248 = tpu.memref_slice %arg4[%arg0, %add3A_211, %dma_start3A_247] : memref<2x10000x128xf32, #tpu.memory_space<hbm>> -> memref<1x125x64xf32, #tpu.memory_space<hbm>>
      %dma_start3A_249 = tpu.memref_squeeze %dma_start3A_248 : memref<1x125x64xf32, #tpu.memory_space<hbm>> -> memref<125x64xf32, #tpu.memory_space<hbm>>
      tpu.enqueue_dma source(%dma_start3A_249 : memref<125x64xf32, #tpu.memory_space<hbm>>) target(%arg14 : memref<125x64xf32, #tpu.memory_space<vmem>>) target_semaphore(%run_scoped3A_243 : memref<!tpu.dma_semaphore, #tpu.memory_space<semaphore_mem>>)
      %dma_wait3A_250 = arith.constant 64 : i32
      %dma_wait3A_251 = tpu.memref_slice %arg4[%arg0, %add3A_211, %dma_wait3A_250] : memref<2x10000x128xf32, #tpu.memory_space<hbm>> -> memref<1x125x64xf32, #tpu.memory_space<hbm>>
      %dma_wait3A_252 = tpu.memref_squeeze %dma_wait3A_251 : memref<1x125x64xf32, #tpu.memory_space<hbm>> -> memref<125x64xf32, #tpu.memory_space<hbm>>
      %dma_wait3A_253 = arith.constant 64 : i32
      %dma_wait3A_254 = tpu.memref_slice %arg4[%arg0, %add3A_211, %dma_wait3A_253] : memref<2x10000x128xf32, #tpu.memory_space<hbm>> -> memref<1x125x64xf32, #tpu.memory_space<hbm>>
      %dma_wait3A_255 = tpu.memref_squeeze %dma_wait3A_254 : memref<1x125x64xf32, #tpu.memory_space<hbm>> -> memref<125x64xf32, #tpu.memory_space<hbm>>
      tpu.wait_dma2 semaphore(%run_scoped3A_243 : memref<!tpu.dma_semaphore, #tpu.memory_space<semaphore_mem>>) src(%dma_wait3A_255 : memref<125x64xf32, #tpu.memory_space<hbm>>) dst(%arg14 : memref<125x64xf32, #tpu.memory_space<vmem>>)
      tpu.yield
    }) : () -> ()
    %scan3A_212 = arith.constant 0 : i32
    %scan3A_213 = arith.constant 0 : i32
    %scan3A_214 = arith.constant 125 : i32
    %scan3A_215 = arith.addi %scan3A_213, %scan3A_214 : i32
    %scan3A_216 = arith.constant 1 : i32
    scf.for %scan3A_243 = %scan3A_213 to %scan3A_215 step %scan3A_216  : i32 {
      %get3A = arith.index_cast %scan3A_243 : i32 to index
      %get3A_244 = arith.constant 0 : index
      %get3A_245 = tpu.vector_load %arg13[%get3A, %get3A_244] {strides = array<i32>} : memref<125x16xf32, #tpu.memory_space<vmem>>, vector<1x16xf32>,
      %get3A_246 = vector.shape_cast %get3A_245 : vector<1x16xf32> to vector<16xf32>
      %broadcast_in_dim3A_247 = arith.constant 0 : i32
      %broadcast_in_dim3A_248 = vector.broadcast %broadcast_in_dim3A_247 : i32 to vector<16xi32>
      %lt3A = arith.constant 0 : i32
      %lt3A_249 = vector.broadcast %lt3A : i32 to vector<16xi32>
      %lt3A_250 = arith.cmpi slt, %broadcast_in_dim3A_248, %lt3A_249 : vector<16xi32>
      %add3A_251 = arith.constant 16 : i32
      %add3A_252 = vector.broadcast %add3A_251 : i32 to vector<16xi32>
      %add3A_253 = arith.addi %broadcast_in_dim3A_248, %add3A_252 : vector<16xi32>
      %select_n3A_254 = arith.select %lt3A_250, %add3A_253, %broadcast_in_dim3A_248 : vector<16xi1>, vector<16xi32>
      %broadcast_in_dim3A_255 = vector.shape_cast %select_n3A_254 : vector<16xi32> to vector<16x1xi32>
      %gather3A = vector.shape_cast %broadcast_in_dim3A_255 : vector<16x1xi32> to vector<16xi32>
      %gather3A_256 = tpu.dynamic_gather %get3A_246[%gather3A] in [0] : vector<16xf32>, vector<16xi32> -> vector<16xf32>
      %add3A_257 = arith.constant 1.000000e+00 : f32
      %add3A_258 = vector.broadcast %add3A_257 : f32 to vector<16xf32>
      %add3A_259 = arith.addf %add3A_258, %gather3A_256 : vector<16xf32>
      %mul3A_260 = arith.mulf %add3A_259, %gather3A_256 : vector<16xf32>
      %div3A = arith.constant 1.000000e+00 : f32
      %div3A_261 = vector.broadcast %div3A : f32 to vector<16xf32>
      %div3A_262 = arith.divf %div3A_261, %mul3A_260 : vector<16xf32>
      %get3A_263 = arith.index_cast %scan3A_243 : i32 to index
      %get3A_264 = arith.constant 0 : index
      %get3A_265 = tpu.vector_load %arg12[%get3A_263, %get3A_264] {strides = array<i32>} : memref<125x64xf32, #tpu.memory_space<vmem>>, vector<1x16xf32>,
      %get3A_266 = vector.shape_cast %get3A_265 : vector<1x16xf32> to vector<16xf32>
      %mul3A_267 = arith.mulf %get3A_266, %div3A_262 : vector<16xf32>
      %get3A_268 = arith.index_cast %scan3A_243 : i32 to index
      %get3A_269 = arith.constant 0 : index
      %get3A_270 = tpu.vector_load %arg14[%get3A_268, %get3A_269] {strides = array<i32>} : memref<125x64xf32, #tpu.memory_space<vmem>>, vector<1x16xf32>,
      %get3A_271 = vector.shape_cast %get3A_270 : vector<1x16xf32> to vector<16xf32>
      %add3A_272 = arith.addf %mul3A_267, %get3A_271 : vector<16xf32>
      %swap3A = arith.index_cast %scan3A_243 : i32 to index
      %swap3A_273 = arith.constant 0 : index
      %swap3A_274 = tpu.vector_load %arg14[%swap3A, %swap3A_273] {strides = array<i32>} : memref<125x64xf32, #tpu.memory_space<vmem>>, vector<1x16xf32>,
      %swap3A_275 = vector.shape_cast %swap3A_274 : vector<1x16xf32> to vector<16xf32>
      %swap3A_276 = vector.shape_cast %add3A_272 : vector<16xf32> to vector<1x16xf32>
      tpu.vector_store %arg14[%swap3A, %swap3A_273], %swap3A_276 {strides = array<i32>} : memref<125x64xf32, #tpu.memory_space<vmem>>, vector<1x16xf32>,
      %get3A_277 = arith.index_cast %scan3A_243 : i32 to index
      %get3A_278 = arith.constant 16 : index
      %get3A_279 = tpu.vector_load %arg12[%get3A_277, %get3A_278] {strides = array<i32>} : memref<125x64xf32, #tpu.memory_space<vmem>>, vector<1x16xf32>,
      %get3A_280 = vector.shape_cast %get3A_279 : vector<1x16xf32> to vector<16xf32>
      %mul3A_281 = arith.mulf %get3A_280, %div3A_262 : vector<16xf32>
      %get3A_282 = arith.index_cast %scan3A_243 : i32 to index
      %get3A_283 = arith.constant 16 : index
      %get3A_284 = tpu.vector_load %arg14[%get3A_282, %get3A_283] {strides = array<i32>} : memref<125x64xf32, #tpu.memory_space<vmem>>, vector<1x16xf32>,
      %get3A_285 = vector.shape_cast %get3A_284 : vector<1x16xf32> to vector<16xf32>
      %add3A_286 = arith.addf %mul3A_281, %get3A_285 : vector<16xf32>
      %swap3A_287 = arith.index_cast %scan3A_243 : i32 to index
      %swap3A_288 = arith.constant 16 : index
      %swap3A_289 = tpu.vector_load %arg14[%swap3A_287, %swap3A_288] {strides = array<i32>} : memref<125x64xf32, #tpu.memory_space<vmem>>, vector<1x16xf32>,
      %swap3A_290 = vector.shape_cast %swap3A_289 : vector<1x16xf32> to vector<16xf32>
      %swap3A_291 = vector.shape_cast %add3A_286 : vector<16xf32> to vector<1x16xf32>
      tpu.vector_store %arg14[%swap3A_287, %swap3A_288], %swap3A_291 {strides = array<i32>} : memref<125x64xf32, #tpu.memory_space<vmem>>, vector<1x16xf32>,
      %get3A_292 = arith.index_cast %scan3A_243 : i32 to index
      %get3A_293 = arith.constant 32 : index
      %get3A_294 = tpu.vector_load %arg12[%get3A_292, %get3A_293] {strides = array<i32>} : memref<125x64xf32, #tpu.memory_space<vmem>>, vector<1x16xf32>,
      %get3A_295 = vector.shape_cast %get3A_294 : vector<1x16xf32> to vector<16xf32>
      %mul3A_296 = arith.mulf %get3A_295, %div3A_262 : vector<16xf32>
      %get3A_297 = arith.index_cast %scan3A_243 : i32 to index
      %get3A_298 = arith.constant 32 : index
      %get3A_299 = tpu.vector_load %arg14[%get3A_297, %get3A_298] {strides = array<i32>} : memref<125x64xf32, #tpu.memory_space<vmem>>, vector<1x16xf32>,
      %get3A_300 = vector.shape_cast %get3A_299 : vector<1x16xf32> to vector<16xf32>
      %add3A_301 = arith.addf %mul3A_296, %get3A_300 : vector<16xf32>
      %swap3A_302 = arith.index_cast %scan3A_243 : i32 to index
      %swap3A_303 = arith.constant 32 : index
      %swap3A_304 = tpu.vector_load %arg14[%swap3A_302, %swap3A_303] {strides = array<i32>} : memref<125x64xf32, #tpu.memory_space<vmem>>, vector<1x16xf32>,
      %swap3A_305 = vector.shape_cast %swap3A_304 : vector<1x16xf32> to vector<16xf32>
      %swap3A_306 = vector.shape_cast %add3A_301 : vector<16xf32> to vector<1x16xf32>
      tpu.vector_store %arg14[%swap3A_302, %swap3A_303], %swap3A_306 {strides = array<i32>} : memref<125x64xf32, #tpu.memory_space<vmem>>, vector<1x16xf32>,
      %get3A_307 = arith.index_cast %scan3A_243 : i32 to index
      %get3A_308 = arith.constant 48 : index
      %get3A_309 = tpu.vector_load %arg12[%get3A_307, %get3A_308] {strides = array<i32>} : memref<125x64xf32, #tpu.memory_space<vmem>>, vector<1x16xf32>,
      %get3A_310 = vector.shape_cast %get3A_309 : vector<1x16xf32> to vector<16xf32>
      %mul3A_311 = arith.mulf %get3A_310, %div3A_262 : vector<16xf32>
      %get3A_312 = arith.index_cast %scan3A_243 : i32 to index
      %get3A_313 = arith.constant 48 : index
      %get3A_314 = tpu.vector_load %arg14[%get3A_312, %get3A_313] {strides = array<i32>} : memref<125x64xf32, #tpu.memory_space<vmem>>, vector<1x16xf32>,
      %get3A_315 = vector.shape_cast %get3A_314 : vector<1x16xf32> to vector<16xf32>
      %add3A_316 = arith.addf %mul3A_311, %get3A_315 : vector<16xf32>
      %swap3A_317 = arith.index_cast %scan3A_243 : i32 to index
      %swap3A_318 = arith.constant 48 : index
      %swap3A_319 = tpu.vector_load %arg14[%swap3A_317, %swap3A_318] {strides = array<i32>} : memref<125x64xf32, #tpu.memory_space<vmem>>, vector<1x16xf32>,
      %swap3A_320 = vector.shape_cast %swap3A_319 : vector<1x16xf32> to vector<16xf32>
      %swap3A_321 = vector.shape_cast %add3A_316 : vector<16xf32> to vector<1x16xf32>
      tpu.vector_store %arg14[%swap3A_317, %swap3A_318], %swap3A_321 {strides = array<i32>} : memref<125x64xf32, #tpu.memory_space<vmem>>, vector<1x16xf32>,
    }
    %scan3A_217 = arith.constant 125 : i32
    "tpu.region"() ({
      %run_scoped3A_243 = tpu.sem_alloc : memref<!tpu.dma_semaphore, #tpu.memory_space<semaphore_mem>>
      %dma_start3A_244 = arith.constant 64 : i32
      %dma_start3A_245 = tpu.memref_slice %arg7[%arg0, %add3A_211, %dma_start3A_244] : memref<2x10000x128xf32, #tpu.memory_space<hbm>> -> memref<1x125x64xf32, #tpu.memory_space<hbm>>
      %dma_start3A_246 = tpu.memref_squeeze %dma_start3A_245 : memref<1x125x64xf32, #tpu.memory_space<hbm>> -> memref<125x64xf32, #tpu.memory_space<hbm>>
      %dma_start3A_247 = arith.constant 64 : i32
      %dma_start3A_248 = tpu.memref_slice %arg7[%arg0, %add3A_211, %dma_start3A_247] : memref<2x10000x128xf32, #tpu.memory_space<hbm>> -> memref<1x125x64xf32, #tpu.memory_space<hbm>>
      %dma_start3A_249 = tpu.memref_squeeze %dma_start3A_248 : memref<1x125x64xf32, #tpu.memory_space<hbm>> -> memref<125x64xf32, #tpu.memory_space<hbm>>
      tpu.enqueue_dma source(%arg14 : memref<125x64xf32, #tpu.memory_space<vmem>>) target(%dma_start3A_249 : memref<125x64xf32, #tpu.memory_space<hbm>>) target_semaphore(%run_scoped3A_243 : memref<!tpu.dma_semaphore, #tpu.memory_space<semaphore_mem>>)
      %dma_wait3A_250 = arith.constant 64 : i32
      %dma_wait3A_251 = tpu.memref_slice %arg7[%arg0, %add3A_211, %dma_wait3A_250] : memref<2x10000x128xf32, #tpu.memory_space<hbm>> -> memref<1x125x64xf32, #tpu.memory_space<hbm>>
      %dma_wait3A_252 = tpu.memref_squeeze %dma_wait3A_251 : memref<1x125x64xf32, #tpu.memory_space<hbm>> -> memref<125x64xf32, #tpu.memory_space<hbm>>
      %dma_wait3A_253 = arith.constant 64 : i32
      %dma_wait3A_254 = tpu.memref_slice %arg7[%arg0, %add3A_211, %dma_wait3A_253] : memref<2x10000x128xf32, #tpu.memory_space<hbm>> -> memref<1x125x64xf32, #tpu.memory_space<hbm>>
      %dma_wait3A_255 = tpu.memref_squeeze %dma_wait3A_254 : memref<1x125x64xf32, #tpu.memory_space<hbm>> -> memref<125x64xf32, #tpu.memory_space<hbm>>
      tpu.wait_dma2 semaphore(%run_scoped3A_243 : memref<!tpu.dma_semaphore, #tpu.memory_space<semaphore_mem>>) src(%arg14 : memref<125x64xf32, #tpu.memory_space<vmem>>) dst(%dma_wait3A_255 : memref<125x64xf32, #tpu.memory_space<hbm>>)
      tpu.yield
    }) : () -> ()
    %add3A_218 = arith.constant 250 : i32
    %add3A_219 = arith.addi %mul3A_2, %add3A_218 : i32
    "tpu.region"() ({
      %run_scoped3A_243 = tpu.sem_alloc : memref<!tpu.dma_semaphore, #tpu.memory_space<semaphore_mem>>
      %dma_start3A_244 = arith.constant 0 : i32
      %dma_start3A_245 = tpu.memref_slice %arg17[%add3A_219, %dma_start3A_244] : memref<10000x64xf32, #tpu.memory_space<vmem_shared>> -> memref<125x64xf32, #tpu.memory_space<vmem_shared>>
      %dma_start3A_246 = arith.constant 0 : i32
      %dma_start3A_247 = tpu.memref_slice %arg17[%add3A_219, %dma_start3A_246] : memref<10000x64xf32, #tpu.memory_space<vmem_shared>> -> memref<125x64xf32, #tpu.memory_space<vmem_shared>>
      tpu.enqueue_dma source(%dma_start3A_247 : memref<125x64xf32, #tpu.memory_space<vmem_shared>>) target(%arg12 : memref<125x64xf32, #tpu.memory_space<vmem>>) target_semaphore(%run_scoped3A_243 : memref<!tpu.dma_semaphore, #tpu.memory_space<semaphore_mem>>)
      %dma_wait3A_248 = arith.constant 0 : i32
      %dma_wait3A_249 = tpu.memref_slice %arg17[%add3A_219, %dma_wait3A_248] : memref<10000x64xf32, #tpu.memory_space<vmem_shared>> -> memref<125x64xf32, #tpu.memory_space<vmem_shared>>
      %dma_wait3A_250 = arith.constant 0 : i32
      %dma_wait3A_251 = tpu.memref_slice %arg17[%add3A_219, %dma_wait3A_250] : memref<10000x64xf32, #tpu.memory_space<vmem_shared>> -> memref<125x64xf32, #tpu.memory_space<vmem_shared>>
      tpu.wait_dma2 semaphore(%run_scoped3A_243 : memref<!tpu.dma_semaphore, #tpu.memory_space<semaphore_mem>>) src(%dma_wait3A_251 : memref<125x64xf32, #tpu.memory_space<vmem_shared>>) dst(%arg12 : memref<125x64xf32, #tpu.memory_space<vmem>>)
      tpu.yield
    }) : () -> ()
    "tpu.region"() ({
      %run_scoped3A_243 = tpu.sem_alloc : memref<!tpu.dma_semaphore, #tpu.memory_space<semaphore_mem>>
      %dma_start3A_244 = arith.constant 0 : i32
      %dma_start3A_245 = tpu.memref_slice %arg18[%add3A_219, %dma_start3A_244] : memref<10000x16xf32, #tpu.memory_space<vmem_shared>> -> memref<125x16xf32, #tpu.memory_space<vmem_shared>>
      %dma_start3A_246 = arith.constant 0 : i32
      %dma_start3A_247 = tpu.memref_slice %arg18[%add3A_219, %dma_start3A_246] : memref<10000x16xf32, #tpu.memory_space<vmem_shared>> -> memref<125x16xf32, #tpu.memory_space<vmem_shared>>
      tpu.enqueue_dma source(%dma_start3A_247 : memref<125x16xf32, #tpu.memory_space<vmem_shared>>) target(%arg13 : memref<125x16xf32, #tpu.memory_space<vmem>>) target_semaphore(%run_scoped3A_243 : memref<!tpu.dma_semaphore, #tpu.memory_space<semaphore_mem>>)
      %dma_wait3A_248 = arith.constant 0 : i32
      %dma_wait3A_249 = tpu.memref_slice %arg18[%add3A_219, %dma_wait3A_248] : memref<10000x16xf32, #tpu.memory_space<vmem_shared>> -> memref<125x16xf32, #tpu.memory_space<vmem_shared>>
      %dma_wait3A_250 = arith.constant 0 : i32
      %dma_wait3A_251 = tpu.memref_slice %arg18[%add3A_219, %dma_wait3A_250] : memref<10000x16xf32, #tpu.memory_space<vmem_shared>> -> memref<125x16xf32, #tpu.memory_space<vmem_shared>>
      tpu.wait_dma2 semaphore(%run_scoped3A_243 : memref<!tpu.dma_semaphore, #tpu.memory_space<semaphore_mem>>) src(%dma_wait3A_251 : memref<125x16xf32, #tpu.memory_space<vmem_shared>>) dst(%arg13 : memref<125x16xf32, #tpu.memory_space<vmem>>)
      tpu.yield
    }) : () -> ()
    "tpu.region"() ({
      %run_scoped3A_243 = tpu.sem_alloc : memref<!tpu.dma_semaphore, #tpu.memory_space<semaphore_mem>>
      %dma_start3A_244 = arith.constant 64 : i32
      %dma_start3A_245 = tpu.memref_slice %arg4[%arg0, %add3A_219, %dma_start3A_244] : memref<2x10000x128xf32, #tpu.memory_space<hbm>> -> memref<1x125x64xf32, #tpu.memory_space<hbm>>
      %dma_start3A_246 = tpu.memref_squeeze %dma_start3A_245 : memref<1x125x64xf32, #tpu.memory_space<hbm>> -> memref<125x64xf32, #tpu.memory_space<hbm>>
      %dma_start3A_247 = arith.constant 64 : i32
      %dma_start3A_248 = tpu.memref_slice %arg4[%arg0, %add3A_219, %dma_start3A_247] : memref<2x10000x128xf32, #tpu.memory_space<hbm>> -> memref<1x125x64xf32, #tpu.memory_space<hbm>>
      %dma_start3A_249 = tpu.memref_squeeze %dma_start3A_248 : memref<1x125x64xf32, #tpu.memory_space<hbm>> -> memref<125x64xf32, #tpu.memory_space<hbm>>
      tpu.enqueue_dma source(%dma_start3A_249 : memref<125x64xf32, #tpu.memory_space<hbm>>) target(%arg14 : memref<125x64xf32, #tpu.memory_space<vmem>>) target_semaphore(%run_scoped3A_243 : memref<!tpu.dma_semaphore, #tpu.memory_space<semaphore_mem>>)
      %dma_wait3A_250 = arith.constant 64 : i32
      %dma_wait3A_251 = tpu.memref_slice %arg4[%arg0, %add3A_219, %dma_wait3A_250] : memref<2x10000x128xf32, #tpu.memory_space<hbm>> -> memref<1x125x64xf32, #tpu.memory_space<hbm>>
      %dma_wait3A_252 = tpu.memref_squeeze %dma_wait3A_251 : memref<1x125x64xf32, #tpu.memory_space<hbm>> -> memref<125x64xf32, #tpu.memory_space<hbm>>
      %dma_wait3A_253 = arith.constant 64 : i32
      %dma_wait3A_254 = tpu.memref_slice %arg4[%arg0, %add3A_219, %dma_wait3A_253] : memref<2x10000x128xf32, #tpu.memory_space<hbm>> -> memref<1x125x64xf32, #tpu.memory_space<hbm>>
      %dma_wait3A_255 = tpu.memref_squeeze %dma_wait3A_254 : memref<1x125x64xf32, #tpu.memory_space<hbm>> -> memref<125x64xf32, #tpu.memory_space<hbm>>
      tpu.wait_dma2 semaphore(%run_scoped3A_243 : memref<!tpu.dma_semaphore, #tpu.memory_space<semaphore_mem>>) src(%dma_wait3A_255 : memref<125x64xf32, #tpu.memory_space<hbm>>) dst(%arg14 : memref<125x64xf32, #tpu.memory_space<vmem>>)
      tpu.yield
    }) : () -> ()
    %scan3A_220 = arith.constant 0 : i32
    %scan3A_221 = arith.constant 0 : i32
    %scan3A_222 = arith.constant 125 : i32
    %scan3A_223 = arith.addi %scan3A_221, %scan3A_222 : i32
    %scan3A_224 = arith.constant 1 : i32
    scf.for %scan3A_243 = %scan3A_221 to %scan3A_223 step %scan3A_224  : i32 {
      %get3A = arith.index_cast %scan3A_243 : i32 to index
      %get3A_244 = arith.constant 0 : index
      %get3A_245 = tpu.vector_load %arg13[%get3A, %get3A_244] {strides = array<i32>} : memref<125x16xf32, #tpu.memory_space<vmem>>, vector<1x16xf32>,
      %get3A_246 = vector.shape_cast %get3A_245 : vector<1x16xf32> to vector<16xf32>
      %broadcast_in_dim3A_247 = arith.constant 0 : i32
      %broadcast_in_dim3A_248 = vector.broadcast %broadcast_in_dim3A_247 : i32 to vector<16xi32>
      %lt3A = arith.constant 0 : i32
      %lt3A_249 = vector.broadcast %lt3A : i32 to vector<16xi32>
      %lt3A_250 = arith.cmpi slt, %broadcast_in_dim3A_248, %lt3A_249 : vector<16xi32>
      %add3A_251 = arith.constant 16 : i32
      %add3A_252 = vector.broadcast %add3A_251 : i32 to vector<16xi32>
      %add3A_253 = arith.addi %broadcast_in_dim3A_248, %add3A_252 : vector<16xi32>
      %select_n3A_254 = arith.select %lt3A_250, %add3A_253, %broadcast_in_dim3A_248 : vector<16xi1>, vector<16xi32>
      %broadcast_in_dim3A_255 = vector.shape_cast %select_n3A_254 : vector<16xi32> to vector<16x1xi32>
      %gather3A = vector.shape_cast %broadcast_in_dim3A_255 : vector<16x1xi32> to vector<16xi32>
      %gather3A_256 = tpu.dynamic_gather %get3A_246[%gather3A] in [0] : vector<16xf32>, vector<16xi32> -> vector<16xf32>
      %add3A_257 = arith.constant 1.000000e+00 : f32
      %add3A_258 = vector.broadcast %add3A_257 : f32 to vector<16xf32>
      %add3A_259 = arith.addf %add3A_258, %gather3A_256 : vector<16xf32>
      %mul3A_260 = arith.mulf %add3A_259, %gather3A_256 : vector<16xf32>
      %div3A = arith.constant 1.000000e+00 : f32
      %div3A_261 = vector.broadcast %div3A : f32 to vector<16xf32>
      %div3A_262 = arith.divf %div3A_261, %mul3A_260 : vector<16xf32>
      %get3A_263 = arith.index_cast %scan3A_243 : i32 to index
      %get3A_264 = arith.constant 0 : index
      %get3A_265 = tpu.vector_load %arg12[%get3A_263, %get3A_264] {strides = array<i32>} : memref<125x64xf32, #tpu.memory_space<vmem>>, vector<1x16xf32>,
      %get3A_266 = vector.shape_cast %get3A_265 : vector<1x16xf32> to vector<16xf32>
      %mul3A_267 = arith.mulf %get3A_266, %div3A_262 : vector<16xf32>
      %get3A_268 = arith.index_cast %scan3A_243 : i32 to index
      %get3A_269 = arith.constant 0 : index
      %get3A_270 = tpu.vector_load %arg14[%get3A_268, %get3A_269] {strides = array<i32>} : memref<125x64xf32, #tpu.memory_space<vmem>>, vector<1x16xf32>,
      %get3A_271 = vector.shape_cast %get3A_270 : vector<1x16xf32> to vector<16xf32>
      %add3A_272 = arith.addf %mul3A_267, %get3A_271 : vector<16xf32>
      %swap3A = arith.index_cast %scan3A_243 : i32 to index
      %swap3A_273 = arith.constant 0 : index
      %swap3A_274 = tpu.vector_load %arg14[%swap3A, %swap3A_273] {strides = array<i32>} : memref<125x64xf32, #tpu.memory_space<vmem>>, vector<1x16xf32>,
      %swap3A_275 = vector.shape_cast %swap3A_274 : vector<1x16xf32> to vector<16xf32>
      %swap3A_276 = vector.shape_cast %add3A_272 : vector<16xf32> to vector<1x16xf32>
      tpu.vector_store %arg14[%swap3A, %swap3A_273], %swap3A_276 {strides = array<i32>} : memref<125x64xf32, #tpu.memory_space<vmem>>, vector<1x16xf32>,
      %get3A_277 = arith.index_cast %scan3A_243 : i32 to index
      %get3A_278 = arith.constant 16 : index
      %get3A_279 = tpu.vector_load %arg12[%get3A_277, %get3A_278] {strides = array<i32>} : memref<125x64xf32, #tpu.memory_space<vmem>>, vector<1x16xf32>,
      %get3A_280 = vector.shape_cast %get3A_279 : vector<1x16xf32> to vector<16xf32>
      %mul3A_281 = arith.mulf %get3A_280, %div3A_262 : vector<16xf32>
      %get3A_282 = arith.index_cast %scan3A_243 : i32 to index
      %get3A_283 = arith.constant 16 : index
      %get3A_284 = tpu.vector_load %arg14[%get3A_282, %get3A_283] {strides = array<i32>} : memref<125x64xf32, #tpu.memory_space<vmem>>, vector<1x16xf32>,
      %get3A_285 = vector.shape_cast %get3A_284 : vector<1x16xf32> to vector<16xf32>
      %add3A_286 = arith.addf %mul3A_281, %get3A_285 : vector<16xf32>
      %swap3A_287 = arith.index_cast %scan3A_243 : i32 to index
      %swap3A_288 = arith.constant 16 : index
      %swap3A_289 = tpu.vector_load %arg14[%swap3A_287, %swap3A_288] {strides = array<i32>} : memref<125x64xf32, #tpu.memory_space<vmem>>, vector<1x16xf32>,
      %swap3A_290 = vector.shape_cast %swap3A_289 : vector<1x16xf32> to vector<16xf32>
      %swap3A_291 = vector.shape_cast %add3A_286 : vector<16xf32> to vector<1x16xf32>
      tpu.vector_store %arg14[%swap3A_287, %swap3A_288], %swap3A_291 {strides = array<i32>} : memref<125x64xf32, #tpu.memory_space<vmem>>, vector<1x16xf32>,
      %get3A_292 = arith.index_cast %scan3A_243 : i32 to index
      %get3A_293 = arith.constant 32 : index
      %get3A_294 = tpu.vector_load %arg12[%get3A_292, %get3A_293] {strides = array<i32>} : memref<125x64xf32, #tpu.memory_space<vmem>>, vector<1x16xf32>,
      %get3A_295 = vector.shape_cast %get3A_294 : vector<1x16xf32> to vector<16xf32>
      %mul3A_296 = arith.mulf %get3A_295, %div3A_262 : vector<16xf32>
      %get3A_297 = arith.index_cast %scan3A_243 : i32 to index
      %get3A_298 = arith.constant 32 : index
      %get3A_299 = tpu.vector_load %arg14[%get3A_297, %get3A_298] {strides = array<i32>} : memref<125x64xf32, #tpu.memory_space<vmem>>, vector<1x16xf32>,
      %get3A_300 = vector.shape_cast %get3A_299 : vector<1x16xf32> to vector<16xf32>
      %add3A_301 = arith.addf %mul3A_296, %get3A_300 : vector<16xf32>
      %swap3A_302 = arith.index_cast %scan3A_243 : i32 to index
      %swap3A_303 = arith.constant 32 : index
      %swap3A_304 = tpu.vector_load %arg14[%swap3A_302, %swap3A_303] {strides = array<i32>} : memref<125x64xf32, #tpu.memory_space<vmem>>, vector<1x16xf32>,
      %swap3A_305 = vector.shape_cast %swap3A_304 : vector<1x16xf32> to vector<16xf32>
      %swap3A_306 = vector.shape_cast %add3A_301 : vector<16xf32> to vector<1x16xf32>
      tpu.vector_store %arg14[%swap3A_302, %swap3A_303], %swap3A_306 {strides = array<i32>} : memref<125x64xf32, #tpu.memory_space<vmem>>, vector<1x16xf32>,
      %get3A_307 = arith.index_cast %scan3A_243 : i32 to index
      %get3A_308 = arith.constant 48 : index
      %get3A_309 = tpu.vector_load %arg12[%get3A_307, %get3A_308] {strides = array<i32>} : memref<125x64xf32, #tpu.memory_space<vmem>>, vector<1x16xf32>,
      %get3A_310 = vector.shape_cast %get3A_309 : vector<1x16xf32> to vector<16xf32>
      %mul3A_311 = arith.mulf %get3A_310, %div3A_262 : vector<16xf32>
      %get3A_312 = arith.index_cast %scan3A_243 : i32 to index
      %get3A_313 = arith.constant 48 : index
      %get3A_314 = tpu.vector_load %arg14[%get3A_312, %get3A_313] {strides = array<i32>} : memref<125x64xf32, #tpu.memory_space<vmem>>, vector<1x16xf32>,
      %get3A_315 = vector.shape_cast %get3A_314 : vector<1x16xf32> to vector<16xf32>
      %add3A_316 = arith.addf %mul3A_311, %get3A_315 : vector<16xf32>
      %swap3A_317 = arith.index_cast %scan3A_243 : i32 to index
      %swap3A_318 = arith.constant 48 : index
      %swap3A_319 = tpu.vector_load %arg14[%swap3A_317, %swap3A_318] {strides = array<i32>} : memref<125x64xf32, #tpu.memory_space<vmem>>, vector<1x16xf32>,
      %swap3A_320 = vector.shape_cast %swap3A_319 : vector<1x16xf32> to vector<16xf32>
      %swap3A_321 = vector.shape_cast %add3A_316 : vector<16xf32> to vector<1x16xf32>
      tpu.vector_store %arg14[%swap3A_317, %swap3A_318], %swap3A_321 {strides = array<i32>} : memref<125x64xf32, #tpu.memory_space<vmem>>, vector<1x16xf32>,
    }
    %scan3A_225 = arith.constant 125 : i32
    "tpu.region"() ({
      %run_scoped3A_243 = tpu.sem_alloc : memref<!tpu.dma_semaphore, #tpu.memory_space<semaphore_mem>>
      %dma_start3A_244 = arith.constant 64 : i32
      %dma_start3A_245 = tpu.memref_slice %arg7[%arg0, %add3A_219, %dma_start3A_244] : memref<2x10000x128xf32, #tpu.memory_space<hbm>> -> memref<1x125x64xf32, #tpu.memory_space<hbm>>
      %dma_start3A_246 = tpu.memref_squeeze %dma_start3A_245 : memref<1x125x64xf32, #tpu.memory_space<hbm>> -> memref<125x64xf32, #tpu.memory_space<hbm>>
      %dma_start3A_247 = arith.constant 64 : i32
      %dma_start3A_248 = tpu.memref_slice %arg7[%arg0, %add3A_219, %dma_start3A_247] : memref<2x10000x128xf32, #tpu.memory_space<hbm>> -> memref<1x125x64xf32, #tpu.memory_space<hbm>>
      %dma_start3A_249 = tpu.memref_squeeze %dma_start3A_248 : memref<1x125x64xf32, #tpu.memory_space<hbm>> -> memref<125x64xf32, #tpu.memory_space<hbm>>
      tpu.enqueue_dma source(%arg14 : memref<125x64xf32, #tpu.memory_space<vmem>>) target(%dma_start3A_249 : memref<125x64xf32, #tpu.memory_space<hbm>>) target_semaphore(%run_scoped3A_243 : memref<!tpu.dma_semaphore, #tpu.memory_space<semaphore_mem>>)
      %dma_wait3A_250 = arith.constant 64 : i32
      %dma_wait3A_251 = tpu.memref_slice %arg7[%arg0, %add3A_219, %dma_wait3A_250] : memref<2x10000x128xf32, #tpu.memory_space<hbm>> -> memref<1x125x64xf32, #tpu.memory_space<hbm>>
      %dma_wait3A_252 = tpu.memref_squeeze %dma_wait3A_251 : memref<1x125x64xf32, #tpu.memory_space<hbm>> -> memref<125x64xf32, #tpu.memory_space<hbm>>
      %dma_wait3A_253 = arith.constant 64 : i32
      %dma_wait3A_254 = tpu.memref_slice %arg7[%arg0, %add3A_219, %dma_wait3A_253] : memref<2x10000x128xf32, #tpu.memory_space<hbm>> -> memref<1x125x64xf32, #tpu.memory_space<hbm>>
      %dma_wait3A_255 = tpu.memref_squeeze %dma_wait3A_254 : memref<1x125x64xf32, #tpu.memory_space<hbm>> -> memref<125x64xf32, #tpu.memory_space<hbm>>
      tpu.wait_dma2 semaphore(%run_scoped3A_243 : memref<!tpu.dma_semaphore, #tpu.memory_space<semaphore_mem>>) src(%arg14 : memref<125x64xf32, #tpu.memory_space<vmem>>) dst(%dma_wait3A_255 : memref<125x64xf32, #tpu.memory_space<hbm>>)
      tpu.yield
    }) : () -> ()
    %add3A_226 = arith.constant 375 : i32
    %add3A_227 = arith.addi %mul3A_2, %add3A_226 : i32
    "tpu.region"() ({
      %run_scoped3A_243 = tpu.sem_alloc : memref<!tpu.dma_semaphore, #tpu.memory_space<semaphore_mem>>
      %dma_start3A_244 = arith.constant 0 : i32
      %dma_start3A_245 = tpu.memref_slice %arg17[%add3A_227, %dma_start3A_244] : memref<10000x64xf32, #tpu.memory_space<vmem_shared>> -> memref<125x64xf32, #tpu.memory_space<vmem_shared>>
      %dma_start3A_246 = arith.constant 0 : i32
      %dma_start3A_247 = tpu.memref_slice %arg17[%add3A_227, %dma_start3A_246] : memref<10000x64xf32, #tpu.memory_space<vmem_shared>> -> memref<125x64xf32, #tpu.memory_space<vmem_shared>>
      tpu.enqueue_dma source(%dma_start3A_247 : memref<125x64xf32, #tpu.memory_space<vmem_shared>>) target(%arg12 : memref<125x64xf32, #tpu.memory_space<vmem>>) target_semaphore(%run_scoped3A_243 : memref<!tpu.dma_semaphore, #tpu.memory_space<semaphore_mem>>)
      %dma_wait3A_248 = arith.constant 0 : i32
      %dma_wait3A_249 = tpu.memref_slice %arg17[%add3A_227, %dma_wait3A_248] : memref<10000x64xf32, #tpu.memory_space<vmem_shared>> -> memref<125x64xf32, #tpu.memory_space<vmem_shared>>
      %dma_wait3A_250 = arith.constant 0 : i32
      %dma_wait3A_251 = tpu.memref_slice %arg17[%add3A_227, %dma_wait3A_250] : memref<10000x64xf32, #tpu.memory_space<vmem_shared>> -> memref<125x64xf32, #tpu.memory_space<vmem_shared>>
      tpu.wait_dma2 semaphore(%run_scoped3A_243 : memref<!tpu.dma_semaphore, #tpu.memory_space<semaphore_mem>>) src(%dma_wait3A_251 : memref<125x64xf32, #tpu.memory_space<vmem_shared>>) dst(%arg12 : memref<125x64xf32, #tpu.memory_space<vmem>>)
      tpu.yield
    }) : () -> ()
    "tpu.region"() ({
      %run_scoped3A_243 = tpu.sem_alloc : memref<!tpu.dma_semaphore, #tpu.memory_space<semaphore_mem>>
      %dma_start3A_244 = arith.constant 0 : i32
      %dma_start3A_245 = tpu.memref_slice %arg18[%add3A_227, %dma_start3A_244] : memref<10000x16xf32, #tpu.memory_space<vmem_shared>> -> memref<125x16xf32, #tpu.memory_space<vmem_shared>>
      %dma_start3A_246 = arith.constant 0 : i32
      %dma_start3A_247 = tpu.memref_slice %arg18[%add3A_227, %dma_start3A_246] : memref<10000x16xf32, #tpu.memory_space<vmem_shared>> -> memref<125x16xf32, #tpu.memory_space<vmem_shared>>
      tpu.enqueue_dma source(%dma_start3A_247 : memref<125x16xf32, #tpu.memory_space<vmem_shared>>) target(%arg13 : memref<125x16xf32, #tpu.memory_space<vmem>>) target_semaphore(%run_scoped3A_243 : memref<!tpu.dma_semaphore, #tpu.memory_space<semaphore_mem>>)
      %dma_wait3A_248 = arith.constant 0 : i32
      %dma_wait3A_249 = tpu.memref_slice %arg18[%add3A_227, %dma_wait3A_248] : memref<10000x16xf32, #tpu.memory_space<vmem_shared>> -> memref<125x16xf32, #tpu.memory_space<vmem_shared>>
      %dma_wait3A_250 = arith.constant 0 : i32
      %dma_wait3A_251 = tpu.memref_slice %arg18[%add3A_227, %dma_wait3A_250] : memref<10000x16xf32, #tpu.memory_space<vmem_shared>> -> memref<125x16xf32, #tpu.memory_space<vmem_shared>>
      tpu.wait_dma2 semaphore(%run_scoped3A_243 : memref<!tpu.dma_semaphore, #tpu.memory_space<semaphore_mem>>) src(%dma_wait3A_251 : memref<125x16xf32, #tpu.memory_space<vmem_shared>>) dst(%arg13 : memref<125x16xf32, #tpu.memory_space<vmem>>)
      tpu.yield
    }) : () -> ()
    "tpu.region"() ({
      %run_scoped3A_243 = tpu.sem_alloc : memref<!tpu.dma_semaphore, #tpu.memory_space<semaphore_mem>>
      %dma_start3A_244 = arith.constant 64 : i32
      %dma_start3A_245 = tpu.memref_slice %arg4[%arg0, %add3A_227, %dma_start3A_244] : memref<2x10000x128xf32, #tpu.memory_space<hbm>> -> memref<1x125x64xf32, #tpu.memory_space<hbm>>
      %dma_start3A_246 = tpu.memref_squeeze %dma_start3A_245 : memref<1x125x64xf32, #tpu.memory_space<hbm>> -> memref<125x64xf32, #tpu.memory_space<hbm>>
      %dma_start3A_247 = arith.constant 64 : i32
      %dma_start3A_248 = tpu.memref_slice %arg4[%arg0, %add3A_227, %dma_start3A_247] : memref<2x10000x128xf32, #tpu.memory_space<hbm>> -> memref<1x125x64xf32, #tpu.memory_space<hbm>>
      %dma_start3A_249 = tpu.memref_squeeze %dma_start3A_248 : memref<1x125x64xf32, #tpu.memory_space<hbm>> -> memref<125x64xf32, #tpu.memory_space<hbm>>
      tpu.enqueue_dma source(%dma_start3A_249 : memref<125x64xf32, #tpu.memory_space<hbm>>) target(%arg14 : memref<125x64xf32, #tpu.memory_space<vmem>>) target_semaphore(%run_scoped3A_243 : memref<!tpu.dma_semaphore, #tpu.memory_space<semaphore_mem>>)
      %dma_wait3A_250 = arith.constant 64 : i32
      %dma_wait3A_251 = tpu.memref_slice %arg4[%arg0, %add3A_227, %dma_wait3A_250] : memref<2x10000x128xf32, #tpu.memory_space<hbm>> -> memref<1x125x64xf32, #tpu.memory_space<hbm>>
      %dma_wait3A_252 = tpu.memref_squeeze %dma_wait3A_251 : memref<1x125x64xf32, #tpu.memory_space<hbm>> -> memref<125x64xf32, #tpu.memory_space<hbm>>
      %dma_wait3A_253 = arith.constant 64 : i32
      %dma_wait3A_254 = tpu.memref_slice %arg4[%arg0, %add3A_227, %dma_wait3A_253] : memref<2x10000x128xf32, #tpu.memory_space<hbm>> -> memref<1x125x64xf32, #tpu.memory_space<hbm>>
      %dma_wait3A_255 = tpu.memref_squeeze %dma_wait3A_254 : memref<1x125x64xf32, #tpu.memory_space<hbm>> -> memref<125x64xf32, #tpu.memory_space<hbm>>
      tpu.wait_dma2 semaphore(%run_scoped3A_243 : memref<!tpu.dma_semaphore, #tpu.memory_space<semaphore_mem>>) src(%dma_wait3A_255 : memref<125x64xf32, #tpu.memory_space<hbm>>) dst(%arg14 : memref<125x64xf32, #tpu.memory_space<vmem>>)
      tpu.yield
    }) : () -> ()
    %scan3A_228 = arith.constant 0 : i32
    %scan3A_229 = arith.constant 0 : i32
    %scan3A_230 = arith.constant 125 : i32
    %scan3A_231 = arith.addi %scan3A_229, %scan3A_230 : i32
    %scan3A_232 = arith.constant 1 : i32
    scf.for %scan3A_243 = %scan3A_229 to %scan3A_231 step %scan3A_232  : i32 {
      %get3A = arith.index_cast %scan3A_243 : i32 to index
      %get3A_244 = arith.constant 0 : index
      %get3A_245 = tpu.vector_load %arg13[%get3A, %get3A_244] {strides = array<i32>} : memref<125x16xf32, #tpu.memory_space<vmem>>, vector<1x16xf32>,
      %get3A_246 = vector.shape_cast %get3A_245 : vector<1x16xf32> to vector<16xf32>
      %broadcast_in_dim3A_247 = arith.constant 0 : i32
      %broadcast_in_dim3A_248 = vector.broadcast %broadcast_in_dim3A_247 : i32 to vector<16xi32>
      %lt3A = arith.constant 0 : i32
      %lt3A_249 = vector.broadcast %lt3A : i32 to vector<16xi32>
      %lt3A_250 = arith.cmpi slt, %broadcast_in_dim3A_248, %lt3A_249 : vector<16xi32>
      %add3A_251 = arith.constant 16 : i32
      %add3A_252 = vector.broadcast %add3A_251 : i32 to vector<16xi32>
      %add3A_253 = arith.addi %broadcast_in_dim3A_248, %add3A_252 : vector<16xi32>
      %select_n3A_254 = arith.select %lt3A_250, %add3A_253, %broadcast_in_dim3A_248 : vector<16xi1>, vector<16xi32>
      %broadcast_in_dim3A_255 = vector.shape_cast %select_n3A_254 : vector<16xi32> to vector<16x1xi32>
      %gather3A = vector.shape_cast %broadcast_in_dim3A_255 : vector<16x1xi32> to vector<16xi32>
      %gather3A_256 = tpu.dynamic_gather %get3A_246[%gather3A] in [0] : vector<16xf32>, vector<16xi32> -> vector<16xf32>
      %add3A_257 = arith.constant 1.000000e+00 : f32
      %add3A_258 = vector.broadcast %add3A_257 : f32 to vector<16xf32>
      %add3A_259 = arith.addf %add3A_258, %gather3A_256 : vector<16xf32>
      %mul3A_260 = arith.mulf %add3A_259, %gather3A_256 : vector<16xf32>
      %div3A = arith.constant 1.000000e+00 : f32
      %div3A_261 = vector.broadcast %div3A : f32 to vector<16xf32>
      %div3A_262 = arith.divf %div3A_261, %mul3A_260 : vector<16xf32>
      %get3A_263 = arith.index_cast %scan3A_243 : i32 to index
      %get3A_264 = arith.constant 0 : index
      %get3A_265 = tpu.vector_load %arg12[%get3A_263, %get3A_264] {strides = array<i32>} : memref<125x64xf32, #tpu.memory_space<vmem>>, vector<1x16xf32>,
      %get3A_266 = vector.shape_cast %get3A_265 : vector<1x16xf32> to vector<16xf32>
      %mul3A_267 = arith.mulf %get3A_266, %div3A_262 : vector<16xf32>
      %get3A_268 = arith.index_cast %scan3A_243 : i32 to index
      %get3A_269 = arith.constant 0 : index
      %get3A_270 = tpu.vector_load %arg14[%get3A_268, %get3A_269] {strides = array<i32>} : memref<125x64xf32, #tpu.memory_space<vmem>>, vector<1x16xf32>,
      %get3A_271 = vector.shape_cast %get3A_270 : vector<1x16xf32> to vector<16xf32>
      %add3A_272 = arith.addf %mul3A_267, %get3A_271 : vector<16xf32>
      %swap3A = arith.index_cast %scan3A_243 : i32 to index
      %swap3A_273 = arith.constant 0 : index
      %swap3A_274 = tpu.vector_load %arg14[%swap3A, %swap3A_273] {strides = array<i32>} : memref<125x64xf32, #tpu.memory_space<vmem>>, vector<1x16xf32>,
      %swap3A_275 = vector.shape_cast %swap3A_274 : vector<1x16xf32> to vector<16xf32>
      %swap3A_276 = vector.shape_cast %add3A_272 : vector<16xf32> to vector<1x16xf32>
      tpu.vector_store %arg14[%swap3A, %swap3A_273], %swap3A_276 {strides = array<i32>} : memref<125x64xf32, #tpu.memory_space<vmem>>, vector<1x16xf32>,
      %get3A_277 = arith.index_cast %scan3A_243 : i32 to index
      %get3A_278 = arith.constant 16 : index
      %get3A_279 = tpu.vector_load %arg12[%get3A_277, %get3A_278] {strides = array<i32>} : memref<125x64xf32, #tpu.memory_space<vmem>>, vector<1x16xf32>,
      %get3A_280 = vector.shape_cast %get3A_279 : vector<1x16xf32> to vector<16xf32>
      %mul3A_281 = arith.mulf %get3A_280, %div3A_262 : vector<16xf32>
      %get3A_282 = arith.index_cast %scan3A_243 : i32 to index
      %get3A_283 = arith.constant 16 : index
      %get3A_284 = tpu.vector_load %arg14[%get3A_282, %get3A_283] {strides = array<i32>} : memref<125x64xf32, #tpu.memory_space<vmem>>, vector<1x16xf32>,
      %get3A_285 = vector.shape_cast %get3A_284 : vector<1x16xf32> to vector<16xf32>
      %add3A_286 = arith.addf %mul3A_281, %get3A_285 : vector<16xf32>
      %swap3A_287 = arith.index_cast %scan3A_243 : i32 to index
      %swap3A_288 = arith.constant 16 : index
      %swap3A_289 = tpu.vector_load %arg14[%swap3A_287, %swap3A_288] {strides = array<i32>} : memref<125x64xf32, #tpu.memory_space<vmem>>, vector<1x16xf32>,
      %swap3A_290 = vector.shape_cast %swap3A_289 : vector<1x16xf32> to vector<16xf32>
      %swap3A_291 = vector.shape_cast %add3A_286 : vector<16xf32> to vector<1x16xf32>
      tpu.vector_store %arg14[%swap3A_287, %swap3A_288], %swap3A_291 {strides = array<i32>} : memref<125x64xf32, #tpu.memory_space<vmem>>, vector<1x16xf32>,
      %get3A_292 = arith.index_cast %scan3A_243 : i32 to index
      %get3A_293 = arith.constant 32 : index
      %get3A_294 = tpu.vector_load %arg12[%get3A_292, %get3A_293] {strides = array<i32>} : memref<125x64xf32, #tpu.memory_space<vmem>>, vector<1x16xf32>,
      %get3A_295 = vector.shape_cast %get3A_294 : vector<1x16xf32> to vector<16xf32>
      %mul3A_296 = arith.mulf %get3A_295, %div3A_262 : vector<16xf32>
      %get3A_297 = arith.index_cast %scan3A_243 : i32 to index
      %get3A_298 = arith.constant 32 : index
      %get3A_299 = tpu.vector_load %arg14[%get3A_297, %get3A_298] {strides = array<i32>} : memref<125x64xf32, #tpu.memory_space<vmem>>, vector<1x16xf32>,
      %get3A_300 = vector.shape_cast %get3A_299 : vector<1x16xf32> to vector<16xf32>
      %add3A_301 = arith.addf %mul3A_296, %get3A_300 : vector<16xf32>
      %swap3A_302 = arith.index_cast %scan3A_243 : i32 to index
      %swap3A_303 = arith.constant 32 : index
      %swap3A_304 = tpu.vector_load %arg14[%swap3A_302, %swap3A_303] {strides = array<i32>} : memref<125x64xf32, #tpu.memory_space<vmem>>, vector<1x16xf32>,
      %swap3A_305 = vector.shape_cast %swap3A_304 : vector<1x16xf32> to vector<16xf32>
      %swap3A_306 = vector.shape_cast %add3A_301 : vector<16xf32> to vector<1x16xf32>
      tpu.vector_store %arg14[%swap3A_302, %swap3A_303], %swap3A_306 {strides = array<i32>} : memref<125x64xf32, #tpu.memory_space<vmem>>, vector<1x16xf32>,
      %get3A_307 = arith.index_cast %scan3A_243 : i32 to index
      %get3A_308 = arith.constant 48 : index
      %get3A_309 = tpu.vector_load %arg12[%get3A_307, %get3A_308] {strides = array<i32>} : memref<125x64xf32, #tpu.memory_space<vmem>>, vector<1x16xf32>,
      %get3A_310 = vector.shape_cast %get3A_309 : vector<1x16xf32> to vector<16xf32>
      %mul3A_311 = arith.mulf %get3A_310, %div3A_262 : vector<16xf32>
      %get3A_312 = arith.index_cast %scan3A_243 : i32 to index
      %get3A_313 = arith.constant 48 : index
      %get3A_314 = tpu.vector_load %arg14[%get3A_312, %get3A_313] {strides = array<i32>} : memref<125x64xf32, #tpu.memory_space<vmem>>, vector<1x16xf32>,
      %get3A_315 = vector.shape_cast %get3A_314 : vector<1x16xf32> to vector<16xf32>
      %add3A_316 = arith.addf %mul3A_311, %get3A_315 : vector<16xf32>
      %swap3A_317 = arith.index_cast %scan3A_243 : i32 to index
      %swap3A_318 = arith.constant 48 : index
      %swap3A_319 = tpu.vector_load %arg14[%swap3A_317, %swap3A_318] {strides = array<i32>} : memref<125x64xf32, #tpu.memory_space<vmem>>, vector<1x16xf32>,
      %swap3A_320 = vector.shape_cast %swap3A_319 : vector<1x16xf32> to vector<16xf32>
      %swap3A_321 = vector.shape_cast %add3A_316 : vector<16xf32> to vector<1x16xf32>
      tpu.vector_store %arg14[%swap3A_317, %swap3A_318], %swap3A_321 {strides = array<i32>} : memref<125x64xf32, #tpu.memory_space<vmem>>, vector<1x16xf32>,
    }
    %scan3A_233 = arith.constant 125 : i32
    "tpu.region"() ({
      %run_scoped3A_243 = tpu.sem_alloc : memref<!tpu.dma_semaphore, #tpu.memory_space<semaphore_mem>>
      %dma_start3A_244 = arith.constant 64 : i32
      %dma_start3A_245 = tpu.memref_slice %arg7[%arg0, %add3A_227, %dma_start3A_244] : memref<2x10000x128xf32, #tpu.memory_space<hbm>> -> memref<1x125x64xf32, #tpu.memory_space<hbm>>
      %dma_start3A_246 = tpu.memref_squeeze %dma_start3A_245 : memref<1x125x64xf32, #tpu.memory_space<hbm>> -> memref<125x64xf32, #tpu.memory_space<hbm>>
      %dma_start3A_247 = arith.constant 64 : i32
      %dma_start3A_248 = tpu.memref_slice %arg7[%arg0, %add3A_227, %dma_start3A_247] : memref<2x10000x128xf32, #tpu.memory_space<hbm>> -> memref<1x125x64xf32, #tpu.memory_space<hbm>>
      %dma_start3A_249 = tpu.memref_squeeze %dma_start3A_248 : memref<1x125x64xf32, #tpu.memory_space<hbm>> -> memref<125x64xf32, #tpu.memory_space<hbm>>
      tpu.enqueue_dma source(%arg14 : memref<125x64xf32, #tpu.memory_space<vmem>>) target(%dma_start3A_249 : memref<125x64xf32, #tpu.memory_space<hbm>>) target_semaphore(%run_scoped3A_243 : memref<!tpu.dma_semaphore, #tpu.memory_space<semaphore_mem>>)
      %dma_wait3A_250 = arith.constant 64 : i32
      %dma_wait3A_251 = tpu.memref_slice %arg7[%arg0, %add3A_227, %dma_wait3A_250] : memref<2x10000x128xf32, #tpu.memory_space<hbm>> -> memref<1x125x64xf32, #tpu.memory_space<hbm>>
      %dma_wait3A_252 = tpu.memref_squeeze %dma_wait3A_251 : memref<1x125x64xf32, #tpu.memory_space<hbm>> -> memref<125x64xf32, #tpu.memory_space<hbm>>
      %dma_wait3A_253 = arith.constant 64 : i32
      %dma_wait3A_254 = tpu.memref_slice %arg7[%arg0, %add3A_227, %dma_wait3A_253] : memref<2x10000x128xf32, #tpu.memory_space<hbm>> -> memref<1x125x64xf32, #tpu.memory_space<hbm>>
      %dma_wait3A_255 = tpu.memref_squeeze %dma_wait3A_254 : memref<1x125x64xf32, #tpu.memory_space<hbm>> -> memref<125x64xf32, #tpu.memory_space<hbm>>
      tpu.wait_dma2 semaphore(%run_scoped3A_243 : memref<!tpu.dma_semaphore, #tpu.memory_space<semaphore_mem>>) src(%arg14 : memref<125x64xf32, #tpu.memory_space<vmem>>) dst(%dma_wait3A_255 : memref<125x64xf32, #tpu.memory_space<hbm>>)
      tpu.yield
    }) : () -> ()
    %add3A_234 = arith.constant 500 : i32
    %add3A_235 = arith.addi %mul3A_2, %add3A_234 : i32
    "tpu.region"() ({
      %run_scoped3A_243 = tpu.sem_alloc : memref<!tpu.dma_semaphore, #tpu.memory_space<semaphore_mem>>
      %dma_start3A_244 = arith.constant 0 : i32
      %dma_start3A_245 = tpu.memref_slice %arg17[%add3A_235, %dma_start3A_244] : memref<10000x64xf32, #tpu.memory_space<vmem_shared>> -> memref<125x64xf32, #tpu.memory_space<vmem_shared>>
      %dma_start3A_246 = arith.constant 0 : i32
      %dma_start3A_247 = tpu.memref_slice %arg17[%add3A_235, %dma_start3A_246] : memref<10000x64xf32, #tpu.memory_space<vmem_shared>> -> memref<125x64xf32, #tpu.memory_space<vmem_shared>>
      tpu.enqueue_dma source(%dma_start3A_247 : memref<125x64xf32, #tpu.memory_space<vmem_shared>>) target(%arg12 : memref<125x64xf32, #tpu.memory_space<vmem>>) target_semaphore(%run_scoped3A_243 : memref<!tpu.dma_semaphore, #tpu.memory_space<semaphore_mem>>)
      %dma_wait3A_248 = arith.constant 0 : i32
      %dma_wait3A_249 = tpu.memref_slice %arg17[%add3A_235, %dma_wait3A_248] : memref<10000x64xf32, #tpu.memory_space<vmem_shared>> -> memref<125x64xf32, #tpu.memory_space<vmem_shared>>
      %dma_wait3A_250 = arith.constant 0 : i32
      %dma_wait3A_251 = tpu.memref_slice %arg17[%add3A_235, %dma_wait3A_250] : memref<10000x64xf32, #tpu.memory_space<vmem_shared>> -> memref<125x64xf32, #tpu.memory_space<vmem_shared>>
      tpu.wait_dma2 semaphore(%run_scoped3A_243 : memref<!tpu.dma_semaphore, #tpu.memory_space<semaphore_mem>>) src(%dma_wait3A_251 : memref<125x64xf32, #tpu.memory_space<vmem_shared>>) dst(%arg12 : memref<125x64xf32, #tpu.memory_space<vmem>>)
      tpu.yield
    }) : () -> ()
    "tpu.region"() ({
      %run_scoped3A_243 = tpu.sem_alloc : memref<!tpu.dma_semaphore, #tpu.memory_space<semaphore_mem>>
      %dma_start3A_244 = arith.constant 0 : i32
      %dma_start3A_245 = tpu.memref_slice %arg18[%add3A_235, %dma_start3A_244] : memref<10000x16xf32, #tpu.memory_space<vmem_shared>> -> memref<125x16xf32, #tpu.memory_space<vmem_shared>>
      %dma_start3A_246 = arith.constant 0 : i32
      %dma_start3A_247 = tpu.memref_slice %arg18[%add3A_235, %dma_start3A_246] : memref<10000x16xf32, #tpu.memory_space<vmem_shared>> -> memref<125x16xf32, #tpu.memory_space<vmem_shared>>
      tpu.enqueue_dma source(%dma_start3A_247 : memref<125x16xf32, #tpu.memory_space<vmem_shared>>) target(%arg13 : memref<125x16xf32, #tpu.memory_space<vmem>>) target_semaphore(%run_scoped3A_243 : memref<!tpu.dma_semaphore, #tpu.memory_space<semaphore_mem>>)
      %dma_wait3A_248 = arith.constant 0 : i32
      %dma_wait3A_249 = tpu.memref_slice %arg18[%add3A_235, %dma_wait3A_248] : memref<10000x16xf32, #tpu.memory_space<vmem_shared>> -> memref<125x16xf32, #tpu.memory_space<vmem_shared>>
      %dma_wait3A_250 = arith.constant 0 : i32
      %dma_wait3A_251 = tpu.memref_slice %arg18[%add3A_235, %dma_wait3A_250] : memref<10000x16xf32, #tpu.memory_space<vmem_shared>> -> memref<125x16xf32, #tpu.memory_space<vmem_shared>>
      tpu.wait_dma2 semaphore(%run_scoped3A_243 : memref<!tpu.dma_semaphore, #tpu.memory_space<semaphore_mem>>) src(%dma_wait3A_251 : memref<125x16xf32, #tpu.memory_space<vmem_shared>>) dst(%arg13 : memref<125x16xf32, #tpu.memory_space<vmem>>)
      tpu.yield
    }) : () -> ()
    "tpu.region"() ({
      %run_scoped3A_243 = tpu.sem_alloc : memref<!tpu.dma_semaphore, #tpu.memory_space<semaphore_mem>>
      %dma_start3A_244 = arith.constant 64 : i32
      %dma_start3A_245 = tpu.memref_slice %arg4[%arg0, %add3A_235, %dma_start3A_244] : memref<2x10000x128xf32, #tpu.memory_space<hbm>> -> memref<1x125x64xf32, #tpu.memory_space<hbm>>
      %dma_start3A_246 = tpu.memref_squeeze %dma_start3A_245 : memref<1x125x64xf32, #tpu.memory_space<hbm>> -> memref<125x64xf32, #tpu.memory_space<hbm>>
      %dma_start3A_247 = arith.constant 64 : i32
      %dma_start3A_248 = tpu.memref_slice %arg4[%arg0, %add3A_235, %dma_start3A_247] : memref<2x10000x128xf32, #tpu.memory_space<hbm>> -> memref<1x125x64xf32, #tpu.memory_space<hbm>>
      %dma_start3A_249 = tpu.memref_squeeze %dma_start3A_248 : memref<1x125x64xf32, #tpu.memory_space<hbm>> -> memref<125x64xf32, #tpu.memory_space<hbm>>
      tpu.enqueue_dma source(%dma_start3A_249 : memref<125x64xf32, #tpu.memory_space<hbm>>) target(%arg14 : memref<125x64xf32, #tpu.memory_space<vmem>>) target_semaphore(%run_scoped3A_243 : memref<!tpu.dma_semaphore, #tpu.memory_space<semaphore_mem>>)
      %dma_wait3A_250 = arith.constant 64 : i32
      %dma_wait3A_251 = tpu.memref_slice %arg4[%arg0, %add3A_235, %dma_wait3A_250] : memref<2x10000x128xf32, #tpu.memory_space<hbm>> -> memref<1x125x64xf32, #tpu.memory_space<hbm>>
      %dma_wait3A_252 = tpu.memref_squeeze %dma_wait3A_251 : memref<1x125x64xf32, #tpu.memory_space<hbm>> -> memref<125x64xf32, #tpu.memory_space<hbm>>
      %dma_wait3A_253 = arith.constant 64 : i32
      %dma_wait3A_254 = tpu.memref_slice %arg4[%arg0, %add3A_235, %dma_wait3A_253] : memref<2x10000x128xf32, #tpu.memory_space<hbm>> -> memref<1x125x64xf32, #tpu.memory_space<hbm>>
      %dma_wait3A_255 = tpu.memref_squeeze %dma_wait3A_254 : memref<1x125x64xf32, #tpu.memory_space<hbm>> -> memref<125x64xf32, #tpu.memory_space<hbm>>
      tpu.wait_dma2 semaphore(%run_scoped3A_243 : memref<!tpu.dma_semaphore, #tpu.memory_space<semaphore_mem>>) src(%dma_wait3A_255 : memref<125x64xf32, #tpu.memory_space<hbm>>) dst(%arg14 : memref<125x64xf32, #tpu.memory_space<vmem>>)
      tpu.yield
    }) : () -> ()
    %scan3A_236 = arith.constant 0 : i32
    %scan3A_237 = arith.constant 0 : i32
    %scan3A_238 = arith.constant 125 : i32
    %scan3A_239 = arith.addi %scan3A_237, %scan3A_238 : i32
    %scan3A_240 = arith.constant 1 : i32
    scf.for %scan3A_243 = %scan3A_237 to %scan3A_239 step %scan3A_240  : i32 {
      %get3A = arith.index_cast %scan3A_243 : i32 to index
      %get3A_244 = arith.constant 0 : index
      %get3A_245 = tpu.vector_load %arg13[%get3A, %get3A_244] {strides = array<i32>} : memref<125x16xf32, #tpu.memory_space<vmem>>, vector<1x16xf32>,
      %get3A_246 = vector.shape_cast %get3A_245 : vector<1x16xf32> to vector<16xf32>
      %broadcast_in_dim3A_247 = arith.constant 0 : i32
      %broadcast_in_dim3A_248 = vector.broadcast %broadcast_in_dim3A_247 : i32 to vector<16xi32>
      %lt3A = arith.constant 0 : i32
      %lt3A_249 = vector.broadcast %lt3A : i32 to vector<16xi32>
      %lt3A_250 = arith.cmpi slt, %broadcast_in_dim3A_248, %lt3A_249 : vector<16xi32>
      %add3A_251 = arith.constant 16 : i32
      %add3A_252 = vector.broadcast %add3A_251 : i32 to vector<16xi32>
      %add3A_253 = arith.addi %broadcast_in_dim3A_248, %add3A_252 : vector<16xi32>
      %select_n3A_254 = arith.select %lt3A_250, %add3A_253, %broadcast_in_dim3A_248 : vector<16xi1>, vector<16xi32>
      %broadcast_in_dim3A_255 = vector.shape_cast %select_n3A_254 : vector<16xi32> to vector<16x1xi32>
      %gather3A = vector.shape_cast %broadcast_in_dim3A_255 : vector<16x1xi32> to vector<16xi32>
      %gather3A_256 = tpu.dynamic_gather %get3A_246[%gather3A] in [0] : vector<16xf32>, vector<16xi32> -> vector<16xf32>
      %add3A_257 = arith.constant 1.000000e+00 : f32
      %add3A_258 = vector.broadcast %add3A_257 : f32 to vector<16xf32>
      %add3A_259 = arith.addf %add3A_258, %gather3A_256 : vector<16xf32>
      %mul3A_260 = arith.mulf %add3A_259, %gather3A_256 : vector<16xf32>
      %div3A = arith.constant 1.000000e+00 : f32
      %div3A_261 = vector.broadcast %div3A : f32 to vector<16xf32>
      %div3A_262 = arith.divf %div3A_261, %mul3A_260 : vector<16xf32>
      %get3A_263 = arith.index_cast %scan3A_243 : i32 to index
      %get3A_264 = arith.constant 0 : index
      %get3A_265 = tpu.vector_load %arg12[%get3A_263, %get3A_264] {strides = array<i32>} : memref<125x64xf32, #tpu.memory_space<vmem>>, vector<1x16xf32>,
      %get3A_266 = vector.shape_cast %get3A_265 : vector<1x16xf32> to vector<16xf32>
      %mul3A_267 = arith.mulf %get3A_266, %div3A_262 : vector<16xf32>
      %get3A_268 = arith.index_cast %scan3A_243 : i32 to index
      %get3A_269 = arith.constant 0 : index
      %get3A_270 = tpu.vector_load %arg14[%get3A_268, %get3A_269] {strides = array<i32>} : memref<125x64xf32, #tpu.memory_space<vmem>>, vector<1x16xf32>,
      %get3A_271 = vector.shape_cast %get3A_270 : vector<1x16xf32> to vector<16xf32>
      %add3A_272 = arith.addf %mul3A_267, %get3A_271 : vector<16xf32>
      %swap3A = arith.index_cast %scan3A_243 : i32 to index
      %swap3A_273 = arith.constant 0 : index
      %swap3A_274 = tpu.vector_load %arg14[%swap3A, %swap3A_273] {strides = array<i32>} : memref<125x64xf32, #tpu.memory_space<vmem>>, vector<1x16xf32>,
      %swap3A_275 = vector.shape_cast %swap3A_274 : vector<1x16xf32> to vector<16xf32>
      %swap3A_276 = vector.shape_cast %add3A_272 : vector<16xf32> to vector<1x16xf32>
      tpu.vector_store %arg14[%swap3A, %swap3A_273], %swap3A_276 {strides = array<i32>} : memref<125x64xf32, #tpu.memory_space<vmem>>, vector<1x16xf32>,
      %get3A_277 = arith.index_cast %scan3A_243 : i32 to index
      %get3A_278 = arith.constant 16 : index
      %get3A_279 = tpu.vector_load %arg12[%get3A_277, %get3A_278] {strides = array<i32>} : memref<125x64xf32, #tpu.memory_space<vmem>>, vector<1x16xf32>,
      %get3A_280 = vector.shape_cast %get3A_279 : vector<1x16xf32> to vector<16xf32>
      %mul3A_281 = arith.mulf %get3A_280, %div3A_262 : vector<16xf32>
      %get3A_282 = arith.index_cast %scan3A_243 : i32 to index
      %get3A_283 = arith.constant 16 : index
      %get3A_284 = tpu.vector_load %arg14[%get3A_282, %get3A_283] {strides = array<i32>} : memref<125x64xf32, #tpu.memory_space<vmem>>, vector<1x16xf32>,
      %get3A_285 = vector.shape_cast %get3A_284 : vector<1x16xf32> to vector<16xf32>
      %add3A_286 = arith.addf %mul3A_281, %get3A_285 : vector<16xf32>
      %swap3A_287 = arith.index_cast %scan3A_243 : i32 to index
      %swap3A_288 = arith.constant 16 : index
      %swap3A_289 = tpu.vector_load %arg14[%swap3A_287, %swap3A_288] {strides = array<i32>} : memref<125x64xf32, #tpu.memory_space<vmem>>, vector<1x16xf32>,
      %swap3A_290 = vector.shape_cast %swap3A_289 : vector<1x16xf32> to vector<16xf32>
      %swap3A_291 = vector.shape_cast %add3A_286 : vector<16xf32> to vector<1x16xf32>
      tpu.vector_store %arg14[%swap3A_287, %swap3A_288], %swap3A_291 {strides = array<i32>} : memref<125x64xf32, #tpu.memory_space<vmem>>, vector<1x16xf32>,
      %get3A_292 = arith.index_cast %scan3A_243 : i32 to index
      %get3A_293 = arith.constant 32 : index
      %get3A_294 = tpu.vector_load %arg12[%get3A_292, %get3A_293] {strides = array<i32>} : memref<125x64xf32, #tpu.memory_space<vmem>>, vector<1x16xf32>,
      %get3A_295 = vector.shape_cast %get3A_294 : vector<1x16xf32> to vector<16xf32>
      %mul3A_296 = arith.mulf %get3A_295, %div3A_262 : vector<16xf32>
      %get3A_297 = arith.index_cast %scan3A_243 : i32 to index
      %get3A_298 = arith.constant 32 : index
      %get3A_299 = tpu.vector_load %arg14[%get3A_297, %get3A_298] {strides = array<i32>} : memref<125x64xf32, #tpu.memory_space<vmem>>, vector<1x16xf32>,
      %get3A_300 = vector.shape_cast %get3A_299 : vector<1x16xf32> to vector<16xf32>
      %add3A_301 = arith.addf %mul3A_296, %get3A_300 : vector<16xf32>
      %swap3A_302 = arith.index_cast %scan3A_243 : i32 to index
      %swap3A_303 = arith.constant 32 : index
      %swap3A_304 = tpu.vector_load %arg14[%swap3A_302, %swap3A_303] {strides = array<i32>} : memref<125x64xf32, #tpu.memory_space<vmem>>, vector<1x16xf32>,
      %swap3A_305 = vector.shape_cast %swap3A_304 : vector<1x16xf32> to vector<16xf32>
      %swap3A_306 = vector.shape_cast %add3A_301 : vector<16xf32> to vector<1x16xf32>
      tpu.vector_store %arg14[%swap3A_302, %swap3A_303], %swap3A_306 {strides = array<i32>} : memref<125x64xf32, #tpu.memory_space<vmem>>, vector<1x16xf32>,
      %get3A_307 = arith.index_cast %scan3A_243 : i32 to index
      %get3A_308 = arith.constant 48 : index
      %get3A_309 = tpu.vector_load %arg12[%get3A_307, %get3A_308] {strides = array<i32>} : memref<125x64xf32, #tpu.memory_space<vmem>>, vector<1x16xf32>,
      %get3A_310 = vector.shape_cast %get3A_309 : vector<1x16xf32> to vector<16xf32>
      %mul3A_311 = arith.mulf %get3A_310, %div3A_262 : vector<16xf32>
      %get3A_312 = arith.index_cast %scan3A_243 : i32 to index
      %get3A_313 = arith.constant 48 : index
      %get3A_314 = tpu.vector_load %arg14[%get3A_312, %get3A_313] {strides = array<i32>} : memref<125x64xf32, #tpu.memory_space<vmem>>, vector<1x16xf32>,
      %get3A_315 = vector.shape_cast %get3A_314 : vector<1x16xf32> to vector<16xf32>
      %add3A_316 = arith.addf %mul3A_311, %get3A_315 : vector<16xf32>
      %swap3A_317 = arith.index_cast %scan3A_243 : i32 to index
      %swap3A_318 = arith.constant 48 : index
      %swap3A_319 = tpu.vector_load %arg14[%swap3A_317, %swap3A_318] {strides = array<i32>} : memref<125x64xf32, #tpu.memory_space<vmem>>, vector<1x16xf32>,
      %swap3A_320 = vector.shape_cast %swap3A_319 : vector<1x16xf32> to vector<16xf32>
      %swap3A_321 = vector.shape_cast %add3A_316 : vector<16xf32> to vector<1x16xf32>
      tpu.vector_store %arg14[%swap3A_317, %swap3A_318], %swap3A_321 {strides = array<i32>} : memref<125x64xf32, #tpu.memory_space<vmem>>, vector<1x16xf32>,
    }
    %scan3A_241 = arith.constant 125 : i32
    "tpu.region"() ({
      %run_scoped3A_243 = tpu.sem_alloc : memref<!tpu.dma_semaphore, #tpu.memory_space<semaphore_mem>>
      %dma_start3A_244 = arith.constant 64 : i32
      %dma_start3A_245 = tpu.memref_slice %arg7[%arg0, %add3A_235, %dma_start3A_244] : memref<2x10000x128xf32, #tpu.memory_space<hbm>> -> memref<1x125x64xf32, #tpu.memory_space<hbm>>
      %dma_start3A_246 = tpu.memref_squeeze %dma_start3A_245 : memref<1x125x64xf32, #tpu.memory_space<hbm>> -> memref<125x64xf32, #tpu.memory_space<hbm>>
      %dma_start3A_247 = arith.constant 64 : i32
      %dma_start3A_248 = tpu.memref_slice %arg7[%arg0, %add3A_235, %dma_start3A_247] : memref<2x10000x128xf32, #tpu.memory_space<hbm>> -> memref<1x125x64xf32, #tpu.memory_space<hbm>>
      %dma_start3A_249 = tpu.memref_squeeze %dma_start3A_248 : memref<1x125x64xf32, #tpu.memory_space<hbm>> -> memref<125x64xf32, #tpu.memory_space<hbm>>
      tpu.enqueue_dma source(%arg14 : memref<125x64xf32, #tpu.memory_space<vmem>>) target(%dma_start3A_249 : memref<125x64xf32, #tpu.memory_space<hbm>>) target_semaphore(%run_scoped3A_243 : memref<!tpu.dma_semaphore, #tpu.memory_space<semaphore_mem>>)
      %dma_wait3A_250 = arith.constant 64 : i32
      %dma_wait3A_251 = tpu.memref_slice %arg7[%arg0, %add3A_235, %dma_wait3A_250] : memref<2x10000x128xf32, #tpu.memory_space<hbm>> -> memref<1x125x64xf32, #tpu.memory_space<hbm>>
      %dma_wait3A_252 = tpu.memref_squeeze %dma_wait3A_251 : memref<1x125x64xf32, #tpu.memory_space<hbm>> -> memref<125x64xf32, #tpu.memory_space<hbm>>
      %dma_wait3A_253 = arith.constant 64 : i32
      %dma_wait3A_254 = tpu.memref_slice %arg7[%arg0, %add3A_235, %dma_wait3A_253] : memref<2x10000x128xf32, #tpu.memory_space<hbm>> -> memref<1x125x64xf32, #tpu.memory_space<hbm>>
      %dma_wait3A_255 = tpu.memref_squeeze %dma_wait3A_254 : memref<1x125x64xf32, #tpu.memory_space<hbm>> -> memref<125x64xf32, #tpu.memory_space<hbm>>
      tpu.wait_dma2 semaphore(%run_scoped3A_243 : memref<!tpu.dma_semaphore, #tpu.memory_space<semaphore_mem>>) src(%arg14 : memref<125x64xf32, #tpu.memory_space<vmem>>) dst(%dma_wait3A_255 : memref<125x64xf32, #tpu.memory_space<hbm>>)
      tpu.yield
    }) : () -> ()
    %barrier3A_242 = arith.constant 0 : index
    tpu.barrier barrier_id(%barrier3A_242)
    return
  }
}

module attributes {stable_mosaic.version = 14 : i64} {
  func.func @_mm_body(%arg0: i32, %arg1: i32, %arg2: memref<1x16000x128xf32, #tpu.memory_space<vmem>>, %arg3: memref<128x128xf32, #tpu.memory_space<vmem>>, %arg4: memref<1x16000x128xf32, #tpu.memory_space<vmem>>) attributes {dimension_semantics = [#tpu.dimension_semantics<arbitrary>, #tpu.dimension_semantics<arbitrary>], iteration_bounds = array<i64: 2, 20>, scalar_prefetch = 0 : i64, scratch_operands = 0 : i64, tpu.core_type = #tpu.core_type<tc>, window_params = [{transform_indices = @transform_0, window_bounds = array<i64: 1, 16000, 128>}, {pipeline_mode = #tpu.pipeline_mode<synchronous>, transform_indices = @transform_1, window_bounds = array<i64: 128, 128>}, {transform_indices = @transform_2, window_bounds = array<i64: 1, 16000, 128>}]} {
    %get3A = arith.constant 0 : index
    %get3A_0 = arith.constant 0 : index
    %get3A_1 = arith.constant 0 : index
    %get3A_2 = vector.load %arg2[%get3A, %get3A_0, %get3A_1] : memref<1x16000x128xf32, #tpu.memory_space<vmem>>, vector<1x16000x128xf32>
    %get3A_3 = vector.shape_cast %get3A_2 : vector<1x16000x128xf32> to vector<16000x128xf32>
    %get3A_4 = arith.constant 0 : index
    %get3A_5 = arith.constant 0 : index
    %get3A_6 = vector.load %arg3[%get3A_4, %get3A_5] : memref<128x128xf32, #tpu.memory_space<vmem>>, vector<128x128xf32>
    %dot_general3A = arith.constant dense<0.000000e+00> : vector<16000x128xf32>
    %dot_general3A_7 = tpu.matmul %get3A_3, %get3A_6, %dot_general3A {dimension_numbers = #tpu.dot_dimension_numbers<[1], [0], [0], [1], [0, 0, 1, 1], [], []>, transpose_lhs_hint = false} : vector<16000x128xf32>, vector<128x128xf32>, vector<16000x128xf32> -> vector<16000x128xf32>
    %max3A = arith.constant 0.000000e+00 : f32
    %max3A_8 = vector.broadcast %max3A : f32 to vector<16000x128xf32>
    %max3A_9 = arith.maximumf %dot_general3A_7, %max3A_8 : vector<16000x128xf32>
    %swap3A = arith.constant 0 : index
    %swap3A_10 = arith.constant 0 : index
    %swap3A_11 = arith.constant 0 : index
    %swap3A_12 = vector.load %arg4[%swap3A, %swap3A_10, %swap3A_11] : memref<1x16000x128xf32, #tpu.memory_space<vmem>>, vector<1x16000x128xf32>
    %swap3A_13 = vector.shape_cast %swap3A_12 : vector<1x16000x128xf32> to vector<16000x128xf32>
    %swap3A_14 = vector.shape_cast %max3A_9 : vector<16000x128xf32> to vector<1x16000x128xf32>
    tpu.vector_store %arg4[%swap3A, %swap3A_10, %swap3A_11], %swap3A_14 {strides = array<i32>} : memref<1x16000x128xf32, #tpu.memory_space<vmem>>, vector<1x16000x128xf32>,
    return
  }
  func.func @transform_0(%arg0: i32, %arg1: i32) -> (i32, i32, i32) {
    %c0_i32 = arith.constant 0 : i32
    %c0_i32_0 = arith.constant 0 : i32
    return %arg0, %arg1, %c0_i32 : i32, i32, i32
  }
  func.func @transform_1(%arg0: i32, %arg1: i32) -> (i32, i32) {
    %c0_i32 = arith.constant 0 : i32
    %c0_i32_0 = arith.constant 0 : i32
    %c0_i32_1 = arith.constant 0 : i32
    return %c0_i32, %c0_i32_0 : i32, i32
  }
  func.func @transform_2(%arg0: i32, %arg1: i32) -> (i32, i32, i32) {
    %c0_i32 = arith.constant 0 : i32
    %c0_i32_0 = arith.constant 0 : i32
    return %arg0, %arg1, %c0_i32 : i32, i32, i32
  }
}

</mosaic_0001>

<sc_bundles>
// kernel: kernel.4.cloned.1.call-start
scs
__scs_entry_jumppad:
0x0: {  	(pc) =	sbr.rel $0x88, $3  }
0x1: {  	(tag) =	ssettag $0x0;
	lr =	simm.s32 $0x1  }
0x2: {  	[smem:$0x3F9D] =	sst lr;
	_ =	strace $0xD0000000  }
0x3: {  	_ = 	snop  }
0x4: {  	_ = 	snop  }
0x5: {  	_ = 	snop  }
0x6: {  	_ = 	snop  }
0x7: {  	_ = 	snop  }
__scs_overlays_trampoline_lowered:
0x8: {  	[smem:$0x3FAC] =	sst s0  }
0x9: {  	[smem:$0x3FAD] =	sst s1  }
0xa: {  	[smem:$0x3FAE] =	sst s2  }
0xb: {  	[smem:$0x3FAF] =	sst s3  }
0xc: {  	[smem:$0x3FB0] =	sst s4  }
0xd: {  	[smem:$0x3FB1] =	sst s5  }
0xe: {  	[smem:$0x3FB2] =	sst s6  }
0xf: {  	[smem:$0x3FB3] =	sst s7  }
0x10: {  	[smem:$0x3FB4] =	sst s8  }
0x11: {  	[smem:$0x3FB5] =	sst s9;
	s0 =	simm.s32 @!p0 $0x0  }
0x12: {  	s1 =	sld [smem:$0x3F9B];
	s0 =	simm.s32 @p0 $0x1  }
0x13: {  	[smem:$0x3FB6] =	sst s0;
	s0 =	simm.s32 @!p1 $0x0  }
0x14: {  	s2 =	sld [smem:$0x3F9A];
	s0 =	simm.s32 @p1 $0x1  }
0x15: {  	[smem:$0x3FB7] =	sst s0;
	s0 =	simm.s32 @!p2 $0x0  }
0x16: {  	s3 =	sld [smem:$0x3FDB];
	s0 =	simm.s32 @p2 $0x1  }
0x17: {  	s4 =	simm.s32 $0x1BF5;
	[smem:$0x3FB9] =	sst s0  }
0x18: {  	s0 =	sld [smem:$0x3F9C];
	_ =	swait.ge [sflag:s4], $0x0  }
0x19: {  	s7 =	sld [smem:$0x3F9D]  }
0x1a: {  	s8 =	sadd.s32 $0xFFFFE003, lr  }
0x1b: {  	s9 =	sadd.s32 $0xFFFFFEF7, lr;
	s5 =	simm.s32 $0xFFFFFFFF;
	p2 =	slt.u32 s8, $0xFFFFF086  }
0x1c: {  	p1 =	slt.u32 s9, $0xF7A;
	s5 =	simm.s32 @!p2 $0x0  }
0x1d: {  	s5 =	simm.s32 @p1 $0x1;
	p0 =	seq.s32 s7, s2  }
0x1e: {  	s7 =	smul.u32 @!p0 $0xF7A, s2;
	p2 =	seq.s32 @!p0 s5, $0x0  }
0x1f: {  	s9 =	smul.u32 $0xF7A, s1;
	s8 =	simm.s32 @!p0 $0x1BF5;
	p2 =	por !p2, p0  }
0x20: {  	[sflag:s8] =	ssyncset.s32 @!p0 $0xFFFFF086;
	s6 =	sadd.s32 @!p0 s3, s7;
	s7 =	simm.s32 @!p0 $0x108  }
0x21: {  	s3 =	sadd.s32 s3, s9;
	s6 =	sadd.s32 @!p0 $0x88, s6;
	s7 =	simm.s32 @p2 $0x1082  }
0x22: {  	[simem:s7], [sflag:s8] =	dma.local @!p0 [hbm:s6], $0xF7A  }
0x23: {  	s9 =	sor.u32 $0xD0000000, s2;
	s6 =	simm.s32 $0x108;
	_ =	swait.ge @!p0 [sflag:s8], $0x0  }
0x24: {  	s3 =	sadd.s32 $0x88, s3;
	s6 =	simm.s32 @!p1 $0x1082;
	[sflag:s4] =	ssyncset.s32 $0xFFFFF086  }
0x25: {  	[simem:s6], [sflag:s4] =	dma.local [hbm:s3], $0xF7A  }
0x26: {  	[smem:$0x3F9D] =	sst s1;
	(tag) =	ssettag s2;
	_ =	strace s9  }
0x27: {  	s1 =	sld [smem:$0x3FAD]  }
0x28: {  	s2 =	sld [smem:$0x3FAE]  }
0x29: {  	s4 =	sld [smem:$0x3FB0]  }
0x2a: {  	p0 =	seq.s32 s5, $0x0;
	s5 =	sld [smem:$0x3FB1]  }
0x2b: {  	s6 =	sld [smem:$0x3FB2]  }
0x2c: {  	s7 =	sld [smem:$0x3FB3]  }
0x2d: {  	s3 =	simm.s32 $0x108;
	s8 =	sld [smem:$0x3FB4]  }
0x2e: {  	s3 =	simm.s32 @!p0 $0x1082;
	s9 =	sld [smem:$0x3FB5]  }
0x2f: {  	lr =	sadd.s32 s0, s3;
	s0 =	sld [smem:$0x3FAC]  }
0x30: {  	s3 =	sld [smem:$0x3FAF]  }
0x31: {  	[smem:$0x3FB8] =	sst s10  }
0x32: {  	s10 =	sld [smem:$0x3FB6];
	_ =	sdelay $0x3  }
0x33: {  	p0 =	seq.s32 s10, $0x1;
	s10 =	sld [smem:$0x3FB8];
	_ =	sdelay $0x3  }
0x34: {  	[smem:$0x3FB8] =	sst s10  }
0x35: {  	s10 =	sld [smem:$0x3FB7];
	_ =	sdelay $0x3  }
0x36: {  	p1 =	seq.s32 s10, $0x1;
	s10 =	sld [smem:$0x3FB8];
	_ =	sdelay $0x3  }
0x37: {  	[smem:$0x3FB8] =	sst s10  }
0x38: {  	s10 =	sld [smem:$0x3FB9]  }
0x39: {  	_ = 	snop;
	(pc) =	sbr.ind lr, $3  }
0x3a: {  	_ = 	snop  }
0x3b: {  	_ = 	snop  }
0x3c: {  	p2 =	seq.s32 s10, $0x1;
	s10 =	sld [smem:$0x3FB8]  }
0x3d: {  	_ =	shalt  }
0x3e: {  	_ =	shalt  }
0x3f: {  	_ =	shalt  }
0x40: {  	_ =	shalt  }
0x41: {  	_ =	shalt  }
0x42: {  	_ =	shalt  }
0x43: {  	_ =	shalt  }
0x44: {  	_ =	shalt  }
0x45: {  	_ =	shalt  }
0x46: {  	_ =	shalt  }
0x47: {  	_ =	shalt  }
0x48: {  	_ =	shalt  }
0x49: {  	_ =	shalt  }
0x4a: {  	_ =	shalt  }
0x4b: {  	_ =	shalt  }
0x4c: {  	_ =	shalt  }
0x4d: {  	_ =	shalt  }
0x4e: {  	_ =	shalt  }
0x4f: {  	_ =	shalt  }
0x50: {  	_ =	shalt  }
0x51: {  	_ =	shalt  }
0x52: {  	_ =	shalt  }
0x53: {  	_ =	shalt  }
0x54: {  	_ =	shalt  }
0x55: {  	_ =	shalt  }
0x56: {  	_ =	shalt  }
0x57: {  	_ =	shalt  }
0x58: {  	_ =	shalt  }
0x59: {  	_ =	shalt  }
0x5a: {  	_ =	shalt  }
0x5b: {  	_ =	shalt  }
0x5c: {  	_ =	shalt  }
0x5d: {  	_ =	shalt  }
0x5e: {  	_ =	shalt  }
0x5f: {  	_ =	shalt  }
0x60: {  	_ =	shalt  }
0x61: {  	_ =	shalt  }
0x62: {  	_ =	shalt  }
0x63: {  	_ =	shalt  }
0x64: {  	_ =	shalt  }
0x65: {  	_ =	shalt  }
0x66: {  	_ =	shalt  }
0x67: {  	_ =	shalt  }
0x68: {  	_ =	shalt  }
0x69: {  	_ =	shalt  }
0x6a: {  	_ =	shalt  }
0x6b: {  	_ =	shalt  }
0x6c: {  	_ =	shalt  }
0x6d: {  	_ =	shalt  }
0x6e: {  	_ =	shalt  }
0x6f: {  	_ =	shalt  }
0x70: {  	_ =	shalt  }
0x71: {  	_ =	shalt  }
0x72: {  	_ =	shalt  }
0x73: {  	_ =	shalt  }
0x74: {  	_ =	shalt  }
0x75: {  	_ =	shalt  }
0x76: {  	_ =	shalt  }
0x77: {  	_ =	shalt  }
0x78: {  	_ =	shalt  }
0x79: {  	_ =	shalt  }
0x7a: {  	_ =	shalt  }
0x7b: {  	_ =	shalt  }
0x7c: {  	_ =	shalt  }
0x7d: {  	_ =	shalt  }
0x7e: {  	_ =	shalt  }
0x7f: {  	_ =	shalt  }
0x80: {  	_ =	shalt  }
0x81: {  	_ =	shalt  }
0x82: {  	_ =	shalt  }
0x83: {  	_ =	shalt  }
0x84: {  	_ =	shalt  }
0x85: {  	_ =	shalt  }
0x86: {  	_ =	shalt  }
0x87: {  	_ =	shalt  }
.Lfunc_end0:
.L_simem_size_0:
called_computation_lowered:
.L_overlay_start_0:
0x88: {  	s2 =	sld [smem:$0x3FD9]  }
0x89: {  	s3 =	sld [smem:$0x3FFE];
	_ =	sdelay $0x1  }
0x8a: {  	s1 =	srdreg.scid  }
0x8b: {  	s0 =	sand.u32 $0x1, s1  }
0x8c: {  	s17 =	sshll.u32 s0, $0xA;
	s2 =	sadd.s32 s3, s2  }
0x8d: {  	s2 =	sadd.s32 s2, s17  }
0x8e: {  	[smem:$0x3FC4] =	sst s2  }
0x8f: {  	_ = 	snop  }
0x90: {  	s2 =	sld [smem:$0x3FC8]  }
0x91: {  	s18 =	sld [smem:$0x3FD0];
	(tm) =	ssettm $0x1  }
0x92: {  	s4 =	sld [smem:$0x3FFB];
	_ =	sdelay $0x3  }
0x93: {  	_ =	strace s4  }
0x94: {  	s4 =	sld [smem:$0x3FFC];
	_ =	sdelay $0x3  }
0x95: {  	_ =	strace s4  }
0x96: {  	s4 =	sld [smem:$0x3FFD];
	_ =	sdelay $0x3  }
0x97: {  	_ =	strace s4  }
0x98: {  	_ =	strace $0x8FFFFFFF  }
0x99: {  	s19 =	sld [smem:$0x3FDB];
	_ =	sdelay $0x1  }
0x9a: {  	s5 =	simm.s32 $_scs_section_size  }
0x9b: {  	s6 =	simm.s32 $_size__tile_overlayer_lowered;
	s7 =	simm.s32 $_tile_overlayer_lowered  }
0x9c: {  	s22 =	simm.s32 $0x1BFF;
	s21 =	sshll.u32 s7, $0x1;
	s4 =	sadd.s32 s5, s19  }
0x9d: {  	s8 =	simm.s32 $0x0;
	s20 =	sshll.u32 s6, $0x1;
	s6 =	sadd.s32 s21, s4  }
0x9e: {  	[timem:s8], [sflag:s22] =	dma.local [hbm:s6], s20  }
0x9f: {  	_ =	swait.ge [sflag:s22], s20  }
0xa0: {  	s5 =	ssub.s32 $0x0, s20;
	[sflag:s22] =	ssyncset.done $0x0  }
0xa1: {  	[sflag:s22] =	ssyncadd.s32 s5;
	_ =	sdelay $0x1  }
0xa2: {  	s23 =	simm.s32 $0x1B8B  }
0xa3: {  	_ =	swait.ge [sflag:s23], $0x1  }
0xa4: {  	[sflag:s23] =	ssyncset.done $0x0  }
0xa5: {  	s25 =	simm.s32 $0x1B8E;
	s24 =	sld [smem:$0x3FFE];
	[sflag:s23] =	ssyncadd.s32 $0xFFFFFFFF  }
0xa6: {  	s26 =	simm.s32 $execute0_lowered;
	[smem:$0x3FD2] =	sst s25  }
0xa7: {  	s6 =	sshll.u32 s26, $0x1;
	_ =	strace $0x80000046;
	[dreg:$0x1] =	wrdreg $0xFFFFFFFF  }
0xa8: {  	s28 =	simm.s32 $_size_execute0_lowered;
	s4 =	sadd.s32 s4, s6;
	[dreg:$0x0] =	wrdreg $0x0  }
0xa9: {  	s6 =	sshll.u32 s28, $0x1;
	[dreg:$0x2] =	wrdreg s4  }
0xaa: {  	[dreg:$0x3] =	wrdreg s6  }
0xab: {  	[dreg:$0x4] =	wrdreg $0xC0  }
0xac: {  	_ =	task [dreg:s8], $0x5FFFF  }
0xad: {  	[dreg:$0x1] =	wrdreg $0xFFFFFFFF  }
0xae: {  	[dreg:$0x0] =	wrdreg $0x60  }
0xaf: {  	[dreg:$0x2] =	wrdreg s24  }
0xb0: {  	[dreg:$0x3] =	wrdreg s2  }
0xb1: {  	[dreg:$0x4] =	wrdreg s18  }
0xb2: {  	[dreg:$0x5] =	wrdreg $0xE9700  }
0xb3: {  	[dreg:$0x6] =	wrdreg $0x185B00  }
0xb4: {  	[dreg:$0x7] =	wrdreg $0x9  }
0xb5: {  	_ =	task.clear_ibuf [dreg:s8], $0x8FFFF;
	_ =	strace $0x90000046  }
0xb6: {  	s29 =	simm.s32 $0x9;
	_ =	strace $0x80000048  }
0xb7: {  	_ =	swait.ge [sflag:s29], $0x1  }
0xb8: {  	[sflag:s29] =	ssyncadd.s32 $0xFFFFFFFF  }
0xb9: {  	_ =	strace $0x90000048  }
0xba: {  	_ =	sfence  }
0xbb: {  	s30 =	sld [smem:$0x0];
	_ =	sdelay $0x2  }
0xbc: {  	s31 =	sshll.u32 s1, $0xD;
	s1 =	sshrl.u32 s1, $0x2  }
0xbd: {  	s3 =	sand.u32 $0x4000, s31;
	s1 =	sadd.s32 s1, s30  }
0xbe: {  	s0 =	sor.u32 s3, s0;
	s1 =	sshll.u32 s1, $0x11  }
0xbf: {  	s0 =	sor.u32 s1, s0  }
0xc0: {  	s0 =	sadd.s32 $0x8F2B, s0  }
0xc1: {  	[sflag:s0] =	ssyncadd.remote.s32 $0x1  }
0xc2: {  	_ =	sfence.sel $0xFFFF  }
0xc3: {  	[dreg:$0x0] =	wrdreg $0xFFFFFFFF;
	(pc) =	sbr.abs _section_cstart, $3  }
0xc4: {  	[dreg:$0x1] =	wrdreg $0xFFFFFFFF  }
0xc5: {  	_ =	task.clear_ibuf [dreg:s8], $0x2FFFF;
	_ =	strace $0x9FFFFFFF  }
0xc6: {  	(tm) =	ssettm $0x7FFFFFFF  }
0xc7: {  	_ =	shalt  }
tec
execute0_lowered:
.L_overlay_start_1:
0x0: {  	(tag) =	ssettag $0x1  }
0x1: {  	s15 =	stileid.u32  }
0x2: {  	s2 =	smul.u32 $0x4E20, s15  }
0x3: {  	s0 =	srdreg.scid;
	s3 =	smul.u32 $0x271, s15  }
0x4: {  	s4 =	rddreg [dreg:$0x1];
	s7 =	smul.u32 $0x271000, s15  }
0x5: {  	s6 =	rddreg [dreg:$0x2];
	s0 =	sand.u32 $0x1, s0;
	s20 =	smul.u32 $0x13880, s15  }
0x6: {  	s10 =	simm.s32 $0x0;
	s30 =	simm.s32 $0x1;
	s1 =	smul.u32 $0x4E200, s0  }
0x7: {  	s28 =	simm.s32 $0x0;
	s8 =	ssub.s32 $0x2, s0;
	s9 =	smul.u32 $0x138800, s0  }
0x8: {  	[smem:$0x7FF] =	sst s10;
	s5 =	smul.u32 $0x2710000, s0;
	s19 =	sshrl.u32 s8, $0x1  }
0x9: {  	s11 =	sadd.s32 s2, s1;
	s0 =	ssub.s32 s8, s19;
	s21 =	sadd.s32 s20, s9  }
0xa: {  	s2 =	sadd.s32 $0x7D, s3;
	s1 =	sadd.s32 s7, s5;
	s5 =	sshrl.u32 s21, $0x3  }
0xb: {  	s8 =	sadd.s32 $0xFA, s3;
	s22 =	sshll.u32 s2, $0x7;
	s23 =	sadd.s32 s4, s5  }
0xc: {  	s12 =	sadd.s32 s6, s5;
	s5 =	sor.u32 $0x8, s5;
	[dreg:$0x6] =	wrdreg s23  }
0xd: {  	s7 =	sadd.s32 s9, s22;
	[dreg:$0x7] =	wrdreg s12;
	s18 =	sadd.s32 s4, s5  }
0xe: {  	s7 =	sshrl.u32 s7, $0x3;
	s5 =	sadd.s32 s6, s5;
	[dreg:$0xd] =	wrdreg s18  }
0xf: {  	s24 =	sshll.u32 s8, $0x7;
	s25 =	sadd.s32 s4, s7;
	[dreg:$0xe] =	wrdreg s5  }
0x10: {  	s26 =	sadd.s32 s6, s7;
	s19 =	sor.u32 $0x8, s7;
	s7 =	rddreg [dreg:$0x0]  }
0x11: {  	s0 =	smax.u32 s0, $0x1;
	s10 =	sadd.s32 s9, s24;
	s18 =	rddreg [dreg:$0x3]  }
0x12: {  	s10 =	sshrl.u32 s10, $0x3;
	s12 =	sadd.s32 $0x177, s3;
	[dreg:$0x8] =	wrdreg s25  }
0x13: {  	s3 =	sadd.s32 $0x1F4, s3;
	s13 =	sadd.s32 s4, s10;
	[dreg:$0x9] =	wrdreg s26  }
0x14: {  	s31 =	sshll.u32 s12, $0x7;
	s14 =	sadd.s32 s6, s10;
	[dreg:$0xa] =	wrdreg s13  }
0x15: {  	s16 =	sshll.u32 s3, $0x7;
	s20 =	sor.u32 $0x8, s10;
	[dreg:$0xb] =	wrdreg s14  }
0x16: {  	s13 =	sadd.s32 s9, s31;
	s9 =	sadd.s32 s9, s16;
	s21 =	sadd.s32 s4, s19  }
0x17: {  	s5 =	sadd.s32 s6, s19;
	s22 =	sadd.s32 s4, s20;
	[dreg:$0xf] =	wrdreg s21  }
0x18: {  	s23 =	sadd.s32 s6, s20;
	s14 =	smul.u32 $0x9C40, s15;
	[dreg:$0x10] =	wrdreg s5  }
0x19: {  	s16 =	smul.u32 $0x2710, s15;
	s15 =	sshrl.u32 s1, $0x3;
	[dreg:$0x11] =	wrdreg s22  }
0x1a: {  	s13 =	sshrl.u32 s13, $0x3;
	s9 =	sshrl.u32 s9, $0x3;
	[dreg:$0x12] =	wrdreg s23  }
0x1b: {  	s22 =	rddreg [dreg:$0x4];
	s21 =	sshll.u32 s2, $0x6;
	s2 =	sshll.u32 s2, $0x4  }
0x1c: {  	s17 =	sadd.s32 s4, s13;
	s24 =	sadd.s32 s6, s13;
	s25 =	sor.u32 $0x8, s13  }
0x1d: {  	s31 =	sadd.s32 s4, s9;
	s10 =	sadd.s32 s6, s9;
	s13 =	sor.u32 $0x8, s9  }
0x1e: {  	s19 =	sshrl.u32 s14, $0x3;
	s20 =	sshrl.u32 s16, $0x3;
	[dreg:$0xc] =	wrdreg s17  }
0x1f: {  	s29 =	sadd.s32 s16, s22;
	s2 =	sadd.s32 s2, s22;
	[dreg:$0x13] =	wrdreg s24  }
0x20: {  	s9 =	sshll.u32 s12, $0x6;
	s26 =	sadd.s32 s4, s25;
	[dreg:$0x16] =	wrdreg s31  }
0x21: {  	s5 =	sadd.s32 s6, s25;
	[dreg:$0x17] =	wrdreg s10;
	s4 =	sadd.s32 s4, s13  }
0x22: {  	s17 =	sshrl.u32 s11, $0x3;
	s10 =	sadd.s32 s20, s7;
	[dreg:$0x14] =	wrdreg s26  }
0x23: {  	s24 =	sadd.s32 s21, s18;
	s25 =	sshll.u32 s8, $0x6;
	[dreg:$0x15] =	wrdreg s5  }
0x24: {  	s31 =	sshll.u32 s8, $0x4;
	[dreg:$0x18] =	wrdreg s4;
	s5 =	sadd.s32 s6, s13  }
0x25: {  	s11 =	sshll.u32 s3, $0x6;
	s23 =	sadd.s32 $0x9D7E00, s10;
	[dreg:$0x19] =	wrdreg s5  }
0x26: {  	s20 =	sadd.s32 $0x4D800, s15;
	_ =	strace $0x80000047;
	[dreg:$0x1b] =	wrdreg s23  }
0x27: {  	s6 =	sadd.s32 s19, s7;
	s5 =	sadd.s32 s17, s7;
	[dreg:$0x1c] =	wrdreg s24  }
0x28: {  	s17 =	sadd.s32 $0x9DCE00, s6;
	s6 =	sadd.s32 s25, s18;
	[dreg:$0x1d] =	wrdreg s2  }
0x29: {  	s8 =	sadd.s32 s31, s22;
	s10 =	sshll.u32 s12, $0x4;
	[dreg:$0x1e] =	wrdreg s6  }
0x2a: {  	s26 =	sadd.s32 s14, s18;
	s12 =	sadd.s32 s10, s22;
	[dreg:$0x1f] =	wrdreg s8  }
0x2b: {  	s13 =	sadd.s32 s11, s18;
	s14 =	sshll.u32 s3, $0x4;
	[smem:$0x7F2] =	sst s12  }
0x2c: {  	s19 =	sadd.s32 $0xA00, s15;
	s11 =	simm.s32 $0x2;
	[smem:$0x7F3] =	sst s13  }
0x2d: {  	s10 =	simm.s32 $0x6220;
	s5 =	sadd.s32 $0x400, s5;
	[smem:$0x7FB] =	sst s0  }
0x2e: {  	s2 =	sadd.s32 s9, s18;
	s23 =	sadd.s32 $0xF000, s1;
	[dreg:$0x1a] =	wrdreg s5  }
0x2f: {  	[smem:$0x7F1] =	sst s2;
	s5 =	sadd.s32 $0x13E00, s7;
	s2 =	sadd.s32 s14, s22  }
0x30: {  	s7 =	sadd.s32 $0x13E08, s7;
	[smem:$0x7F4] =	sst s2;
	s16 =	sadd.s32 s5, s15  }
0x31: {  	s8 =	simm.s32 $0x50;
	s3 =	sadd.s32 s15, s7;
	[smem:$0x7F5] =	sst s16  }
0x32: {  	s9 =	simm.s32 $0x9E20;
	s21 =	sadd.s32 s5, s19;
	[smem:$0x7F6] =	sst s3  }
0x33: {  	s12 =	simm.s32 $0x8A20;
	s2 =	sadd.s32 s19, s7;
	[smem:$0x7F7] =	sst s21  }
0x34: {  	s13 =	simm.s32 $0xA320;
	s24 =	sadd.s32 s5, s20;
	[smem:$0x7F8] =	sst s2  }
0x35: {  	s14 =	simm.s32 $0xCA30;
	s25 =	sadd.s32 s20, s7;
	[smem:$0x7F9] =	sst s24  }
0x36: {  	s20 =	simm.s32 $0x3;
	[smem:$0x7FA] =	sst s25;
	s2 =	sshrl.u32 s23, $0x3  }
0x37: {  	s16 =	sadd.s32 $0xA000, s1;
	s21 =	simm.s32 $0x40;
	s31 =	sadd.s32 s2, s5  }
0x38: {  	v0 =	vimm.f32 $0.0e+00;
	vm0 =	vcmask $0x300;
	s23 =	simm.s32 $0x80;
	[smem:$0x7FC] =	sst s31;
	s0 =	sadd.s32 $0x8, s31  }
0x39: {  	v1 =	vimm.s32 $0x0;
	v0 =	vsel vm0, $0x3F800000, v0;
	s24 =	simm.s32 $0x4E20;
	s25 =	simm.s32 $0x7620;
	[smem:$0x7FD] =	sst s0  }
.LBB2_1:
0x3a: {  	s0 =	simm.s32 $0x0;
	s1 =	rddreg [dreg:$0x1a]  }
0x3b: {  	[tilespmem:s0], [sflag:$0x3] =	stream.linear.gather [hbm4b:s1+s0], $0x4E20, $0x38;
	[tilespmem:$0x1ACC0] =	vst v63  }
0x3c: {  	_ =	swait.ge [sflag:s20], $0x4E20  }
0x3d: {  	[sflag:s20] =	ssyncset.done $0x0  }
0x3e: {  	s0 =	simm.s32 $0x40;
	s1 =	simm.s32 $0x0;
	[sflag:s20] =	ssyncadd.s32 $0xFFFFB1E0  }
.LBB2_2:
0x3f: {  	p0 =	sne.s32 s0, $0x13C0;
	[tilespmem:s1+$0x9E20] =	vst v0;
	s1 =	smov.u32 s0;
	s0 =	sadd.s32 $0x40, s0  }
.Ltmp0:
0x40: {  	(pc) =	sbr.rel @p0 .LBB2_2-.Ltmp0, $2  }
0x41: {  	_ =	sdelay $0x2  }
0x42: {  	s1 =	sshra.s32 s1, $0x2  }
0x43: {  	s0 =	stileid.u32  }
0x44: {  	s0 =	sshll.u32 s0, $0x6  }
0x45: {  	[tilespmem:s1+$0x9E20] =	vst v0;
	s19 =	sshrl.u32 s26, $0x3;
	s31 =	sor.u32 $0x1C03, s0  }
0x46: {  	[spmem:s19], [sflag:s31] =	dma.local [hbm:s17], $0x1388  }
0x47: {  	_ =	swait.ge [sflag:s20], $0x1388  }
0x48: {  	[sflag:s20] =	ssyncset.done $0x0  }
0x49: {  	s6 =	sshrl.u32 s29, $0x3;
	s15 =	rddreg [dreg:$0x1b];
	[sflag:s20] =	ssyncadd.s32 $0xFFFFEC78  }
0x4a: {  	[spmem:s6], [sflag:s31] =	dma.local [hbm:s15], $0x4E2  }
0x4b: {  	_ =	swait.ge [sflag:s20], $0x4E2  }
0x4c: {  	[sflag:s20] =	ssyncset.done $0x0  }
0x4d: {  	[sflag:s20] =	ssyncadd.s32 $0xFFFFFB1E  }
0x4e: {  	[bflag:$0x0] =	sbarrier.arrive $0xFFFF  }
0x4f: {  	s4 =	smov.u32 s17;
	s17 =	sld [smem:$0x7F5];
	_ =	sdelay $0x1  }
0x50: {  	s1 =	sld [smem:$0x7F7]  }
0x51: {  	[tilespmem:s24], [sflag:$0x1] =	stream.strided.gather [hbm4b:s17+s21], $0x2800, s23, s21, $0x38;
	[tilespmem:$0x1ACC0] =	vst v63  }
0x52: {  	_ = 	snop  }
0x53: {  	[tilespmem:s25], [sflag:$0x2] =	stream.strided.gather [hbm4b:s1+s21], $0x2800, s23, s21, $0x38;
	[tilespmem:$0x1ACC0] =	vst v63  }
0x54: {  	_ =	swait.ge [sflag:s30], $0x2800  }
0x55: {  	[sflag:s30] =	ssyncset.done $0x0  }
0x56: {  	s2 =	simm.s32 $0x0;
	[sflag:s30] =	ssyncadd.s32 $0xFFFFD800  }
0x57: {  	[spmem:s18] =	stream.indirect.scatter.add.f32 [tilespmem:s24], [sflag:$0x3], $0x40, s2, s8, $0xb8;
	[tilespmem:$0x1ACC0] =	vst v63  }
0x58: {  	_ =	swait.ge [sflag:s20], $0x1400  }
0x59: {  	[sflag:s20] =	ssyncset.done $0x0  }
0x5a: {  	[sflag:s20] =	ssyncadd.s32 $0xFFFFEC00  }
0x5b: {  	[spmem:s22] =	stream.indirect.scatter.add.f32 [tilespmem:s9], [sflag:$0x3], $0x10, s2, s8, $0xb8;
	[tilespmem:$0x1ACC0] =	vst v63  }
0x5c: {  	_ =	swait.ge [sflag:s20], $0x500  }
0x5d: {  	[sflag:s20] =	ssyncset.done $0x0  }
0x5e: {  	s3 =	simm.s32 $0x50;
	[sflag:s20] =	ssyncadd.s32 $0xFFFFFB00  }
0x5f: {  	[spmem:s18] =	stream.indirect.scatter.add.f32 [tilespmem:s10], [sflag:$0x3], $0x40, s3, s8, $0xb8;
	[tilespmem:$0x1ACC0] =	vst v63  }
0x60: {  	_ =	swait.ge [sflag:s20], $0x1400  }
0x61: {  	[sflag:s20] =	ssyncset.done $0x0  }
0x62: {  	[sflag:s20] =	ssyncadd.s32 $0xFFFFEC00  }
0x63: {  	[spmem:s22] =	stream.indirect.scatter.add.f32 [tilespmem:s9], [sflag:$0x3], $0x10, s3, s8, $0xb8;
	[tilespmem:$0x1ACC0] =	vst v63  }
0x64: {  	_ =	swait.ge [sflag:s20], $0x500  }
0x65: {  	s1 =	sshrl.u32 s16, $0x3;
	[sflag:s20] =	ssyncset.done $0x0  }
0x66: {  	s6 =	sadd.s32 s5, s1;
	[sflag:s20] =	ssyncadd.s32 $0xFFFFFB00  }
0x67: {  	[tilespmem:s24], [sflag:$0x1] =	stream.strided.gather [hbm4b:s6+s21], $0x2800, s23, s21, $0x38;
	[tilespmem:$0x1ACC0] =	vst v63  }
0x68: {  	_ =	swait.ge [sflag:s11], $0x2800  }
0x69: {  	[sflag:s11] =	ssyncset.done $0x0  }
0x6a: {  	s15 =	simm.s32 $0xA0;
	[sflag:s11] =	ssyncadd.s32 $0xFFFFD800  }
0x6b: {  	[spmem:s18] =	stream.indirect.scatter.add.f32 [tilespmem:s25], [sflag:$0x3], $0x40, s15, s8, $0xb8;
	[tilespmem:$0x1ACC0] =	vst v63  }
0x6c: {  	_ =	swait.ge [sflag:s20], $0x1400  }
0x6d: {  	[sflag:s20] =	ssyncset.done $0x0  }
0x6e: {  	[sflag:s20] =	ssyncadd.s32 $0xFFFFEC00  }
0x6f: {  	[spmem:s22] =	stream.indirect.scatter.add.f32 [tilespmem:s9], [sflag:$0x3], $0x10, s15, s8, $0xb8;
	[tilespmem:$0x1ACC0] =	vst v63  }
0x70: {  	_ =	swait.ge [sflag:s20], $0x500  }
0x71: {  	[sflag:s20] =	ssyncset.done $0x0  }
0x72: {  	s17 =	simm.s32 $0xF0;
	[sflag:s20] =	ssyncadd.s32 $0xFFFFFB00  }
0x73: {  	[spmem:s18] =	stream.indirect.scatter.add.f32 [tilespmem:s12], [sflag:$0x3], $0x40, s17, s8, $0xb8;
	[tilespmem:$0x1ACC0] =	vst v63  }
0x74: {  	_ =	swait.ge [sflag:s20], $0x1400  }
0x75: {  	[sflag:s20] =	ssyncset.done $0x0  }
0x76: {  	[sflag:s20] =	ssyncadd.s32 $0xFFFFEC00  }
0x77: {  	[spmem:s22] =	stream.indirect.scatter.add.f32 [tilespmem:s9], [sflag:$0x3], $0x10, s17, s8, $0xb8;
	[tilespmem:$0x1ACC0] =	vst v63  }
0x78: {  	_ =	swait.ge [sflag:s20], $0x500  }
0x79: {  	s15 =	sld [smem:$0x7FC];
	_ =	sdelay $0x1  }
0x7a: {  	s0 =	simm.s32 $0x500;
	[sflag:s20] =	ssyncset.done $0x0  }
0x7b: {  	s3 =	sadd.s32 $0xA000, s16;
	[sflag:s20] =	ssyncadd.s32 $0xFFFFFB00;
	s2 =	sadd.s32 $0x1400, s15  }
.LBB2_4:
0x7c: {  	[tilespmem:s25], [sflag:$0x2] =	stream.strided.gather [hbm4b:s15+s21], $0x2800, s23, s21, $0x38;
	[tilespmem:$0x1ACC0] =	vst v63  }
0x7d: {  	s6 =	smov.u32 s0;
	s15 =	smov.u32 s2  }
0x7e: {  	p0 =	sne.s32 s0, $0x12C00;
	s0 =	sadd.s32 $0x500, s0;
	_ =	swait.ge [sflag:s30], $0x2800  }
0x7f: {  	[sflag:s30] =	ssyncset.done $0x0  }
0x80: {  	s6 =	sshra.s32 s6, $0x2;
	[sflag:s30] =	ssyncadd.s32 $0xFFFFD800  }
0x81: {  	[spmem:s18] =	stream.indirect.scatter.add.f32 [tilespmem:s24], [sflag:$0x3], $0x40, s6, s8, $0xb8;
	[tilespmem:$0x1ACC0] =	vst v63  }
0x82: {  	_ =	swait.ge [sflag:s20], $0x1400  }
0x83: {  	[sflag:s20] =	ssyncset.done $0x0  }
0x84: {  	[sflag:s20] =	ssyncadd.s32 $0xFFFFEC00  }
0x85: {  	[spmem:s22] =	stream.indirect.scatter.add.f32 [tilespmem:s9], [sflag:$0x3], $0x10, s6, s8, $0xb8;
	[tilespmem:$0x1ACC0] =	vst v63  }
0x86: {  	_ =	swait.ge [sflag:s20], $0x500  }
0x87: {  	[sflag:s20] =	ssyncset.done $0x0  }
0x88: {  	s17 =	sadd.s32 $0x50, s6;
	[sflag:s20] =	ssyncadd.s32 $0xFFFFFB00  }
0x89: {  	[spmem:s18] =	stream.indirect.scatter.add.f32 [tilespmem:s10], [sflag:$0x3], $0x40, s17, s8, $0xb8;
	[tilespmem:$0x1ACC0] =	vst v63  }
0x8a: {  	_ =	swait.ge [sflag:s20], $0x1400  }
0x8b: {  	[sflag:s20] =	ssyncset.done $0x0  }
0x8c: {  	[sflag:s20] =	ssyncadd.s32 $0xFFFFEC00  }
0x8d: {  	[spmem:s22] =	stream.indirect.scatter.add.f32 [tilespmem:s9], [sflag:$0x3], $0x10, s17, s8, $0xb8;
	[tilespmem:$0x1ACC0] =	vst v63  }
0x8e: {  	_ =	swait.ge [sflag:s20], $0x500  }
0x8f: {  	s17 =	sshrl.u32 s3, $0x3;
	[sflag:s20] =	ssyncset.done $0x0  }
0x90: {  	s17 =	sadd.s32 s5, s17;
	[sflag:s20] =	ssyncadd.s32 $0xFFFFFB00  }
0x91: {  	[tilespmem:s24], [sflag:$0x1] =	stream.strided.gather [hbm4b:s17+s21], $0x2800, s23, s21, $0x38;
	[tilespmem:$0x1ACC0] =	vst v63  }
0x92: {  	_ =	swait.ge [sflag:s11], $0x2800  }
0x93: {  	[sflag:s11] =	ssyncset.done $0x0  }
0x94: {  	s17 =	sadd.s32 $0xA0, s6;
	[sflag:s11] =	ssyncadd.s32 $0xFFFFD800  }
0x95: {  	[spmem:s18] =	stream.indirect.scatter.add.f32 [tilespmem:s25], [sflag:$0x3], $0x40, s17, s8, $0xb8;
	[tilespmem:$0x1ACC0] =	vst v63  }
0x96: {  	_ =	swait.ge [sflag:s20], $0x1400  }
0x97: {  	[sflag:s20] =	ssyncset.done $0x0  }
0x98: {  	[sflag:s20] =	ssyncadd.s32 $0xFFFFEC00  }
0x99: {  	[spmem:s22] =	stream.indirect.scatter.add.f32 [tilespmem:s9], [sflag:$0x3], $0x10, s17, s8, $0xb8;
	[tilespmem:$0x1ACC0] =	vst v63  }
0x9a: {  	_ =	swait.ge [sflag:s20], $0x500  }
0x9b: {  	[sflag:s20] =	ssyncset.done $0x0  }
0x9c: {  	s6 =	sadd.s32 $0xF0, s6;
	[sflag:s20] =	ssyncadd.s32 $0xFFFFFB00  }
0x9d: {  	[spmem:s18] =	stream.indirect.scatter.add.f32 [tilespmem:s12], [sflag:$0x3], $0x40, s6, s8, $0xb8;
	[tilespmem:$0x1ACC0] =	vst v63  }
0x9e: {  	_ =	swait.ge [sflag:s20], $0x1400  }
0x9f: {  	[sflag:s20] =	ssyncset.done $0x0  }
.Ltmp1:
0xa0: {  	[sflag:s20] =	ssyncadd.s32 $0xFFFFEC00;
	(pc) =	sbr.rel @p0 .LBB2_4-.Ltmp1, $4  }
0xa1: {  	[spmem:s22] =	stream.indirect.scatter.add.f32 [tilespmem:s9], [sflag:$0x3], $0x10, s6, s8, $0xb8;
	[tilespmem:$0x1ACC0] =	vst v63  }
0xa2: {  	_ =	swait.ge [sflag:s20], $0x500  }
0xa3: {  	[sflag:s20] =	ssyncset.done $0x0  }
0xa4: {  	s2 =	sadd.s32 $0x1400, s2;
	s3 =	sadd.s32 $0xA000, s3;
	[sflag:s20] =	ssyncadd.s32 $0xFFFFFB00  }
0xa5: {  	[tilespmem:s25], [sflag:$0x2] =	stream.strided.gather [hbm4b:s15+s21], $0x2800, s23, s21, $0x38;
	[tilespmem:$0x1ACC0] =	vst v63  }
0xa6: {  	_ =	swait.ge [sflag:s30], $0x2800  }
0xa7: {  	[sflag:s30] =	ssyncset.done $0x0  }
0xa8: {  	s0 =	simm.s32 $0x4C40;
	[sflag:s30] =	ssyncadd.s32 $0xFFFFD800  }
0xa9: {  	[spmem:s18] =	stream.indirect.scatter.add.f32 [tilespmem:s24], [sflag:$0x3], $0x40, s0, s8, $0xb8;
	[tilespmem:$0x1ACC0] =	vst v63  }
0xaa: {  	_ =	swait.ge [sflag:s20], $0x1400  }
0xab: {  	[sflag:s20] =	ssyncset.done $0x0  }
0xac: {  	[sflag:s20] =	ssyncadd.s32 $0xFFFFEC00  }
0xad: {  	[spmem:s22] =	stream.indirect.scatter.add.f32 [tilespmem:s9], [sflag:$0x3], $0x10, s0, s8, $0xb8;
	[tilespmem:$0x1ACC0] =	vst v63  }
0xae: {  	_ =	swait.ge [sflag:s20], $0x500  }
0xaf: {  	[sflag:s20] =	ssyncset.done $0x0  }
0xb0: {  	s17 =	simm.s32 $0x4C90;
	[sflag:s20] =	ssyncadd.s32 $0xFFFFFB00  }
0xb1: {  	[spmem:s18] =	stream.indirect.scatter.add.f32 [tilespmem:s10], [sflag:$0x3], $0x40, s17, s8, $0xb8;
	[tilespmem:$0x1ACC0] =	vst v63  }
0xb2: {  	_ =	swait.ge [sflag:s20], $0x1400  }
0xb3: {  	[sflag:s20] =	ssyncset.done $0x0  }
0xb4: {  	[sflag:s20] =	ssyncadd.s32 $0xFFFFEC00  }
0xb5: {  	[spmem:s22] =	stream.indirect.scatter.add.f32 [tilespmem:s9], [sflag:$0x3], $0x10, s17, s8, $0xb8;
	[tilespmem:$0x1ACC0] =	vst v63  }
0xb6: {  	_ =	swait.ge [sflag:s20], $0x500  }
0xb7: {  	s2 =	sld [smem:$0x7F9]  }
0xb8: {  	[sflag:s20] =	ssyncset.done $0x0  }
0xb9: {  	[sflag:s20] =	ssyncadd.s32 $0xFFFFFB00  }
0xba: {  	[tilespmem:s24], [sflag:$0x1] =	stream.strided.gather [hbm4b:s2+s21], $0x2800, s23, s21, $0x38;
	[tilespmem:$0x1ACC0] =	vst v63  }
0xbb: {  	_ =	swait.ge [sflag:s11], $0x2800  }
0xbc: {  	[sflag:s11] =	ssyncset.done $0x0  }
0xbd: {  	s3 =	simm.s32 $0x4CE0;
	[sflag:s11] =	ssyncadd.s32 $0xFFFFD800  }
0xbe: {  	[spmem:s18] =	stream.indirect.scatter.add.f32 [tilespmem:s25], [sflag:$0x3], $0x40, s3, s8, $0xb8;
	[tilespmem:$0x1ACC0] =	vst v63  }
0xbf: {  	_ =	swait.ge [sflag:s20], $0x1400  }
0xc0: {  	[sflag:s20] =	ssyncset.done $0x0  }
0xc1: {  	[sflag:s20] =	ssyncadd.s32 $0xFFFFEC00  }
0xc2: {  	[spmem:s22] =	stream.indirect.scatter.add.f32 [tilespmem:s9], [sflag:$0x3], $0x10, s3, s8, $0xb8;
	[tilespmem:$0x1ACC0] =	vst v63  }
0xc3: {  	_ =	swait.ge [sflag:s20], $0x500  }
0xc4: {  	[sflag:s20] =	ssyncset.done $0x0  }
0xc5: {  	s6 =	simm.s32 $0x4D30;
	[sflag:s20] =	ssyncadd.s32 $0xFFFFFB00  }
0xc6: {  	[spmem:s18] =	stream.indirect.scatter.add.f32 [tilespmem:s12], [sflag:$0x3], $0x40, s6, s8, $0xb8;
	[tilespmem:$0x1ACC0] =	vst v63  }
0xc7: {  	_ =	swait.ge [sflag:s20], $0x1400  }
0xc8: {  	[sflag:s20] =	ssyncset.done $0x0  }
0xc9: {  	[sflag:s20] =	ssyncadd.s32 $0xFFFFEC00  }
0xca: {  	[spmem:s22] =	stream.indirect.scatter.add.f32 [tilespmem:s9], [sflag:$0x3], $0x10, s6, s8, $0xb8;
	[tilespmem:$0x1ACC0] =	vst v63  }
0xcb: {  	_ =	swait.ge [sflag:s20], $0x500  }
0xcc: {  	[sflag:s20] =	ssyncset.done $0x0  }
0xcd: {  	[sflag:s20] =	ssyncadd.s32 $0xFFFFFB00  }
0xce: {  	_ =	swait.ge [sflag:s30], $0x2800  }
0xcf: {  	[sflag:s30] =	ssyncset.done $0x0  }
0xd0: {  	s15 =	simm.s32 $0x4D80;
	[sflag:s30] =	ssyncadd.s32 $0xFFFFD800  }
0xd1: {  	[spmem:s18] =	stream.indirect.scatter.add.f32 [tilespmem:s24], [sflag:$0x3], $0x40, s15, s8, $0xb8;
	[tilespmem:$0x1ACC0] =	vst v63  }
0xd2: {  	_ =	swait.ge [sflag:s20], $0x1400  }
0xd3: {  	[sflag:s20] =	ssyncset.done $0x0  }
0xd4: {  	[sflag:s20] =	ssyncadd.s32 $0xFFFFEC00  }
0xd5: {  	[spmem:s22] =	stream.indirect.scatter.add.f32 [tilespmem:s9], [sflag:$0x3], $0x10, s15, s8, $0xb8;
	[tilespmem:$0x1ACC0] =	vst v63  }
0xd6: {  	_ =	swait.ge [sflag:s20], $0x500  }
0xd7: {  	[sflag:s20] =	ssyncset.done $0x0  }
0xd8: {  	s17 =	simm.s32 $0x4DD0;
	[sflag:s20] =	ssyncadd.s32 $0xFFFFFB00  }
0xd9: {  	[spmem:s18] =	stream.indirect.scatter.add.f32 [tilespmem:s10], [sflag:$0x3], $0x40, s17, s8, $0xb8;
	[tilespmem:$0x1ACC0] =	vst v63  }
0xda: {  	_ =	swait.ge [sflag:s20], $0x1400  }
0xdb: {  	[sflag:s20] =	ssyncset.done $0x0  }
0xdc: {  	[sflag:s20] =	ssyncadd.s32 $0xFFFFEC00  }
0xdd: {  	[spmem:s22] =	stream.indirect.scatter.add.f32 [tilespmem:s9], [sflag:$0x3], $0x10, s17, s8, $0xb8;
	[tilespmem:$0x1ACC0] =	vst v63  }
0xde: {  	_ =	swait.ge [sflag:s20], $0x500  }
0xdf: {  	[sflag:s20] =	ssyncset.done $0x0  }
0xe0: {  	[sflag:s20] =	ssyncadd.s32 $0xFFFFFB00  }
0xe1: {  	[bflag:$0x0] =	sbarrier.arrive $0xFFFF  }
0xe2: {  	[tilespmem:s13], [sflag:$0x3] =	stream.linear.gather [spmem:s26], $0x1F40, $0x38;
	[tilespmem:$0x1ACC0] =	vst v63  }
0xe3: {  	_ =	swait.ge [sflag:s20], $0x1F40  }
0xe4: {  	[sflag:s20] =	ssyncset.done $0x0  }
0xe5: {  	s0 =	simm.s32 $0xC260;
	[sflag:s20] =	ssyncadd.s32 $0xFFFFE0C0  }
0xe6: {  	[tilespmem:s0], [sflag:$0x3] =	stream.linear.gather [spmem:s29], $0x7D0, $0x38;
	[tilespmem:$0x1ACC0] =	vst v63  }
0xe7: {  	_ =	swait.ge [sflag:s20], $0x7D0  }
0xe8: {  	[sflag:s20] =	ssyncset.done $0x0  }
0xe9: {  	s2 =	rddreg [dreg:$0x6];
	[sflag:s20] =	ssyncadd.s32 $0xFFFFF830  }
0xea: {  	[tilespmem:s14], [sflag:$0x3] =	stream.strided.gather [hbm4b:s2+s21], $0x1F40, s23, s21, $0x38;
	[tilespmem:$0x1ACC0] =	vst v63  }
0xeb: {  	_ =	swait.ge [sflag:s20], $0x1F40  }
0xec: {  	[sflag:s20] =	ssyncset.done $0x0  }
0xed: {  	[sflag:s20] =	ssyncadd.s32 $0xFFFFE0C0  }
0xee: {  	s3 =	simm.s32 $0x100;
	s2 =	simm.s32 $0x0;
	v2 =	vld [tilespmem:s0+$0x0]  }
.LBB2_6:
0xef: {  	p0 =	sne.s32 s3, $0x7C00;
	_ =	sdelay $0x3  }
0xf0: {  	v2 =	vperm.xlane v2, v1;
	_ =	sdelay $0x1  }
0xf1: {  	v3 =	vadd.f32 $1.000000000e+00, v2;
	_ =	sdelay $0x1  }
0xf2: {  	v2 =	vmul.f32 v3, v2;
	_ =	sdelay $0x1  }
0xf3: {  	s6 =	sshra.s32 s2, $0x2;
	s2 =	smov.u32 s3;
	(erf) = vrcp.f32 v2  }
0xf4: {  	v2 =	vld [tilespmem:s6+$0xA320]  }
0xf5: {  	v3 =	vld [tilespmem:s6+$0xA330]  }
0xf6: {  	v4 =	vld [tilespmem:s6+$0xA340]  }
0xf7: {  	v5 =	vld [tilespmem:s6+$0xA350]  }
0xf8: {  	v6 =	vld [tilespmem:s6+$0xCA60]  }
0xf9: {  	v7 =	vld [tilespmem:s6+$0xCA40]  }
0xfa: {  	v8 =	vld [tilespmem:s6+$0xCA30]  }
0xfb: {  	v9 =	vld [tilespmem:s6+$0xCA50]  }
0xfc: {  	v10 =	vpop (erf)  }
0xfd: {  	v2 =	vmul.f32 v10, v2;
	v3 =	vmul.f32 v3, v10  }
0xfe: {  	v4 =	vmul.f32 v4, v10;
	v5 =	vmul.f32 v5, v10  }
0xff: {  	v2 =	vadd.f32 v2, v8;
	v3 =	vadd.f32 v7, v3  }
0x100: {  	v5 =	vadd.f32 v6, v5;
	v4 =	vadd.f32 v9, v4  }
.Ltmp2:
0x101: {  	[tilespmem:s6+$0xCA30] =	vst v2;
	(pc) =	sbr.rel @p0 .LBB2_6-.Ltmp2, $4  }
0x102: {  	[tilespmem:s6+$0xCA40] =	vst v3  }
0x103: {  	[tilespmem:s6+$0xCA50] =	vst v4  }
0x104: {  	s0 =	sadd.s32 $0x10, s0;
	[tilespmem:s6+$0xCA60] =	vst v5  }
0x105: {  	s3 =	sadd.s32 $0x100, s3;
	v2 =	vld [tilespmem:s0+$0x0]  }
0x106: {  	_ =	sdelay $0x3  }
0x107: {  	v2 =	vperm.xlane v2, v1;
	_ =	sdelay $0x1  }
0x108: {  	v3 =	vadd.f32 $1.000000000e+00, v2;
	_ =	sdelay $0x1  }
0x109: {  	v2 =	vmul.f32 v3, v2;
	_ =	sdelay $0x1  }
0x10a: {  	(erf) = vrcp.f32 v2;
	_ =	sdelay $0x1  }
0x10b: {  	s0 =	sshra.s32 s2, $0x2  }
0x10c: {  	v4 =	vld [tilespmem:s0+$0xA340]  }
0x10d: {  	v5 =	vld [tilespmem:s0+$0xA350]  }
0x10e: {  	v2 =	vld [tilespmem:s0+$0xA320]  }
0x10f: {  	v3 =	vld [tilespmem:s0+$0xA330]  }
0x110: {  	v6 =	vld [tilespmem:s0+$0xCA30]  }
0x111: {  	v7 =	vld [tilespmem:s0+$0xCA40]  }
0x112: {  	v8 =	vld [tilespmem:s0+$0xCA50];
	v9 =	vpop (erf)  }
0x113: {  	v10 =	vld [tilespmem:s0+$0xCA60];
	v2 =	vmul.f32 v9, v2  }
0x114: {  	v3 =	vmul.f32 v3, v9  }
0x115: {  	v4 =	vmul.f32 v4, v9;
	v2 =	vadd.f32 v2, v6  }
0x116: {  	v5 =	vmul.f32 v5, v9;
	v3 =	vadd.f32 v7, v3  }
0x117: {  	v4 =	vadd.f32 v8, v4;
	[tilespmem:s0+$0xCA30] =	vst v2  }
0x118: {  	v2 =	vadd.f32 v10, v5;
	[tilespmem:s0+$0xCA40] =	vst v3  }
0x119: {  	[tilespmem:s0+$0xCA50] =	vst v4  }
0x11a: {  	s3 =	rddreg [dreg:$0x7];
	[tilespmem:s0+$0xCA60] =	vst v2  }
0x11b: {  	[hbm4b:s3+s21] =	stream.strided.scatter [tilespmem:s14], [sflag:$0x3], $0x1F40, s23, s21, $0x38;
	[tilespmem:$0x1ACC0] =	vst v63  }
0x11c: {  	_ =	swait.ge [sflag:s20], $0x1F40  }
0x11d: {  	[sflag:s20] =	ssyncset.done $0x0  }
0x11e: {  	s6 =	rddreg [dreg:$0x1c];
	[sflag:s20] =	ssyncadd.s32 $0xFFFFE0C0  }
0x11f: {  	[tilespmem:s13], [sflag:$0x3] =	stream.linear.gather [spmem:s6], $0x1F40, $0x38;
	[tilespmem:$0x1ACC0] =	vst v63  }
0x120: {  	_ =	swait.ge [sflag:s20], $0x1F40  }
0x121: {  	[sflag:s20] =	ssyncset.done $0x0  }
0x122: {  	s0 =	simm.s32 $0xC260;
	s15 =	rddreg [dreg:$0x1d];
	[sflag:s20] =	ssyncadd.s32 $0xFFFFE0C0  }
0x123: {  	[tilespmem:s0], [sflag:$0x3] =	stream.linear.gather [spmem:s15], $0x7D0, $0x38;
	[tilespmem:$0x1ACC0] =	vst v63  }
0x124: {  	_ =	swait.ge [sflag:s20], $0x7D0  }
0x125: {  	[sflag:s20] =	ssyncset.done $0x0  }
0x126: {  	s17 =	rddreg [dreg:$0x8];
	[sflag:s20] =	ssyncadd.s32 $0xFFFFF830  }
0x127: {  	[tilespmem:s14], [sflag:$0x3] =	stream.strided.gather [hbm4b:s17+s21], $0x1F40, s23, s21, $0x38;
	[tilespmem:$0x1ACC0] =	vst v63  }
0x128: {  	_ =	swait.ge [sflag:s20], $0x1F40  }
0x129: {  	[sflag:s20] =	ssyncset.done $0x0  }
0x12a: {  	[sflag:s20] =	ssyncadd.s32 $0xFFFFE0C0  }
0x12b: {  	s2 =	simm.s32 $0x0;
	s3 =	simm.s32 $0x100;
	v2 =	vld [tilespmem:s0+$0x0]  }
.LBB2_8:
0x12c: {  	p0 =	sne.s32 s3, $0x7C00;
	_ =	sdelay $0x3  }
0x12d: {  	v2 =	vperm.xlane v2, v1;
	_ =	sdelay $0x1  }
0x12e: {  	v3 =	vadd.f32 $1.000000000e+00, v2;
	_ =	sdelay $0x1  }
0x12f: {  	v2 =	vmul.f32 v3, v2;
	_ =	sdelay $0x1  }
0x130: {  	s6 =	sshra.s32 s2, $0x2;
	s2 =	smov.u32 s3;
	(erf) = vrcp.f32 v2  }
0x131: {  	v2 =	vld [tilespmem:s6+$0xA320]  }
0x132: {  	v3 =	vld [tilespmem:s6+$0xA330]  }
0x133: {  	v4 =	vld [tilespmem:s6+$0xA340]  }
0x134: {  	v5 =	vld [tilespmem:s6+$0xA350]  }
0x135: {  	v6 =	vld [tilespmem:s6+$0xCA60]  }
0x136: {  	v7 =	vld [tilespmem:s6+$0xCA40]  }
0x137: {  	v8 =	vld [tilespmem:s6+$0xCA30]  }
0x138: {  	v9 =	vld [tilespmem:s6+$0xCA50]  }
0x139: {  	v10 =	vpop (erf)  }
0x13a: {  	v2 =	vmul.f32 v10, v2;
	v3 =	vmul.f32 v3, v10  }
0x13b: {  	v4 =	vmul.f32 v4, v10;
	v5 =	vmul.f32 v5, v10  }
0x13c: {  	v2 =	vadd.f32 v2, v8;
	v3 =	vadd.f32 v7, v3  }
0x13d: {  	v5 =	vadd.f32 v6, v5;
	v4 =	vadd.f32 v9, v4  }
.Ltmp3:
0x13e: {  	[tilespmem:s6+$0xCA30] =	vst v2;
	(pc) =	sbr.rel @p0 .LBB2_8-.Ltmp3, $4  }
0x13f: {  	[tilespmem:s6+$0xCA40] =	vst v3  }
0x140: {  	[tilespmem:s6+$0xCA50] =	vst v4  }
0x141: {  	s0 =	sadd.s32 $0x10, s0;
	[tilespmem:s6+$0xCA60] =	vst v5  }
0x142: {  	s3 =	sadd.s32 $0x100, s3;
	v2 =	vld [tilespmem:s0+$0x0]  }
0x143: {  	_ =	sdelay $0x3  }
0x144: {  	v2 =	vperm.xlane v2, v1;
	_ =	sdelay $0x1  }
0x145: {  	v3 =	vadd.f32 $1.000000000e+00, v2;
	_ =	sdelay $0x1  }
0x146: {  	v2 =	vmul.f32 v3, v2;
	_ =	sdelay $0x1  }
0x147: {  	(erf) = vrcp.f32 v2;
	_ =	sdelay $0x1  }
0x148: {  	s0 =	sshra.s32 s2, $0x2  }
0x149: {  	v4 =	vld [tilespmem:s0+$0xA340]  }
0x14a: {  	v5 =	vld [tilespmem:s0+$0xA350]  }
0x14b: {  	v2 =	vld [tilespmem:s0+$0xA320]  }
0x14c: {  	v3 =	vld [tilespmem:s0+$0xA330]  }
0x14d: {  	v6 =	vld [tilespmem:s0+$0xCA30]  }
0x14e: {  	v7 =	vld [tilespmem:s0+$0xCA40]  }
0x14f: {  	v8 =	vld [tilespmem:s0+$0xCA50];
	v9 =	vpop (erf)  }
0x150: {  	v10 =	vld [tilespmem:s0+$0xCA60];
	v2 =	vmul.f32 v9, v2  }
0x151: {  	v3 =	vmul.f32 v3, v9  }
0x152: {  	v4 =	vmul.f32 v4, v9;
	v2 =	vadd.f32 v2, v6  }
0x153: {  	v5 =	vmul.f32 v5, v9;
	v3 =	vadd.f32 v7, v3  }
0x154: {  	v4 =	vadd.f32 v8, v4;
	[tilespmem:s0+$0xCA30] =	vst v2  }
0x155: {  	v2 =	vadd.f32 v10, v5;
	[tilespmem:s0+$0xCA40] =	vst v3  }
0x156: {  	[tilespmem:s0+$0xCA50] =	vst v4  }
0x157: {  	s3 =	rddreg [dreg:$0x9];
	[tilespmem:s0+$0xCA60] =	vst v2  }
0x158: {  	[hbm4b:s3+s21] =	stream.strided.scatter [tilespmem:s14], [sflag:$0x3], $0x1F40, s23, s21, $0x38;
	[tilespmem:$0x1ACC0] =	vst v63  }
0x159: {  	_ =	swait.ge [sflag:s20], $0x1F40  }
0x15a: {  	[sflag:s20] =	ssyncset.done $0x0  }
0x15b: {  	s6 =	rddreg [dreg:$0x1e];
	[sflag:s20] =	ssyncadd.s32 $0xFFFFE0C0  }
0x15c: {  	[tilespmem:s13], [sflag:$0x3] =	stream.linear.gather [spmem:s6], $0x1F40, $0x38;
	[tilespmem:$0x1ACC0] =	vst v63  }
0x15d: {  	_ =	swait.ge [sflag:s20], $0x1F40  }
0x15e: {  	[sflag:s20] =	ssyncset.done $0x0  }
0x15f: {  	s0 =	simm.s32 $0xC260;
	s15 =	rddreg [dreg:$0x1f];
	[sflag:s20] =	ssyncadd.s32 $0xFFFFE0C0  }
0x160: {  	[tilespmem:s0], [sflag:$0x3] =	stream.linear.gather [spmem:s15], $0x7D0, $0x38;
	[tilespmem:$0x1ACC0] =	vst v63  }
0x161: {  	_ =	swait.ge [sflag:s20], $0x7D0  }
0x162: {  	[sflag:s20] =	ssyncset.done $0x0  }
0x163: {  	s17 =	rddreg [dreg:$0xa];
	[sflag:s20] =	ssyncadd.s32 $0xFFFFF830  }
0x164: {  	[tilespmem:s14], [sflag:$0x3] =	stream.strided.gather [hbm4b:s17+s21], $0x1F40, s23, s21, $0x38;
	[tilespmem:$0x1ACC0] =	vst v63  }
0x165: {  	_ =	swait.ge [sflag:s20], $0x1F40  }
0x166: {  	[sflag:s20] =	ssyncset.done $0x0  }
0x167: {  	[sflag:s20] =	ssyncadd.s32 $0xFFFFE0C0  }
0x168: {  	s2 =	simm.s32 $0x0;
	s3 =	simm.s32 $0x100;
	v2 =	vld [tilespmem:s0+$0x0]  }
.LBB2_10:
0x169: {  	p0 =	sne.s32 s3, $0x7C00;
	_ =	sdelay $0x3  }
0x16a: {  	v2 =	vperm.xlane v2, v1;
	_ =	sdelay $0x1  }
0x16b: {  	v3 =	vadd.f32 $1.000000000e+00, v2;
	_ =	sdelay $0x1  }
0x16c: {  	v2 =	vmul.f32 v3, v2;
	_ =	sdelay $0x1  }
0x16d: {  	s6 =	sshra.s32 s2, $0x2;
	s2 =	smov.u32 s3;
	(erf) = vrcp.f32 v2  }
0x16e: {  	v2 =	vld [tilespmem:s6+$0xA320]  }
0x16f: {  	v3 =	vld [tilespmem:s6+$0xA330]  }
0x170: {  	v4 =	vld [tilespmem:s6+$0xA340]  }
0x171: {  	v5 =	vld [tilespmem:s6+$0xA350]  }
0x172: {  	v6 =	vld [tilespmem:s6+$0xCA60]  }
0x173: {  	v7 =	vld [tilespmem:s6+$0xCA40]  }
0x174: {  	v8 =	vld [tilespmem:s6+$0xCA30]  }
0x175: {  	v9 =	vld [tilespmem:s6+$0xCA50]  }
0x176: {  	v10 =	vpop (erf)  }
0x177: {  	v2 =	vmul.f32 v10, v2;
	v3 =	vmul.f32 v3, v10  }
0x178: {  	v4 =	vmul.f32 v4, v10;
	v5 =	vmul.f32 v5, v10  }
0x179: {  	v2 =	vadd.f32 v2, v8;
	v3 =	vadd.f32 v7, v3  }
0x17a: {  	v5 =	vadd.f32 v6, v5;
	v4 =	vadd.f32 v9, v4  }
.Ltmp4:
0x17b: {  	[tilespmem:s6+$0xCA30] =	vst v2;
	(pc) =	sbr.rel @p0 .LBB2_10-.Ltmp4, $4  }
0x17c: {  	[tilespmem:s6+$0xCA40] =	vst v3  }
0x17d: {  	[tilespmem:s6+$0xCA50] =	vst v4  }
0x17e: {  	s0 =	sadd.s32 $0x10, s0;
	[tilespmem:s6+$0xCA60] =	vst v5  }
0x17f: {  	s3 =	sadd.s32 $0x100, s3;
	v2 =	vld [tilespmem:s0+$0x0]  }
0x180: {  	_ =	sdelay $0x3  }
0x181: {  	v2 =	vperm.xlane v2, v1;
	_ =	sdelay $0x1  }
0x182: {  	v3 =	vadd.f32 $1.000000000e+00, v2;
	_ =	sdelay $0x1  }
0x183: {  	v2 =	vmul.f32 v3, v2;
	_ =	sdelay $0x1  }
0x184: {  	(erf) = vrcp.f32 v2;
	_ =	sdelay $0x1  }
0x185: {  	s0 =	sshra.s32 s2, $0x2  }
0x186: {  	v4 =	vld [tilespmem:s0+$0xA340]  }
0x187: {  	v5 =	vld [tilespmem:s0+$0xA350]  }
0x188: {  	v2 =	vld [tilespmem:s0+$0xA320]  }
0x189: {  	v3 =	vld [tilespmem:s0+$0xA330]  }
0x18a: {  	v6 =	vld [tilespmem:s0+$0xCA30]  }
0x18b: {  	v7 =	vld [tilespmem:s0+$0xCA40]  }
0x18c: {  	v8 =	vld [tilespmem:s0+$0xCA50];
	v9 =	vpop (erf)  }
0x18d: {  	v10 =	vld [tilespmem:s0+$0xCA60];
	v2 =	vmul.f32 v9, v2  }
0x18e: {  	v3 =	vmul.f32 v3, v9  }
0x18f: {  	v4 =	vmul.f32 v4, v9;
	v2 =	vadd.f32 v2, v6  }
0x190: {  	v5 =	vmul.f32 v5, v9;
	v3 =	vadd.f32 v7, v3  }
0x191: {  	v4 =	vadd.f32 v8, v4;
	[tilespmem:s0+$0xCA30] =	vst v2  }
0x192: {  	v2 =	vadd.f32 v10, v5;
	[tilespmem:s0+$0xCA40] =	vst v3  }
0x193: {  	[tilespmem:s0+$0xCA50] =	vst v4  }
0x194: {  	s3 =	rddreg [dreg:$0xb];
	[tilespmem:s0+$0xCA60] =	vst v2  }
0x195: {  	[hbm4b:s3+s21] =	stream.strided.scatter [tilespmem:s14], [sflag:$0x3], $0x1F40, s23, s21, $0x38;
	[tilespmem:$0x1ACC0] =	vst v63  }
0x196: {  	_ =	swait.ge [sflag:s20], $0x1F40  }
0x197: {  	s6 =	sld [smem:$0x7F1]  }
0x198: {  	[sflag:s20] =	ssyncset.done $0x0  }
0x199: {  	[sflag:s20] =	ssyncadd.s32 $0xFFFFE0C0  }
0x19a: {  	[tilespmem:s13], [sflag:$0x3] =	stream.linear.gather [spmem:s6], $0x1F40, $0x38;
	[tilespmem:$0x1ACC0] =	vst v63  }
0x19b: {  	_ =	swait.ge [sflag:s20], $0x1F40  }
0x19c: {  	s15 =	sld [smem:$0x7F2]  }
0x19d: {  	[sflag:s20] =	ssyncset.done $0x0  }
0x19e: {  	s0 =	simm.s32 $0xC260;
	[sflag:s20] =	ssyncadd.s32 $0xFFFFE0C0  }
0x19f: {  	[tilespmem:s0], [sflag:$0x3] =	stream.linear.gather [spmem:s15], $0x7D0, $0x38;
	[tilespmem:$0x1ACC0] =	vst v63  }
0x1a0: {  	_ =	swait.ge [sflag:s20], $0x7D0  }
0x1a1: {  	[sflag:s20] =	ssyncset.done $0x0  }
0x1a2: {  	s17 =	rddreg [dreg:$0xc];
	[sflag:s20] =	ssyncadd.s32 $0xFFFFF830  }
0x1a3: {  	[tilespmem:s14], [sflag:$0x3] =	stream.strided.gather [hbm4b:s17+s21], $0x1F40, s23, s21, $0x38;
	[tilespmem:$0x1ACC0] =	vst v63  }
0x1a4: {  	_ =	swait.ge [sflag:s20], $0x1F40  }
0x1a5: {  	[sflag:s20] =	ssyncset.done $0x0  }
0x1a6: {  	[sflag:s20] =	ssyncadd.s32 $0xFFFFE0C0  }
0x1a7: {  	s2 =	simm.s32 $0x0;
	s3 =	simm.s32 $0x100;
	s17 =	smov.u32 s4;
	v2 =	vld [tilespmem:s0+$0x0]  }
.LBB2_12:
0x1a8: {  	p0 =	sne.s32 s3, $0x7C00;
	_ =	sdelay $0x3  }
0x1a9: {  	v2 =	vperm.xlane v2, v1;
	_ =	sdelay $0x1  }
0x1aa: {  	v3 =	vadd.f32 $1.000000000e+00, v2;
	_ =	sdelay $0x1  }
0x1ab: {  	v2 =	vmul.f32 v3, v2;
	_ =	sdelay $0x1  }
0x1ac: {  	s6 =	sshra.s32 s2, $0x2;
	s2 =	smov.u32 s3;
	(erf) = vrcp.f32 v2  }
0x1ad: {  	v2 =	vld [tilespmem:s6+$0xA320]  }
0x1ae: {  	v3 =	vld [tilespmem:s6+$0xA330]  }
0x1af: {  	v4 =	vld [tilespmem:s6+$0xA340]  }
0x1b0: {  	v5 =	vld [tilespmem:s6+$0xA350]  }
0x1b1: {  	v6 =	vld [tilespmem:s6+$0xCA60]  }
0x1b2: {  	v7 =	vld [tilespmem:s6+$0xCA40]  }
0x1b3: {  	v8 =	vld [tilespmem:s6+$0xCA30]  }
0x1b4: {  	v9 =	vld [tilespmem:s6+$0xCA50]  }
0x1b5: {  	v10 =	vpop (erf)  }
0x1b6: {  	v2 =	vmul.f32 v10, v2;
	v3 =	vmul.f32 v3, v10  }
0x1b7: {  	v4 =	vmul.f32 v4, v10;
	v5 =	vmul.f32 v5, v10  }
0x1b8: {  	v2 =	vadd.f32 v2, v8;
	v3 =	vadd.f32 v7, v3  }
0x1b9: {  	v5 =	vadd.f32 v6, v5;
	v4 =	vadd.f32 v9, v4  }
.Ltmp5:
0x1ba: {  	[tilespmem:s6+$0xCA30] =	vst v2;
	(pc) =	sbr.rel @p0 .LBB2_12-.Ltmp5, $4  }
0x1bb: {  	[tilespmem:s6+$0xCA40] =	vst v3  }
0x1bc: {  	[tilespmem:s6+$0xCA50] =	vst v4  }
0x1bd: {  	s0 =	sadd.s32 $0x10, s0;
	[tilespmem:s6+$0xCA60] =	vst v5  }
0x1be: {  	s3 =	sadd.s32 $0x100, s3;
	v2 =	vld [tilespmem:s0+$0x0]  }
0x1bf: {  	_ =	sdelay $0x3  }
0x1c0: {  	v2 =	vperm.xlane v2, v1;
	_ =	sdelay $0x1  }
0x1c1: {  	v3 =	vadd.f32 $1.000000000e+00, v2;
	_ =	sdelay $0x1  }
0x1c2: {  	v2 =	vmul.f32 v3, v2;
	_ =	sdelay $0x1  }
0x1c3: {  	(erf) = vrcp.f32 v2;
	_ =	sdelay $0x1  }
0x1c4: {  	s0 =	sshra.s32 s2, $0x2  }
0x1c5: {  	v4 =	vld [tilespmem:s0+$0xA340]  }
0x1c6: {  	v5 =	vld [tilespmem:s0+$0xA350]  }
0x1c7: {  	v2 =	vld [tilespmem:s0+$0xA320]  }
0x1c8: {  	v3 =	vld [tilespmem:s0+$0xA330]  }
0x1c9: {  	v6 =	vld [tilespmem:s0+$0xCA30]  }
0x1ca: {  	v7 =	vld [tilespmem:s0+$0xCA40]  }
0x1cb: {  	v8 =	vld [tilespmem:s0+$0xCA50];
	v9 =	vpop (erf)  }
0x1cc: {  	v10 =	vld [tilespmem:s0+$0xCA60];
	v2 =	vmul.f32 v9, v2  }
0x1cd: {  	v3 =	vmul.f32 v3, v9  }
0x1ce: {  	v4 =	vmul.f32 v4, v9;
	v2 =	vadd.f32 v2, v6  }
0x1cf: {  	v5 =	vmul.f32 v5, v9;
	v3 =	vadd.f32 v7, v3  }
0x1d0: {  	v4 =	vadd.f32 v8, v4;
	[tilespmem:s0+$0xCA30] =	vst v2  }
0x1d1: {  	v2 =	vadd.f32 v10, v5;
	[tilespmem:s0+$0xCA40] =	vst v3  }
0x1d2: {  	[tilespmem:s0+$0xCA50] =	vst v4  }
0x1d3: {  	s3 =	rddreg [dreg:$0x13];
	[tilespmem:s0+$0xCA60] =	vst v2  }
0x1d4: {  	[hbm4b:s3+s21] =	stream.strided.scatter [tilespmem:s14], [sflag:$0x3], $0x1F40, s23, s21, $0x38;
	[tilespmem:$0x1ACC0] =	vst v63  }
0x1d5: {  	_ =	swait.ge [sflag:s20], $0x1F40  }
0x1d6: {  	s4 =	sld [smem:$0x7F3]  }
0x1d7: {  	[sflag:s20] =	ssyncset.done $0x0  }
0x1d8: {  	[sflag:s20] =	ssyncadd.s32 $0xFFFFE0C0  }
0x1d9: {  	[tilespmem:s13], [sflag:$0x3] =	stream.linear.gather [spmem:s4], $0x1F40, $0x38;
	[tilespmem:$0x1ACC0] =	vst v63  }
0x1da: {  	_ =	swait.ge [sflag:s20], $0x1F40  }
0x1db: {  	s6 =	sld [smem:$0x7F4]  }
0x1dc: {  	[sflag:s20] =	ssyncset.done $0x0  }
0x1dd: {  	s0 =	simm.s32 $0xC260;
	[sflag:s20] =	ssyncadd.s32 $0xFFFFE0C0  }
0x1de: {  	[tilespmem:s0], [sflag:$0x3] =	stream.linear.gather [spmem:s6], $0x7D0, $0x38;
	[tilespmem:$0x1ACC0] =	vst v63  }
0x1df: {  	_ =	swait.ge [sflag:s20], $0x7D0  }
0x1e0: {  	[sflag:s20] =	ssyncset.done $0x0  }
0x1e1: {  	s15 =	rddreg [dreg:$0x16];
	[sflag:s20] =	ssyncadd.s32 $0xFFFFF830  }
0x1e2: {  	[tilespmem:s14], [sflag:$0x3] =	stream.strided.gather [hbm4b:s15+s21], $0x1F40, s23, s21, $0x38;
	[tilespmem:$0x1ACC0] =	vst v63  }
0x1e3: {  	_ =	swait.ge [sflag:s20], $0x1F40  }
0x1e4: {  	[sflag:s20] =	ssyncset.done $0x0  }
0x1e5: {  	[sflag:s20] =	ssyncadd.s32 $0xFFFFE0C0  }
0x1e6: {  	s2 =	simm.s32 $0x0;
	s3 =	simm.s32 $0x100;
	v2 =	vld [tilespmem:s0+$0x0]  }
.LBB2_14:
0x1e7: {  	p0 =	sne.s32 s3, $0x7C00;
	_ =	sdelay $0x3  }
0x1e8: {  	v2 =	vperm.xlane v2, v1;
	_ =	sdelay $0x1  }
0x1e9: {  	v3 =	vadd.f32 $1.000000000e+00, v2;
	_ =	sdelay $0x1  }
0x1ea: {  	v2 =	vmul.f32 v3, v2;
	_ =	sdelay $0x1  }
0x1eb: {  	s6 =	sshra.s32 s2, $0x2;
	s2 =	smov.u32 s3;
	(erf) = vrcp.f32 v2  }
0x1ec: {  	v2 =	vld [tilespmem:s6+$0xA320]  }
0x1ed: {  	v3 =	vld [tilespmem:s6+$0xA330]  }
0x1ee: {  	v4 =	vld [tilespmem:s6+$0xA340]  }
0x1ef: {  	v5 =	vld [tilespmem:s6+$0xA350]  }
0x1f0: {  	v6 =	vld [tilespmem:s6+$0xCA60]  }
0x1f1: {  	v7 =	vld [tilespmem:s6+$0xCA40]  }
0x1f2: {  	v8 =	vld [tilespmem:s6+$0xCA30]  }
0x1f3: {  	v9 =	vld [tilespmem:s6+$0xCA50]  }
0x1f4: {  	v10 =	vpop (erf)  }
0x1f5: {  	v2 =	vmul.f32 v10, v2;
	v3 =	vmul.f32 v3, v10  }
0x1f6: {  	v4 =	vmul.f32 v4, v10;
	v5 =	vmul.f32 v5, v10  }
0x1f7: {  	v2 =	vadd.f32 v2, v8;
	v3 =	vadd.f32 v7, v3  }
0x1f8: {  	v5 =	vadd.f32 v6, v5;
	v4 =	vadd.f32 v9, v4  }
.Ltmp6:
0x1f9: {  	[tilespmem:s6+$0xCA30] =	vst v2;
	(pc) =	sbr.rel @p0 .LBB2_14-.Ltmp6, $4  }
0x1fa: {  	[tilespmem:s6+$0xCA40] =	vst v3  }
0x1fb: {  	[tilespmem:s6+$0xCA50] =	vst v4  }
0x1fc: {  	s0 =	sadd.s32 $0x10, s0;
	[tilespmem:s6+$0xCA60] =	vst v5  }
0x1fd: {  	s3 =	sadd.s32 $0x100, s3;
	v2 =	vld [tilespmem:s0+$0x0]  }
0x1fe: {  	_ =	sdelay $0x3  }
0x1ff: {  	v2 =	vperm.xlane v2, v1;
	_ =	sdelay $0x1  }
0x200: {  	v3 =	vadd.f32 $1.000000000e+00, v2;
	_ =	sdelay $0x1  }
0x201: {  	v2 =	vmul.f32 v3, v2;
	_ =	sdelay $0x1  }
0x202: {  	(erf) = vrcp.f32 v2;
	_ =	sdelay $0x1  }
0x203: {  	s0 =	sshra.s32 s2, $0x2  }
0x204: {  	v4 =	vld [tilespmem:s0+$0xA340]  }
0x205: {  	v5 =	vld [tilespmem:s0+$0xA350]  }
0x206: {  	v2 =	vld [tilespmem:s0+$0xA320]  }
0x207: {  	v3 =	vld [tilespmem:s0+$0xA330]  }
0x208: {  	v6 =	vld [tilespmem:s0+$0xCA30]  }
0x209: {  	v7 =	vld [tilespmem:s0+$0xCA40]  }
0x20a: {  	v8 =	vld [tilespmem:s0+$0xCA50];
	v9 =	vpop (erf)  }
0x20b: {  	v10 =	vld [tilespmem:s0+$0xCA60];
	v2 =	vmul.f32 v9, v2  }
0x20c: {  	v3 =	vmul.f32 v3, v9  }
0x20d: {  	v4 =	vmul.f32 v4, v9;
	v2 =	vadd.f32 v2, v6  }
0x20e: {  	v5 =	vmul.f32 v5, v9;
	v3 =	vadd.f32 v7, v3  }
0x20f: {  	v4 =	vadd.f32 v8, v4;
	[tilespmem:s0+$0xCA30] =	vst v2  }
0x210: {  	v2 =	vadd.f32 v10, v5;
	[tilespmem:s0+$0xCA40] =	vst v3  }
0x211: {  	[tilespmem:s0+$0xCA50] =	vst v4  }
0x212: {  	s15 =	rddreg [dreg:$0x17];
	[tilespmem:s0+$0xCA60] =	vst v2  }
0x213: {  	[hbm4b:s15+s21] =	stream.strided.scatter [tilespmem:s14], [sflag:$0x3], $0x1F40, s23, s21, $0x38;
	[tilespmem:$0x1ACC0] =	vst v63  }
0x214: {  	_ =	swait.ge [sflag:s20], $0x1F40  }
0x215: {  	[sflag:s20] =	ssyncset.done $0x0  }
0x216: {  	[sflag:s20] =	ssyncadd.s32 $0xFFFFE0C0  }
0x217: {  	[bflag:$0x0] =	sbarrier.arrive $0xFFFF  }
0x218: {  	[spmem:s19], [sflag:s31] =	dma.local [hbm:s17], $0x1388  }
0x219: {  	_ =	swait.ge [sflag:s20], $0x1388  }
0x21a: {  	[sflag:s20] =	ssyncset.done $0x0  }
0x21b: {  	[sflag:s20] =	ssyncadd.s32 $0xFFFFEC78  }
0x21c: {  	[bflag:$0x0] =	sbarrier.arrive $0xFFFF  }
0x21d: {  	s2 =	sld [smem:$0x7F6];
	_ =	sdelay $0x1  }
0x21e: {  	s3 =	sld [smem:$0x7F8]  }
0x21f: {  	[tilespmem:s24], [sflag:$0x1] =	stream.strided.gather [hbm4b:s2+s21], $0x2800, s23, s21, $0x38;
	[tilespmem:$0x1ACC0] =	vst v63  }
0x220: {  	_ = 	snop  }
0x221: {  	[tilespmem:s25], [sflag:$0x2] =	stream.strided.gather [hbm4b:s3+s21], $0x2800, s23, s21, $0x38;
	[tilespmem:$0x1ACC0] =	vst v63  }
0x222: {  	_ =	swait.ge [sflag:s30], $0x2800  }
0x223: {  	[sflag:s30] =	ssyncset.done $0x0  }
0x224: {  	s4 =	simm.s32 $0x0;
	[sflag:s30] =	ssyncadd.s32 $0xFFFFD800  }
0x225: {  	[spmem:s18] =	stream.indirect.scatter.add.f32 [tilespmem:s24], [sflag:$0x3], $0x40, s4, s8, $0xb8;
	[tilespmem:$0x1ACC0] =	vst v63  }
0x226: {  	_ =	swait.ge [sflag:s20], $0x1400  }
0x227: {  	[sflag:s20] =	ssyncset.done $0x0  }
0x228: {  	s6 =	simm.s32 $0x50;
	[sflag:s20] =	ssyncadd.s32 $0xFFFFEC00  }
0x229: {  	[spmem:s18] =	stream.indirect.scatter.add.f32 [tilespmem:s10], [sflag:$0x3], $0x40, s6, s8, $0xb8;
	[tilespmem:$0x1ACC0] =	vst v63  }
0x22a: {  	_ =	swait.ge [sflag:s20], $0x1400  }
0x22b: {  	[sflag:s20] =	ssyncset.done $0x0  }
0x22c: {  	s15 =	sadd.s32 s1, s7;
	[sflag:s20] =	ssyncadd.s32 $0xFFFFEC00  }
0x22d: {  	[tilespmem:s24], [sflag:$0x1] =	stream.strided.gather [hbm4b:s15+s21], $0x2800, s23, s21, $0x38;
	[tilespmem:$0x1ACC0] =	vst v63  }
0x22e: {  	_ =	swait.ge [sflag:s11], $0x2800  }
0x22f: {  	[sflag:s11] =	ssyncset.done $0x0  }
0x230: {  	s19 =	simm.s32 $0xA0;
	[sflag:s11] =	ssyncadd.s32 $0xFFFFD800  }
0x231: {  	[spmem:s18] =	stream.indirect.scatter.add.f32 [tilespmem:s25], [sflag:$0x3], $0x40, s19, s8, $0xb8;
	[tilespmem:$0x1ACC0] =	vst v63  }
0x232: {  	_ =	swait.ge [sflag:s20], $0x1400  }
0x233: {  	[sflag:s20] =	ssyncset.done $0x0  }
0x234: {  	s31 =	simm.s32 $0xF0;
	[sflag:s20] =	ssyncadd.s32 $0xFFFFEC00  }
0x235: {  	[spmem:s18] =	stream.indirect.scatter.add.f32 [tilespmem:s12], [sflag:$0x3], $0x40, s31, s8, $0xb8;
	[tilespmem:$0x1ACC0] =	vst v63  }
0x236: {  	_ =	swait.ge [sflag:s20], $0x1400  }
0x237: {  	s3 =	sld [smem:$0x7FD];
	_ =	sdelay $0x1  }
0x238: {  	s0 =	simm.s32 $0x500;
	[sflag:s20] =	ssyncset.done $0x0  }
0x239: {  	s2 =	sadd.s32 $0xA000, s16;
	[sflag:s20] =	ssyncadd.s32 $0xFFFFEC00;
	s1 =	sadd.s32 $0x1400, s3  }
.LBB2_16:
0x23a: {  	[tilespmem:s25], [sflag:$0x2] =	stream.strided.gather [hbm4b:s3+s21], $0x2800, s23, s21, $0x38;
	[tilespmem:$0x1ACC0] =	vst v63  }
0x23b: {  	s6 =	smov.u32 s0;
	s3 =	smov.u32 s1  }
0x23c: {  	p0 =	sne.s32 s0, $0x12C00;
	s0 =	sadd.s32 $0x500, s0;
	_ =	swait.ge [sflag:s30], $0x2800  }
0x23d: {  	[sflag:s30] =	ssyncset.done $0x0  }
0x23e: {  	s6 =	sshra.s32 s6, $0x2;
	[sflag:s30] =	ssyncadd.s32 $0xFFFFD800  }
0x23f: {  	[spmem:s18] =	stream.indirect.scatter.add.f32 [tilespmem:s24], [sflag:$0x3], $0x40, s6, s8, $0xb8;
	[tilespmem:$0x1ACC0] =	vst v63  }
0x240: {  	_ =	swait.ge [sflag:s20], $0x1400  }
0x241: {  	[sflag:s20] =	ssyncset.done $0x0  }
0x242: {  	s15 =	sadd.s32 $0x50, s6;
	[sflag:s20] =	ssyncadd.s32 $0xFFFFEC00  }
0x243: {  	[spmem:s18] =	stream.indirect.scatter.add.f32 [tilespmem:s10], [sflag:$0x3], $0x40, s15, s8, $0xb8;
	[tilespmem:$0x1ACC0] =	vst v63  }
0x244: {  	_ =	swait.ge [sflag:s20], $0x1400  }
0x245: {  	s15 =	sshrl.u32 s2, $0x3;
	[sflag:s20] =	ssyncset.done $0x0  }
0x246: {  	s15 =	sadd.s32 s15, s7;
	[sflag:s20] =	ssyncadd.s32 $0xFFFFEC00  }
0x247: {  	[tilespmem:s24], [sflag:$0x1] =	stream.strided.gather [hbm4b:s15+s21], $0x2800, s23, s21, $0x38;
	[tilespmem:$0x1ACC0] =	vst v63  }
0x248: {  	_ =	swait.ge [sflag:s11], $0x2800  }
0x249: {  	[sflag:s11] =	ssyncset.done $0x0  }
0x24a: {  	s15 =	sadd.s32 $0xA0, s6;
	[sflag:s11] =	ssyncadd.s32 $0xFFFFD800  }
0x24b: {  	[spmem:s18] =	stream.indirect.scatter.add.f32 [tilespmem:s25], [sflag:$0x3], $0x40, s15, s8, $0xb8;
	[tilespmem:$0x1ACC0] =	vst v63  }
0x24c: {  	_ =	swait.ge [sflag:s20], $0x1400  }
0x24d: {  	[sflag:s20] =	ssyncset.done $0x0  }
.Ltmp7:
0x24e: {  	s6 =	sadd.s32 $0xF0, s6;
	[sflag:s20] =	ssyncadd.s32 $0xFFFFEC00;
	(pc) =	sbr.rel @p0 .LBB2_16-.Ltmp7, $4  }
0x24f: {  	[spmem:s18] =	stream.indirect.scatter.add.f32 [tilespmem:s12], [sflag:$0x3], $0x40, s6, s8, $0xb8;
	[tilespmem:$0x1ACC0] =	vst v63  }
0x250: {  	_ =	swait.ge [sflag:s20], $0x1400  }
0x251: {  	[sflag:s20] =	ssyncset.done $0x0  }
0x252: {  	s1 =	sadd.s32 $0x1400, s1;
	s2 =	sadd.s32 $0xA000, s2;
	[sflag:s20] =	ssyncadd.s32 $0xFFFFEC00  }
0x253: {  	[tilespmem:s25], [sflag:$0x2] =	stream.strided.gather [hbm4b:s3+s21], $0x2800, s23, s21, $0x38;
	[tilespmem:$0x1ACC0] =	vst v63  }
0x254: {  	_ =	swait.ge [sflag:s30], $0x2800  }
0x255: {  	[sflag:s30] =	ssyncset.done $0x0  }
0x256: {  	s0 =	simm.s32 $0x4C40;
	[sflag:s30] =	ssyncadd.s32 $0xFFFFD800  }
0x257: {  	[spmem:s18] =	stream.indirect.scatter.add.f32 [tilespmem:s24], [sflag:$0x3], $0x40, s0, s8, $0xb8;
	[tilespmem:$0x1ACC0] =	vst v63  }
0x258: {  	_ =	swait.ge [sflag:s20], $0x1400  }
0x259: {  	[sflag:s20] =	ssyncset.done $0x0  }
0x25a: {  	s3 =	simm.s32 $0x4C90;
	[sflag:s20] =	ssyncadd.s32 $0xFFFFEC00  }
0x25b: {  	[spmem:s18] =	stream.indirect.scatter.add.f32 [tilespmem:s10], [sflag:$0x3], $0x40, s3, s8, $0xb8;
	[tilespmem:$0x1ACC0] =	vst v63  }
0x25c: {  	_ =	swait.ge [sflag:s20], $0x1400  }
0x25d: {  	s4 =	sld [smem:$0x7FA]  }
0x25e: {  	[sflag:s20] =	ssyncset.done $0x0  }
0x25f: {  	[sflag:s20] =	ssyncadd.s32 $0xFFFFEC00  }
0x260: {  	[tilespmem:s24], [sflag:$0x1] =	stream.strided.gather [hbm4b:s4+s21], $0x2800, s23, s21, $0x38;
	[tilespmem:$0x1ACC0] =	vst v63  }
0x261: {  	_ =	swait.ge [sflag:s11], $0x2800  }
0x262: {  	[sflag:s11] =	ssyncset.done $0x0  }
0x263: {  	s6 =	simm.s32 $0x4CE0;
	[sflag:s11] =	ssyncadd.s32 $0xFFFFD800  }
0x264: {  	[spmem:s18] =	stream.indirect.scatter.add.f32 [tilespmem:s25], [sflag:$0x3], $0x40, s6, s8, $0xb8;
	[tilespmem:$0x1ACC0] =	vst v63  }
0x265: {  	_ =	swait.ge [sflag:s20], $0x1400  }
0x266: {  	[sflag:s20] =	ssyncset.done $0x0  }
0x267: {  	s15 =	simm.s32 $0x4D30;
	[sflag:s20] =	ssyncadd.s32 $0xFFFFEC00  }
0x268: {  	[spmem:s18] =	stream.indirect.scatter.add.f32 [tilespmem:s12], [sflag:$0x3], $0x40, s15, s8, $0xb8;
	[tilespmem:$0x1ACC0] =	vst v63  }
0x269: {  	_ =	swait.ge [sflag:s20], $0x1400  }
0x26a: {  	[sflag:s20] =	ssyncset.done $0x0  }
0x26b: {  	[sflag:s20] =	ssyncadd.s32 $0xFFFFEC00  }
0x26c: {  	_ =	swait.ge [sflag:s30], $0x2800  }
0x26d: {  	[sflag:s30] =	ssyncset.done $0x0  }
0x26e: {  	s19 =	simm.s32 $0x4D80;
	[sflag:s30] =	ssyncadd.s32 $0xFFFFD800  }
0x26f: {  	[spmem:s18] =	stream.indirect.scatter.add.f32 [tilespmem:s24], [sflag:$0x3], $0x40, s19, s8, $0xb8;
	[tilespmem:$0x1ACC0] =	vst v63  }
0x270: {  	_ =	swait.ge [sflag:s20], $0x1400  }
0x271: {  	[sflag:s20] =	ssyncset.done $0x0  }
0x272: {  	s31 =	simm.s32 $0x4DD0;
	[sflag:s20] =	ssyncadd.s32 $0xFFFFEC00  }
0x273: {  	[spmem:s18] =	stream.indirect.scatter.add.f32 [tilespmem:s10], [sflag:$0x3], $0x40, s31, s8, $0xb8;
	[tilespmem:$0x1ACC0] =	vst v63  }
0x274: {  	_ =	swait.ge [sflag:s20], $0x1400  }
0x275: {  	[sflag:s20] =	ssyncset.done $0x0  }
0x276: {  	[sflag:s20] =	ssyncadd.s32 $0xFFFFEC00  }
0x277: {  	[bflag:$0x0] =	sbarrier.arrive $0xFFFF  }
0x278: {  	[tilespmem:s13], [sflag:$0x3] =	stream.linear.gather [spmem:s26], $0x1F40, $0x38;
	[tilespmem:$0x1ACC0] =	vst v63  }
0x279: {  	_ =	swait.ge [sflag:s20], $0x1F40  }
0x27a: {  	[sflag:s20] =	ssyncset.done $0x0  }
0x27b: {  	s0 =	simm.s32 $0xC260;
	[sflag:s20] =	ssyncadd.s32 $0xFFFFE0C0  }
0x27c: {  	[tilespmem:s0], [sflag:$0x3] =	stream.linear.gather [spmem:s29], $0x7D0, $0x38;
	[tilespmem:$0x1ACC0] =	vst v63  }
0x27d: {  	_ =	swait.ge [sflag:s20], $0x7D0  }
0x27e: {  	[sflag:s20] =	ssyncset.done $0x0  }
0x27f: {  	s1 =	rddreg [dreg:$0xd];
	[sflag:s20] =	ssyncadd.s32 $0xFFFFF830  }
0x280: {  	[tilespmem:s14], [sflag:$0x3] =	stream.strided.gather [hbm4b:s1+s21], $0x1F40, s23, s21, $0x38;
	[tilespmem:$0x1ACC0] =	vst v63  }
0x281: {  	_ =	swait.ge [sflag:s20], $0x1F40  }
0x282: {  	[sflag:s20] =	ssyncset.done $0x0  }
0x283: {  	[sflag:s20] =	ssyncadd.s32 $0xFFFFE0C0  }
0x284: {  	s2 =	simm.s32 $0x100;
	s1 =	simm.s32 $0x0;
	v2 =	vld [tilespmem:s0+$0x0]  }
.LBB2_18:
0x285: {  	p0 =	sne.s32 s2, $0x7C00;
	_ =	sdelay $0x3  }
0x286: {  	v2 =	vperm.xlane v2, v1;
	_ =	sdelay $0x1  }
0x287: {  	v3 =	vadd.f32 $1.000000000e+00, v2;
	_ =	sdelay $0x1  }
0x288: {  	v2 =	vmul.f32 v3, v2;
	_ =	sdelay $0x1  }
0x289: {  	s3 =	sshra.s32 s1, $0x2;
	s1 =	smov.u32 s2;
	(erf) = vrcp.f32 v2  }
0x28a: {  	v2 =	vld [tilespmem:s3+$0xA320]  }
0x28b: {  	v3 =	vld [tilespmem:s3+$0xA330]  }
0x28c: {  	v4 =	vld [tilespmem:s3+$0xA340]  }
0x28d: {  	v5 =	vld [tilespmem:s3+$0xA350]  }
0x28e: {  	v6 =	vld [tilespmem:s3+$0xCA60]  }
0x28f: {  	v7 =	vld [tilespmem:s3+$0xCA40]  }
0x290: {  	v8 =	vld [tilespmem:s3+$0xCA30]  }
0x291: {  	v9 =	vld [tilespmem:s3+$0xCA50]  }
0x292: {  	v10 =	vpop (erf)  }
0x293: {  	v2 =	vmul.f32 v10, v2;
	v3 =	vmul.f32 v3, v10  }
0x294: {  	v4 =	vmul.f32 v4, v10;
	v5 =	vmul.f32 v5, v10  }
0x295: {  	v2 =	vadd.f32 v2, v8;
	v3 =	vadd.f32 v7, v3  }
0x296: {  	v5 =	vadd.f32 v6, v5;
	v4 =	vadd.f32 v9, v4  }
.Ltmp8:
0x297: {  	[tilespmem:s3+$0xCA30] =	vst v2;
	(pc) =	sbr.rel @p0 .LBB2_18-.Ltmp8, $4  }
0x298: {  	[tilespmem:s3+$0xCA40] =	vst v3  }
0x299: {  	[tilespmem:s3+$0xCA50] =	vst v4  }
0x29a: {  	s0 =	sadd.s32 $0x10, s0;
	[tilespmem:s3+$0xCA60] =	vst v5  }
0x29b: {  	s2 =	sadd.s32 $0x100, s2;
	v2 =	vld [tilespmem:s0+$0x0]  }
0x29c: {  	_ =	sdelay $0x3  }
0x29d: {  	v2 =	vperm.xlane v2, v1;
	_ =	sdelay $0x1  }
0x29e: {  	v3 =	vadd.f32 $1.000000000e+00, v2;
	_ =	sdelay $0x1  }
0x29f: {  	v2 =	vmul.f32 v3, v2;
	_ =	sdelay $0x1  }
0x2a0: {  	(erf) = vrcp.f32 v2;
	_ =	sdelay $0x1  }
0x2a1: {  	s0 =	sshra.s32 s1, $0x2  }
0x2a2: {  	v4 =	vld [tilespmem:s0+$0xA340]  }
0x2a3: {  	v5 =	vld [tilespmem:s0+$0xA350]  }
0x2a4: {  	v2 =	vld [tilespmem:s0+$0xA320]  }
0x2a5: {  	v3 =	vld [tilespmem:s0+$0xA330]  }
0x2a6: {  	v6 =	vld [tilespmem:s0+$0xCA30]  }
0x2a7: {  	v7 =	vld [tilespmem:s0+$0xCA40]  }
0x2a8: {  	v8 =	vld [tilespmem:s0+$0xCA50];
	v9 =	vpop (erf)  }
0x2a9: {  	v10 =	vld [tilespmem:s0+$0xCA60];
	v2 =	vmul.f32 v9, v2  }
0x2aa: {  	v3 =	vmul.f32 v3, v9  }
0x2ab: {  	v4 =	vmul.f32 v4, v9;
	v2 =	vadd.f32 v2, v6  }
0x2ac: {  	v5 =	vmul.f32 v5, v9;
	v3 =	vadd.f32 v7, v3  }
0x2ad: {  	v4 =	vadd.f32 v8, v4;
	[tilespmem:s0+$0xCA30] =	vst v2  }
0x2ae: {  	v2 =	vadd.f32 v10, v5;
	[tilespmem:s0+$0xCA40] =	vst v3  }
0x2af: {  	[tilespmem:s0+$0xCA50] =	vst v4  }
0x2b0: {  	s6 =	rddreg [dreg:$0xe];
	[tilespmem:s0+$0xCA60] =	vst v2  }
0x2b1: {  	[hbm4b:s6+s21] =	stream.strided.scatter [tilespmem:s14], [sflag:$0x3], $0x1F40, s23, s21, $0x38;
	[tilespmem:$0x1ACC0] =	vst v63  }
0x2b2: {  	_ =	swait.ge [sflag:s20], $0x1F40  }
0x2b3: {  	[sflag:s20] =	ssyncset.done $0x0  }
0x2b4: {  	s15 =	rddreg [dreg:$0x1c];
	[sflag:s20] =	ssyncadd.s32 $0xFFFFE0C0  }
0x2b5: {  	[tilespmem:s13], [sflag:$0x3] =	stream.linear.gather [spmem:s15], $0x1F40, $0x38;
	[tilespmem:$0x1ACC0] =	vst v63  }
0x2b6: {  	_ =	swait.ge [sflag:s20], $0x1F40  }
0x2b7: {  	[sflag:s20] =	ssyncset.done $0x0  }
0x2b8: {  	s0 =	simm.s32 $0xC260;
	s19 =	rddreg [dreg:$0x1d];
	[sflag:s20] =	ssyncadd.s32 $0xFFFFE0C0  }
0x2b9: {  	[tilespmem:s0], [sflag:$0x3] =	stream.linear.gather [spmem:s19], $0x7D0, $0x38;
	[tilespmem:$0x1ACC0] =	vst v63  }
0x2ba: {  	_ =	swait.ge [sflag:s20], $0x7D0  }
0x2bb: {  	[sflag:s20] =	ssyncset.done $0x0  }
0x2bc: {  	s31 =	rddreg [dreg:$0xf];
	[sflag:s20] =	ssyncadd.s32 $0xFFFFF830  }
0x2bd: {  	[tilespmem:s14], [sflag:$0x3] =	stream.strided.gather [hbm4b:s31+s21], $0x1F40, s23, s21, $0x38;
	[tilespmem:$0x1ACC0] =	vst v63  }
0x2be: {  	_ =	swait.ge [sflag:s20], $0x1F40  }
0x2bf: {  	[sflag:s20] =	ssyncset.done $0x0  }
0x2c0: {  	[sflag:s20] =	ssyncadd.s32 $0xFFFFE0C0  }
0x2c1: {  	s1 =	simm.s32 $0x0;
	s2 =	simm.s32 $0x100;
	v2 =	vld [tilespmem:s0+$0x0]  }
.LBB2_20:
0x2c2: {  	p0 =	sne.s32 s2, $0x7C00;
	_ =	sdelay $0x3  }
0x2c3: {  	v2 =	vperm.xlane v2, v1;
	_ =	sdelay $0x1  }
0x2c4: {  	v3 =	vadd.f32 $1.000000000e+00, v2;
	_ =	sdelay $0x1  }
0x2c5: {  	v2 =	vmul.f32 v3, v2;
	_ =	sdelay $0x1  }
0x2c6: {  	s3 =	sshra.s32 s1, $0x2;
	s1 =	smov.u32 s2;
	(erf) = vrcp.f32 v2  }
0x2c7: {  	v2 =	vld [tilespmem:s3+$0xA320]  }
0x2c8: {  	v3 =	vld [tilespmem:s3+$0xA330]  }
0x2c9: {  	v4 =	vld [tilespmem:s3+$0xA340]  }
0x2ca: {  	v5 =	vld [tilespmem:s3+$0xA350]  }
0x2cb: {  	v6 =	vld [tilespmem:s3+$0xCA60]  }
0x2cc: {  	v7 =	vld [tilespmem:s3+$0xCA40]  }
0x2cd: {  	v8 =	vld [tilespmem:s3+$0xCA30]  }
0x2ce: {  	v9 =	vld [tilespmem:s3+$0xCA50]  }
0x2cf: {  	v10 =	vpop (erf)  }
0x2d0: {  	v2 =	vmul.f32 v10, v2;
	v3 =	vmul.f32 v3, v10  }
0x2d1: {  	v4 =	vmul.f32 v4, v10;
	v5 =	vmul.f32 v5, v10  }
0x2d2: {  	v2 =	vadd.f32 v2, v8;
	v3 =	vadd.f32 v7, v3  }
0x2d3: {  	v5 =	vadd.f32 v6, v5;
	v4 =	vadd.f32 v9, v4  }
.Ltmp9:
0x2d4: {  	[tilespmem:s3+$0xCA30] =	vst v2;
	(pc) =	sbr.rel @p0 .LBB2_20-.Ltmp9, $4  }
0x2d5: {  	[tilespmem:s3+$0xCA40] =	vst v3  }
0x2d6: {  	[tilespmem:s3+$0xCA50] =	vst v4  }
0x2d7: {  	s0 =	sadd.s32 $0x10, s0;
	[tilespmem:s3+$0xCA60] =	vst v5  }
0x2d8: {  	s2 =	sadd.s32 $0x100, s2;
	v2 =	vld [tilespmem:s0+$0x0]  }
0x2d9: {  	_ =	sdelay $0x3  }
0x2da: {  	v2 =	vperm.xlane v2, v1;
	_ =	sdelay $0x1  }
0x2db: {  	v3 =	vadd.f32 $1.000000000e+00, v2;
	_ =	sdelay $0x1  }
0x2dc: {  	v2 =	vmul.f32 v3, v2;
	_ =	sdelay $0x1  }
0x2dd: {  	(erf) = vrcp.f32 v2;
	_ =	sdelay $0x1  }
0x2de: {  	s0 =	sshra.s32 s1, $0x2  }
0x2df: {  	v4 =	vld [tilespmem:s0+$0xA340]  }
0x2e0: {  	v5 =	vld [tilespmem:s0+$0xA350]  }
0x2e1: {  	v2 =	vld [tilespmem:s0+$0xA320]  }
0x2e2: {  	v3 =	vld [tilespmem:s0+$0xA330]  }
0x2e3: {  	v6 =	vld [tilespmem:s0+$0xCA30]  }
0x2e4: {  	v7 =	vld [tilespmem:s0+$0xCA40]  }
0x2e5: {  	v8 =	vld [tilespmem:s0+$0xCA50];
	v9 =	vpop (erf)  }
0x2e6: {  	v10 =	vld [tilespmem:s0+$0xCA60];
	v2 =	vmul.f32 v9, v2  }
0x2e7: {  	v3 =	vmul.f32 v3, v9  }
0x2e8: {  	v4 =	vmul.f32 v4, v9;
	v2 =	vadd.f32 v2, v6  }
0x2e9: {  	v5 =	vmul.f32 v5, v9;
	v3 =	vadd.f32 v7, v3  }
0x2ea: {  	v4 =	vadd.f32 v8, v4;
	[tilespmem:s0+$0xCA30] =	vst v2  }
0x2eb: {  	v2 =	vadd.f32 v10, v5;
	[tilespmem:s0+$0xCA40] =	vst v3  }
0x2ec: {  	[tilespmem:s0+$0xCA50] =	vst v4  }
0x2ed: {  	s6 =	rddreg [dreg:$0x10];
	[tilespmem:s0+$0xCA60] =	vst v2  }
0x2ee: {  	[hbm4b:s6+s21] =	stream.strided.scatter [tilespmem:s14], [sflag:$0x3], $0x1F40, s23, s21, $0x38;
	[tilespmem:$0x1ACC0] =	vst v63  }
0x2ef: {  	_ =	swait.ge [sflag:s20], $0x1F40  }
0x2f0: {  	[sflag:s20] =	ssyncset.done $0x0  }
0x2f1: {  	s15 =	rddreg [dreg:$0x1e];
	[sflag:s20] =	ssyncadd.s32 $0xFFFFE0C0  }
0x2f2: {  	[tilespmem:s13], [sflag:$0x3] =	stream.linear.gather [spmem:s15], $0x1F40, $0x38;
	[tilespmem:$0x1ACC0] =	vst v63  }
0x2f3: {  	_ =	swait.ge [sflag:s20], $0x1F40  }
0x2f4: {  	[sflag:s20] =	ssyncset.done $0x0  }
0x2f5: {  	s0 =	simm.s32 $0xC260;
	s19 =	rddreg [dreg:$0x1f];
	[sflag:s20] =	ssyncadd.s32 $0xFFFFE0C0  }
0x2f6: {  	[tilespmem:s0], [sflag:$0x3] =	stream.linear.gather [spmem:s19], $0x7D0, $0x38;
	[tilespmem:$0x1ACC0] =	vst v63  }
0x2f7: {  	_ =	swait.ge [sflag:s20], $0x7D0  }
0x2f8: {  	[sflag:s20] =	ssyncset.done $0x0  }
0x2f9: {  	s31 =	rddreg [dreg:$0x11];
	[sflag:s20] =	ssyncadd.s32 $0xFFFFF830  }
0x2fa: {  	[tilespmem:s14], [sflag:$0x3] =	stream.strided.gather [hbm4b:s31+s21], $0x1F40, s23, s21, $0x38;
	[tilespmem:$0x1ACC0] =	vst v63  }
0x2fb: {  	_ =	swait.ge [sflag:s20], $0x1F40  }
0x2fc: {  	[sflag:s20] =	ssyncset.done $0x0  }
0x2fd: {  	[sflag:s20] =	ssyncadd.s32 $0xFFFFE0C0  }
0x2fe: {  	s1 =	simm.s32 $0x0;
	s2 =	simm.s32 $0x100;
	v2 =	vld [tilespmem:s0+$0x0]  }
.LBB2_22:
0x2ff: {  	p0 =	sne.s32 s2, $0x7C00;
	_ =	sdelay $0x3  }
0x300: {  	v2 =	vperm.xlane v2, v1;
	_ =	sdelay $0x1  }
0x301: {  	v3 =	vadd.f32 $1.000000000e+00, v2;
	_ =	sdelay $0x1  }
0x302: {  	v2 =	vmul.f32 v3, v2;
	_ =	sdelay $0x1  }
0x303: {  	s3 =	sshra.s32 s1, $0x2;
	s1 =	smov.u32 s2;
	(erf) = vrcp.f32 v2  }
0x304: {  	v2 =	vld [tilespmem:s3+$0xA320]  }
0x305: {  	v3 =	vld [tilespmem:s3+$0xA330]  }
0x306: {  	v4 =	vld [tilespmem:s3+$0xA340]  }
0x307: {  	v5 =	vld [tilespmem:s3+$0xA350]  }
0x308: {  	v6 =	vld [tilespmem:s3+$0xCA60]  }
0x309: {  	v7 =	vld [tilespmem:s3+$0xCA40]  }
0x30a: {  	v8 =	vld [tilespmem:s3+$0xCA30]  }
0x30b: {  	v9 =	vld [tilespmem:s3+$0xCA50]  }
0x30c: {  	v10 =	vpop (erf)  }
0x30d: {  	v2 =	vmul.f32 v10, v2;
	v3 =	vmul.f32 v3, v10  }
0x30e: {  	v4 =	vmul.f32 v4, v10;
	v5 =	vmul.f32 v5, v10  }
0x30f: {  	v2 =	vadd.f32 v2, v8;
	v3 =	vadd.f32 v7, v3  }
0x310: {  	v5 =	vadd.f32 v6, v5;
	v4 =	vadd.f32 v9, v4  }
.Ltmp10:
0x311: {  	[tilespmem:s3+$0xCA30] =	vst v2;
	(pc) =	sbr.rel @p0 .LBB2_22-.Ltmp10, $4  }
0x312: {  	[tilespmem:s3+$0xCA40] =	vst v3  }
0x313: {  	[tilespmem:s3+$0xCA50] =	vst v4  }
0x314: {  	s0 =	sadd.s32 $0x10, s0;
	[tilespmem:s3+$0xCA60] =	vst v5  }
0x315: {  	s2 =	sadd.s32 $0x100, s2;
	v2 =	vld [tilespmem:s0+$0x0]  }
0x316: {  	_ =	sdelay $0x3  }
0x317: {  	v2 =	vperm.xlane v2, v1;
	_ =	sdelay $0x1  }
0x318: {  	v3 =	vadd.f32 $1.000000000e+00, v2;
	_ =	sdelay $0x1  }
0x319: {  	v2 =	vmul.f32 v3, v2;
	_ =	sdelay $0x1  }
0x31a: {  	(erf) = vrcp.f32 v2;
	_ =	sdelay $0x1  }
0x31b: {  	s0 =	sshra.s32 s1, $0x2  }
0x31c: {  	v4 =	vld [tilespmem:s0+$0xA340]  }
0x31d: {  	v5 =	vld [tilespmem:s0+$0xA350]  }
0x31e: {  	v2 =	vld [tilespmem:s0+$0xA320]  }
0x31f: {  	v3 =	vld [tilespmem:s0+$0xA330]  }
0x320: {  	v6 =	vld [tilespmem:s0+$0xCA30]  }
0x321: {  	v7 =	vld [tilespmem:s0+$0xCA40]  }
0x322: {  	v8 =	vld [tilespmem:s0+$0xCA50];
	v9 =	vpop (erf)  }
0x323: {  	v10 =	vld [tilespmem:s0+$0xCA60];
	v2 =	vmul.f32 v9, v2  }
0x324: {  	v3 =	vmul.f32 v3, v9  }
0x325: {  	v4 =	vmul.f32 v4, v9;
	v2 =	vadd.f32 v2, v6  }
0x326: {  	v5 =	vmul.f32 v5, v9;
	v3 =	vadd.f32 v7, v3  }
0x327: {  	v4 =	vadd.f32 v8, v4;
	[tilespmem:s0+$0xCA30] =	vst v2  }
0x328: {  	v2 =	vadd.f32 v10, v5;
	[tilespmem:s0+$0xCA40] =	vst v3  }
0x329: {  	[tilespmem:s0+$0xCA50] =	vst v4  }
0x32a: {  	s6 =	rddreg [dreg:$0x12];
	[tilespmem:s0+$0xCA60] =	vst v2  }
0x32b: {  	[hbm4b:s6+s21] =	stream.strided.scatter [tilespmem:s14], [sflag:$0x3], $0x1F40, s23, s21, $0x38;
	[tilespmem:$0x1ACC0] =	vst v63  }
0x32c: {  	_ =	swait.ge [sflag:s20], $0x1F40  }
0x32d: {  	s15 =	sld [smem:$0x7F1]  }
0x32e: {  	[sflag:s20] =	ssyncset.done $0x0  }
0x32f: {  	[sflag:s20] =	ssyncadd.s32 $0xFFFFE0C0  }
0x330: {  	[tilespmem:s13], [sflag:$0x3] =	stream.linear.gather [spmem:s15], $0x1F40, $0x38;
	[tilespmem:$0x1ACC0] =	vst v63  }
0x331: {  	_ =	swait.ge [sflag:s20], $0x1F40  }
0x332: {  	s19 =	sld [smem:$0x7F2]  }
0x333: {  	[sflag:s20] =	ssyncset.done $0x0  }
0x334: {  	s0 =	simm.s32 $0xC260;
	[sflag:s20] =	ssyncadd.s32 $0xFFFFE0C0  }
0x335: {  	[tilespmem:s0], [sflag:$0x3] =	stream.linear.gather [spmem:s19], $0x7D0, $0x38;
	[tilespmem:$0x1ACC0] =	vst v63  }
0x336: {  	_ =	swait.ge [sflag:s20], $0x7D0  }
0x337: {  	[sflag:s20] =	ssyncset.done $0x0  }
0x338: {  	s31 =	rddreg [dreg:$0x14];
	[sflag:s20] =	ssyncadd.s32 $0xFFFFF830  }
0x339: {  	[tilespmem:s14], [sflag:$0x3] =	stream.strided.gather [hbm4b:s31+s21], $0x1F40, s23, s21, $0x38;
	[tilespmem:$0x1ACC0] =	vst v63  }
0x33a: {  	_ =	swait.ge [sflag:s20], $0x1F40  }
0x33b: {  	[sflag:s20] =	ssyncset.done $0x0  }
0x33c: {  	[sflag:s20] =	ssyncadd.s32 $0xFFFFE0C0  }
0x33d: {  	s1 =	simm.s32 $0x0;
	s2 =	simm.s32 $0x100;
	v2 =	vld [tilespmem:s0+$0x0]  }
.LBB2_24:
0x33e: {  	p0 =	sne.s32 s2, $0x7C00;
	_ =	sdelay $0x3  }
0x33f: {  	v2 =	vperm.xlane v2, v1;
	_ =	sdelay $0x1  }
0x340: {  	v3 =	vadd.f32 $1.000000000e+00, v2;
	_ =	sdelay $0x1  }
0x341: {  	v2 =	vmul.f32 v3, v2;
	_ =	sdelay $0x1  }
0x342: {  	s3 =	sshra.s32 s1, $0x2;
	s1 =	smov.u32 s2;
	(erf) = vrcp.f32 v2  }
0x343: {  	v2 =	vld [tilespmem:s3+$0xA320]  }
0x344: {  	v3 =	vld [tilespmem:s3+$0xA330]  }
0x345: {  	v4 =	vld [tilespmem:s3+$0xA340]  }
0x346: {  	v5 =	vld [tilespmem:s3+$0xA350]  }
0x347: {  	v6 =	vld [tilespmem:s3+$0xCA60]  }
0x348: {  	v7 =	vld [tilespmem:s3+$0xCA40]  }
0x349: {  	v8 =	vld [tilespmem:s3+$0xCA30]  }
0x34a: {  	v9 =	vld [tilespmem:s3+$0xCA50]  }
0x34b: {  	v10 =	vpop (erf)  }
0x34c: {  	v2 =	vmul.f32 v10, v2;
	v3 =	vmul.f32 v3, v10  }
0x34d: {  	v4 =	vmul.f32 v4, v10;
	v5 =	vmul.f32 v5, v10  }
0x34e: {  	v2 =	vadd.f32 v2, v8;
	v3 =	vadd.f32 v7, v3  }
0x34f: {  	v5 =	vadd.f32 v6, v5;
	v4 =	vadd.f32 v9, v4  }
.Ltmp11:
0x350: {  	[tilespmem:s3+$0xCA30] =	vst v2;
	(pc) =	sbr.rel @p0 .LBB2_24-.Ltmp11, $4  }
0x351: {  	[tilespmem:s3+$0xCA40] =	vst v3  }
0x352: {  	[tilespmem:s3+$0xCA50] =	vst v4  }
0x353: {  	s0 =	sadd.s32 $0x10, s0;
	[tilespmem:s3+$0xCA60] =	vst v5  }
0x354: {  	s2 =	sadd.s32 $0x100, s2;
	v2 =	vld [tilespmem:s0+$0x0]  }
0x355: {  	_ =	sdelay $0x3  }
0x356: {  	v2 =	vperm.xlane v2, v1;
	_ =	sdelay $0x1  }
0x357: {  	v3 =	vadd.f32 $1.000000000e+00, v2;
	_ =	sdelay $0x1  }
0x358: {  	v2 =	vmul.f32 v3, v2;
	_ =	sdelay $0x1  }
0x359: {  	(erf) = vrcp.f32 v2;
	_ =	sdelay $0x1  }
0x35a: {  	s0 =	sshra.s32 s1, $0x2  }
0x35b: {  	v4 =	vld [tilespmem:s0+$0xA340]  }
0x35c: {  	v5 =	vld [tilespmem:s0+$0xA350]  }
0x35d: {  	v2 =	vld [tilespmem:s0+$0xA320]  }
0x35e: {  	v3 =	vld [tilespmem:s0+$0xA330]  }
0x35f: {  	v6 =	vld [tilespmem:s0+$0xCA30]  }
0x360: {  	v7 =	vld [tilespmem:s0+$0xCA40]  }
0x361: {  	v8 =	vld [tilespmem:s0+$0xCA50];
	v9 =	vpop (erf)  }
0x362: {  	v10 =	vld [tilespmem:s0+$0xCA60];
	v2 =	vmul.f32 v9, v2  }
0x363: {  	v3 =	vmul.f32 v3, v9  }
0x364: {  	v4 =	vmul.f32 v4, v9;
	v2 =	vadd.f32 v2, v6  }
0x365: {  	v5 =	vmul.f32 v5, v9;
	v3 =	vadd.f32 v7, v3  }
0x366: {  	v4 =	vadd.f32 v8, v4;
	[tilespmem:s0+$0xCA30] =	vst v2  }
0x367: {  	v2 =	vadd.f32 v10, v5;
	[tilespmem:s0+$0xCA40] =	vst v3  }
0x368: {  	[tilespmem:s0+$0xCA50] =	vst v4  }
0x369: {  	s6 =	rddreg [dreg:$0x15];
	[tilespmem:s0+$0xCA60] =	vst v2  }
0x36a: {  	[hbm4b:s6+s21] =	stream.strided.scatter [tilespmem:s14], [sflag:$0x3], $0x1F40, s23, s21, $0x38;
	[tilespmem:$0x1ACC0] =	vst v63  }
0x36b: {  	_ =	swait.ge [sflag:s20], $0x1F40  }
0x36c: {  	s15 =	sld [smem:$0x7F3]  }
0x36d: {  	[sflag:s20] =	ssyncset.done $0x0  }
0x36e: {  	[sflag:s20] =	ssyncadd.s32 $0xFFFFE0C0  }
0x36f: {  	[tilespmem:s13], [sflag:$0x3] =	stream.linear.gather [spmem:s15], $0x1F40, $0x38;
	[tilespmem:$0x1ACC0] =	vst v63  }
0x370: {  	_ =	swait.ge [sflag:s20], $0x1F40  }
0x371: {  	s19 =	sld [smem:$0x7F4]  }
0x372: {  	[sflag:s20] =	ssyncset.done $0x0  }
0x373: {  	s0 =	simm.s32 $0xC260;
	[sflag:s20] =	ssyncadd.s32 $0xFFFFE0C0  }
0x374: {  	[tilespmem:s0], [sflag:$0x3] =	stream.linear.gather [spmem:s19], $0x7D0, $0x38;
	[tilespmem:$0x1ACC0] =	vst v63  }
0x375: {  	_ =	swait.ge [sflag:s20], $0x7D0  }
0x376: {  	[sflag:s20] =	ssyncset.done $0x0  }
0x377: {  	s31 =	rddreg [dreg:$0x18];
	[sflag:s20] =	ssyncadd.s32 $0xFFFFF830  }
0x378: {  	[tilespmem:s14], [sflag:$0x3] =	stream.strided.gather [hbm4b:s31+s21], $0x1F40, s23, s21, $0x38;
	[tilespmem:$0x1ACC0] =	vst v63  }
0x379: {  	_ =	swait.ge [sflag:s20], $0x1F40  }
0x37a: {  	[sflag:s20] =	ssyncset.done $0x0  }
0x37b: {  	[sflag:s20] =	ssyncadd.s32 $0xFFFFE0C0  }
0x37c: {  	s1 =	simm.s32 $0x0;
	s2 =	simm.s32 $0x100;
	v2 =	vld [tilespmem:s0+$0x0]  }
.LBB2_26:
0x37d: {  	p0 =	sne.s32 s2, $0x7C00;
	_ =	sdelay $0x3  }
0x37e: {  	v2 =	vperm.xlane v2, v1;
	_ =	sdelay $0x1  }
0x37f: {  	v3 =	vadd.f32 $1.000000000e+00, v2;
	_ =	sdelay $0x1  }
0x380: {  	v2 =	vmul.f32 v3, v2;
	_ =	sdelay $0x1  }
0x381: {  	s3 =	sshra.s32 s1, $0x2;
	s1 =	smov.u32 s2;
	(erf) = vrcp.f32 v2  }
0x382: {  	v2 =	vld [tilespmem:s3+$0xA320]  }
0x383: {  	v3 =	vld [tilespmem:s3+$0xA330]  }
0x384: {  	v4 =	vld [tilespmem:s3+$0xA340]  }
0x385: {  	v5 =	vld [tilespmem:s3+$0xA350]  }
0x386: {  	v6 =	vld [tilespmem:s3+$0xCA60]  }
0x387: {  	v7 =	vld [tilespmem:s3+$0xCA40]  }
0x388: {  	v8 =	vld [tilespmem:s3+$0xCA30]  }
0x389: {  	v9 =	vld [tilespmem:s3+$0xCA50]  }
0x38a: {  	v10 =	vpop (erf)  }
0x38b: {  	v2 =	vmul.f32 v10, v2;
	v3 =	vmul.f32 v3, v10  }
0x38c: {  	v4 =	vmul.f32 v4, v10;
	v5 =	vmul.f32 v5, v10  }
0x38d: {  	v2 =	vadd.f32 v2, v8;
	v3 =	vadd.f32 v7, v3  }
0x38e: {  	v5 =	vadd.f32 v6, v5;
	v4 =	vadd.f32 v9, v4  }
.Ltmp12:
0x38f: {  	[tilespmem:s3+$0xCA30] =	vst v2;
	(pc) =	sbr.rel @p0 .LBB2_26-.Ltmp12, $4  }
0x390: {  	[tilespmem:s3+$0xCA40] =	vst v3  }
0x391: {  	[tilespmem:s3+$0xCA50] =	vst v4  }
0x392: {  	s0 =	sadd.s32 $0x10, s0;
	[tilespmem:s3+$0xCA60] =	vst v5  }
0x393: {  	s2 =	sadd.s32 $0x100, s2;
	v2 =	vld [tilespmem:s0+$0x0]  }
0x394: {  	_ =	sdelay $0x3  }
0x395: {  	v2 =	vperm.xlane v2, v1;
	_ =	sdelay $0x1  }
0x396: {  	v3 =	vadd.f32 $1.000000000e+00, v2;
	_ =	sdelay $0x1  }
0x397: {  	v2 =	vmul.f32 v3, v2;
	_ =	sdelay $0x1  }
0x398: {  	(erf) = vrcp.f32 v2;
	_ =	sdelay $0x1  }
0x399: {  	s0 =	sshra.s32 s1, $0x2  }
0x39a: {  	v4 =	vld [tilespmem:s0+$0xA340]  }
0x39b: {  	v5 =	vld [tilespmem:s0+$0xA350]  }
0x39c: {  	v2 =	vld [tilespmem:s0+$0xA320]  }
0x39d: {  	v3 =	vld [tilespmem:s0+$0xA330]  }
0x39e: {  	v6 =	vld [tilespmem:s0+$0xCA30]  }
0x39f: {  	v7 =	vld [tilespmem:s0+$0xCA40]  }
0x3a0: {  	v8 =	vld [tilespmem:s0+$0xCA50];
	v9 =	vpop (erf)  }
0x3a1: {  	v10 =	vld [tilespmem:s0+$0xCA60];
	v2 =	vmul.f32 v9, v2  }
0x3a2: {  	v3 =	vmul.f32 v3, v9  }
0x3a3: {  	v4 =	vmul.f32 v4, v9;
	v2 =	vadd.f32 v2, v6  }
0x3a4: {  	v5 =	vmul.f32 v5, v9;
	v3 =	vadd.f32 v7, v3  }
0x3a5: {  	v4 =	vadd.f32 v8, v4;
	[tilespmem:s0+$0xCA30] =	vst v2  }
0x3a6: {  	v2 =	vadd.f32 v10, v5;
	[tilespmem:s0+$0xCA40] =	vst v3  }
0x3a7: {  	[tilespmem:s0+$0xCA50] =	vst v4  }
0x3a8: {  	s19 =	rddreg [dreg:$0x19];
	[tilespmem:s0+$0xCA60] =	vst v2  }
0x3a9: {  	[hbm4b:s19+s21] =	stream.strided.scatter [tilespmem:s14], [sflag:$0x3], $0x1F40, s23, s21, $0x38;
	[tilespmem:$0x1ACC0] =	vst v63  }
0x3aa: {  	_ =	swait.ge [sflag:s20], $0x1F40  }
0x3ab: {  	s31 =	sld [smem:$0x7FB];
	_ =	sdelay $0x1  }
0x3ac: {  	s28 =	sadd.s32 $0x1, s28  }
0x3ad: {  	p0 =	sne.s32 s28, s31  }
.Ltmp13:
0x3ae: {  	_ = 	snop;
	(pc) =	sbr.rel @p0 .LBB2_1-.Ltmp13, $3  }
0x3af: {  	[sflag:s20] =	ssyncset.done $0x0  }
0x3b0: {  	[sflag:s20] =	ssyncadd.s32 $0xFFFFE0C0  }
0x3b1: {  	[bflag:$0x0] =	sbarrier.arrive $0xFFFF;
	_ =	sdelay $0x1  }
0x3b2: {  	_ =	sfence.sel $0x180000  }
0x3b3: {  	[bflag:$0x0] =	sbarrier.arrive $0xFFFF  }
0x3b4: {  	_ =	strace $0x90000047  }
0x3b5: {  	s0 =	stileid.u32;
	[bflag:$0x2] =	sbarrier.arrive $0xFFFF  }
0x3b6: {  	p0 =	sne.s32 s0, $0x0;
	s0 =	rddreg [dreg:$0x5]  }
0x3b7: {  	s0 =	sadd.s32 @!p0 $0x100000, s0  }
0x3b8: {  	[sflag:s0] =	ssyncadd.tile.s32 @!p0 $0x1;
	_ =	shalt  }
.Lfunc_end2:
_tile_overlayer_lowered:
.L_overlay_start_2:
0x3b9: {  	(tag) =	ssettag $0x2  }
0x3ba: {  	s0 =	rddreg [dreg:$0x0];
	s2 =	stileid.u32  }
0x3bb: {  	s1 =	rddreg [dreg:$0x1];
	p0 =	sne.s32 s2, $0x0  }
0x3bc: {  	s3 =	rddreg [dreg:$0x2];
	[bflag:$0x3] =	sbarrier.arrive $0xFFFF;
	s2 =	simm.s32 @!p0 $0x1C03  }
0x3bd: {  	[timem:s3], [sflag:s2] =	dma.local @!p0 [hbm:s0], s1  }
0x3be: {  	s0 =	simm.s32 @!p0 $0x3  }
0x3bf: {  	_ =	swait.ge @!p0 [sflag:s0], s1  }
0x3c0: {  	s1 =	ssub.s32 @!p0 $0x0, s1;
	[sflag:s0] =	ssyncset.done @!p0 $0x0  }
0x3c1: {  	[sflag:s0] =	ssyncadd.s32 @!p0 s1  }
0x3c2: {  	[bflag:$0x3] =	sbarrier.arrive $0xFFFF  }
0x3c3: {  	_ =	shalt  }

</sc_bundles>
